<compile_context>
chip_gen: v7x
topology: tpu7x:2x2x1
jax: 0.10.2.dev20260603
libtpu: 0.0.44.dev20260713+nightly
codegen_flags: <defaults>
</compile_context>

<pallas_src>
import jax
import jax.numpy as jnp
from jax import lax
from jax.experimental import pallas as pl
from jax.experimental.pallas import tpu as pltpu
from jax.experimental.pallas import tpu_sc as plsc

_N = 10000
_D = 128
_E = 320000
_NC = 2
_NS = 16
_NW = _NC * _NS
_K = 128
_CPP = 160
_C0 = 104
_C1 = _CPP - _C0
_EPAD = _NS * _CPP * _K
_EPT = _EPAD // _NS
_NPAD = 10240
_RPT = _NPAD // _NS
_WB_CHUNKS = ((0, 128), (128, 128), (256, 128), (384, 128), (512, 128))


def _deg_body(dst_hbm, ew_hbm, src_hbm, dis_hbm, wp_hbm,
              dst_v, ew_v, src_v, part_v, shared, dis_sh, acc_v, tmp_v, dis_v):
    cid = lax.axis_index("c")
    sid = lax.axis_index("s")

    @pl.when(cid == 0)
    def _():
        pltpu.sync_copy(dst_hbm.at[sid, 0], dst_v)
        pltpu.sync_copy(ew_hbm.at[sid, 0], ew_v)
        pltpu.sync_copy(src_hbm.at[sid, 0], src_v)
        zeros = jnp.zeros((16,), jnp.float32)

        def zero_body(i, _):
            part_v[pl.ds(i * 16, 16)] = zeros
            return 0

        lax.fori_loop(0, _NPAD // 16, zero_body, 0)

        def scat_body(g, _):
            idx = dst_v[pl.ds(g * 16, 16)]
            w = ew_v[pl.ds(g * 16, 16)]
            plsc.addupdate_scatter(part_v, [idx], w)
            return 0

        lax.fori_loop(0, _EPT // 16, scat_body, 0)

        pltpu.sync_copy(part_v, shared.at[sid])
        plsc.subcore_barrier()

        base = sid * _RPT
        pltpu.sync_copy(shared.at[0, pl.ds(base, _RPT)], acc_v)
        for k in range(1, _NS):
            pltpu.sync_copy(shared.at[k, pl.ds(base, _RPT)], tmp_v)

            def add_body(i, _):
                sl = pl.ds(i * 16, 16)
                acc_v[sl] = acc_v[sl] + tmp_v[sl]
                return 0

            lax.fori_loop(0, _RPT // 16, add_body, 0)

        def newton_body(i, _):
            sl = pl.ds(i * 16, 16)
            xv = acc_v[sl] + 1.0
            bits = plsc.bitcast(xv, jnp.int32)
            y = plsc.bitcast(
                jnp.int32(0x5F3759DF) - lax.shift_right_logical(bits, 1),
                jnp.float32,
            )
            half = xv * 0.5
            for _u in range(3):
                y = y * (1.5 - half * y * y)
            acc_v[sl] = y
            return 0

        lax.fori_loop(0, _RPT // 16, newton_body, 0)
        pltpu.sync_copy(acc_v, dis_hbm.at[pl.ds(base, _RPT)])

        pltpu.sync_copy(acc_v, dis_sh.at[pl.ds(base, _RPT)])
        plsc.subcore_barrier()
        pltpu.sync_copy(dis_sh, dis_v)

        def norm_body(g, _):
            sl = pl.ds(g * 16, 16)
            a = plsc.load_gather(dis_v, [src_v[sl]])
            d = plsc.load_gather(dis_v, [dst_v[sl]])
            ew_v[sl] = ew_v[sl] * a * d
            return 0

        lax.fori_loop(0, _EPT // 16, norm_body, 0)
        pltpu.sync_copy(ew_v, wp_hbm.at[sid, 0])


_deg_kernel = pl.kernel(
    _deg_body,
    out_type=[jax.ShapeDtypeStruct((_NPAD,), jnp.float32),
              jax.ShapeDtypeStruct((_NS, 1, _EPT), jnp.float32)],
    mesh=plsc.VectorSubcoreMesh(core_axis_name="c", subcore_axis_name="s"),
    scratch_types=[
        pltpu.VMEM((_EPT,), jnp.int32),
        pltpu.VMEM((_EPT,), jnp.float32),
        pltpu.VMEM((_EPT,), jnp.int32),
        pltpu.VMEM((_NPAD,), jnp.float32),
        pltpu.VMEM_SHARED((_NS, _NPAD), jnp.float32),
        pltpu.VMEM_SHARED((_NPAD,), jnp.float32),
        pltpu.VMEM((_RPT,), jnp.float32),
        pltpu.VMEM((_RPT,), jnp.float32),
        pltpu.VMEM((_NPAD,), jnp.float32),
    ],
    compiler_params=pltpu.CompilerParams(needs_layout_passes=False),
)


def _bf16_splat(v):
    c16 = jnp.full((16,), 16, jnp.uint32)
    one = jnp.full((16,), 1, jnp.uint32)
    rnd = jnp.full((16,), 0x7FFF, jnp.uint32)
    vu = plsc.bitcast(v, jnp.uint32)
    vr = lax.shift_right_logical(
        vu + rnd + (lax.shift_right_logical(vu, c16) & one), c16)
    word = vr | lax.shift_left(vr, c16)
    return plsc.bitcast(word, jnp.bfloat16)


def _msg_body(g_hbm, src_hbm, dst_hbm, ew_hbm, out_hbm,
              src_v, dst_v, ew_v, buf, acc, gs0, gs1, ss0, ss1):
    cid = lax.axis_index("c")
    sid = lax.axis_index("s")
    gsem = (gs0, gs1)
    ssem = (ss0, ss1)

    zeros = jnp.zeros((32,), jnp.bfloat16)

    def zb(r, _):
        for cc in range(_D // 32):
            buf[0, r, pl.ds(cc * 32, 32)] = zeros
        return 0

    lax.fori_loop(0, _K, zb, 0)

    zbase = sid * _RPT
    for off, n in _WB_CHUNKS:
        pltpu.sync_copy(buf.at[0, pl.ds(0, n)], acc.at[pl.ds(zbase + off, n)])
    plsc.subcore_barrier()

    def _run(base, nc):
        pltpu.sync_copy(src_hbm.at[sid, pl.ds(base, nc)],
                        src_v.at[pl.ds(0, nc)])
        pltpu.sync_copy(dst_hbm.at[sid, pl.ds(base, nc)],
                        dst_v.at[pl.ds(0, nc)])
        pltpu.sync_copy(ew_hbm.at[sid, pl.ds(base, nc)],
                        ew_v.at[pl.ds(0, nc)])

        def _gather(c, b, sem):
            return pltpu.async_copy(g_hbm.at[src_v.at[c]], buf.at[b], sem)

        _gather(0, 0, gsem[0])
        _gather(1, 1, gsem[1])

        def chunk_body(i, _):
            for b in range(2):
                c = 2 * i + b
                pltpu.make_async_copy(g_hbm.at[src_v.at[c]],
                                      buf.at[b], gsem[b]).wait()
                cvec = jnp.full((16,), c, jnp.int32)

                def row_body(r, _):
                    ewf = plsc.load_gather(
                        ew_v, [cvec, jnp.full((16,), r, jnp.int32)])
                    ewb = _bf16_splat(ewf)
                    for k in range(_D // 32):
                        sl = pl.ds(32 * k, 32)
                        buf[b, r, sl] = buf[b, r, sl] * ewb
                    return 0

                lax.fori_loop(0, _K, row_body, 0)
                pltpu.async_copy(buf.at[b], acc.at[dst_v.at[c]],
                                 ssem[b], add=True)

                @pl.when(i < nc // 2 - 1)
                def _():
                    pltpu.make_async_copy(buf.at[b], acc.at[dst_v.at[c]],
                                          ssem[b]).wait()
                    _gather(c + 2, b, gsem[b])

            return 0

        lax.fori_loop(0, nc // 2, chunk_body, 0)
        for b in range(2):
            c = nc - 2 + b
            pltpu.make_async_copy(buf.at[b], acc.at[dst_v.at[c]],
                                  ssem[b]).wait()

    @pl.when(cid == 0)
    def _():
        _run(0, _C0)

    @pl.when(cid == 1)
    def _():
        _run(_C0, _C1)

    plsc.subcore_barrier()

    for off, n in _WB_CHUNKS:
        pltpu.sync_copy(acc.at[pl.ds(zbase + off, n)],
                        out_hbm.at[cid, pl.ds(zbase + off, n)])


_msg_kernel = pl.kernel(
    _msg_body,
    out_type=jax.ShapeDtypeStruct((_NC, _NPAD, _D), jnp.bfloat16),
    mesh=plsc.VectorSubcoreMesh(core_axis_name="c", subcore_axis_name="s"),
    scratch_types=[
        pltpu.VMEM((_C0, _K), jnp.int32),
        pltpu.VMEM((_C0, _K), jnp.int32),
        pltpu.VMEM((_C0, _K), jnp.float32),
        pltpu.VMEM((2, _K, _D), jnp.bfloat16),
        pltpu.VMEM_SHARED((_NPAD, _D), jnp.bfloat16),
        pltpu.SemaphoreType.DMA,
        pltpu.SemaphoreType.DMA,
        pltpu.SemaphoreType.DMA,
        pltpu.SemaphoreType.DMA,
    ],
    compiler_params=pltpu.CompilerParams(needs_layout_passes=False,
                                         use_tc_tiling_on_sc=False),
)


_GB = 2000
_G = _N // _GB


def _tc1_body(x_ref, w_ref, h_ref, hb_ref):
    h = jnp.dot(x_ref[...], w_ref[...], preferred_element_type=jnp.float32)
    h_ref[...] = h
    hb_ref[...] = h.astype(jnp.bfloat16)


def _tc2_body(p_ref, h_ref, dis_ref, b_ref, w_ref, h2_ref, h2b_ref):
    p = (p_ref[0].astype(jnp.float32) + p_ref[1].astype(jnp.float32))
    dis = dis_ref[...]
    s = p + h_ref[...] * (dis * dis) + b_ref[...]
    t = jnp.maximum(s, 0.0)
    h2 = jnp.dot(t, w_ref[...], preferred_element_type=jnp.float32)
    h2_ref[...] = h2
    h2b_ref[...] = h2.astype(jnp.bfloat16)


def _tc3_body(p_ref, h_ref, dis_ref, b_ref, out_ref):
    p = (p_ref[0].astype(jnp.float32) + p_ref[1].astype(jnp.float32))
    dis = dis_ref[...]
    out_ref[...] = p + h_ref[...] * (dis * dis) + b_ref[...]


_bs_rows_f = pl.BlockSpec((_GB, _D), lambda i: (i, 0))
_bs_rows_b = pl.BlockSpec((_GB, _D), lambda i: (i, 0))
_bs_dis = pl.BlockSpec((_GB, 1), lambda i: (i, 0))
_bs_w = pl.BlockSpec((_D, _D), lambda i: (0, 0))
_bs_bias = pl.BlockSpec((1, _D), lambda i: (0, 0))
_bs_p = pl.BlockSpec((_NC, _GB, _D), lambda i: (0, i, 0))


def kernel(x, edge_index, edge_weight, W1, b1, W2, b2):
    src = edge_index[0].astype(jnp.int32)
    dst = edge_index[1].astype(jnp.int32)
    ew = edge_weight.astype(jnp.float32)

    pad = _EPAD - _E
    src_p = jnp.concatenate([src, jnp.zeros((pad,), jnp.int32)])
    dst_p = jnp.concatenate([dst, jnp.zeros((pad,), jnp.int32)])
    ew_p = jnp.concatenate([ew, jnp.zeros((pad,), jnp.float32)])
    src3 = src_p.reshape(_NS, _CPP, _K)
    dst3 = dst_p.reshape(_NS, _CPP, _K)
    src2 = src_p.reshape(_NS, 1, _EPT)
    dst2 = dst_p.reshape(_NS, 1, _EPT)
    ew2 = ew_p.reshape(_NS, 1, _EPT)

    dis_full, wp = _deg_kernel(dst2, ew2, src2)
    dis_col = dis_full[:_N].reshape(_N, 1)
    wp3 = wp.reshape(_NS, _CPP, _K)

    fshape = jax.ShapeDtypeStruct((_N, _D), jnp.float32)
    bshape = jax.ShapeDtypeStruct((_N, _D), jnp.bfloat16)

    g1, g1b = pl.pallas_call(
        _tc1_body,
        grid=(_G,),
        in_specs=[_bs_rows_f, _bs_w],
        out_specs=[_bs_rows_f, _bs_rows_b],
        out_shape=[fshape, bshape],
    )(x, W1)

    p1 = _msg_kernel(g1b, src3, dst3, wp3)

    g2, g2b = pl.pallas_call(
        _tc2_body,
        grid=(_G,),
        in_specs=[_bs_p, _bs_rows_f, _bs_dis, _bs_bias, _bs_w],
        out_specs=[_bs_rows_f, _bs_rows_b],
        out_shape=[fshape, bshape],
    )(p1, g1, dis_col, b1.reshape(1, _D), W2)

    p2 = _msg_kernel(g2b, src3, dst3, wp3)

    out = pl.pallas_call(
        _tc3_body,
        grid=(_G,),
        in_specs=[_bs_p, _bs_rows_f, _bs_dis, _bs_bias],
        out_specs=_bs_rows_f,
        out_shape=fshape,
    )(p2, g2, dis_col, b2.reshape(1, _D))

    return out

# --- scband reference (transcript-rebuilt; emitter-appended) ---
"""Pipeline reference for scband-gnn-77644418777510 (READ-ONLY COPY).

The authoritative reference and input builder live on the scoring server;
editing this copy changes nothing except your own understanding.
"""

import jax, jax.numpy as jnp
import numpy as np

N_NODES = 10000
N_EDGES = 320000
D_IN = 128
D_HID = 128
D_OUT = 128


def setup_inputs(seed: int = 0) -> dict:
    key = jax.random.key(seed)
    k1, k2, k3, k4, k5, k6, k7, k8 = jax.random.split(key, 8)
    x = jax.random.normal(k1, (N_NODES, D_IN), dtype=jnp.float32)
    edge_index = jax.random.randint(k2, (2, N_EDGES), 0, N_NODES, dtype=jnp.int64)
    edge_weight = jax.random.uniform(k3, (N_EDGES,), dtype=jnp.float32)
    # Glorot-style init for GCN layer weights (shape [in, out]); bias zeros-like init
    s1 = (6.0 / (D_IN + D_HID)) ** 0.5
    s2 = (6.0 / (D_HID + D_OUT)) ** 0.5
    W1 = jax.random.uniform(k4, (D_IN, D_HID), dtype=jnp.float32, minval=-s1, maxval=s1)
    b1 = jnp.zeros((D_HID,), dtype=jnp.float32)
    W2 = jax.random.uniform(k5, (D_HID, D_OUT), dtype=jnp.float32, minval=-s2, maxval=s2)
    b2 = jnp.zeros((D_OUT,), dtype=jnp.float32)
    return {"x": x, "edge_index": edge_index, "edge_weight": edge_weight,
            "W1": W1, "b1": b1, "W2": W2, "b2": b2}


def _gcn_conv(x, src, dst, ew, W, b, num_nodes):
    # PyG GCNConv semantics: add self-loops (weight 1), symmetric normalization
    loop = jnp.arange(num_nodes, dtype=src.dtype)
    src_f = jnp.concatenate([src, loop])
    dst_f = jnp.concatenate([dst, loop])
    ew_f = jnp.concatenate([ew, jnp.ones((num_nodes,), dtype=ew.dtype)])
    deg = jnp.zeros((num_nodes,), dtype=ew.dtype).at[dst_f].add(ew_f)
    deg_inv_sqrt = jnp.where(deg > 0, deg ** -0.5, 0.0)
    norm = deg_inv_sqrt[src_f] * ew_f * deg_inv_sqrt[dst_f]
    h = x @ W
    msg = h[src_f] * norm[:, None]
    out = jnp.zeros((num_nodes, W.shape[1]), dtype=h.dtype).at[dst_f].add(msg)
    return out + b


def reference(x, edge_index, edge_weight, W1, b1, W2, b2):
    num_nodes = x.shape[0]
    src, dst = edge_index[0], edge_index[1]
    h = _gcn_conv(x, src, dst, edge_weight, W1, b1, num_nodes)
    h = jax.nn.relu(h)
    out = _gcn_conv(h, src, dst, edge_weight, W2, b2, num_nodes)
    return out

if __name__ == "__main__":
    import jax
    _d = setup_inputs()
    print(jax.jit(kernel)(*tuple(_d.values())))

</pallas_src>

<mosaic_0001>
#map = affine_map<(d0, d1) -> (0, 0, 0)>
#map1 = affine_map<(d0, d1) -> (0)>
module attributes {stable_mosaic.version = 14 : i64} {
  func.func @_deg_body(%arg0: i32, %arg1: i32, %arg2: memref<16x1x20480xi32, #tpu.memory_space<hbm>>, %arg3: memref<16x1x20480xf32, #tpu.memory_space<hbm>>, %arg4: memref<16x1x20480xi32, #tpu.memory_space<hbm>>, %arg5: memref<10240xf32, #tpu.memory_space<hbm>>, %arg6: memref<16x1x20480xf32, #tpu.memory_space<hbm>>, %arg7: memref<20480xi32, #tpu.memory_space<vmem>>, %arg8: memref<20480xf32, #tpu.memory_space<vmem>>, %arg9: memref<20480xi32, #tpu.memory_space<vmem>>, %arg10: memref<10240xf32, #tpu.memory_space<vmem>>, %arg11: memref<16x10240xf32, #tpu.memory_space<vmem_shared>>, %arg12: memref<10240xf32, #tpu.memory_space<vmem_shared>>, %arg13: memref<640xf32, #tpu.memory_space<vmem>>, %arg14: memref<640xf32, #tpu.memory_space<vmem>>, %arg15: memref<10240xf32, #tpu.memory_space<vmem>>) attributes {dimension_semantics = [#tpu.dimension_semantics<core_parallel>, #tpu.dimension_semantics<subcore_parallel>], iteration_bounds = array<i64: 2, 16>, scalar_prefetch = 0 : i64, scratch_operands = 9 : i64, tpu.core_type = #tpu.core_type<sc_vector_subcore>, window_params = [{transform_indices = #map}, {transform_indices = #map}, {transform_indices = #map}, {transform_indices = #map1}, {transform_indices = #map}]} {
    %eq3A = arith.constant 0 : i32
    %eq3A_0 = arith.cmpi eq, %arg0, %eq3A : i32
    %convert_element_type3A = arith.extui %eq3A_0 : i1 to i32
    %cond3A = arith.constant 0 : i32
    %cond3A_1 = arith.cmpi ne, %convert_element_type3A, %cond3A : i32
    scf.if %cond3A_1 {
      %run_scoped3A = arith.constant 0 : i32
      "tpu.region"() ({
        %run_scoped3A_156 = tpu.sem_alloc : memref<!tpu.dma_semaphore, #tpu.memory_space<semaphore_mem>>
        %dma_start3A = arith.constant 0 : i32
        %dma_start3A_157 = tpu.memref_slice %arg2[%arg1, %run_scoped3A, %dma_start3A] : memref<16x1x20480xi32, #tpu.memory_space<hbm>> -> memref<1x1x20480xi32, #tpu.memory_space<hbm>>
        %dma_start3A_158 = tpu.memref_squeeze %dma_start3A_157 : memref<1x1x20480xi32, #tpu.memory_space<hbm>> -> memref<20480xi32, #tpu.memory_space<hbm>>
        %dma_start3A_159 = arith.constant 0 : i32
        %dma_start3A_160 = tpu.memref_slice %arg2[%arg1, %run_scoped3A, %dma_start3A_159] : memref<16x1x20480xi32, #tpu.memory_space<hbm>> -> memref<1x1x20480xi32, #tpu.memory_space<hbm>>
        %dma_start3A_161 = tpu.memref_squeeze %dma_start3A_160 : memref<1x1x20480xi32, #tpu.memory_space<hbm>> -> memref<20480xi32, #tpu.memory_space<hbm>>
        tpu.enqueue_dma source(%dma_start3A_161 : memref<20480xi32, #tpu.memory_space<hbm>>) target(%arg7 : memref<20480xi32, #tpu.memory_space<vmem>>) target_semaphore(%run_scoped3A_156 : memref<!tpu.dma_semaphore, #tpu.memory_space<semaphore_mem>>)
        %dma_wait3A = arith.constant 0 : i32
        %dma_wait3A_162 = tpu.memref_slice %arg2[%arg1, %run_scoped3A, %dma_wait3A] : memref<16x1x20480xi32, #tpu.memory_space<hbm>> -> memref<1x1x20480xi32, #tpu.memory_space<hbm>>
        %dma_wait3A_163 = tpu.memref_squeeze %dma_wait3A_162 : memref<1x1x20480xi32, #tpu.memory_space<hbm>> -> memref<20480xi32, #tpu.memory_space<hbm>>
        %dma_wait3A_164 = arith.constant 0 : i32
        %dma_wait3A_165 = tpu.memref_slice %arg2[%arg1, %run_scoped3A, %dma_wait3A_164] : memref<16x1x20480xi32, #tpu.memory_space<hbm>> -> memref<1x1x20480xi32, #tpu.memory_space<hbm>>
        %dma_wait3A_166 = tpu.memref_squeeze %dma_wait3A_165 : memref<1x1x20480xi32, #tpu.memory_space<hbm>> -> memref<20480xi32, #tpu.memory_space<hbm>>
        tpu.wait_dma2 semaphore(%run_scoped3A_156 : memref<!tpu.dma_semaphore, #tpu.memory_space<semaphore_mem>>) src(%dma_wait3A_166 : memref<20480xi32, #tpu.memory_space<hbm>>) dst(%arg7 : memref<20480xi32, #tpu.memory_space<vmem>>)
        tpu.yield
      }) : () -> ()
      %run_scoped3A_2 = arith.constant 0 : i32
      "tpu.region"() ({
        %run_scoped3A_156 = tpu.sem_alloc : memref<!tpu.dma_semaphore, #tpu.memory_space<semaphore_mem>>
        %dma_start3A = arith.constant 0 : i32
        %dma_start3A_157 = tpu.memref_slice %arg3[%arg1, %run_scoped3A_2, %dma_start3A] : memref<16x1x20480xf32, #tpu.memory_space<hbm>> -> memref<1x1x20480xf32, #tpu.memory_space<hbm>>
        %dma_start3A_158 = tpu.memref_squeeze %dma_start3A_157 : memref<1x1x20480xf32, #tpu.memory_space<hbm>> -> memref<20480xf32, #tpu.memory_space<hbm>>
        %dma_start3A_159 = arith.constant 0 : i32
        %dma_start3A_160 = tpu.memref_slice %arg3[%arg1, %run_scoped3A_2, %dma_start3A_159] : memref<16x1x20480xf32, #tpu.memory_space<hbm>> -> memref<1x1x20480xf32, #tpu.memory_space<hbm>>
        %dma_start3A_161 = tpu.memref_squeeze %dma_start3A_160 : memref<1x1x20480xf32, #tpu.memory_space<hbm>> -> memref<20480xf32, #tpu.memory_space<hbm>>
        tpu.enqueue_dma source(%dma_start3A_161 : memref<20480xf32, #tpu.memory_space<hbm>>) target(%arg8 : memref<20480xf32, #tpu.memory_space<vmem>>) target_semaphore(%run_scoped3A_156 : memref<!tpu.dma_semaphore, #tpu.memory_space<semaphore_mem>>)
        %dma_wait3A = arith.constant 0 : i32
        %dma_wait3A_162 = tpu.memref_slice %arg3[%arg1, %run_scoped3A_2, %dma_wait3A] : memref<16x1x20480xf32, #tpu.memory_space<hbm>> -> memref<1x1x20480xf32, #tpu.memory_space<hbm>>
        %dma_wait3A_163 = tpu.memref_squeeze %dma_wait3A_162 : memref<1x1x20480xf32, #tpu.memory_space<hbm>> -> memref<20480xf32, #tpu.memory_space<hbm>>
        %dma_wait3A_164 = arith.constant 0 : i32
        %dma_wait3A_165 = tpu.memref_slice %arg3[%arg1, %run_scoped3A_2, %dma_wait3A_164] : memref<16x1x20480xf32, #tpu.memory_space<hbm>> -> memref<1x1x20480xf32, #tpu.memory_space<hbm>>
        %dma_wait3A_166 = tpu.memref_squeeze %dma_wait3A_165 : memref<1x1x20480xf32, #tpu.memory_space<hbm>> -> memref<20480xf32, #tpu.memory_space<hbm>>
        tpu.wait_dma2 semaphore(%run_scoped3A_156 : memref<!tpu.dma_semaphore, #tpu.memory_space<semaphore_mem>>) src(%dma_wait3A_166 : memref<20480xf32, #tpu.memory_space<hbm>>) dst(%arg8 : memref<20480xf32, #tpu.memory_space<vmem>>)
        tpu.yield
      }) : () -> ()
      %run_scoped3A_3 = arith.constant 0 : i32
      "tpu.region"() ({
        %run_scoped3A_156 = tpu.sem_alloc : memref<!tpu.dma_semaphore, #tpu.memory_space<semaphore_mem>>
        %dma_start3A = arith.constant 0 : i32
        %dma_start3A_157 = tpu.memref_slice %arg4[%arg1, %run_scoped3A_3, %dma_start3A] : memref<16x1x20480xi32, #tpu.memory_space<hbm>> -> memref<1x1x20480xi32, #tpu.memory_space<hbm>>
        %dma_start3A_158 = tpu.memref_squeeze %dma_start3A_157 : memref<1x1x20480xi32, #tpu.memory_space<hbm>> -> memref<20480xi32, #tpu.memory_space<hbm>>
        %dma_start3A_159 = arith.constant 0 : i32
        %dma_start3A_160 = tpu.memref_slice %arg4[%arg1, %run_scoped3A_3, %dma_start3A_159] : memref<16x1x20480xi32, #tpu.memory_space<hbm>> -> memref<1x1x20480xi32, #tpu.memory_space<hbm>>
        %dma_start3A_161 = tpu.memref_squeeze %dma_start3A_160 : memref<1x1x20480xi32, #tpu.memory_space<hbm>> -> memref<20480xi32, #tpu.memory_space<hbm>>
        tpu.enqueue_dma source(%dma_start3A_161 : memref<20480xi32, #tpu.memory_space<hbm>>) target(%arg9 : memref<20480xi32, #tpu.memory_space<vmem>>) target_semaphore(%run_scoped3A_156 : memref<!tpu.dma_semaphore, #tpu.memory_space<semaphore_mem>>)
        %dma_wait3A = arith.constant 0 : i32
        %dma_wait3A_162 = tpu.memref_slice %arg4[%arg1, %run_scoped3A_3, %dma_wait3A] : memref<16x1x20480xi32, #tpu.memory_space<hbm>> -> memref<1x1x20480xi32, #tpu.memory_space<hbm>>
        %dma_wait3A_163 = tpu.memref_squeeze %dma_wait3A_162 : memref<1x1x20480xi32, #tpu.memory_space<hbm>> -> memref<20480xi32, #tpu.memory_space<hbm>>
        %dma_wait3A_164 = arith.constant 0 : i32
        %dma_wait3A_165 = tpu.memref_slice %arg4[%arg1, %run_scoped3A_3, %dma_wait3A_164] : memref<16x1x20480xi32, #tpu.memory_space<hbm>> -> memref<1x1x20480xi32, #tpu.memory_space<hbm>>
        %dma_wait3A_166 = tpu.memref_squeeze %dma_wait3A_165 : memref<1x1x20480xi32, #tpu.memory_space<hbm>> -> memref<20480xi32, #tpu.memory_space<hbm>>
        tpu.wait_dma2 semaphore(%run_scoped3A_156 : memref<!tpu.dma_semaphore, #tpu.memory_space<semaphore_mem>>) src(%dma_wait3A_166 : memref<20480xi32, #tpu.memory_space<hbm>>) dst(%arg9 : memref<20480xi32, #tpu.memory_space<vmem>>)
        tpu.yield
      }) : () -> ()
      %broadcast_in_dim3A = arith.constant 0.000000e+00 : f32
      %broadcast_in_dim3A_4 = vector.broadcast %broadcast_in_dim3A : f32 to vector<16xf32>
      %scan3A = arith.constant 0 : i32
      %scan3A_5 = arith.constant 0 : i32
      %scan3A_6 = arith.constant 640 : i32
      %scan3A_7 = arith.addi %scan3A_5, %scan3A_6 : i32
      %scan3A_8 = arith.constant 1 : i32
      %scan3A_9 = scf.for %scan3A_156 = %scan3A_5 to %scan3A_7 step %scan3A_8 iter_args(%scan3A_157 = %scan3A) -> (i32)  : i32 {
        %mul3A_158 = arith.constant 16 : i32
        %mul3A_159 = arith.muli %scan3A_156, %mul3A_158 : i32
        %swap3A = arith.index_cast %mul3A_159 : i32 to index
        %swap3A_160 = tpu.vector_load %arg10[%swap3A] {strides = array<i32>} : memref<10240xf32, #tpu.memory_space<vmem>>, vector<16xf32>,
        tpu.vector_store %arg10[%swap3A], %broadcast_in_dim3A_4 {strides = array<i32>} : memref<10240xf32, #tpu.memory_space<vmem>>, vector<16xf32>,
        %scan3A_161 = arith.constant 0 : i32
        scf.yield %scan3A_161 : i32
      }
      %scan3A_10 = arith.constant 640 : i32
      %scan3A_11 = arith.constant 0 : i32
      %scan3A_12 = arith.constant 0 : i32
      %scan3A_13 = arith.constant 1280 : i32
      %scan3A_14 = arith.addi %scan3A_12, %scan3A_13 : i32
      %scan3A_15 = arith.constant 1 : i32
      %scan3A_16 = scf.for %scan3A_156 = %scan3A_12 to %scan3A_14 step %scan3A_15 iter_args(%scan3A_157 = %scan3A_11) -> (i32)  : i32 {
        %mul3A_158 = arith.constant 16 : i32
        %mul3A_159 = arith.muli %scan3A_156, %mul3A_158 : i32
        %get3A = arith.index_cast %mul3A_159 : i32 to index
        %get3A_160 = tpu.vector_load %arg7[%get3A] {strides = array<i32>} : memref<20480xi32, #tpu.memory_space<vmem>>, vector<16xi32>,
        %mul3A_161 = arith.constant 16 : i32
        %mul3A_162 = arith.muli %scan3A_156, %mul3A_161 : i32
        %get3A_163 = arith.index_cast %mul3A_162 : i32 to index
        %get3A_164 = tpu.vector_load %arg8[%get3A_163] {strides = array<i32>} : memref<20480xf32, #tpu.memory_space<vmem>>, vector<16xf32>,
        tpu.vector_store_idx %arg10[%get3A_160], %get3A_164 {add = true} : memref<10240xf32, #tpu.memory_space<vmem>>[vector<16xi32>], vector<16xf32>,
        %scan3A_165 = arith.constant 0 : i32
        scf.yield %scan3A_165 : i32
      }
      %scan3A_17 = arith.constant 1280 : i32
      "tpu.region"() ({
        %run_scoped3A_156 = tpu.sem_alloc : memref<!tpu.dma_semaphore, #tpu.memory_space<semaphore_mem>>
        %dma_start3A = arith.constant 0 : i32
        %dma_start3A_157 = tpu.memref_slice %arg11[%arg1, %dma_start3A] : memref<16x10240xf32, #tpu.memory_space<vmem_shared>> -> memref<1x10240xf32, #tpu.memory_space<vmem_shared>>
        %dma_start3A_158 = tpu.memref_squeeze %dma_start3A_157 : memref<1x10240xf32, #tpu.memory_space<vmem_shared>> -> memref<10240xf32, #tpu.memory_space<vmem_shared>>
        %dma_start3A_159 = arith.constant 0 : i32
        %dma_start3A_160 = tpu.memref_slice %arg11[%arg1, %dma_start3A_159] : memref<16x10240xf32, #tpu.memory_space<vmem_shared>> -> memref<1x10240xf32, #tpu.memory_space<vmem_shared>>
        %dma_start3A_161 = tpu.memref_squeeze %dma_start3A_160 : memref<1x10240xf32, #tpu.memory_space<vmem_shared>> -> memref<10240xf32, #tpu.memory_space<vmem_shared>>
        tpu.enqueue_dma source(%arg10 : memref<10240xf32, #tpu.memory_space<vmem>>) target(%dma_start3A_161 : memref<10240xf32, #tpu.memory_space<vmem_shared>>) target_semaphore(%run_scoped3A_156 : memref<!tpu.dma_semaphore, #tpu.memory_space<semaphore_mem>>)
        %dma_wait3A = arith.constant 0 : i32
        %dma_wait3A_162 = tpu.memref_slice %arg11[%arg1, %dma_wait3A] : memref<16x10240xf32, #tpu.memory_space<vmem_shared>> -> memref<1x10240xf32, #tpu.memory_space<vmem_shared>>
        %dma_wait3A_163 = tpu.memref_squeeze %dma_wait3A_162 : memref<1x10240xf32, #tpu.memory_space<vmem_shared>> -> memref<10240xf32, #tpu.memory_space<vmem_shared>>
        %dma_wait3A_164 = arith.constant 0 : i32
        %dma_wait3A_165 = tpu.memref_slice %arg11[%arg1, %dma_wait3A_164] : memref<16x10240xf32, #tpu.memory_space<vmem_shared>> -> memref<1x10240xf32, #tpu.memory_space<vmem_shared>>
        %dma_wait3A_166 = tpu.memref_squeeze %dma_wait3A_165 : memref<1x10240xf32, #tpu.memory_space<vmem_shared>> -> memref<10240xf32, #tpu.memory_space<vmem_shared>>
        tpu.wait_dma2 semaphore(%run_scoped3A_156 : memref<!tpu.dma_semaphore, #tpu.memory_space<semaphore_mem>>) src(%arg10 : memref<10240xf32, #tpu.memory_space<vmem>>) dst(%dma_wait3A_166 : memref<10240xf32, #tpu.memory_space<vmem_shared>>)
        tpu.yield
      }) : () -> ()
      %barrier3A = arith.constant 0 : index
      tpu.barrier barrier_id(%barrier3A)
      %mul3A = arith.constant 640 : i32
      %mul3A_18 = arith.muli %arg1, %mul3A : i32
      %run_scoped3A_19 = arith.constant 0 : i32
      "tpu.region"() ({
        %run_scoped3A_156 = tpu.sem_alloc : memref<!tpu.dma_semaphore, #tpu.memory_space<semaphore_mem>>
        %dma_start3A = tpu.memref_slice %arg11[%run_scoped3A_19, %mul3A_18] : memref<16x10240xf32, #tpu.memory_space<vmem_shared>> -> memref<1x640xf32, #tpu.memory_space<vmem_shared>>
        %dma_start3A_157 = tpu.memref_squeeze %dma_start3A : memref<1x640xf32, #tpu.memory_space<vmem_shared>> -> memref<640xf32, #tpu.memory_space<vmem_shared>>
        %dma_start3A_158 = tpu.memref_slice %arg11[%run_scoped3A_19, %mul3A_18] : memref<16x10240xf32, #tpu.memory_space<vmem_shared>> -> memref<1x640xf32, #tpu.memory_space<vmem_shared>>
        %dma_start3A_159 = tpu.memref_squeeze %dma_start3A_158 : memref<1x640xf32, #tpu.memory_space<vmem_shared>> -> memref<640xf32, #tpu.memory_space<vmem_shared>>
        tpu.enqueue_dma source(%dma_start3A_159 : memref<640xf32, #tpu.memory_space<vmem_shared>>) target(%arg13 : memref<640xf32, #tpu.memory_space<vmem>>) target_semaphore(%run_scoped3A_156 : memref<!tpu.dma_semaphore, #tpu.memory_space<semaphore_mem>>)
        %dma_wait3A = tpu.memref_slice %arg11[%run_scoped3A_19, %mul3A_18] : memref<16x10240xf32, #tpu.memory_space<vmem_shared>> -> memref<1x640xf32, #tpu.memory_space<vmem_shared>>
        %dma_wait3A_160 = tpu.memref_squeeze %dma_wait3A : memref<1x640xf32, #tpu.memory_space<vmem_shared>> -> memref<640xf32, #tpu.memory_space<vmem_shared>>
        %dma_wait3A_161 = tpu.memref_slice %arg11[%run_scoped3A_19, %mul3A_18] : memref<16x10240xf32, #tpu.memory_space<vmem_shared>> -> memref<1x640xf32, #tpu.memory_space<vmem_shared>>
        %dma_wait3A_162 = tpu.memref_squeeze %dma_wait3A_161 : memref<1x640xf32, #tpu.memory_space<vmem_shared>> -> memref<640xf32, #tpu.memory_space<vmem_shared>>
        tpu.wait_dma2 semaphore(%run_scoped3A_156 : memref<!tpu.dma_semaphore, #tpu.memory_space<semaphore_mem>>) src(%dma_wait3A_162 : memref<640xf32, #tpu.memory_space<vmem_shared>>) dst(%arg13 : memref<640xf32, #tpu.memory_space<vmem>>)
        tpu.yield
      }) : () -> ()
      %run_scoped3A_20 = arith.constant 1 : i32
      "tpu.region"() ({
        %run_scoped3A_156 = tpu.sem_alloc : memref<!tpu.dma_semaphore, #tpu.memory_space<semaphore_mem>>
        %dma_start3A = tpu.memref_slice %arg11[%run_scoped3A_20, %mul3A_18] : memref<16x10240xf32, #tpu.memory_space<vmem_shared>> -> memref<1x640xf32, #tpu.memory_space<vmem_shared>>
        %dma_start3A_157 = tpu.memref_squeeze %dma_start3A : memref<1x640xf32, #tpu.memory_space<vmem_shared>> -> memref<640xf32, #tpu.memory_space<vmem_shared>>
        %dma_start3A_158 = tpu.memref_slice %arg11[%run_scoped3A_20, %mul3A_18] : memref<16x10240xf32, #tpu.memory_space<vmem_shared>> -> memref<1x640xf32, #tpu.memory_space<vmem_shared>>
        %dma_start3A_159 = tpu.memref_squeeze %dma_start3A_158 : memref<1x640xf32, #tpu.memory_space<vmem_shared>> -> memref<640xf32, #tpu.memory_space<vmem_shared>>
        tpu.enqueue_dma source(%dma_start3A_159 : memref<640xf32, #tpu.memory_space<vmem_shared>>) target(%arg14 : memref<640xf32, #tpu.memory_space<vmem>>) target_semaphore(%run_scoped3A_156 : memref<!tpu.dma_semaphore, #tpu.memory_space<semaphore_mem>>)
        %dma_wait3A = tpu.memref_slice %arg11[%run_scoped3A_20, %mul3A_18] : memref<16x10240xf32, #tpu.memory_space<vmem_shared>> -> memref<1x640xf32, #tpu.memory_space<vmem_shared>>
        %dma_wait3A_160 = tpu.memref_squeeze %dma_wait3A : memref<1x640xf32, #tpu.memory_space<vmem_shared>> -> memref<640xf32, #tpu.memory_space<vmem_shared>>
        %dma_wait3A_161 = tpu.memref_slice %arg11[%run_scoped3A_20, %mul3A_18] : memref<16x10240xf32, #tpu.memory_space<vmem_shared>> -> memref<1x640xf32, #tpu.memory_space<vmem_shared>>
        %dma_wait3A_162 = tpu.memref_squeeze %dma_wait3A_161 : memref<1x640xf32, #tpu.memory_space<vmem_shared>> -> memref<640xf32, #tpu.memory_space<vmem_shared>>
        tpu.wait_dma2 semaphore(%run_scoped3A_156 : memref<!tpu.dma_semaphore, #tpu.memory_space<semaphore_mem>>) src(%dma_wait3A_162 : memref<640xf32, #tpu.memory_space<vmem_shared>>) dst(%arg14 : memref<640xf32, #tpu.memory_space<vmem>>)
        tpu.yield
      }) : () -> ()
      %scan3A_21 = arith.constant 0 : i32
      %scan3A_22 = arith.constant 0 : i32
      %scan3A_23 = arith.constant 40 : i32
      %scan3A_24 = arith.addi %scan3A_22, %scan3A_23 : i32
      %scan3A_25 = arith.constant 1 : i32
      %scan3A_26 = scf.for %scan3A_156 = %scan3A_22 to %scan3A_24 step %scan3A_25 iter_args(%scan3A_157 = %scan3A_21) -> (i32)  : i32 {
        %mul3A_158 = arith.constant 16 : i32
        %mul3A_159 = arith.muli %scan3A_156, %mul3A_158 : i32
        %get3A = arith.index_cast %mul3A_159 : i32 to index
        %get3A_160 = tpu.vector_load %arg13[%get3A] {strides = array<i32>} : memref<640xf32, #tpu.memory_space<vmem>>, vector<16xf32>,
        %get3A_161 = arith.index_cast %mul3A_159 : i32 to index
        %get3A_162 = tpu.vector_load %arg14[%get3A_161] {strides = array<i32>} : memref<640xf32, #tpu.memory_space<vmem>>, vector<16xf32>,
        %add3A = arith.addf %get3A_160, %get3A_162 : vector<16xf32>
        %swap3A = arith.index_cast %mul3A_159 : i32 to index
        %swap3A_163 = tpu.vector_load %arg13[%swap3A] {strides = array<i32>} : memref<640xf32, #tpu.memory_space<vmem>>, vector<16xf32>,
        tpu.vector_store %arg13[%swap3A], %add3A {strides = array<i32>} : memref<640xf32, #tpu.memory_space<vmem>>, vector<16xf32>,
        %scan3A_164 = arith.constant 0 : i32
        scf.yield %scan3A_164 : i32
      }
      %scan3A_27 = arith.constant 40 : i32
      %run_scoped3A_28 = arith.constant 2 : i32
      "tpu.region"() ({
        %run_scoped3A_156 = tpu.sem_alloc : memref<!tpu.dma_semaphore, #tpu.memory_space<semaphore_mem>>
        %dma_start3A = tpu.memref_slice %arg11[%run_scoped3A_28, %mul3A_18] : memref<16x10240xf32, #tpu.memory_space<vmem_shared>> -> memref<1x640xf32, #tpu.memory_space<vmem_shared>>
        %dma_start3A_157 = tpu.memref_squeeze %dma_start3A : memref<1x640xf32, #tpu.memory_space<vmem_shared>> -> memref<640xf32, #tpu.memory_space<vmem_shared>>
        %dma_start3A_158 = tpu.memref_slice %arg11[%run_scoped3A_28, %mul3A_18] : memref<16x10240xf32, #tpu.memory_space<vmem_shared>> -> memref<1x640xf32, #tpu.memory_space<vmem_shared>>
        %dma_start3A_159 = tpu.memref_squeeze %dma_start3A_158 : memref<1x640xf32, #tpu.memory_space<vmem_shared>> -> memref<640xf32, #tpu.memory_space<vmem_shared>>
        tpu.enqueue_dma source(%dma_start3A_159 : memref<640xf32, #tpu.memory_space<vmem_shared>>) target(%arg14 : memref<640xf32, #tpu.memory_space<vmem>>) target_semaphore(%run_scoped3A_156 : memref<!tpu.dma_semaphore, #tpu.memory_space<semaphore_mem>>)
        %dma_wait3A = tpu.memref_slice %arg11[%run_scoped3A_28, %mul3A_18] : memref<16x10240xf32, #tpu.memory_space<vmem_shared>> -> memref<1x640xf32, #tpu.memory_space<vmem_shared>>
        %dma_wait3A_160 = tpu.memref_squeeze %dma_wait3A : memref<1x640xf32, #tpu.memory_space<vmem_shared>> -> memref<640xf32, #tpu.memory_space<vmem_shared>>
        %dma_wait3A_161 = tpu.memref_slice %arg11[%run_scoped3A_28, %mul3A_18] : memref<16x10240xf32, #tpu.memory_space<vmem_shared>> -> memref<1x640xf32, #tpu.memory_space<vmem_shared>>
        %dma_wait3A_162 = tpu.memref_squeeze %dma_wait3A_161 : memref<1x640xf32, #tpu.memory_space<vmem_shared>> -> memref<640xf32, #tpu.memory_space<vmem_shared>>
        tpu.wait_dma2 semaphore(%run_scoped3A_156 : memref<!tpu.dma_semaphore, #tpu.memory_space<semaphore_mem>>) src(%dma_wait3A_162 : memref<640xf32, #tpu.memory_space<vmem_shared>>) dst(%arg14 : memref<640xf32, #tpu.memory_space<vmem>>)
        tpu.yield
      }) : () -> ()
      %scan3A_29 = arith.constant 0 : i32
      %scan3A_30 = arith.constant 0 : i32
      %scan3A_31 = arith.constant 40 : i32
      %scan3A_32 = arith.addi %scan3A_30, %scan3A_31 : i32
      %scan3A_33 = arith.constant 1 : i32
      %scan3A_34 = scf.for %scan3A_156 = %scan3A_30 to %scan3A_32 step %scan3A_33 iter_args(%scan3A_157 = %scan3A_29) -> (i32)  : i32 {
        %mul3A_158 = arith.constant 16 : i32
        %mul3A_159 = arith.muli %scan3A_156, %mul3A_158 : i32
        %get3A = arith.index_cast %mul3A_159 : i32 to index
        %get3A_160 = tpu.vector_load %arg13[%get3A] {strides = array<i32>} : memref<640xf32, #tpu.memory_space<vmem>>, vector<16xf32>,
        %get3A_161 = arith.index_cast %mul3A_159 : i32 to index
        %get3A_162 = tpu.vector_load %arg14[%get3A_161] {strides = array<i32>} : memref<640xf32, #tpu.memory_space<vmem>>, vector<16xf32>,
        %add3A = arith.addf %get3A_160, %get3A_162 : vector<16xf32>
        %swap3A = arith.index_cast %mul3A_159 : i32 to index
        %swap3A_163 = tpu.vector_load %arg13[%swap3A] {strides = array<i32>} : memref<640xf32, #tpu.memory_space<vmem>>, vector<16xf32>,
        tpu.vector_store %arg13[%swap3A], %add3A {strides = array<i32>} : memref<640xf32, #tpu.memory_space<vmem>>, vector<16xf32>,
        %scan3A_164 = arith.constant 0 : i32
        scf.yield %scan3A_164 : i32
      }
      %scan3A_35 = arith.constant 40 : i32
      %run_scoped3A_36 = arith.constant 3 : i32
      "tpu.region"() ({
        %run_scoped3A_156 = tpu.sem_alloc : memref<!tpu.dma_semaphore, #tpu.memory_space<semaphore_mem>>
        %dma_start3A = tpu.memref_slice %arg11[%run_scoped3A_36, %mul3A_18] : memref<16x10240xf32, #tpu.memory_space<vmem_shared>> -> memref<1x640xf32, #tpu.memory_space<vmem_shared>>
        %dma_start3A_157 = tpu.memref_squeeze %dma_start3A : memref<1x640xf32, #tpu.memory_space<vmem_shared>> -> memref<640xf32, #tpu.memory_space<vmem_shared>>
        %dma_start3A_158 = tpu.memref_slice %arg11[%run_scoped3A_36, %mul3A_18] : memref<16x10240xf32, #tpu.memory_space<vmem_shared>> -> memref<1x640xf32, #tpu.memory_space<vmem_shared>>
        %dma_start3A_159 = tpu.memref_squeeze %dma_start3A_158 : memref<1x640xf32, #tpu.memory_space<vmem_shared>> -> memref<640xf32, #tpu.memory_space<vmem_shared>>
        tpu.enqueue_dma source(%dma_start3A_159 : memref<640xf32, #tpu.memory_space<vmem_shared>>) target(%arg14 : memref<640xf32, #tpu.memory_space<vmem>>) target_semaphore(%run_scoped3A_156 : memref<!tpu.dma_semaphore, #tpu.memory_space<semaphore_mem>>)
        %dma_wait3A = tpu.memref_slice %arg11[%run_scoped3A_36, %mul3A_18] : memref<16x10240xf32, #tpu.memory_space<vmem_shared>> -> memref<1x640xf32, #tpu.memory_space<vmem_shared>>
        %dma_wait3A_160 = tpu.memref_squeeze %dma_wait3A : memref<1x640xf32, #tpu.memory_space<vmem_shared>> -> memref<640xf32, #tpu.memory_space<vmem_shared>>
        %dma_wait3A_161 = tpu.memref_slice %arg11[%run_scoped3A_36, %mul3A_18] : memref<16x10240xf32, #tpu.memory_space<vmem_shared>> -> memref<1x640xf32, #tpu.memory_space<vmem_shared>>
        %dma_wait3A_162 = tpu.memref_squeeze %dma_wait3A_161 : memref<1x640xf32, #tpu.memory_space<vmem_shared>> -> memref<640xf32, #tpu.memory_space<vmem_shared>>
        tpu.wait_dma2 semaphore(%run_scoped3A_156 : memref<!tpu.dma_semaphore, #tpu.memory_space<semaphore_mem>>) src(%dma_wait3A_162 : memref<640xf32, #tpu.memory_space<vmem_shared>>) dst(%arg14 : memref<640xf32, #tpu.memory_space<vmem>>)
        tpu.yield
      }) : () -> ()
      %scan3A_37 = arith.constant 0 : i32
      %scan3A_38 = arith.constant 0 : i32
      %scan3A_39 = arith.constant 40 : i32
      %scan3A_40 = arith.addi %scan3A_38, %scan3A_39 : i32
      %scan3A_41 = arith.constant 1 : i32
      %scan3A_42 = scf.for %scan3A_156 = %scan3A_38 to %scan3A_40 step %scan3A_41 iter_args(%scan3A_157 = %scan3A_37) -> (i32)  : i32 {
        %mul3A_158 = arith.constant 16 : i32
        %mul3A_159 = arith.muli %scan3A_156, %mul3A_158 : i32
        %get3A = arith.index_cast %mul3A_159 : i32 to index
        %get3A_160 = tpu.vector_load %arg13[%get3A] {strides = array<i32>} : memref<640xf32, #tpu.memory_space<vmem>>, vector<16xf32>,
        %get3A_161 = arith.index_cast %mul3A_159 : i32 to index
        %get3A_162 = tpu.vector_load %arg14[%get3A_161] {strides = array<i32>} : memref<640xf32, #tpu.memory_space<vmem>>, vector<16xf32>,
        %add3A = arith.addf %get3A_160, %get3A_162 : vector<16xf32>
        %swap3A = arith.index_cast %mul3A_159 : i32 to index
        %swap3A_163 = tpu.vector_load %arg13[%swap3A] {strides = array<i32>} : memref<640xf32, #tpu.memory_space<vmem>>, vector<16xf32>,
        tpu.vector_store %arg13[%swap3A], %add3A {strides = array<i32>} : memref<640xf32, #tpu.memory_space<vmem>>, vector<16xf32>,
        %scan3A_164 = arith.constant 0 : i32
        scf.yield %scan3A_164 : i32
      }
      %scan3A_43 = arith.constant 40 : i32
      %run_scoped3A_44 = arith.constant 4 : i32
      "tpu.region"() ({
        %run_scoped3A_156 = tpu.sem_alloc : memref<!tpu.dma_semaphore, #tpu.memory_space<semaphore_mem>>
        %dma_start3A = tpu.memref_slice %arg11[%run_scoped3A_44, %mul3A_18] : memref<16x10240xf32, #tpu.memory_space<vmem_shared>> -> memref<1x640xf32, #tpu.memory_space<vmem_shared>>
        %dma_start3A_157 = tpu.memref_squeeze %dma_start3A : memref<1x640xf32, #tpu.memory_space<vmem_shared>> -> memref<640xf32, #tpu.memory_space<vmem_shared>>
        %dma_start3A_158 = tpu.memref_slice %arg11[%run_scoped3A_44, %mul3A_18] : memref<16x10240xf32, #tpu.memory_space<vmem_shared>> -> memref<1x640xf32, #tpu.memory_space<vmem_shared>>
        %dma_start3A_159 = tpu.memref_squeeze %dma_start3A_158 : memref<1x640xf32, #tpu.memory_space<vmem_shared>> -> memref<640xf32, #tpu.memory_space<vmem_shared>>
        tpu.enqueue_dma source(%dma_start3A_159 : memref<640xf32, #tpu.memory_space<vmem_shared>>) target(%arg14 : memref<640xf32, #tpu.memory_space<vmem>>) target_semaphore(%run_scoped3A_156 : memref<!tpu.dma_semaphore, #tpu.memory_space<semaphore_mem>>)
        %dma_wait3A = tpu.memref_slice %arg11[%run_scoped3A_44, %mul3A_18] : memref<16x10240xf32, #tpu.memory_space<vmem_shared>> -> memref<1x640xf32, #tpu.memory_space<vmem_shared>>
        %dma_wait3A_160 = tpu.memref_squeeze %dma_wait3A : memref<1x640xf32, #tpu.memory_space<vmem_shared>> -> memref<640xf32, #tpu.memory_space<vmem_shared>>
        %dma_wait3A_161 = tpu.memref_slice %arg11[%run_scoped3A_44, %mul3A_18] : memref<16x10240xf32, #tpu.memory_space<vmem_shared>> -> memref<1x640xf32, #tpu.memory_space<vmem_shared>>
        %dma_wait3A_162 = tpu.memref_squeeze %dma_wait3A_161 : memref<1x640xf32, #tpu.memory_space<vmem_shared>> -> memref<640xf32, #tpu.memory_space<vmem_shared>>
        tpu.wait_dma2 semaphore(%run_scoped3A_156 : memref<!tpu.dma_semaphore, #tpu.memory_space<semaphore_mem>>) src(%dma_wait3A_162 : memref<640xf32, #tpu.memory_space<vmem_shared>>) dst(%arg14 : memref<640xf32, #tpu.memory_space<vmem>>)
        tpu.yield
      }) : () -> ()
      %scan3A_45 = arith.constant 0 : i32
      %scan3A_46 = arith.constant 0 : i32
      %scan3A_47 = arith.constant 40 : i32
      %scan3A_48 = arith.addi %scan3A_46, %scan3A_47 : i32
      %scan3A_49 = arith.constant 1 : i32
      %scan3A_50 = scf.for %scan3A_156 = %scan3A_46 to %scan3A_48 step %scan3A_49 iter_args(%scan3A_157 = %scan3A_45) -> (i32)  : i32 {
        %mul3A_158 = arith.constant 16 : i32
        %mul3A_159 = arith.muli %scan3A_156, %mul3A_158 : i32
        %get3A = arith.index_cast %mul3A_159 : i32 to index
        %get3A_160 = tpu.vector_load %arg13[%get3A] {strides = array<i32>} : memref<640xf32, #tpu.memory_space<vmem>>, vector<16xf32>,
        %get3A_161 = arith.index_cast %mul3A_159 : i32 to index
        %get3A_162 = tpu.vector_load %arg14[%get3A_161] {strides = array<i32>} : memref<640xf32, #tpu.memory_space<vmem>>, vector<16xf32>,
        %add3A = arith.addf %get3A_160, %get3A_162 : vector<16xf32>
        %swap3A = arith.index_cast %mul3A_159 : i32 to index
        %swap3A_163 = tpu.vector_load %arg13[%swap3A] {strides = array<i32>} : memref<640xf32, #tpu.memory_space<vmem>>, vector<16xf32>,
        tpu.vector_store %arg13[%swap3A], %add3A {strides = array<i32>} : memref<640xf32, #tpu.memory_space<vmem>>, vector<16xf32>,
        %scan3A_164 = arith.constant 0 : i32
        scf.yield %scan3A_164 : i32
      }
      %scan3A_51 = arith.constant 40 : i32
      %run_scoped3A_52 = arith.constant 5 : i32
      "tpu.region"() ({
        %run_scoped3A_156 = tpu.sem_alloc : memref<!tpu.dma_semaphore, #tpu.memory_space<semaphore_mem>>
        %dma_start3A = tpu.memref_slice %arg11[%run_scoped3A_52, %mul3A_18] : memref<16x10240xf32, #tpu.memory_space<vmem_shared>> -> memref<1x640xf32, #tpu.memory_space<vmem_shared>>
        %dma_start3A_157 = tpu.memref_squeeze %dma_start3A : memref<1x640xf32, #tpu.memory_space<vmem_shared>> -> memref<640xf32, #tpu.memory_space<vmem_shared>>
        %dma_start3A_158 = tpu.memref_slice %arg11[%run_scoped3A_52, %mul3A_18] : memref<16x10240xf32, #tpu.memory_space<vmem_shared>> -> memref<1x640xf32, #tpu.memory_space<vmem_shared>>
        %dma_start3A_159 = tpu.memref_squeeze %dma_start3A_158 : memref<1x640xf32, #tpu.memory_space<vmem_shared>> -> memref<640xf32, #tpu.memory_space<vmem_shared>>
        tpu.enqueue_dma source(%dma_start3A_159 : memref<640xf32, #tpu.memory_space<vmem_shared>>) target(%arg14 : memref<640xf32, #tpu.memory_space<vmem>>) target_semaphore(%run_scoped3A_156 : memref<!tpu.dma_semaphore, #tpu.memory_space<semaphore_mem>>)
        %dma_wait3A = tpu.memref_slice %arg11[%run_scoped3A_52, %mul3A_18] : memref<16x10240xf32, #tpu.memory_space<vmem_shared>> -> memref<1x640xf32, #tpu.memory_space<vmem_shared>>
        %dma_wait3A_160 = tpu.memref_squeeze %dma_wait3A : memref<1x640xf32, #tpu.memory_space<vmem_shared>> -> memref<640xf32, #tpu.memory_space<vmem_shared>>
        %dma_wait3A_161 = tpu.memref_slice %arg11[%run_scoped3A_52, %mul3A_18] : memref<16x10240xf32, #tpu.memory_space<vmem_shared>> -> memref<1x640xf32, #tpu.memory_space<vmem_shared>>
        %dma_wait3A_162 = tpu.memref_squeeze %dma_wait3A_161 : memref<1x640xf32, #tpu.memory_space<vmem_shared>> -> memref<640xf32, #tpu.memory_space<vmem_shared>>
        tpu.wait_dma2 semaphore(%run_scoped3A_156 : memref<!tpu.dma_semaphore, #tpu.memory_space<semaphore_mem>>) src(%dma_wait3A_162 : memref<640xf32, #tpu.memory_space<vmem_shared>>) dst(%arg14 : memref<640xf32, #tpu.memory_space<vmem>>)
        tpu.yield
      }) : () -> ()
      %scan3A_53 = arith.constant 0 : i32
      %scan3A_54 = arith.constant 0 : i32
      %scan3A_55 = arith.constant 40 : i32
      %scan3A_56 = arith.addi %scan3A_54, %scan3A_55 : i32
      %scan3A_57 = arith.constant 1 : i32
      %scan3A_58 = scf.for %scan3A_156 = %scan3A_54 to %scan3A_56 step %scan3A_57 iter_args(%scan3A_157 = %scan3A_53) -> (i32)  : i32 {
        %mul3A_158 = arith.constant 16 : i32
        %mul3A_159 = arith.muli %scan3A_156, %mul3A_158 : i32
        %get3A = arith.index_cast %mul3A_159 : i32 to index
        %get3A_160 = tpu.vector_load %arg13[%get3A] {strides = array<i32>} : memref<640xf32, #tpu.memory_space<vmem>>, vector<16xf32>,
        %get3A_161 = arith.index_cast %mul3A_159 : i32 to index
        %get3A_162 = tpu.vector_load %arg14[%get3A_161] {strides = array<i32>} : memref<640xf32, #tpu.memory_space<vmem>>, vector<16xf32>,
        %add3A = arith.addf %get3A_160, %get3A_162 : vector<16xf32>
        %swap3A = arith.index_cast %mul3A_159 : i32 to index
        %swap3A_163 = tpu.vector_load %arg13[%swap3A] {strides = array<i32>} : memref<640xf32, #tpu.memory_space<vmem>>, vector<16xf32>,
        tpu.vector_store %arg13[%swap3A], %add3A {strides = array<i32>} : memref<640xf32, #tpu.memory_space<vmem>>, vector<16xf32>,
        %scan3A_164 = arith.constant 0 : i32
        scf.yield %scan3A_164 : i32
      }
      %scan3A_59 = arith.constant 40 : i32
      %run_scoped3A_60 = arith.constant 6 : i32
      "tpu.region"() ({
        %run_scoped3A_156 = tpu.sem_alloc : memref<!tpu.dma_semaphore, #tpu.memory_space<semaphore_mem>>
        %dma_start3A = tpu.memref_slice %arg11[%run_scoped3A_60, %mul3A_18] : memref<16x10240xf32, #tpu.memory_space<vmem_shared>> -> memref<1x640xf32, #tpu.memory_space<vmem_shared>>
        %dma_start3A_157 = tpu.memref_squeeze %dma_start3A : memref<1x640xf32, #tpu.memory_space<vmem_shared>> -> memref<640xf32, #tpu.memory_space<vmem_shared>>
        %dma_start3A_158 = tpu.memref_slice %arg11[%run_scoped3A_60, %mul3A_18] : memref<16x10240xf32, #tpu.memory_space<vmem_shared>> -> memref<1x640xf32, #tpu.memory_space<vmem_shared>>
        %dma_start3A_159 = tpu.memref_squeeze %dma_start3A_158 : memref<1x640xf32, #tpu.memory_space<vmem_shared>> -> memref<640xf32, #tpu.memory_space<vmem_shared>>
        tpu.enqueue_dma source(%dma_start3A_159 : memref<640xf32, #tpu.memory_space<vmem_shared>>) target(%arg14 : memref<640xf32, #tpu.memory_space<vmem>>) target_semaphore(%run_scoped3A_156 : memref<!tpu.dma_semaphore, #tpu.memory_space<semaphore_mem>>)
        %dma_wait3A = tpu.memref_slice %arg11[%run_scoped3A_60, %mul3A_18] : memref<16x10240xf32, #tpu.memory_space<vmem_shared>> -> memref<1x640xf32, #tpu.memory_space<vmem_shared>>
        %dma_wait3A_160 = tpu.memref_squeeze %dma_wait3A : memref<1x640xf32, #tpu.memory_space<vmem_shared>> -> memref<640xf32, #tpu.memory_space<vmem_shared>>
        %dma_wait3A_161 = tpu.memref_slice %arg11[%run_scoped3A_60, %mul3A_18] : memref<16x10240xf32, #tpu.memory_space<vmem_shared>> -> memref<1x640xf32, #tpu.memory_space<vmem_shared>>
        %dma_wait3A_162 = tpu.memref_squeeze %dma_wait3A_161 : memref<1x640xf32, #tpu.memory_space<vmem_shared>> -> memref<640xf32, #tpu.memory_space<vmem_shared>>
        tpu.wait_dma2 semaphore(%run_scoped3A_156 : memref<!tpu.dma_semaphore, #tpu.memory_space<semaphore_mem>>) src(%dma_wait3A_162 : memref<640xf32, #tpu.memory_space<vmem_shared>>) dst(%arg14 : memref<640xf32, #tpu.memory_space<vmem>>)
        tpu.yield
      }) : () -> ()
      %scan3A_61 = arith.constant 0 : i32
      %scan3A_62 = arith.constant 0 : i32
      %scan3A_63 = arith.constant 40 : i32
      %scan3A_64 = arith.addi %scan3A_62, %scan3A_63 : i32
      %scan3A_65 = arith.constant 1 : i32
      %scan3A_66 = scf.for %scan3A_156 = %scan3A_62 to %scan3A_64 step %scan3A_65 iter_args(%scan3A_157 = %scan3A_61) -> (i32)  : i32 {
        %mul3A_158 = arith.constant 16 : i32
        %mul3A_159 = arith.muli %scan3A_156, %mul3A_158 : i32
        %get3A = arith.index_cast %mul3A_159 : i32 to index
        %get3A_160 = tpu.vector_load %arg13[%get3A] {strides = array<i32>} : memref<640xf32, #tpu.memory_space<vmem>>, vector<16xf32>,
        %get3A_161 = arith.index_cast %mul3A_159 : i32 to index
        %get3A_162 = tpu.vector_load %arg14[%get3A_161] {strides = array<i32>} : memref<640xf32, #tpu.memory_space<vmem>>, vector<16xf32>,
        %add3A = arith.addf %get3A_160, %get3A_162 : vector<16xf32>
        %swap3A = arith.index_cast %mul3A_159 : i32 to index
        %swap3A_163 = tpu.vector_load %arg13[%swap3A] {strides = array<i32>} : memref<640xf32, #tpu.memory_space<vmem>>, vector<16xf32>,
        tpu.vector_store %arg13[%swap3A], %add3A {strides = array<i32>} : memref<640xf32, #tpu.memory_space<vmem>>, vector<16xf32>,
        %scan3A_164 = arith.constant 0 : i32
        scf.yield %scan3A_164 : i32
      }
      %scan3A_67 = arith.constant 40 : i32
      %run_scoped3A_68 = arith.constant 7 : i32
      "tpu.region"() ({
        %run_scoped3A_156 = tpu.sem_alloc : memref<!tpu.dma_semaphore, #tpu.memory_space<semaphore_mem>>
        %dma_start3A = tpu.memref_slice %arg11[%run_scoped3A_68, %mul3A_18] : memref<16x10240xf32, #tpu.memory_space<vmem_shared>> -> memref<1x640xf32, #tpu.memory_space<vmem_shared>>
        %dma_start3A_157 = tpu.memref_squeeze %dma_start3A : memref<1x640xf32, #tpu.memory_space<vmem_shared>> -> memref<640xf32, #tpu.memory_space<vmem_shared>>
        %dma_start3A_158 = tpu.memref_slice %arg11[%run_scoped3A_68, %mul3A_18] : memref<16x10240xf32, #tpu.memory_space<vmem_shared>> -> memref<1x640xf32, #tpu.memory_space<vmem_shared>>
        %dma_start3A_159 = tpu.memref_squeeze %dma_start3A_158 : memref<1x640xf32, #tpu.memory_space<vmem_shared>> -> memref<640xf32, #tpu.memory_space<vmem_shared>>
        tpu.enqueue_dma source(%dma_start3A_159 : memref<640xf32, #tpu.memory_space<vmem_shared>>) target(%arg14 : memref<640xf32, #tpu.memory_space<vmem>>) target_semaphore(%run_scoped3A_156 : memref<!tpu.dma_semaphore, #tpu.memory_space<semaphore_mem>>)
        %dma_wait3A = tpu.memref_slice %arg11[%run_scoped3A_68, %mul3A_18] : memref<16x10240xf32, #tpu.memory_space<vmem_shared>> -> memref<1x640xf32, #tpu.memory_space<vmem_shared>>
        %dma_wait3A_160 = tpu.memref_squeeze %dma_wait3A : memref<1x640xf32, #tpu.memory_space<vmem_shared>> -> memref<640xf32, #tpu.memory_space<vmem_shared>>
        %dma_wait3A_161 = tpu.memref_slice %arg11[%run_scoped3A_68, %mul3A_18] : memref<16x10240xf32, #tpu.memory_space<vmem_shared>> -> memref<1x640xf32, #tpu.memory_space<vmem_shared>>
        %dma_wait3A_162 = tpu.memref_squeeze %dma_wait3A_161 : memref<1x640xf32, #tpu.memory_space<vmem_shared>> -> memref<640xf32, #tpu.memory_space<vmem_shared>>
        tpu.wait_dma2 semaphore(%run_scoped3A_156 : memref<!tpu.dma_semaphore, #tpu.memory_space<semaphore_mem>>) src(%dma_wait3A_162 : memref<640xf32, #tpu.memory_space<vmem_shared>>) dst(%arg14 : memref<640xf32, #tpu.memory_space<vmem>>)
        tpu.yield
      }) : () -> ()
      %scan3A_69 = arith.constant 0 : i32
      %scan3A_70 = arith.constant 0 : i32
      %scan3A_71 = arith.constant 40 : i32
      %scan3A_72 = arith.addi %scan3A_70, %scan3A_71 : i32
      %scan3A_73 = arith.constant 1 : i32
      %scan3A_74 = scf.for %scan3A_156 = %scan3A_70 to %scan3A_72 step %scan3A_73 iter_args(%scan3A_157 = %scan3A_69) -> (i32)  : i32 {
        %mul3A_158 = arith.constant 16 : i32
        %mul3A_159 = arith.muli %scan3A_156, %mul3A_158 : i32
        %get3A = arith.index_cast %mul3A_159 : i32 to index
        %get3A_160 = tpu.vector_load %arg13[%get3A] {strides = array<i32>} : memref<640xf32, #tpu.memory_space<vmem>>, vector<16xf32>,
        %get3A_161 = arith.index_cast %mul3A_159 : i32 to index
        %get3A_162 = tpu.vector_load %arg14[%get3A_161] {strides = array<i32>} : memref<640xf32, #tpu.memory_space<vmem>>, vector<16xf32>,
        %add3A = arith.addf %get3A_160, %get3A_162 : vector<16xf32>
        %swap3A = arith.index_cast %mul3A_159 : i32 to index
        %swap3A_163 = tpu.vector_load %arg13[%swap3A] {strides = array<i32>} : memref<640xf32, #tpu.memory_space<vmem>>, vector<16xf32>,
        tpu.vector_store %arg13[%swap3A], %add3A {strides = array<i32>} : memref<640xf32, #tpu.memory_space<vmem>>, vector<16xf32>,
        %scan3A_164 = arith.constant 0 : i32
        scf.yield %scan3A_164 : i32
      }
      %scan3A_75 = arith.constant 40 : i32
      %run_scoped3A_76 = arith.constant 8 : i32
      "tpu.region"() ({
        %run_scoped3A_156 = tpu.sem_alloc : memref<!tpu.dma_semaphore, #tpu.memory_space<semaphore_mem>>
        %dma_start3A = tpu.memref_slice %arg11[%run_scoped3A_76, %mul3A_18] : memref<16x10240xf32, #tpu.memory_space<vmem_shared>> -> memref<1x640xf32, #tpu.memory_space<vmem_shared>>
        %dma_start3A_157 = tpu.memref_squeeze %dma_start3A : memref<1x640xf32, #tpu.memory_space<vmem_shared>> -> memref<640xf32, #tpu.memory_space<vmem_shared>>
        %dma_start3A_158 = tpu.memref_slice %arg11[%run_scoped3A_76, %mul3A_18] : memref<16x10240xf32, #tpu.memory_space<vmem_shared>> -> memref<1x640xf32, #tpu.memory_space<vmem_shared>>
        %dma_start3A_159 = tpu.memref_squeeze %dma_start3A_158 : memref<1x640xf32, #tpu.memory_space<vmem_shared>> -> memref<640xf32, #tpu.memory_space<vmem_shared>>
        tpu.enqueue_dma source(%dma_start3A_159 : memref<640xf32, #tpu.memory_space<vmem_shared>>) target(%arg14 : memref<640xf32, #tpu.memory_space<vmem>>) target_semaphore(%run_scoped3A_156 : memref<!tpu.dma_semaphore, #tpu.memory_space<semaphore_mem>>)
        %dma_wait3A = tpu.memref_slice %arg11[%run_scoped3A_76, %mul3A_18] : memref<16x10240xf32, #tpu.memory_space<vmem_shared>> -> memref<1x640xf32, #tpu.memory_space<vmem_shared>>
        %dma_wait3A_160 = tpu.memref_squeeze %dma_wait3A : memref<1x640xf32, #tpu.memory_space<vmem_shared>> -> memref<640xf32, #tpu.memory_space<vmem_shared>>
        %dma_wait3A_161 = tpu.memref_slice %arg11[%run_scoped3A_76, %mul3A_18] : memref<16x10240xf32, #tpu.memory_space<vmem_shared>> -> memref<1x640xf32, #tpu.memory_space<vmem_shared>>
        %dma_wait3A_162 = tpu.memref_squeeze %dma_wait3A_161 : memref<1x640xf32, #tpu.memory_space<vmem_shared>> -> memref<640xf32, #tpu.memory_space<vmem_shared>>
        tpu.wait_dma2 semaphore(%run_scoped3A_156 : memref<!tpu.dma_semaphore, #tpu.memory_space<semaphore_mem>>) src(%dma_wait3A_162 : memref<640xf32, #tpu.memory_space<vmem_shared>>) dst(%arg14 : memref<640xf32, #tpu.memory_space<vmem>>)
        tpu.yield
      }) : () -> ()
      %scan3A_77 = arith.constant 0 : i32
      %scan3A_78 = arith.constant 0 : i32
      %scan3A_79 = arith.constant 40 : i32
      %scan3A_80 = arith.addi %scan3A_78, %scan3A_79 : i32
      %scan3A_81 = arith.constant 1 : i32
      %scan3A_82 = scf.for %scan3A_156 = %scan3A_78 to %scan3A_80 step %scan3A_81 iter_args(%scan3A_157 = %scan3A_77) -> (i32)  : i32 {
        %mul3A_158 = arith.constant 16 : i32
        %mul3A_159 = arith.muli %scan3A_156, %mul3A_158 : i32
        %get3A = arith.index_cast %mul3A_159 : i32 to index
        %get3A_160 = tpu.vector_load %arg13[%get3A] {strides = array<i32>} : memref<640xf32, #tpu.memory_space<vmem>>, vector<16xf32>,
        %get3A_161 = arith.index_cast %mul3A_159 : i32 to index
        %get3A_162 = tpu.vector_load %arg14[%get3A_161] {strides = array<i32>} : memref<640xf32, #tpu.memory_space<vmem>>, vector<16xf32>,
        %add3A = arith.addf %get3A_160, %get3A_162 : vector<16xf32>
        %swap3A = arith.index_cast %mul3A_159 : i32 to index
        %swap3A_163 = tpu.vector_load %arg13[%swap3A] {strides = array<i32>} : memref<640xf32, #tpu.memory_space<vmem>>, vector<16xf32>,
        tpu.vector_store %arg13[%swap3A], %add3A {strides = array<i32>} : memref<640xf32, #tpu.memory_space<vmem>>, vector<16xf32>,
        %scan3A_164 = arith.constant 0 : i32
        scf.yield %scan3A_164 : i32
      }
      %scan3A_83 = arith.constant 40 : i32
      %run_scoped3A_84 = arith.constant 9 : i32
      "tpu.region"() ({
        %run_scoped3A_156 = tpu.sem_alloc : memref<!tpu.dma_semaphore, #tpu.memory_space<semaphore_mem>>
        %dma_start3A = tpu.memref_slice %arg11[%run_scoped3A_84, %mul3A_18] : memref<16x10240xf32, #tpu.memory_space<vmem_shared>> -> memref<1x640xf32, #tpu.memory_space<vmem_shared>>
        %dma_start3A_157 = tpu.memref_squeeze %dma_start3A : memref<1x640xf32, #tpu.memory_space<vmem_shared>> -> memref<640xf32, #tpu.memory_space<vmem_shared>>
        %dma_start3A_158 = tpu.memref_slice %arg11[%run_scoped3A_84, %mul3A_18] : memref<16x10240xf32, #tpu.memory_space<vmem_shared>> -> memref<1x640xf32, #tpu.memory_space<vmem_shared>>
        %dma_start3A_159 = tpu.memref_squeeze %dma_start3A_158 : memref<1x640xf32, #tpu.memory_space<vmem_shared>> -> memref<640xf32, #tpu.memory_space<vmem_shared>>
        tpu.enqueue_dma source(%dma_start3A_159 : memref<640xf32, #tpu.memory_space<vmem_shared>>) target(%arg14 : memref<640xf32, #tpu.memory_space<vmem>>) target_semaphore(%run_scoped3A_156 : memref<!tpu.dma_semaphore, #tpu.memory_space<semaphore_mem>>)
        %dma_wait3A = tpu.memref_slice %arg11[%run_scoped3A_84, %mul3A_18] : memref<16x10240xf32, #tpu.memory_space<vmem_shared>> -> memref<1x640xf32, #tpu.memory_space<vmem_shared>>
        %dma_wait3A_160 = tpu.memref_squeeze %dma_wait3A : memref<1x640xf32, #tpu.memory_space<vmem_shared>> -> memref<640xf32, #tpu.memory_space<vmem_shared>>
        %dma_wait3A_161 = tpu.memref_slice %arg11[%run_scoped3A_84, %mul3A_18] : memref<16x10240xf32, #tpu.memory_space<vmem_shared>> -> memref<1x640xf32, #tpu.memory_space<vmem_shared>>
        %dma_wait3A_162 = tpu.memref_squeeze %dma_wait3A_161 : memref<1x640xf32, #tpu.memory_space<vmem_shared>> -> memref<640xf32, #tpu.memory_space<vmem_shared>>
        tpu.wait_dma2 semaphore(%run_scoped3A_156 : memref<!tpu.dma_semaphore, #tpu.memory_space<semaphore_mem>>) src(%dma_wait3A_162 : memref<640xf32, #tpu.memory_space<vmem_shared>>) dst(%arg14 : memref<640xf32, #tpu.memory_space<vmem>>)
        tpu.yield
      }) : () -> ()
      %scan3A_85 = arith.constant 0 : i32
      %scan3A_86 = arith.constant 0 : i32
      %scan3A_87 = arith.constant 40 : i32
      %scan3A_88 = arith.addi %scan3A_86, %scan3A_87 : i32
      %scan3A_89 = arith.constant 1 : i32
      %scan3A_90 = scf.for %scan3A_156 = %scan3A_86 to %scan3A_88 step %scan3A_89 iter_args(%scan3A_157 = %scan3A_85) -> (i32)  : i32 {
        %mul3A_158 = arith.constant 16 : i32
        %mul3A_159 = arith.muli %scan3A_156, %mul3A_158 : i32
        %get3A = arith.index_cast %mul3A_159 : i32 to index
        %get3A_160 = tpu.vector_load %arg13[%get3A] {strides = array<i32>} : memref<640xf32, #tpu.memory_space<vmem>>, vector<16xf32>,
        %get3A_161 = arith.index_cast %mul3A_159 : i32 to index
        %get3A_162 = tpu.vector_load %arg14[%get3A_161] {strides = array<i32>} : memref<640xf32, #tpu.memory_space<vmem>>, vector<16xf32>,
        %add3A = arith.addf %get3A_160, %get3A_162 : vector<16xf32>
        %swap3A = arith.index_cast %mul3A_159 : i32 to index
        %swap3A_163 = tpu.vector_load %arg13[%swap3A] {strides = array<i32>} : memref<640xf32, #tpu.memory_space<vmem>>, vector<16xf32>,
        tpu.vector_store %arg13[%swap3A], %add3A {strides = array<i32>} : memref<640xf32, #tpu.memory_space<vmem>>, vector<16xf32>,
        %scan3A_164 = arith.constant 0 : i32
        scf.yield %scan3A_164 : i32
      }
      %scan3A_91 = arith.constant 40 : i32
      %run_scoped3A_92 = arith.constant 10 : i32
      "tpu.region"() ({
        %run_scoped3A_156 = tpu.sem_alloc : memref<!tpu.dma_semaphore, #tpu.memory_space<semaphore_mem>>
        %dma_start3A = tpu.memref_slice %arg11[%run_scoped3A_92, %mul3A_18] : memref<16x10240xf32, #tpu.memory_space<vmem_shared>> -> memref<1x640xf32, #tpu.memory_space<vmem_shared>>
        %dma_start3A_157 = tpu.memref_squeeze %dma_start3A : memref<1x640xf32, #tpu.memory_space<vmem_shared>> -> memref<640xf32, #tpu.memory_space<vmem_shared>>
        %dma_start3A_158 = tpu.memref_slice %arg11[%run_scoped3A_92, %mul3A_18] : memref<16x10240xf32, #tpu.memory_space<vmem_shared>> -> memref<1x640xf32, #tpu.memory_space<vmem_shared>>
        %dma_start3A_159 = tpu.memref_squeeze %dma_start3A_158 : memref<1x640xf32, #tpu.memory_space<vmem_shared>> -> memref<640xf32, #tpu.memory_space<vmem_shared>>
        tpu.enqueue_dma source(%dma_start3A_159 : memref<640xf32, #tpu.memory_space<vmem_shared>>) target(%arg14 : memref<640xf32, #tpu.memory_space<vmem>>) target_semaphore(%run_scoped3A_156 : memref<!tpu.dma_semaphore, #tpu.memory_space<semaphore_mem>>)
        %dma_wait3A = tpu.memref_slice %arg11[%run_scoped3A_92, %mul3A_18] : memref<16x10240xf32, #tpu.memory_space<vmem_shared>> -> memref<1x640xf32, #tpu.memory_space<vmem_shared>>
        %dma_wait3A_160 = tpu.memref_squeeze %dma_wait3A : memref<1x640xf32, #tpu.memory_space<vmem_shared>> -> memref<640xf32, #tpu.memory_space<vmem_shared>>
        %dma_wait3A_161 = tpu.memref_slice %arg11[%run_scoped3A_92, %mul3A_18] : memref<16x10240xf32, #tpu.memory_space<vmem_shared>> -> memref<1x640xf32, #tpu.memory_space<vmem_shared>>
        %dma_wait3A_162 = tpu.memref_squeeze %dma_wait3A_161 : memref<1x640xf32, #tpu.memory_space<vmem_shared>> -> memref<640xf32, #tpu.memory_space<vmem_shared>>
        tpu.wait_dma2 semaphore(%run_scoped3A_156 : memref<!tpu.dma_semaphore, #tpu.memory_space<semaphore_mem>>) src(%dma_wait3A_162 : memref<640xf32, #tpu.memory_space<vmem_shared>>) dst(%arg14 : memref<640xf32, #tpu.memory_space<vmem>>)
        tpu.yield
      }) : () -> ()
      %scan3A_93 = arith.constant 0 : i32
      %scan3A_94 = arith.constant 0 : i32
      %scan3A_95 = arith.constant 40 : i32
      %scan3A_96 = arith.addi %scan3A_94, %scan3A_95 : i32
      %scan3A_97 = arith.constant 1 : i32
      %scan3A_98 = scf.for %scan3A_156 = %scan3A_94 to %scan3A_96 step %scan3A_97 iter_args(%scan3A_157 = %scan3A_93) -> (i32)  : i32 {
        %mul3A_158 = arith.constant 16 : i32
        %mul3A_159 = arith.muli %scan3A_156, %mul3A_158 : i32
        %get3A = arith.index_cast %mul3A_159 : i32 to index
        %get3A_160 = tpu.vector_load %arg13[%get3A] {strides = array<i32>} : memref<640xf32, #tpu.memory_space<vmem>>, vector<16xf32>,
        %get3A_161 = arith.index_cast %mul3A_159 : i32 to index
        %get3A_162 = tpu.vector_load %arg14[%get3A_161] {strides = array<i32>} : memref<640xf32, #tpu.memory_space<vmem>>, vector<16xf32>,
        %add3A = arith.addf %get3A_160, %get3A_162 : vector<16xf32>
        %swap3A = arith.index_cast %mul3A_159 : i32 to index
        %swap3A_163 = tpu.vector_load %arg13[%swap3A] {strides = array<i32>} : memref<640xf32, #tpu.memory_space<vmem>>, vector<16xf32>,
        tpu.vector_store %arg13[%swap3A], %add3A {strides = array<i32>} : memref<640xf32, #tpu.memory_space<vmem>>, vector<16xf32>,
        %scan3A_164 = arith.constant 0 : i32
        scf.yield %scan3A_164 : i32
      }
      %scan3A_99 = arith.constant 40 : i32
      %run_scoped3A_100 = arith.constant 11 : i32
      "tpu.region"() ({
        %run_scoped3A_156 = tpu.sem_alloc : memref<!tpu.dma_semaphore, #tpu.memory_space<semaphore_mem>>
        %dma_start3A = tpu.memref_slice %arg11[%run_scoped3A_100, %mul3A_18] : memref<16x10240xf32, #tpu.memory_space<vmem_shared>> -> memref<1x640xf32, #tpu.memory_space<vmem_shared>>
        %dma_start3A_157 = tpu.memref_squeeze %dma_start3A : memref<1x640xf32, #tpu.memory_space<vmem_shared>> -> memref<640xf32, #tpu.memory_space<vmem_shared>>
        %dma_start3A_158 = tpu.memref_slice %arg11[%run_scoped3A_100, %mul3A_18] : memref<16x10240xf32, #tpu.memory_space<vmem_shared>> -> memref<1x640xf32, #tpu.memory_space<vmem_shared>>
        %dma_start3A_159 = tpu.memref_squeeze %dma_start3A_158 : memref<1x640xf32, #tpu.memory_space<vmem_shared>> -> memref<640xf32, #tpu.memory_space<vmem_shared>>
        tpu.enqueue_dma source(%dma_start3A_159 : memref<640xf32, #tpu.memory_space<vmem_shared>>) target(%arg14 : memref<640xf32, #tpu.memory_space<vmem>>) target_semaphore(%run_scoped3A_156 : memref<!tpu.dma_semaphore, #tpu.memory_space<semaphore_mem>>)
        %dma_wait3A = tpu.memref_slice %arg11[%run_scoped3A_100, %mul3A_18] : memref<16x10240xf32, #tpu.memory_space<vmem_shared>> -> memref<1x640xf32, #tpu.memory_space<vmem_shared>>
        %dma_wait3A_160 = tpu.memref_squeeze %dma_wait3A : memref<1x640xf32, #tpu.memory_space<vmem_shared>> -> memref<640xf32, #tpu.memory_space<vmem_shared>>
        %dma_wait3A_161 = tpu.memref_slice %arg11[%run_scoped3A_100, %mul3A_18] : memref<16x10240xf32, #tpu.memory_space<vmem_shared>> -> memref<1x640xf32, #tpu.memory_space<vmem_shared>>
        %dma_wait3A_162 = tpu.memref_squeeze %dma_wait3A_161 : memref<1x640xf32, #tpu.memory_space<vmem_shared>> -> memref<640xf32, #tpu.memory_space<vmem_shared>>
        tpu.wait_dma2 semaphore(%run_scoped3A_156 : memref<!tpu.dma_semaphore, #tpu.memory_space<semaphore_mem>>) src(%dma_wait3A_162 : memref<640xf32, #tpu.memory_space<vmem_shared>>) dst(%arg14 : memref<640xf32, #tpu.memory_space<vmem>>)
        tpu.yield
      }) : () -> ()
      %scan3A_101 = arith.constant 0 : i32
      %scan3A_102 = arith.constant 0 : i32
      %scan3A_103 = arith.constant 40 : i32
      %scan3A_104 = arith.addi %scan3A_102, %scan3A_103 : i32
      %scan3A_105 = arith.constant 1 : i32
      %scan3A_106 = scf.for %scan3A_156 = %scan3A_102 to %scan3A_104 step %scan3A_105 iter_args(%scan3A_157 = %scan3A_101) -> (i32)  : i32 {
        %mul3A_158 = arith.constant 16 : i32
        %mul3A_159 = arith.muli %scan3A_156, %mul3A_158 : i32
        %get3A = arith.index_cast %mul3A_159 : i32 to index
        %get3A_160 = tpu.vector_load %arg13[%get3A] {strides = array<i32>} : memref<640xf32, #tpu.memory_space<vmem>>, vector<16xf32>,
        %get3A_161 = arith.index_cast %mul3A_159 : i32 to index
        %get3A_162 = tpu.vector_load %arg14[%get3A_161] {strides = array<i32>} : memref<640xf32, #tpu.memory_space<vmem>>, vector<16xf32>,
        %add3A = arith.addf %get3A_160, %get3A_162 : vector<16xf32>
        %swap3A = arith.index_cast %mul3A_159 : i32 to index
        %swap3A_163 = tpu.vector_load %arg13[%swap3A] {strides = array<i32>} : memref<640xf32, #tpu.memory_space<vmem>>, vector<16xf32>,
        tpu.vector_store %arg13[%swap3A], %add3A {strides = array<i32>} : memref<640xf32, #tpu.memory_space<vmem>>, vector<16xf32>,
        %scan3A_164 = arith.constant 0 : i32
        scf.yield %scan3A_164 : i32
      }
      %scan3A_107 = arith.constant 40 : i32
      %run_scoped3A_108 = arith.constant 12 : i32
      "tpu.region"() ({
        %run_scoped3A_156 = tpu.sem_alloc : memref<!tpu.dma_semaphore, #tpu.memory_space<semaphore_mem>>
        %dma_start3A = tpu.memref_slice %arg11[%run_scoped3A_108, %mul3A_18] : memref<16x10240xf32, #tpu.memory_space<vmem_shared>> -> memref<1x640xf32, #tpu.memory_space<vmem_shared>>
        %dma_start3A_157 = tpu.memref_squeeze %dma_start3A : memref<1x640xf32, #tpu.memory_space<vmem_shared>> -> memref<640xf32, #tpu.memory_space<vmem_shared>>
        %dma_start3A_158 = tpu.memref_slice %arg11[%run_scoped3A_108, %mul3A_18] : memref<16x10240xf32, #tpu.memory_space<vmem_shared>> -> memref<1x640xf32, #tpu.memory_space<vmem_shared>>
        %dma_start3A_159 = tpu.memref_squeeze %dma_start3A_158 : memref<1x640xf32, #tpu.memory_space<vmem_shared>> -> memref<640xf32, #tpu.memory_space<vmem_shared>>
        tpu.enqueue_dma source(%dma_start3A_159 : memref<640xf32, #tpu.memory_space<vmem_shared>>) target(%arg14 : memref<640xf32, #tpu.memory_space<vmem>>) target_semaphore(%run_scoped3A_156 : memref<!tpu.dma_semaphore, #tpu.memory_space<semaphore_mem>>)
        %dma_wait3A = tpu.memref_slice %arg11[%run_scoped3A_108, %mul3A_18] : memref<16x10240xf32, #tpu.memory_space<vmem_shared>> -> memref<1x640xf32, #tpu.memory_space<vmem_shared>>
        %dma_wait3A_160 = tpu.memref_squeeze %dma_wait3A : memref<1x640xf32, #tpu.memory_space<vmem_shared>> -> memref<640xf32, #tpu.memory_space<vmem_shared>>
        %dma_wait3A_161 = tpu.memref_slice %arg11[%run_scoped3A_108, %mul3A_18] : memref<16x10240xf32, #tpu.memory_space<vmem_shared>> -> memref<1x640xf32, #tpu.memory_space<vmem_shared>>
        %dma_wait3A_162 = tpu.memref_squeeze %dma_wait3A_161 : memref<1x640xf32, #tpu.memory_space<vmem_shared>> -> memref<640xf32, #tpu.memory_space<vmem_shared>>
        tpu.wait_dma2 semaphore(%run_scoped3A_156 : memref<!tpu.dma_semaphore, #tpu.memory_space<semaphore_mem>>) src(%dma_wait3A_162 : memref<640xf32, #tpu.memory_space<vmem_shared>>) dst(%arg14 : memref<640xf32, #tpu.memory_space<vmem>>)
        tpu.yield
      }) : () -> ()
      %scan3A_109 = arith.constant 0 : i32
      %scan3A_110 = arith.constant 0 : i32
      %scan3A_111 = arith.constant 40 : i32
      %scan3A_112 = arith.addi %scan3A_110, %scan3A_111 : i32
      %scan3A_113 = arith.constant 1 : i32
      %scan3A_114 = scf.for %scan3A_156 = %scan3A_110 to %scan3A_112 step %scan3A_113 iter_args(%scan3A_157 = %scan3A_109) -> (i32)  : i32 {
        %mul3A_158 = arith.constant 16 : i32
        %mul3A_159 = arith.muli %scan3A_156, %mul3A_158 : i32
        %get3A = arith.index_cast %mul3A_159 : i32 to index
        %get3A_160 = tpu.vector_load %arg13[%get3A] {strides = array<i32>} : memref<640xf32, #tpu.memory_space<vmem>>, vector<16xf32>,
        %get3A_161 = arith.index_cast %mul3A_159 : i32 to index
        %get3A_162 = tpu.vector_load %arg14[%get3A_161] {strides = array<i32>} : memref<640xf32, #tpu.memory_space<vmem>>, vector<16xf32>,
        %add3A = arith.addf %get3A_160, %get3A_162 : vector<16xf32>
        %swap3A = arith.index_cast %mul3A_159 : i32 to index
        %swap3A_163 = tpu.vector_load %arg13[%swap3A] {strides = array<i32>} : memref<640xf32, #tpu.memory_space<vmem>>, vector<16xf32>,
        tpu.vector_store %arg13[%swap3A], %add3A {strides = array<i32>} : memref<640xf32, #tpu.memory_space<vmem>>, vector<16xf32>,
        %scan3A_164 = arith.constant 0 : i32
        scf.yield %scan3A_164 : i32
      }
      %scan3A_115 = arith.constant 40 : i32
      %run_scoped3A_116 = arith.constant 13 : i32
      "tpu.region"() ({
        %run_scoped3A_156 = tpu.sem_alloc : memref<!tpu.dma_semaphore, #tpu.memory_space<semaphore_mem>>
        %dma_start3A = tpu.memref_slice %arg11[%run_scoped3A_116, %mul3A_18] : memref<16x10240xf32, #tpu.memory_space<vmem_shared>> -> memref<1x640xf32, #tpu.memory_space<vmem_shared>>
        %dma_start3A_157 = tpu.memref_squeeze %dma_start3A : memref<1x640xf32, #tpu.memory_space<vmem_shared>> -> memref<640xf32, #tpu.memory_space<vmem_shared>>
        %dma_start3A_158 = tpu.memref_slice %arg11[%run_scoped3A_116, %mul3A_18] : memref<16x10240xf32, #tpu.memory_space<vmem_shared>> -> memref<1x640xf32, #tpu.memory_space<vmem_shared>>
        %dma_start3A_159 = tpu.memref_squeeze %dma_start3A_158 : memref<1x640xf32, #tpu.memory_space<vmem_shared>> -> memref<640xf32, #tpu.memory_space<vmem_shared>>
        tpu.enqueue_dma source(%dma_start3A_159 : memref<640xf32, #tpu.memory_space<vmem_shared>>) target(%arg14 : memref<640xf32, #tpu.memory_space<vmem>>) target_semaphore(%run_scoped3A_156 : memref<!tpu.dma_semaphore, #tpu.memory_space<semaphore_mem>>)
        %dma_wait3A = tpu.memref_slice %arg11[%run_scoped3A_116, %mul3A_18] : memref<16x10240xf32, #tpu.memory_space<vmem_shared>> -> memref<1x640xf32, #tpu.memory_space<vmem_shared>>
        %dma_wait3A_160 = tpu.memref_squeeze %dma_wait3A : memref<1x640xf32, #tpu.memory_space<vmem_shared>> -> memref<640xf32, #tpu.memory_space<vmem_shared>>
        %dma_wait3A_161 = tpu.memref_slice %arg11[%run_scoped3A_116, %mul3A_18] : memref<16x10240xf32, #tpu.memory_space<vmem_shared>> -> memref<1x640xf32, #tpu.memory_space<vmem_shared>>
        %dma_wait3A_162 = tpu.memref_squeeze %dma_wait3A_161 : memref<1x640xf32, #tpu.memory_space<vmem_shared>> -> memref<640xf32, #tpu.memory_space<vmem_shared>>
        tpu.wait_dma2 semaphore(%run_scoped3A_156 : memref<!tpu.dma_semaphore, #tpu.memory_space<semaphore_mem>>) src(%dma_wait3A_162 : memref<640xf32, #tpu.memory_space<vmem_shared>>) dst(%arg14 : memref<640xf32, #tpu.memory_space<vmem>>)
        tpu.yield
      }) : () -> ()
      %scan3A_117 = arith.constant 0 : i32
      %scan3A_118 = arith.constant 0 : i32
      %scan3A_119 = arith.constant 40 : i32
      %scan3A_120 = arith.addi %scan3A_118, %scan3A_119 : i32
      %scan3A_121 = arith.constant 1 : i32
      %scan3A_122 = scf.for %scan3A_156 = %scan3A_118 to %scan3A_120 step %scan3A_121 iter_args(%scan3A_157 = %scan3A_117) -> (i32)  : i32 {
        %mul3A_158 = arith.constant 16 : i32
        %mul3A_159 = arith.muli %scan3A_156, %mul3A_158 : i32
        %get3A = arith.index_cast %mul3A_159 : i32 to index
        %get3A_160 = tpu.vector_load %arg13[%get3A] {strides = array<i32>} : memref<640xf32, #tpu.memory_space<vmem>>, vector<16xf32>,
        %get3A_161 = arith.index_cast %mul3A_159 : i32 to index
        %get3A_162 = tpu.vector_load %arg14[%get3A_161] {strides = array<i32>} : memref<640xf32, #tpu.memory_space<vmem>>, vector<16xf32>,
        %add3A = arith.addf %get3A_160, %get3A_162 : vector<16xf32>
        %swap3A = arith.index_cast %mul3A_159 : i32 to index
        %swap3A_163 = tpu.vector_load %arg13[%swap3A] {strides = array<i32>} : memref<640xf32, #tpu.memory_space<vmem>>, vector<16xf32>,
        tpu.vector_store %arg13[%swap3A], %add3A {strides = array<i32>} : memref<640xf32, #tpu.memory_space<vmem>>, vector<16xf32>,
        %scan3A_164 = arith.constant 0 : i32
        scf.yield %scan3A_164 : i32
      }
      %scan3A_123 = arith.constant 40 : i32
      %run_scoped3A_124 = arith.constant 14 : i32
      "tpu.region"() ({
        %run_scoped3A_156 = tpu.sem_alloc : memref<!tpu.dma_semaphore, #tpu.memory_space<semaphore_mem>>
        %dma_start3A = tpu.memref_slice %arg11[%run_scoped3A_124, %mul3A_18] : memref<16x10240xf32, #tpu.memory_space<vmem_shared>> -> memref<1x640xf32, #tpu.memory_space<vmem_shared>>
        %dma_start3A_157 = tpu.memref_squeeze %dma_start3A : memref<1x640xf32, #tpu.memory_space<vmem_shared>> -> memref<640xf32, #tpu.memory_space<vmem_shared>>
        %dma_start3A_158 = tpu.memref_slice %arg11[%run_scoped3A_124, %mul3A_18] : memref<16x10240xf32, #tpu.memory_space<vmem_shared>> -> memref<1x640xf32, #tpu.memory_space<vmem_shared>>
        %dma_start3A_159 = tpu.memref_squeeze %dma_start3A_158 : memref<1x640xf32, #tpu.memory_space<vmem_shared>> -> memref<640xf32, #tpu.memory_space<vmem_shared>>
        tpu.enqueue_dma source(%dma_start3A_159 : memref<640xf32, #tpu.memory_space<vmem_shared>>) target(%arg14 : memref<640xf32, #tpu.memory_space<vmem>>) target_semaphore(%run_scoped3A_156 : memref<!tpu.dma_semaphore, #tpu.memory_space<semaphore_mem>>)
        %dma_wait3A = tpu.memref_slice %arg11[%run_scoped3A_124, %mul3A_18] : memref<16x10240xf32, #tpu.memory_space<vmem_shared>> -> memref<1x640xf32, #tpu.memory_space<vmem_shared>>
        %dma_wait3A_160 = tpu.memref_squeeze %dma_wait3A : memref<1x640xf32, #tpu.memory_space<vmem_shared>> -> memref<640xf32, #tpu.memory_space<vmem_shared>>
        %dma_wait3A_161 = tpu.memref_slice %arg11[%run_scoped3A_124, %mul3A_18] : memref<16x10240xf32, #tpu.memory_space<vmem_shared>> -> memref<1x640xf32, #tpu.memory_space<vmem_shared>>
        %dma_wait3A_162 = tpu.memref_squeeze %dma_wait3A_161 : memref<1x640xf32, #tpu.memory_space<vmem_shared>> -> memref<640xf32, #tpu.memory_space<vmem_shared>>
        tpu.wait_dma2 semaphore(%run_scoped3A_156 : memref<!tpu.dma_semaphore, #tpu.memory_space<semaphore_mem>>) src(%dma_wait3A_162 : memref<640xf32, #tpu.memory_space<vmem_shared>>) dst(%arg14 : memref<640xf32, #tpu.memory_space<vmem>>)
        tpu.yield
      }) : () -> ()
      %scan3A_125 = arith.constant 0 : i32
      %scan3A_126 = arith.constant 0 : i32
      %scan3A_127 = arith.constant 40 : i32
      %scan3A_128 = arith.addi %scan3A_126, %scan3A_127 : i32
      %scan3A_129 = arith.constant 1 : i32
      %scan3A_130 = scf.for %scan3A_156 = %scan3A_126 to %scan3A_128 step %scan3A_129 iter_args(%scan3A_157 = %scan3A_125) -> (i32)  : i32 {
        %mul3A_158 = arith.constant 16 : i32
        %mul3A_159 = arith.muli %scan3A_156, %mul3A_158 : i32
        %get3A = arith.index_cast %mul3A_159 : i32 to index
        %get3A_160 = tpu.vector_load %arg13[%get3A] {strides = array<i32>} : memref<640xf32, #tpu.memory_space<vmem>>, vector<16xf32>,
        %get3A_161 = arith.index_cast %mul3A_159 : i32 to index
        %get3A_162 = tpu.vector_load %arg14[%get3A_161] {strides = array<i32>} : memref<640xf32, #tpu.memory_space<vmem>>, vector<16xf32>,
        %add3A = arith.addf %get3A_160, %get3A_162 : vector<16xf32>
        %swap3A = arith.index_cast %mul3A_159 : i32 to index
        %swap3A_163 = tpu.vector_load %arg13[%swap3A] {strides = array<i32>} : memref<640xf32, #tpu.memory_space<vmem>>, vector<16xf32>,
        tpu.vector_store %arg13[%swap3A], %add3A {strides = array<i32>} : memref<640xf32, #tpu.memory_space<vmem>>, vector<16xf32>,
        %scan3A_164 = arith.constant 0 : i32
        scf.yield %scan3A_164 : i32
      }
      %scan3A_131 = arith.constant 40 : i32
      %run_scoped3A_132 = arith.constant 15 : i32
      "tpu.region"() ({
        %run_scoped3A_156 = tpu.sem_alloc : memref<!tpu.dma_semaphore, #tpu.memory_space<semaphore_mem>>
        %dma_start3A = tpu.memref_slice %arg11[%run_scoped3A_132, %mul3A_18] : memref<16x10240xf32, #tpu.memory_space<vmem_shared>> -> memref<1x640xf32, #tpu.memory_space<vmem_shared>>
        %dma_start3A_157 = tpu.memref_squeeze %dma_start3A : memref<1x640xf32, #tpu.memory_space<vmem_shared>> -> memref<640xf32, #tpu.memory_space<vmem_shared>>
        %dma_start3A_158 = tpu.memref_slice %arg11[%run_scoped3A_132, %mul3A_18] : memref<16x10240xf32, #tpu.memory_space<vmem_shared>> -> memref<1x640xf32, #tpu.memory_space<vmem_shared>>
        %dma_start3A_159 = tpu.memref_squeeze %dma_start3A_158 : memref<1x640xf32, #tpu.memory_space<vmem_shared>> -> memref<640xf32, #tpu.memory_space<vmem_shared>>
        tpu.enqueue_dma source(%dma_start3A_159 : memref<640xf32, #tpu.memory_space<vmem_shared>>) target(%arg14 : memref<640xf32, #tpu.memory_space<vmem>>) target_semaphore(%run_scoped3A_156 : memref<!tpu.dma_semaphore, #tpu.memory_space<semaphore_mem>>)
        %dma_wait3A = tpu.memref_slice %arg11[%run_scoped3A_132, %mul3A_18] : memref<16x10240xf32, #tpu.memory_space<vmem_shared>> -> memref<1x640xf32, #tpu.memory_space<vmem_shared>>
        %dma_wait3A_160 = tpu.memref_squeeze %dma_wait3A : memref<1x640xf32, #tpu.memory_space<vmem_shared>> -> memref<640xf32, #tpu.memory_space<vmem_shared>>
        %dma_wait3A_161 = tpu.memref_slice %arg11[%run_scoped3A_132, %mul3A_18] : memref<16x10240xf32, #tpu.memory_space<vmem_shared>> -> memref<1x640xf32, #tpu.memory_space<vmem_shared>>
        %dma_wait3A_162 = tpu.memref_squeeze %dma_wait3A_161 : memref<1x640xf32, #tpu.memory_space<vmem_shared>> -> memref<640xf32, #tpu.memory_space<vmem_shared>>
        tpu.wait_dma2 semaphore(%run_scoped3A_156 : memref<!tpu.dma_semaphore, #tpu.memory_space<semaphore_mem>>) src(%dma_wait3A_162 : memref<640xf32, #tpu.memory_space<vmem_shared>>) dst(%arg14 : memref<640xf32, #tpu.memory_space<vmem>>)
        tpu.yield
      }) : () -> ()
      %scan3A_133 = arith.constant 0 : i32
      %scan3A_134 = arith.constant 0 : i32
      %scan3A_135 = arith.constant 40 : i32
      %scan3A_136 = arith.addi %scan3A_134, %scan3A_135 : i32
      %scan3A_137 = arith.constant 1 : i32
      %scan3A_138 = scf.for %scan3A_156 = %scan3A_134 to %scan3A_136 step %scan3A_137 iter_args(%scan3A_157 = %scan3A_133) -> (i32)  : i32 {
        %mul3A_158 = arith.constant 16 : i32
        %mul3A_159 = arith.muli %scan3A_156, %mul3A_158 : i32
        %get3A = arith.index_cast %mul3A_159 : i32 to index
        %get3A_160 = tpu.vector_load %arg13[%get3A] {strides = array<i32>} : memref<640xf32, #tpu.memory_space<vmem>>, vector<16xf32>,
        %get3A_161 = arith.index_cast %mul3A_159 : i32 to index
        %get3A_162 = tpu.vector_load %arg14[%get3A_161] {strides = array<i32>} : memref<640xf32, #tpu.memory_space<vmem>>, vector<16xf32>,
        %add3A = arith.addf %get3A_160, %get3A_162 : vector<16xf32>
        %swap3A = arith.index_cast %mul3A_159 : i32 to index
        %swap3A_163 = tpu.vector_load %arg13[%swap3A] {strides = array<i32>} : memref<640xf32, #tpu.memory_space<vmem>>, vector<16xf32>,
        tpu.vector_store %arg13[%swap3A], %add3A {strides = array<i32>} : memref<640xf32, #tpu.memory_space<vmem>>, vector<16xf32>,
        %scan3A_164 = arith.constant 0 : i32
        scf.yield %scan3A_164 : i32
      }
      %scan3A_139 = arith.constant 40 : i32
      %scan3A_140 = arith.constant 0 : i32
      %scan3A_141 = arith.constant 0 : i32
      %scan3A_142 = arith.constant 40 : i32
      %scan3A_143 = arith.addi %scan3A_141, %scan3A_142 : i32
      %scan3A_144 = arith.constant 1 : i32
      %scan3A_145 = scf.for %scan3A_156 = %scan3A_141 to %scan3A_143 step %scan3A_144 iter_args(%scan3A_157 = %scan3A_140) -> (i32)  : i32 {
        %mul3A_158 = arith.constant 16 : i32
        %mul3A_159 = arith.muli %scan3A_156, %mul3A_158 : i32
        %get3A = arith.index_cast %mul3A_159 : i32 to index
        %get3A_160 = tpu.vector_load %arg13[%get3A] {strides = array<i32>} : memref<640xf32, #tpu.memory_space<vmem>>, vector<16xf32>,
        %add3A = arith.constant 1.000000e+00 : f32
        %add3A_161 = vector.broadcast %add3A : f32 to vector<16xf32>
        %add3A_162 = arith.addf %get3A_160, %add3A_161 : vector<16xf32>
        %bitcast3A = vector.bitcast %add3A_162 : vector<16xf32> to vector<16xi32>
        %shift_right_logical3A = arith.constant 1 : i32
        %shift_right_logical3A_163 = vector.broadcast %shift_right_logical3A : i32 to vector<16xi32>
        %shift_right_logical3A_164 = arith.shrui %bitcast3A, %shift_right_logical3A_163 : vector<16xi32>
        %sub3A = arith.constant 1597463007 : i32
        %sub3A_165 = vector.broadcast %sub3A : i32 to vector<16xi32>
        %sub3A_166 = arith.subi %sub3A_165, %shift_right_logical3A_164 : vector<16xi32>
        %bitcast3A_167 = vector.bitcast %sub3A_166 : vector<16xi32> to vector<16xf32>
        %mul3A_168 = arith.constant 5.000000e-01 : f32
        %mul3A_169 = vector.broadcast %mul3A_168 : f32 to vector<16xf32>
        %mul3A_170 = arith.mulf %add3A_162, %mul3A_169 : vector<16xf32>
        %mul3A_171 = arith.mulf %mul3A_170, %bitcast3A_167 : vector<16xf32>
        %mul3A_172 = arith.mulf %mul3A_171, %bitcast3A_167 : vector<16xf32>
        %sub3A_173 = arith.constant 1.500000e+00 : f32
        %sub3A_174 = vector.broadcast %sub3A_173 : f32 to vector<16xf32>
        %sub3A_175 = arith.subf %sub3A_174, %mul3A_172 : vector<16xf32>
        %mul3A_176 = arith.mulf %bitcast3A_167, %sub3A_175 : vector<16xf32>
        %mul3A_177 = arith.mulf %mul3A_170, %mul3A_176 : vector<16xf32>
        %mul3A_178 = arith.mulf %mul3A_177, %mul3A_176 : vector<16xf32>
        %sub3A_179 = arith.constant 1.500000e+00 : f32
        %sub3A_180 = vector.broadcast %sub3A_179 : f32 to vector<16xf32>
        %sub3A_181 = arith.subf %sub3A_180, %mul3A_178 : vector<16xf32>
        %mul3A_182 = arith.mulf %mul3A_176, %sub3A_181 : vector<16xf32>
        %mul3A_183 = arith.mulf %mul3A_170, %mul3A_182 : vector<16xf32>
        %mul3A_184 = arith.mulf %mul3A_183, %mul3A_182 : vector<16xf32>
        %sub3A_185 = arith.constant 1.500000e+00 : f32
        %sub3A_186 = vector.broadcast %sub3A_185 : f32 to vector<16xf32>
        %sub3A_187 = arith.subf %sub3A_186, %mul3A_184 : vector<16xf32>
        %mul3A_188 = arith.mulf %mul3A_182, %sub3A_187 : vector<16xf32>
        %swap3A = arith.index_cast %mul3A_159 : i32 to index
        %swap3A_189 = tpu.vector_load %arg13[%swap3A] {strides = array<i32>} : memref<640xf32, #tpu.memory_space<vmem>>, vector<16xf32>,
        tpu.vector_store %arg13[%swap3A], %mul3A_188 {strides = array<i32>} : memref<640xf32, #tpu.memory_space<vmem>>, vector<16xf32>,
        %scan3A_190 = arith.constant 0 : i32
        scf.yield %scan3A_190 : i32
      }
      %scan3A_146 = arith.constant 40 : i32
      "tpu.region"() ({
        %run_scoped3A_156 = tpu.sem_alloc : memref<!tpu.dma_semaphore, #tpu.memory_space<semaphore_mem>>
        %dma_start3A = tpu.memref_slice %arg5[%mul3A_18] : memref<10240xf32, #tpu.memory_space<hbm>> -> memref<640xf32, #tpu.memory_space<hbm>>
        %dma_start3A_157 = tpu.memref_slice %arg5[%mul3A_18] : memref<10240xf32, #tpu.memory_space<hbm>> -> memref<640xf32, #tpu.memory_space<hbm>>
        tpu.enqueue_dma source(%arg13 : memref<640xf32, #tpu.memory_space<vmem>>) target(%dma_start3A_157 : memref<640xf32, #tpu.memory_space<hbm>>) target_semaphore(%run_scoped3A_156 : memref<!tpu.dma_semaphore, #tpu.memory_space<semaphore_mem>>)
        %dma_wait3A = tpu.memref_slice %arg5[%mul3A_18] : memref<10240xf32, #tpu.memory_space<hbm>> -> memref<640xf32, #tpu.memory_space<hbm>>
        %dma_wait3A_158 = tpu.memref_slice %arg5[%mul3A_18] : memref<10240xf32, #tpu.memory_space<hbm>> -> memref<640xf32, #tpu.memory_space<hbm>>
        tpu.wait_dma2 semaphore(%run_scoped3A_156 : memref<!tpu.dma_semaphore, #tpu.memory_space<semaphore_mem>>) src(%arg13 : memref<640xf32, #tpu.memory_space<vmem>>) dst(%dma_wait3A_158 : memref<640xf32, #tpu.memory_space<hbm>>)
        tpu.yield
      }) : () -> ()
      "tpu.region"() ({
        %run_scoped3A_156 = tpu.sem_alloc : memref<!tpu.dma_semaphore, #tpu.memory_space<semaphore_mem>>
        %dma_start3A = tpu.memref_slice %arg12[%mul3A_18] : memref<10240xf32, #tpu.memory_space<vmem_shared>> -> memref<640xf32, #tpu.memory_space<vmem_shared>>
        %dma_start3A_157 = tpu.memref_slice %arg12[%mul3A_18] : memref<10240xf32, #tpu.memory_space<vmem_shared>> -> memref<640xf32, #tpu.memory_space<vmem_shared>>
        tpu.enqueue_dma source(%arg13 : memref<640xf32, #tpu.memory_space<vmem>>) target(%dma_start3A_157 : memref<640xf32, #tpu.memory_space<vmem_shared>>) target_semaphore(%run_scoped3A_156 : memref<!tpu.dma_semaphore, #tpu.memory_space<semaphore_mem>>)
        %dma_wait3A = tpu.memref_slice %arg12[%mul3A_18] : memref<10240xf32, #tpu.memory_space<vmem_shared>> -> memref<640xf32, #tpu.memory_space<vmem_shared>>
        %dma_wait3A_158 = tpu.memref_slice %arg12[%mul3A_18] : memref<10240xf32, #tpu.memory_space<vmem_shared>> -> memref<640xf32, #tpu.memory_space<vmem_shared>>
        tpu.wait_dma2 semaphore(%run_scoped3A_156 : memref<!tpu.dma_semaphore, #tpu.memory_space<semaphore_mem>>) src(%arg13 : memref<640xf32, #tpu.memory_space<vmem>>) dst(%dma_wait3A_158 : memref<640xf32, #tpu.memory_space<vmem_shared>>)
        tpu.yield
      }) : () -> ()
      %barrier3A_147 = arith.constant 0 : index
      tpu.barrier barrier_id(%barrier3A_147)
      "tpu.region"() ({
        %run_scoped3A_156 = tpu.sem_alloc : memref<!tpu.dma_semaphore, #tpu.memory_space<semaphore_mem>>
        tpu.enqueue_dma source(%arg12 : memref<10240xf32, #tpu.memory_space<vmem_shared>>) target(%arg15 : memref<10240xf32, #tpu.memory_space<vmem>>) target_semaphore(%run_scoped3A_156 : memref<!tpu.dma_semaphore, #tpu.memory_space<semaphore_mem>>)
        tpu.wait_dma2 semaphore(%run_scoped3A_156 : memref<!tpu.dma_semaphore, #tpu.memory_space<semaphore_mem>>) src(%arg12 : memref<10240xf32, #tpu.memory_space<vmem_shared>>) dst(%arg15 : memref<10240xf32, #tpu.memory_space<vmem>>)
        tpu.yield
      }) : () -> ()
      %scan3A_148 = arith.constant 0 : i32
      %scan3A_149 = arith.constant 0 : i32
      %scan3A_150 = arith.constant 1280 : i32
      %scan3A_151 = arith.addi %scan3A_149, %scan3A_150 : i32
      %scan3A_152 = arith.constant 1 : i32
      %scan3A_153 = scf.for %scan3A_156 = %scan3A_149 to %scan3A_151 step %scan3A_152 iter_args(%scan3A_157 = %scan3A_148) -> (i32)  : i32 {
        %mul3A_158 = arith.constant 16 : i32
        %mul3A_159 = arith.muli %scan3A_156, %mul3A_158 : i32
        %get3A = arith.index_cast %mul3A_159 : i32 to index
        %get3A_160 = tpu.vector_load %arg9[%get3A] {strides = array<i32>} : memref<20480xi32, #tpu.memory_space<vmem>>, vector<16xi32>,
        %gather3A = tpu.vector_load_idx %arg15[%get3A_160] : memref<10240xf32, #tpu.memory_space<vmem>>[vector<16xi32>], vector<16xf32>,
        %get3A_161 = arith.index_cast %mul3A_159 : i32 to index
        %get3A_162 = tpu.vector_load %arg7[%get3A_161] {strides = array<i32>} : memref<20480xi32, #tpu.memory_space<vmem>>, vector<16xi32>,
        %gather3A_163 = tpu.vector_load_idx %arg15[%get3A_162] : memref<10240xf32, #tpu.memory_space<vmem>>[vector<16xi32>], vector<16xf32>,
        %get3A_164 = arith.index_cast %mul3A_159 : i32 to index
        %get3A_165 = tpu.vector_load %arg8[%get3A_164] {strides = array<i32>} : memref<20480xf32, #tpu.memory_space<vmem>>, vector<16xf32>,
        %mul3A_166 = arith.mulf %get3A_165, %gather3A : vector<16xf32>
        %mul3A_167 = arith.mulf %mul3A_166, %gather3A_163 : vector<16xf32>
        %swap3A = arith.index_cast %mul3A_159 : i32 to index
        %swap3A_168 = tpu.vector_load %arg8[%swap3A] {strides = array<i32>} : memref<20480xf32, #tpu.memory_space<vmem>>, vector<16xf32>,
        tpu.vector_store %arg8[%swap3A], %mul3A_167 {strides = array<i32>} : memref<20480xf32, #tpu.memory_space<vmem>>, vector<16xf32>,
        %scan3A_169 = arith.constant 0 : i32
        scf.yield %scan3A_169 : i32
      }
      %scan3A_154 = arith.constant 1280 : i32
      %run_scoped3A_155 = arith.constant 0 : i32
      "tpu.region"() ({
        %run_scoped3A_156 = tpu.sem_alloc : memref<!tpu.dma_semaphore, #tpu.memory_space<semaphore_mem>>
        %dma_start3A = arith.constant 0 : i32
        %dma_start3A_157 = tpu.memref_slice %arg6[%arg1, %run_scoped3A_155, %dma_start3A] : memref<16x1x20480xf32, #tpu.memory_space<hbm>> -> memref<1x1x20480xf32, #tpu.memory_space<hbm>>
        %dma_start3A_158 = tpu.memref_squeeze %dma_start3A_157 : memref<1x1x20480xf32, #tpu.memory_space<hbm>> -> memref<20480xf32, #tpu.memory_space<hbm>>
        %dma_start3A_159 = arith.constant 0 : i32
        %dma_start3A_160 = tpu.memref_slice %arg6[%arg1, %run_scoped3A_155, %dma_start3A_159] : memref<16x1x20480xf32, #tpu.memory_space<hbm>> -> memref<1x1x20480xf32, #tpu.memory_space<hbm>>
        %dma_start3A_161 = tpu.memref_squeeze %dma_start3A_160 : memref<1x1x20480xf32, #tpu.memory_space<hbm>> -> memref<20480xf32, #tpu.memory_space<hbm>>
        tpu.enqueue_dma source(%arg8 : memref<20480xf32, #tpu.memory_space<vmem>>) target(%dma_start3A_161 : memref<20480xf32, #tpu.memory_space<hbm>>) target_semaphore(%run_scoped3A_156 : memref<!tpu.dma_semaphore, #tpu.memory_space<semaphore_mem>>)
        %dma_wait3A = arith.constant 0 : i32
        %dma_wait3A_162 = tpu.memref_slice %arg6[%arg1, %run_scoped3A_155, %dma_wait3A] : memref<16x1x20480xf32, #tpu.memory_space<hbm>> -> memref<1x1x20480xf32, #tpu.memory_space<hbm>>
        %dma_wait3A_163 = tpu.memref_squeeze %dma_wait3A_162 : memref<1x1x20480xf32, #tpu.memory_space<hbm>> -> memref<20480xf32, #tpu.memory_space<hbm>>
        %dma_wait3A_164 = arith.constant 0 : i32
        %dma_wait3A_165 = tpu.memref_slice %arg6[%arg1, %run_scoped3A_155, %dma_wait3A_164] : memref<16x1x20480xf32, #tpu.memory_space<hbm>> -> memref<1x1x20480xf32, #tpu.memory_space<hbm>>
        %dma_wait3A_166 = tpu.memref_squeeze %dma_wait3A_165 : memref<1x1x20480xf32, #tpu.memory_space<hbm>> -> memref<20480xf32, #tpu.memory_space<hbm>>
        tpu.wait_dma2 semaphore(%run_scoped3A_156 : memref<!tpu.dma_semaphore, #tpu.memory_space<semaphore_mem>>) src(%arg8 : memref<20480xf32, #tpu.memory_space<vmem>>) dst(%dma_wait3A_166 : memref<20480xf32, #tpu.memory_space<hbm>>)
        tpu.yield
      }) : () -> ()
    } else {
    }
    return
  }
}

#map = affine_map<(d0, d1) -> (0, 0)>
#map1 = affine_map<(d0, d1) -> (0, 0, 0)>
module attributes {stable_mosaic.version = 14 : i64} {
  func.func @_msg_body(%arg0: i32, %arg1: i32, %arg2: memref<10000x128xbf16, #tpu.memory_space<hbm>>, %arg3: memref<16x160x128xi32, #tpu.memory_space<hbm>>, %arg4: memref<16x160x128xi32, #tpu.memory_space<hbm>>, %arg5: memref<16x160x128xf32, #tpu.memory_space<hbm>>, %arg6: memref<2x10240x128xbf16, #tpu.memory_space<hbm>>, %arg7: memref<104x128xi32, #tpu.memory_space<vmem>>, %arg8: memref<104x128xi32, #tpu.memory_space<vmem>>, %arg9: memref<104x128xf32, #tpu.memory_space<vmem>>, %arg10: memref<2x128x128xbf16, #tpu.memory_space<vmem>>, %arg11: memref<10240x128xbf16, #tpu.memory_space<vmem_shared>>, %arg12: memref<!tpu.dma_semaphore, #tpu.memory_space<semaphore_mem>>, %arg13: memref<!tpu.dma_semaphore, #tpu.memory_space<semaphore_mem>>, %arg14: memref<!tpu.dma_semaphore, #tpu.memory_space<semaphore_mem>>, %arg15: memref<!tpu.dma_semaphore, #tpu.memory_space<semaphore_mem>>) attributes {dimension_semantics = [#tpu.dimension_semantics<core_parallel>, #tpu.dimension_semantics<subcore_parallel>], iteration_bounds = array<i64: 2, 16>, scalar_prefetch = 0 : i64, scratch_operands = 9 : i64, tpu.core_type = #tpu.core_type<sc_vector_subcore>, window_params = [{transform_indices = #map}, {transform_indices = #map1}, {transform_indices = #map1}, {transform_indices = #map1}, {transform_indices = #map1}]} {
    %broadcast_in_dim3A = arith.constant 0.000000e+00 : bf16
    %broadcast_in_dim3A_0 = vector.broadcast %broadcast_in_dim3A : bf16 to vector<32xbf16>
    %scan3A = arith.constant 0 : i32
    %scan3A_1 = arith.constant 0 : i32
    %scan3A_2 = arith.constant 128 : i32
    %scan3A_3 = arith.addi %scan3A_1, %scan3A_2 : i32
    %scan3A_4 = arith.constant 1 : i32
    %scan3A_5 = scf.for %scan3A_49 = %scan3A_1 to %scan3A_3 step %scan3A_4 iter_args(%scan3A_50 = %scan3A) -> (i32)  : i32 {
      %swap3A = arith.constant 0 : i32
      %swap3A_51 = arith.index_cast %swap3A : i32 to index
      %swap3A_52 = arith.index_cast %scan3A_49 : i32 to index
      %swap3A_53 = arith.constant 0 : index
      %swap3A_54 = tpu.vector_load %arg10[%swap3A_51, %swap3A_52, %swap3A_53] {strides = array<i32>} : memref<2x128x128xbf16, #tpu.memory_space<vmem>>, vector<32xbf16>,
      tpu.vector_store %arg10[%swap3A_51, %swap3A_52, %swap3A_53], %broadcast_in_dim3A_0 {strides = array<i32>} : memref<2x128x128xbf16, #tpu.memory_space<vmem>>, vector<32xbf16>,
      %swap3A_55 = arith.constant 0 : i32
      %swap3A_56 = arith.index_cast %swap3A_55 : i32 to index
      %swap3A_57 = arith.index_cast %scan3A_49 : i32 to index
      %swap3A_58 = arith.constant 32 : index
      %swap3A_59 = tpu.vector_load %arg10[%swap3A_56, %swap3A_57, %swap3A_58] {strides = array<i32>} : memref<2x128x128xbf16, #tpu.memory_space<vmem>>, vector<32xbf16>,
      tpu.vector_store %arg10[%swap3A_56, %swap3A_57, %swap3A_58], %broadcast_in_dim3A_0 {strides = array<i32>} : memref<2x128x128xbf16, #tpu.memory_space<vmem>>, vector<32xbf16>,
      %swap3A_60 = arith.constant 0 : i32
      %swap3A_61 = arith.index_cast %swap3A_60 : i32 to index
      %swap3A_62 = arith.index_cast %scan3A_49 : i32 to index
      %swap3A_63 = arith.constant 64 : index
      %swap3A_64 = tpu.vector_load %arg10[%swap3A_61, %swap3A_62, %swap3A_63] {strides = array<i32>} : memref<2x128x128xbf16, #tpu.memory_space<vmem>>, vector<32xbf16>,
      tpu.vector_store %arg10[%swap3A_61, %swap3A_62, %swap3A_63], %broadcast_in_dim3A_0 {strides = array<i32>} : memref<2x128x128xbf16, #tpu.memory_space<vmem>>, vector<32xbf16>,
      %swap3A_65 = arith.constant 0 : i32
      %swap3A_66 = arith.index_cast %swap3A_65 : i32 to index
      %swap3A_67 = arith.index_cast %scan3A_49 : i32 to index
      %swap3A_68 = arith.constant 96 : index
      %swap3A_69 = tpu.vector_load %arg10[%swap3A_66, %swap3A_67, %swap3A_68] {strides = array<i32>} : memref<2x128x128xbf16, #tpu.memory_space<vmem>>, vector<32xbf16>,
      tpu.vector_store %arg10[%swap3A_66, %swap3A_67, %swap3A_68], %broadcast_in_dim3A_0 {strides = array<i32>} : memref<2x128x128xbf16, #tpu.memory_space<vmem>>, vector<32xbf16>,
      %scan3A_70 = arith.constant 0 : i32
      scf.yield %scan3A_70 : i32
    }
    %scan3A_6 = arith.constant 128 : i32
    %mul3A = arith.constant 640 : i32
    %mul3A_7 = arith.muli %arg1, %mul3A : i32
    %add3A = arith.constant 0 : i32
    %add3A_8 = arith.addi %mul3A_7, %add3A : i32
    %run_scoped3A = arith.constant 0 : i32
    "tpu.region"() ({
      %run_scoped3A_49 = tpu.sem_alloc : memref<!tpu.dma_semaphore, #tpu.memory_space<semaphore_mem>>
      %dma_start3A = arith.constant 0 : i32
      %dma_start3A_50 = arith.constant 0 : i32
      %dma_start3A_51 = tpu.memref_slice %arg10[%run_scoped3A, %dma_start3A, %dma_start3A_50] : memref<2x128x128xbf16, #tpu.memory_space<vmem>> -> memref<1x128x128xbf16, #tpu.memory_space<vmem>>
      %dma_start3A_52 = tpu.memref_squeeze %dma_start3A_51 : memref<1x128x128xbf16, #tpu.memory_space<vmem>> -> memref<128x128xbf16, #tpu.memory_space<vmem>>
      %dma_start3A_53 = arith.constant 0 : i32
      %dma_start3A_54 = tpu.memref_slice %arg11[%add3A_8, %dma_start3A_53] : memref<10240x128xbf16, #tpu.memory_space<vmem_shared>> -> memref<128x128xbf16, #tpu.memory_space<vmem_shared>>
      %dma_start3A_55 = arith.constant 0 : i32
      %dma_start3A_56 = tpu.memref_slice %arg11[%add3A_8, %dma_start3A_55] : memref<10240x128xbf16, #tpu.memory_space<vmem_shared>> -> memref<128x128xbf16, #tpu.memory_space<vmem_shared>>
      %dma_start3A_57 = arith.constant 0 : i32
      %dma_start3A_58 = arith.constant 0 : i32
      %dma_start3A_59 = tpu.memref_slice %arg10[%run_scoped3A, %dma_start3A_57, %dma_start3A_58] : memref<2x128x128xbf16, #tpu.memory_space<vmem>> -> memref<1x128x128xbf16, #tpu.memory_space<vmem>>
      %dma_start3A_60 = tpu.memref_squeeze %dma_start3A_59 : memref<1x128x128xbf16, #tpu.memory_space<vmem>> -> memref<128x128xbf16, #tpu.memory_space<vmem>>
      tpu.enqueue_dma source(%dma_start3A_60 : memref<128x128xbf16, #tpu.memory_space<vmem>>) target(%dma_start3A_56 : memref<128x128xbf16, #tpu.memory_space<vmem_shared>>) target_semaphore(%run_scoped3A_49 : memref<!tpu.dma_semaphore, #tpu.memory_space<semaphore_mem>>)
      %dma_wait3A = arith.constant 0 : i32
      %dma_wait3A_61 = arith.constant 0 : i32
      %dma_wait3A_62 = tpu.memref_slice %arg10[%run_scoped3A, %dma_wait3A, %dma_wait3A_61] : memref<2x128x128xbf16, #tpu.memory_space<vmem>> -> memref<1x128x128xbf16, #tpu.memory_space<vmem>>
      %dma_wait3A_63 = tpu.memref_squeeze %dma_wait3A_62 : memref<1x128x128xbf16, #tpu.memory_space<vmem>> -> memref<128x128xbf16, #tpu.memory_space<vmem>>
      %dma_wait3A_64 = arith.constant 0 : i32
      %dma_wait3A_65 = tpu.memref_slice %arg11[%add3A_8, %dma_wait3A_64] : memref<10240x128xbf16, #tpu.memory_space<vmem_shared>> -> memref<128x128xbf16, #tpu.memory_space<vmem_shared>>
      %dma_wait3A_66 = arith.constant 0 : i32
      %dma_wait3A_67 = tpu.memref_slice %arg11[%add3A_8, %dma_wait3A_66] : memref<10240x128xbf16, #tpu.memory_space<vmem_shared>> -> memref<128x128xbf16, #tpu.memory_space<vmem_shared>>
      %dma_wait3A_68 = arith.constant 0 : i32
      %dma_wait3A_69 = arith.constant 0 : i32
      %dma_wait3A_70 = tpu.memref_slice %arg10[%run_scoped3A, %dma_wait3A_68, %dma_wait3A_69] : memref<2x128x128xbf16, #tpu.memory_space<vmem>> -> memref<1x128x128xbf16, #tpu.memory_space<vmem>>
      %dma_wait3A_71 = tpu.memref_squeeze %dma_wait3A_70 : memref<1x128x128xbf16, #tpu.memory_space<vmem>> -> memref<128x128xbf16, #tpu.memory_space<vmem>>
      tpu.wait_dma2 semaphore(%run_scoped3A_49 : memref<!tpu.dma_semaphore, #tpu.memory_space<semaphore_mem>>) src(%dma_wait3A_71 : memref<128x128xbf16, #tpu.memory_space<vmem>>) dst(%dma_wait3A_67 : memref<128x128xbf16, #tpu.memory_space<vmem_shared>>)
      tpu.yield
    }) : () -> ()
    %add3A_9 = arith.constant 128 : i32
    %add3A_10 = arith.addi %mul3A_7, %add3A_9 : i32
    %run_scoped3A_11 = arith.constant 0 : i32
    "tpu.region"() ({
      %run_scoped3A_49 = tpu.sem_alloc : memref<!tpu.dma_semaphore, #tpu.memory_space<semaphore_mem>>
      %dma_start3A = arith.constant 0 : i32
      %dma_start3A_50 = arith.constant 0 : i32
      %dma_start3A_51 = tpu.memref_slice %arg10[%run_scoped3A_11, %dma_start3A, %dma_start3A_50] : memref<2x128x128xbf16, #tpu.memory_space<vmem>> -> memref<1x128x128xbf16, #tpu.memory_space<vmem>>
      %dma_start3A_52 = tpu.memref_squeeze %dma_start3A_51 : memref<1x128x128xbf16, #tpu.memory_space<vmem>> -> memref<128x128xbf16, #tpu.memory_space<vmem>>
      %dma_start3A_53 = arith.constant 0 : i32
      %dma_start3A_54 = tpu.memref_slice %arg11[%add3A_10, %dma_start3A_53] : memref<10240x128xbf16, #tpu.memory_space<vmem_shared>> -> memref<128x128xbf16, #tpu.memory_space<vmem_shared>>
      %dma_start3A_55 = arith.constant 0 : i32
      %dma_start3A_56 = tpu.memref_slice %arg11[%add3A_10, %dma_start3A_55] : memref<10240x128xbf16, #tpu.memory_space<vmem_shared>> -> memref<128x128xbf16, #tpu.memory_space<vmem_shared>>
      %dma_start3A_57 = arith.constant 0 : i32
      %dma_start3A_58 = arith.constant 0 : i32
      %dma_start3A_59 = tpu.memref_slice %arg10[%run_scoped3A_11, %dma_start3A_57, %dma_start3A_58] : memref<2x128x128xbf16, #tpu.memory_space<vmem>> -> memref<1x128x128xbf16, #tpu.memory_space<vmem>>
      %dma_start3A_60 = tpu.memref_squeeze %dma_start3A_59 : memref<1x128x128xbf16, #tpu.memory_space<vmem>> -> memref<128x128xbf16, #tpu.memory_space<vmem>>
      tpu.enqueue_dma source(%dma_start3A_60 : memref<128x128xbf16, #tpu.memory_space<vmem>>) target(%dma_start3A_56 : memref<128x128xbf16, #tpu.memory_space<vmem_shared>>) target_semaphore(%run_scoped3A_49 : memref<!tpu.dma_semaphore, #tpu.memory_space<semaphore_mem>>)
      %dma_wait3A = arith.constant 0 : i32
      %dma_wait3A_61 = arith.constant 0 : i32
      %dma_wait3A_62 = tpu.memref_slice %arg10[%run_scoped3A_11, %dma_wait3A, %dma_wait3A_61] : memref<2x128x128xbf16, #tpu.memory_space<vmem>> -> memref<1x128x128xbf16, #tpu.memory_space<vmem>>
      %dma_wait3A_63 = tpu.memref_squeeze %dma_wait3A_62 : memref<1x128x128xbf16, #tpu.memory_space<vmem>> -> memref<128x128xbf16, #tpu.memory_space<vmem>>
      %dma_wait3A_64 = arith.constant 0 : i32
      %dma_wait3A_65 = tpu.memref_slice %arg11[%add3A_10, %dma_wait3A_64] : memref<10240x128xbf16, #tpu.memory_space<vmem_shared>> -> memref<128x128xbf16, #tpu.memory_space<vmem_shared>>
      %dma_wait3A_66 = arith.constant 0 : i32
      %dma_wait3A_67 = tpu.memref_slice %arg11[%add3A_10, %dma_wait3A_66] : memref<10240x128xbf16, #tpu.memory_space<vmem_shared>> -> memref<128x128xbf16, #tpu.memory_space<vmem_shared>>
      %dma_wait3A_68 = arith.constant 0 : i32
      %dma_wait3A_69 = arith.constant 0 : i32
      %dma_wait3A_70 = tpu.memref_slice %arg10[%run_scoped3A_11, %dma_wait3A_68, %dma_wait3A_69] : memref<2x128x128xbf16, #tpu.memory_space<vmem>> -> memref<1x128x128xbf16, #tpu.memory_space<vmem>>
      %dma_wait3A_71 = tpu.memref_squeeze %dma_wait3A_70 : memref<1x128x128xbf16, #tpu.memory_space<vmem>> -> memref<128x128xbf16, #tpu.memory_space<vmem>>
      tpu.wait_dma2 semaphore(%run_scoped3A_49 : memref<!tpu.dma_semaphore, #tpu.memory_space<semaphore_mem>>) src(%dma_wait3A_71 : memref<128x128xbf16, #tpu.memory_space<vmem>>) dst(%dma_wait3A_67 : memref<128x128xbf16, #tpu.memory_space<vmem_shared>>)
      tpu.yield
    }) : () -> ()
    %add3A_12 = arith.constant 256 : i32
    %add3A_13 = arith.addi %mul3A_7, %add3A_12 : i32
    %run_scoped3A_14 = arith.constant 0 : i32
    "tpu.region"() ({
      %run_scoped3A_49 = tpu.sem_alloc : memref<!tpu.dma_semaphore, #tpu.memory_space<semaphore_mem>>
      %dma_start3A = arith.constant 0 : i32
      %dma_start3A_50 = arith.constant 0 : i32
      %dma_start3A_51 = tpu.memref_slice %arg10[%run_scoped3A_14, %dma_start3A, %dma_start3A_50] : memref<2x128x128xbf16, #tpu.memory_space<vmem>> -> memref<1x128x128xbf16, #tpu.memory_space<vmem>>
      %dma_start3A_52 = tpu.memref_squeeze %dma_start3A_51 : memref<1x128x128xbf16, #tpu.memory_space<vmem>> -> memref<128x128xbf16, #tpu.memory_space<vmem>>
      %dma_start3A_53 = arith.constant 0 : i32
      %dma_start3A_54 = tpu.memref_slice %arg11[%add3A_13, %dma_start3A_53] : memref<10240x128xbf16, #tpu.memory_space<vmem_shared>> -> memref<128x128xbf16, #tpu.memory_space<vmem_shared>>
      %dma_start3A_55 = arith.constant 0 : i32
      %dma_start3A_56 = tpu.memref_slice %arg11[%add3A_13, %dma_start3A_55] : memref<10240x128xbf16, #tpu.memory_space<vmem_shared>> -> memref<128x128xbf16, #tpu.memory_space<vmem_shared>>
      %dma_start3A_57 = arith.constant 0 : i32
      %dma_start3A_58 = arith.constant 0 : i32
      %dma_start3A_59 = tpu.memref_slice %arg10[%run_scoped3A_14, %dma_start3A_57, %dma_start3A_58] : memref<2x128x128xbf16, #tpu.memory_space<vmem>> -> memref<1x128x128xbf16, #tpu.memory_space<vmem>>
      %dma_start3A_60 = tpu.memref_squeeze %dma_start3A_59 : memref<1x128x128xbf16, #tpu.memory_space<vmem>> -> memref<128x128xbf16, #tpu.memory_space<vmem>>
      tpu.enqueue_dma source(%dma_start3A_60 : memref<128x128xbf16, #tpu.memory_space<vmem>>) target(%dma_start3A_56 : memref<128x128xbf16, #tpu.memory_space<vmem_shared>>) target_semaphore(%run_scoped3A_49 : memref<!tpu.dma_semaphore, #tpu.memory_space<semaphore_mem>>)
      %dma_wait3A = arith.constant 0 : i32
      %dma_wait3A_61 = arith.constant 0 : i32
      %dma_wait3A_62 = tpu.memref_slice %arg10[%run_scoped3A_14, %dma_wait3A, %dma_wait3A_61] : memref<2x128x128xbf16, #tpu.memory_space<vmem>> -> memref<1x128x128xbf16, #tpu.memory_space<vmem>>
      %dma_wait3A_63 = tpu.memref_squeeze %dma_wait3A_62 : memref<1x128x128xbf16, #tpu.memory_space<vmem>> -> memref<128x128xbf16, #tpu.memory_space<vmem>>
      %dma_wait3A_64 = arith.constant 0 : i32
      %dma_wait3A_65 = tpu.memref_slice %arg11[%add3A_13, %dma_wait3A_64] : memref<10240x128xbf16, #tpu.memory_space<vmem_shared>> -> memref<128x128xbf16, #tpu.memory_space<vmem_shared>>
      %dma_wait3A_66 = arith.constant 0 : i32
      %dma_wait3A_67 = tpu.memref_slice %arg11[%add3A_13, %dma_wait3A_66] : memref<10240x128xbf16, #tpu.memory_space<vmem_shared>> -> memref<128x128xbf16, #tpu.memory_space<vmem_shared>>
      %dma_wait3A_68 = arith.constant 0 : i32
      %dma_wait3A_69 = arith.constant 0 : i32
      %dma_wait3A_70 = tpu.memref_slice %arg10[%run_scoped3A_14, %dma_wait3A_68, %dma_wait3A_69] : memref<2x128x128xbf16, #tpu.memory_space<vmem>> -> memref<1x128x128xbf16, #tpu.memory_space<vmem>>
      %dma_wait3A_71 = tpu.memref_squeeze %dma_wait3A_70 : memref<1x128x128xbf16, #tpu.memory_space<vmem>> -> memref<128x128xbf16, #tpu.memory_space<vmem>>
      tpu.wait_dma2 semaphore(%run_scoped3A_49 : memref<!tpu.dma_semaphore, #tpu.memory_space<semaphore_mem>>) src(%dma_wait3A_71 : memref<128x128xbf16, #tpu.memory_space<vmem>>) dst(%dma_wait3A_67 : memref<128x128xbf16, #tpu.memory_space<vmem_shared>>)
      tpu.yield
    }) : () -> ()
    %add3A_15 = arith.constant 384 : i32
    %add3A_16 = arith.addi %mul3A_7, %add3A_15 : i32
    %run_scoped3A_17 = arith.constant 0 : i32
    "tpu.region"() ({
      %run_scoped3A_49 = tpu.sem_alloc : memref<!tpu.dma_semaphore, #tpu.memory_space<semaphore_mem>>
      %dma_start3A = arith.constant 0 : i32
      %dma_start3A_50 = arith.constant 0 : i32
      %dma_start3A_51 = tpu.memref_slice %arg10[%run_scoped3A_17, %dma_start3A, %dma_start3A_50] : memref<2x128x128xbf16, #tpu.memory_space<vmem>> -> memref<1x128x128xbf16, #tpu.memory_space<vmem>>
      %dma_start3A_52 = tpu.memref_squeeze %dma_start3A_51 : memref<1x128x128xbf16, #tpu.memory_space<vmem>> -> memref<128x128xbf16, #tpu.memory_space<vmem>>
      %dma_start3A_53 = arith.constant 0 : i32
      %dma_start3A_54 = tpu.memref_slice %arg11[%add3A_16, %dma_start3A_53] : memref<10240x128xbf16, #tpu.memory_space<vmem_shared>> -> memref<128x128xbf16, #tpu.memory_space<vmem_shared>>
      %dma_start3A_55 = arith.constant 0 : i32
      %dma_start3A_56 = tpu.memref_slice %arg11[%add3A_16, %dma_start3A_55] : memref<10240x128xbf16, #tpu.memory_space<vmem_shared>> -> memref<128x128xbf16, #tpu.memory_space<vmem_shared>>
      %dma_start3A_57 = arith.constant 0 : i32
      %dma_start3A_58 = arith.constant 0 : i32
      %dma_start3A_59 = tpu.memref_slice %arg10[%run_scoped3A_17, %dma_start3A_57, %dma_start3A_58] : memref<2x128x128xbf16, #tpu.memory_space<vmem>> -> memref<1x128x128xbf16, #tpu.memory_space<vmem>>
      %dma_start3A_60 = tpu.memref_squeeze %dma_start3A_59 : memref<1x128x128xbf16, #tpu.memory_space<vmem>> -> memref<128x128xbf16, #tpu.memory_space<vmem>>
      tpu.enqueue_dma source(%dma_start3A_60 : memref<128x128xbf16, #tpu.memory_space<vmem>>) target(%dma_start3A_56 : memref<128x128xbf16, #tpu.memory_space<vmem_shared>>) target_semaphore(%run_scoped3A_49 : memref<!tpu.dma_semaphore, #tpu.memory_space<semaphore_mem>>)
      %dma_wait3A = arith.constant 0 : i32
      %dma_wait3A_61 = arith.constant 0 : i32
      %dma_wait3A_62 = tpu.memref_slice %arg10[%run_scoped3A_17, %dma_wait3A, %dma_wait3A_61] : memref<2x128x128xbf16, #tpu.memory_space<vmem>> -> memref<1x128x128xbf16, #tpu.memory_space<vmem>>
      %dma_wait3A_63 = tpu.memref_squeeze %dma_wait3A_62 : memref<1x128x128xbf16, #tpu.memory_space<vmem>> -> memref<128x128xbf16, #tpu.memory_space<vmem>>
      %dma_wait3A_64 = arith.constant 0 : i32
      %dma_wait3A_65 = tpu.memref_slice %arg11[%add3A_16, %dma_wait3A_64] : memref<10240x128xbf16, #tpu.memory_space<vmem_shared>> -> memref<128x128xbf16, #tpu.memory_space<vmem_shared>>
      %dma_wait3A_66 = arith.constant 0 : i32
      %dma_wait3A_67 = tpu.memref_slice %arg11[%add3A_16, %dma_wait3A_66] : memref<10240x128xbf16, #tpu.memory_space<vmem_shared>> -> memref<128x128xbf16, #tpu.memory_space<vmem_shared>>
      %dma_wait3A_68 = arith.constant 0 : i32
      %dma_wait3A_69 = arith.constant 0 : i32
      %dma_wait3A_70 = tpu.memref_slice %arg10[%run_scoped3A_17, %dma_wait3A_68, %dma_wait3A_69] : memref<2x128x128xbf16, #tpu.memory_space<vmem>> -> memref<1x128x128xbf16, #tpu.memory_space<vmem>>
      %dma_wait3A_71 = tpu.memref_squeeze %dma_wait3A_70 : memref<1x128x128xbf16, #tpu.memory_space<vmem>> -> memref<128x128xbf16, #tpu.memory_space<vmem>>
      tpu.wait_dma2 semaphore(%run_scoped3A_49 : memref<!tpu.dma_semaphore, #tpu.memory_space<semaphore_mem>>) src(%dma_wait3A_71 : memref<128x128xbf16, #tpu.memory_space<vmem>>) dst(%dma_wait3A_67 : memref<128x128xbf16, #tpu.memory_space<vmem_shared>>)
      tpu.yield
    }) : () -> ()
    %add3A_18 = arith.constant 512 : i32
    %add3A_19 = arith.addi %mul3A_7, %add3A_18 : i32
    %run_scoped3A_20 = arith.constant 0 : i32
    "tpu.region"() ({
      %run_scoped3A_49 = tpu.sem_alloc : memref<!tpu.dma_semaphore, #tpu.memory_space<semaphore_mem>>
      %dma_start3A = arith.constant 0 : i32
      %dma_start3A_50 = arith.constant 0 : i32
      %dma_start3A_51 = tpu.memref_slice %arg10[%run_scoped3A_20, %dma_start3A, %dma_start3A_50] : memref<2x128x128xbf16, #tpu.memory_space<vmem>> -> memref<1x128x128xbf16, #tpu.memory_space<vmem>>
      %dma_start3A_52 = tpu.memref_squeeze %dma_start3A_51 : memref<1x128x128xbf16, #tpu.memory_space<vmem>> -> memref<128x128xbf16, #tpu.memory_space<vmem>>
      %dma_start3A_53 = arith.constant 0 : i32
      %dma_start3A_54 = tpu.memref_slice %arg11[%add3A_19, %dma_start3A_53] : memref<10240x128xbf16, #tpu.memory_space<vmem_shared>> -> memref<128x128xbf16, #tpu.memory_space<vmem_shared>>
      %dma_start3A_55 = arith.constant 0 : i32
      %dma_start3A_56 = tpu.memref_slice %arg11[%add3A_19, %dma_start3A_55] : memref<10240x128xbf16, #tpu.memory_space<vmem_shared>> -> memref<128x128xbf16, #tpu.memory_space<vmem_shared>>
      %dma_start3A_57 = arith.constant 0 : i32
      %dma_start3A_58 = arith.constant 0 : i32
      %dma_start3A_59 = tpu.memref_slice %arg10[%run_scoped3A_20, %dma_start3A_57, %dma_start3A_58] : memref<2x128x128xbf16, #tpu.memory_space<vmem>> -> memref<1x128x128xbf16, #tpu.memory_space<vmem>>
      %dma_start3A_60 = tpu.memref_squeeze %dma_start3A_59 : memref<1x128x128xbf16, #tpu.memory_space<vmem>> -> memref<128x128xbf16, #tpu.memory_space<vmem>>
      tpu.enqueue_dma source(%dma_start3A_60 : memref<128x128xbf16, #tpu.memory_space<vmem>>) target(%dma_start3A_56 : memref<128x128xbf16, #tpu.memory_space<vmem_shared>>) target_semaphore(%run_scoped3A_49 : memref<!tpu.dma_semaphore, #tpu.memory_space<semaphore_mem>>)
      %dma_wait3A = arith.constant 0 : i32
      %dma_wait3A_61 = arith.constant 0 : i32
      %dma_wait3A_62 = tpu.memref_slice %arg10[%run_scoped3A_20, %dma_wait3A, %dma_wait3A_61] : memref<2x128x128xbf16, #tpu.memory_space<vmem>> -> memref<1x128x128xbf16, #tpu.memory_space<vmem>>
      %dma_wait3A_63 = tpu.memref_squeeze %dma_wait3A_62 : memref<1x128x128xbf16, #tpu.memory_space<vmem>> -> memref<128x128xbf16, #tpu.memory_space<vmem>>
      %dma_wait3A_64 = arith.constant 0 : i32
      %dma_wait3A_65 = tpu.memref_slice %arg11[%add3A_19, %dma_wait3A_64] : memref<10240x128xbf16, #tpu.memory_space<vmem_shared>> -> memref<128x128xbf16, #tpu.memory_space<vmem_shared>>
      %dma_wait3A_66 = arith.constant 0 : i32
      %dma_wait3A_67 = tpu.memref_slice %arg11[%add3A_19, %dma_wait3A_66] : memref<10240x128xbf16, #tpu.memory_space<vmem_shared>> -> memref<128x128xbf16, #tpu.memory_space<vmem_shared>>
      %dma_wait3A_68 = arith.constant 0 : i32
      %dma_wait3A_69 = arith.constant 0 : i32
      %dma_wait3A_70 = tpu.memref_slice %arg10[%run_scoped3A_20, %dma_wait3A_68, %dma_wait3A_69] : memref<2x128x128xbf16, #tpu.memory_space<vmem>> -> memref<1x128x128xbf16, #tpu.memory_space<vmem>>
      %dma_wait3A_71 = tpu.memref_squeeze %dma_wait3A_70 : memref<1x128x128xbf16, #tpu.memory_space<vmem>> -> memref<128x128xbf16, #tpu.memory_space<vmem>>
      tpu.wait_dma2 semaphore(%run_scoped3A_49 : memref<!tpu.dma_semaphore, #tpu.memory_space<semaphore_mem>>) src(%dma_wait3A_71 : memref<128x128xbf16, #tpu.memory_space<vmem>>) dst(%dma_wait3A_67 : memref<128x128xbf16, #tpu.memory_space<vmem_shared>>)
      tpu.yield
    }) : () -> ()
    %barrier3A = arith.constant 0 : index
    tpu.barrier barrier_id(%barrier3A)
    %eq3A = arith.constant 0 : i32
    %eq3A_21 = arith.cmpi eq, %arg0, %eq3A : i32
    %convert_element_type3A = arith.extui %eq3A_21 : i1 to i32
    %cond3A = arith.constant 0 : i32
    %cond3A_22 = arith.cmpi ne, %convert_element_type3A, %cond3A : i32
    scf.if %cond3A_22 {
      "tpu.region"() ({
        %run_scoped3A_102 = tpu.sem_alloc : memref<!tpu.dma_semaphore, #tpu.memory_space<semaphore_mem>>
        %dma_start3A_103 = arith.constant 0 : i32
        %dma_start3A_104 = arith.constant 0 : i32
        %dma_start3A_105 = tpu.memref_slice %arg7[%dma_start3A_103, %dma_start3A_104] : memref<104x128xi32, #tpu.memory_space<vmem>> -> memref<104x128xi32, #tpu.memory_space<vmem>>
        %dma_start3A_106 = arith.constant 0 : i32
        %dma_start3A_107 = arith.constant 0 : i32
        %dma_start3A_108 = tpu.memref_slice %arg3[%arg1, %dma_start3A_106, %dma_start3A_107] : memref<16x160x128xi32, #tpu.memory_space<hbm>> -> memref<1x104x128xi32, #tpu.memory_space<hbm>>
        %dma_start3A_109 = tpu.memref_squeeze %dma_start3A_108 : memref<1x104x128xi32, #tpu.memory_space<hbm>> -> memref<104x128xi32, #tpu.memory_space<hbm>>
        %dma_start3A_110 = arith.constant 0 : i32
        %dma_start3A_111 = arith.constant 0 : i32
        %dma_start3A_112 = tpu.memref_slice %arg7[%dma_start3A_110, %dma_start3A_111] : memref<104x128xi32, #tpu.memory_space<vmem>> -> memref<104x128xi32, #tpu.memory_space<vmem>>
        %dma_start3A_113 = arith.constant 0 : i32
        %dma_start3A_114 = arith.constant 0 : i32
        %dma_start3A_115 = tpu.memref_slice %arg3[%arg1, %dma_start3A_113, %dma_start3A_114] : memref<16x160x128xi32, #tpu.memory_space<hbm>> -> memref<1x104x128xi32, #tpu.memory_space<hbm>>
        %dma_start3A_116 = tpu.memref_squeeze %dma_start3A_115 : memref<1x104x128xi32, #tpu.memory_space<hbm>> -> memref<104x128xi32, #tpu.memory_space<hbm>>
        tpu.enqueue_dma source(%dma_start3A_116 : memref<104x128xi32, #tpu.memory_space<hbm>>) target(%dma_start3A_112 : memref<104x128xi32, #tpu.memory_space<vmem>>) target_semaphore(%run_scoped3A_102 : memref<!tpu.dma_semaphore, #tpu.memory_space<semaphore_mem>>)
        %dma_wait3A_117 = arith.constant 0 : i32
        %dma_wait3A_118 = arith.constant 0 : i32
        %dma_wait3A_119 = tpu.memref_slice %arg7[%dma_wait3A_117, %dma_wait3A_118] : memref<104x128xi32, #tpu.memory_space<vmem>> -> memref<104x128xi32, #tpu.memory_space<vmem>>
        %dma_wait3A_120 = arith.constant 0 : i32
        %dma_wait3A_121 = arith.constant 0 : i32
        %dma_wait3A_122 = tpu.memref_slice %arg3[%arg1, %dma_wait3A_120, %dma_wait3A_121] : memref<16x160x128xi32, #tpu.memory_space<hbm>> -> memref<1x104x128xi32, #tpu.memory_space<hbm>>
        %dma_wait3A_123 = tpu.memref_squeeze %dma_wait3A_122 : memref<1x104x128xi32, #tpu.memory_space<hbm>> -> memref<104x128xi32, #tpu.memory_space<hbm>>
        %dma_wait3A_124 = arith.constant 0 : i32
        %dma_wait3A_125 = arith.constant 0 : i32
        %dma_wait3A_126 = tpu.memref_slice %arg7[%dma_wait3A_124, %dma_wait3A_125] : memref<104x128xi32, #tpu.memory_space<vmem>> -> memref<104x128xi32, #tpu.memory_space<vmem>>
        %dma_wait3A_127 = arith.constant 0 : i32
        %dma_wait3A_128 = arith.constant 0 : i32
        %dma_wait3A_129 = tpu.memref_slice %arg3[%arg1, %dma_wait3A_127, %dma_wait3A_128] : memref<16x160x128xi32, #tpu.memory_space<hbm>> -> memref<1x104x128xi32, #tpu.memory_space<hbm>>
        %dma_wait3A_130 = tpu.memref_squeeze %dma_wait3A_129 : memref<1x104x128xi32, #tpu.memory_space<hbm>> -> memref<104x128xi32, #tpu.memory_space<hbm>>
        tpu.wait_dma2 semaphore(%run_scoped3A_102 : memref<!tpu.dma_semaphore, #tpu.memory_space<semaphore_mem>>) src(%dma_wait3A_130 : memref<104x128xi32, #tpu.memory_space<hbm>>) dst(%dma_wait3A_126 : memref<104x128xi32, #tpu.memory_space<vmem>>)
        tpu.yield
      }) : () -> ()
      "tpu.region"() ({
        %run_scoped3A_102 = tpu.sem_alloc : memref<!tpu.dma_semaphore, #tpu.memory_space<semaphore_mem>>
        %dma_start3A_103 = arith.constant 0 : i32
        %dma_start3A_104 = arith.constant 0 : i32
        %dma_start3A_105 = tpu.memref_slice %arg8[%dma_start3A_103, %dma_start3A_104] : memref<104x128xi32, #tpu.memory_space<vmem>> -> memref<104x128xi32, #tpu.memory_space<vmem>>
        %dma_start3A_106 = arith.constant 0 : i32
        %dma_start3A_107 = arith.constant 0 : i32
        %dma_start3A_108 = tpu.memref_slice %arg4[%arg1, %dma_start3A_106, %dma_start3A_107] : memref<16x160x128xi32, #tpu.memory_space<hbm>> -> memref<1x104x128xi32, #tpu.memory_space<hbm>>
        %dma_start3A_109 = tpu.memref_squeeze %dma_start3A_108 : memref<1x104x128xi32, #tpu.memory_space<hbm>> -> memref<104x128xi32, #tpu.memory_space<hbm>>
        %dma_start3A_110 = arith.constant 0 : i32
        %dma_start3A_111 = arith.constant 0 : i32
        %dma_start3A_112 = tpu.memref_slice %arg8[%dma_start3A_110, %dma_start3A_111] : memref<104x128xi32, #tpu.memory_space<vmem>> -> memref<104x128xi32, #tpu.memory_space<vmem>>
        %dma_start3A_113 = arith.constant 0 : i32
        %dma_start3A_114 = arith.constant 0 : i32
        %dma_start3A_115 = tpu.memref_slice %arg4[%arg1, %dma_start3A_113, %dma_start3A_114] : memref<16x160x128xi32, #tpu.memory_space<hbm>> -> memref<1x104x128xi32, #tpu.memory_space<hbm>>
        %dma_start3A_116 = tpu.memref_squeeze %dma_start3A_115 : memref<1x104x128xi32, #tpu.memory_space<hbm>> -> memref<104x128xi32, #tpu.memory_space<hbm>>
        tpu.enqueue_dma source(%dma_start3A_116 : memref<104x128xi32, #tpu.memory_space<hbm>>) target(%dma_start3A_112 : memref<104x128xi32, #tpu.memory_space<vmem>>) target_semaphore(%run_scoped3A_102 : memref<!tpu.dma_semaphore, #tpu.memory_space<semaphore_mem>>)
        %dma_wait3A_117 = arith.constant 0 : i32
        %dma_wait3A_118 = arith.constant 0 : i32
        %dma_wait3A_119 = tpu.memref_slice %arg8[%dma_wait3A_117, %dma_wait3A_118] : memref<104x128xi32, #tpu.memory_space<vmem>> -> memref<104x128xi32, #tpu.memory_space<vmem>>
        %dma_wait3A_120 = arith.constant 0 : i32
        %dma_wait3A_121 = arith.constant 0 : i32
        %dma_wait3A_122 = tpu.memref_slice %arg4[%arg1, %dma_wait3A_120, %dma_wait3A_121] : memref<16x160x128xi32, #tpu.memory_space<hbm>> -> memref<1x104x128xi32, #tpu.memory_space<hbm>>
        %dma_wait3A_123 = tpu.memref_squeeze %dma_wait3A_122 : memref<1x104x128xi32, #tpu.memory_space<hbm>> -> memref<104x128xi32, #tpu.memory_space<hbm>>
        %dma_wait3A_124 = arith.constant 0 : i32
        %dma_wait3A_125 = arith.constant 0 : i32
        %dma_wait3A_126 = tpu.memref_slice %arg8[%dma_wait3A_124, %dma_wait3A_125] : memref<104x128xi32, #tpu.memory_space<vmem>> -> memref<104x128xi32, #tpu.memory_space<vmem>>
        %dma_wait3A_127 = arith.constant 0 : i32
        %dma_wait3A_128 = arith.constant 0 : i32
        %dma_wait3A_129 = tpu.memref_slice %arg4[%arg1, %dma_wait3A_127, %dma_wait3A_128] : memref<16x160x128xi32, #tpu.memory_space<hbm>> -> memref<1x104x128xi32, #tpu.memory_space<hbm>>
        %dma_wait3A_130 = tpu.memref_squeeze %dma_wait3A_129 : memref<1x104x128xi32, #tpu.memory_space<hbm>> -> memref<104x128xi32, #tpu.memory_space<hbm>>
        tpu.wait_dma2 semaphore(%run_scoped3A_102 : memref<!tpu.dma_semaphore, #tpu.memory_space<semaphore_mem>>) src(%dma_wait3A_130 : memref<104x128xi32, #tpu.memory_space<hbm>>) dst(%dma_wait3A_126 : memref<104x128xi32, #tpu.memory_space<vmem>>)
        tpu.yield
      }) : () -> ()
      "tpu.region"() ({
        %run_scoped3A_102 = tpu.sem_alloc : memref<!tpu.dma_semaphore, #tpu.memory_space<semaphore_mem>>
        %dma_start3A_103 = arith.constant 0 : i32
        %dma_start3A_104 = arith.constant 0 : i32
        %dma_start3A_105 = tpu.memref_slice %arg9[%dma_start3A_103, %dma_start3A_104] : memref<104x128xf32, #tpu.memory_space<vmem>> -> memref<104x128xf32, #tpu.memory_space<vmem>>
        %dma_start3A_106 = arith.constant 0 : i32
        %dma_start3A_107 = arith.constant 0 : i32
        %dma_start3A_108 = tpu.memref_slice %arg5[%arg1, %dma_start3A_106, %dma_start3A_107] : memref<16x160x128xf32, #tpu.memory_space<hbm>> -> memref<1x104x128xf32, #tpu.memory_space<hbm>>
        %dma_start3A_109 = tpu.memref_squeeze %dma_start3A_108 : memref<1x104x128xf32, #tpu.memory_space<hbm>> -> memref<104x128xf32, #tpu.memory_space<hbm>>
        %dma_start3A_110 = arith.constant 0 : i32
        %dma_start3A_111 = arith.constant 0 : i32
        %dma_start3A_112 = tpu.memref_slice %arg9[%dma_start3A_110, %dma_start3A_111] : memref<104x128xf32, #tpu.memory_space<vmem>> -> memref<104x128xf32, #tpu.memory_space<vmem>>
        %dma_start3A_113 = arith.constant 0 : i32
        %dma_start3A_114 = arith.constant 0 : i32
        %dma_start3A_115 = tpu.memref_slice %arg5[%arg1, %dma_start3A_113, %dma_start3A_114] : memref<16x160x128xf32, #tpu.memory_space<hbm>> -> memref<1x104x128xf32, #tpu.memory_space<hbm>>
        %dma_start3A_116 = tpu.memref_squeeze %dma_start3A_115 : memref<1x104x128xf32, #tpu.memory_space<hbm>> -> memref<104x128xf32, #tpu.memory_space<hbm>>
        tpu.enqueue_dma source(%dma_start3A_116 : memref<104x128xf32, #tpu.memory_space<hbm>>) target(%dma_start3A_112 : memref<104x128xf32, #tpu.memory_space<vmem>>) target_semaphore(%run_scoped3A_102 : memref<!tpu.dma_semaphore, #tpu.memory_space<semaphore_mem>>)
        %dma_wait3A_117 = arith.constant 0 : i32
        %dma_wait3A_118 = arith.constant 0 : i32
        %dma_wait3A_119 = tpu.memref_slice %arg9[%dma_wait3A_117, %dma_wait3A_118] : memref<104x128xf32, #tpu.memory_space<vmem>> -> memref<104x128xf32, #tpu.memory_space<vmem>>
        %dma_wait3A_120 = arith.constant 0 : i32
        %dma_wait3A_121 = arith.constant 0 : i32
        %dma_wait3A_122 = tpu.memref_slice %arg5[%arg1, %dma_wait3A_120, %dma_wait3A_121] : memref<16x160x128xf32, #tpu.memory_space<hbm>> -> memref<1x104x128xf32, #tpu.memory_space<hbm>>
        %dma_wait3A_123 = tpu.memref_squeeze %dma_wait3A_122 : memref<1x104x128xf32, #tpu.memory_space<hbm>> -> memref<104x128xf32, #tpu.memory_space<hbm>>
        %dma_wait3A_124 = arith.constant 0 : i32
        %dma_wait3A_125 = arith.constant 0 : i32
        %dma_wait3A_126 = tpu.memref_slice %arg9[%dma_wait3A_124, %dma_wait3A_125] : memref<104x128xf32, #tpu.memory_space<vmem>> -> memref<104x128xf32, #tpu.memory_space<vmem>>
        %dma_wait3A_127 = arith.constant 0 : i32
        %dma_wait3A_128 = arith.constant 0 : i32
        %dma_wait3A_129 = tpu.memref_slice %arg5[%arg1, %dma_wait3A_127, %dma_wait3A_128] : memref<16x160x128xf32, #tpu.memory_space<hbm>> -> memref<1x104x128xf32, #tpu.memory_space<hbm>>
        %dma_wait3A_130 = tpu.memref_squeeze %dma_wait3A_129 : memref<1x104x128xf32, #tpu.memory_space<hbm>> -> memref<104x128xf32, #tpu.memory_space<hbm>>
        tpu.wait_dma2 semaphore(%run_scoped3A_102 : memref<!tpu.dma_semaphore, #tpu.memory_space<semaphore_mem>>) src(%dma_wait3A_130 : memref<104x128xf32, #tpu.memory_space<hbm>>) dst(%dma_wait3A_126 : memref<104x128xf32, #tpu.memory_space<vmem>>)
        tpu.yield
      }) : () -> ()
      %dma_start3A = arith.constant 0 : i32
      %dma_start3A_49 = arith.constant 0 : i32
      %dma_start3A_50 = arith.constant 0 : i32
      %dma_start3A_51 = arith.constant 0 : i32
      %dma_start3A_52 = tpu.memref_slice %arg10[%dma_start3A_49, %dma_start3A_50, %dma_start3A_51] : memref<2x128x128xbf16, #tpu.memory_space<vmem>> -> memref<1x128x128xbf16, #tpu.memory_space<vmem>>
      %dma_start3A_53 = tpu.memref_squeeze %dma_start3A_52 : memref<1x128x128xbf16, #tpu.memory_space<vmem>> -> memref<128x128xbf16, #tpu.memory_space<vmem>>
      %dma_start3A_54 = arith.constant 0 : i32
      %dma_start3A_55 = tpu.memref_slice %arg7[%dma_start3A, %dma_start3A_54] : memref<104x128xi32, #tpu.memory_space<vmem>> -> memref<1x128xi32, #tpu.memory_space<vmem>>
      %dma_start3A_56 = tpu.memref_squeeze %dma_start3A_55 : memref<1x128xi32, #tpu.memory_space<vmem>> -> memref<128xi32, #tpu.memory_space<vmem>>
      %dma_start3A_57 = arith.constant 0 : i32
      %dma_start3A_58 = arith.constant 0 : i32
      %dma_start3A_59 = tpu.memref_slice %arg2[%dma_start3A_57, %dma_start3A_58] : memref<10000x128xbf16, #tpu.memory_space<hbm>> -> memref<10000x128xbf16, #tpu.memory_space<hbm>>
      tpu.enqueue_indirect_dma source(%dma_start3A_59 : memref<10000x128xbf16, #tpu.memory_space<hbm>>) target(%dma_start3A_53 : memref<128x128xbf16, #tpu.memory_space<vmem>>) offsets(%dma_start3A_56 : memref<128xi32, #tpu.memory_space<vmem>>) semaphore(%arg12 : memref<!tpu.dma_semaphore, #tpu.memory_space<semaphore_mem>>)
      %dma_start3A_60 = arith.constant 1 : i32
      %dma_start3A_61 = arith.constant 1 : i32
      %dma_start3A_62 = arith.constant 0 : i32
      %dma_start3A_63 = arith.constant 0 : i32
      %dma_start3A_64 = tpu.memref_slice %arg10[%dma_start3A_61, %dma_start3A_62, %dma_start3A_63] : memref<2x128x128xbf16, #tpu.memory_space<vmem>> -> memref<1x128x128xbf16, #tpu.memory_space<vmem>>
      %dma_start3A_65 = tpu.memref_squeeze %dma_start3A_64 : memref<1x128x128xbf16, #tpu.memory_space<vmem>> -> memref<128x128xbf16, #tpu.memory_space<vmem>>
      %dma_start3A_66 = arith.constant 0 : i32
      %dma_start3A_67 = tpu.memref_slice %arg7[%dma_start3A_60, %dma_start3A_66] : memref<104x128xi32, #tpu.memory_space<vmem>> -> memref<1x128xi32, #tpu.memory_space<vmem>>
      %dma_start3A_68 = tpu.memref_squeeze %dma_start3A_67 : memref<1x128xi32, #tpu.memory_space<vmem>> -> memref<128xi32, #tpu.memory_space<vmem>>
      %dma_start3A_69 = arith.constant 0 : i32
      %dma_start3A_70 = arith.constant 0 : i32
      %dma_start3A_71 = tpu.memref_slice %arg2[%dma_start3A_69, %dma_start3A_70] : memref<10000x128xbf16, #tpu.memory_space<hbm>> -> memref<10000x128xbf16, #tpu.memory_space<hbm>>
      tpu.enqueue_indirect_dma source(%dma_start3A_71 : memref<10000x128xbf16, #tpu.memory_space<hbm>>) target(%dma_start3A_65 : memref<128x128xbf16, #tpu.memory_space<vmem>>) offsets(%dma_start3A_68 : memref<128xi32, #tpu.memory_space<vmem>>) semaphore(%arg13 : memref<!tpu.dma_semaphore, #tpu.memory_space<semaphore_mem>>)
      %scan3A_72 = arith.constant 0 : i32
      %scan3A_73 = arith.constant 0 : i32
      %scan3A_74 = arith.constant 52 : i32
      %scan3A_75 = arith.addi %scan3A_73, %scan3A_74 : i32
      %scan3A_76 = arith.constant 1 : i32
      %scan3A_77 = scf.for %scan3A_102 = %scan3A_73 to %scan3A_75 step %scan3A_76 iter_args(%scan3A_103 = %scan3A_72) -> (i32)  : i32 {
        %mul3A_104 = arith.constant 2 : i32
        %mul3A_105 = arith.muli %mul3A_104, %scan3A_102 : i32
        %add3A_106 = arith.constant 0 : i32
        %add3A_107 = arith.addi %mul3A_105, %add3A_106 : i32
        %dma_wait3A_108 = arith.constant 0 : i32
        %dma_wait3A_109 = arith.constant 0 : i32
        %dma_wait3A_110 = arith.constant 0 : i32
        %dma_wait3A_111 = tpu.memref_slice %arg10[%dma_wait3A_108, %dma_wait3A_109, %dma_wait3A_110] : memref<2x128x128xbf16, #tpu.memory_space<vmem>> -> memref<1x128x128xbf16, #tpu.memory_space<vmem>>
        %dma_wait3A_112 = tpu.memref_squeeze %dma_wait3A_111 : memref<1x128x128xbf16, #tpu.memory_space<vmem>> -> memref<128x128xbf16, #tpu.memory_space<vmem>>
        %dma_wait3A_113 = arith.constant 0 : i32
        %dma_wait3A_114 = tpu.memref_slice %arg7[%add3A_107, %dma_wait3A_113] : memref<104x128xi32, #tpu.memory_space<vmem>> -> memref<1x128xi32, #tpu.memory_space<vmem>>
        %dma_wait3A_115 = tpu.memref_squeeze %dma_wait3A_114 : memref<1x128xi32, #tpu.memory_space<vmem>> -> memref<128xi32, #tpu.memory_space<vmem>>
        %dma_wait3A_116 = arith.constant 0 : i32
        %dma_wait3A_117 = arith.constant 0 : i32
        %dma_wait3A_118 = tpu.memref_slice %arg2[%dma_wait3A_116, %dma_wait3A_117] : memref<10000x128xbf16, #tpu.memory_space<hbm>> -> memref<10000x128xbf16, #tpu.memory_space<hbm>>
        tpu.wait_indirect_dma semaphore(%arg12 : memref<!tpu.dma_semaphore, #tpu.memory_space<semaphore_mem>>) src(%dma_wait3A_118 : memref<10000x128xbf16, #tpu.memory_space<hbm>>) dst(%dma_wait3A_112 : memref<128x128xbf16, #tpu.memory_space<vmem>>)
        %broadcast_in_dim3A_119 = vector.broadcast %add3A_107 : i32 to vector<16xi32>
        %scan3A_120 = arith.constant 0 : i32
        %scan3A_121 = arith.constant 0 : i32
        %scan3A_122 = arith.constant 128 : i32
        %scan3A_123 = arith.addi %scan3A_121, %scan3A_122 : i32
        %scan3A_124 = arith.constant 1 : i32
        %scan3A_125 = scf.for %scan3A_182 = %scan3A_121 to %scan3A_123 step %scan3A_124 iter_args(%scan3A_183 = %scan3A_120) -> (i32)  : i32 {
          %broadcast_in_dim3A_184 = vector.broadcast %scan3A_182 : i32 to vector<16xi32>
          %gather3A = tpu.vector_load_idx %arg9[%broadcast_in_dim3A_119, %broadcast_in_dim3A_184] : memref<104x128xf32, #tpu.memory_space<vmem>>[vector<16xi32>, vector<16xi32>], vector<16xf32>,
          %broadcast_in_dim3A_185 = arith.constant 16 : i32
          %broadcast_in_dim3A_186 = vector.broadcast %broadcast_in_dim3A_185 : i32 to vector<16xi32>
          %broadcast_in_dim3A_187 = arith.constant 1 : i32
          %broadcast_in_dim3A_188 = vector.broadcast %broadcast_in_dim3A_187 : i32 to vector<16xi32>
          %broadcast_in_dim3A_189 = arith.constant 32767 : i32
          %broadcast_in_dim3A_190 = vector.broadcast %broadcast_in_dim3A_189 : i32 to vector<16xi32>
          %bitcast3A = vector.bitcast %gather3A : vector<16xf32> to vector<16xi32>
          %add3A_191 = arith.addi %bitcast3A, %broadcast_in_dim3A_190 : vector<16xi32>
          %shift_right_logical3A = arith.shrui %bitcast3A, %broadcast_in_dim3A_186 : vector<16xi32>
          %and3A = arith.andi %shift_right_logical3A, %broadcast_in_dim3A_188 : vector<16xi32>
          %add3A_192 = arith.addi %add3A_191, %and3A : vector<16xi32>
          %shift_right_logical3A_193 = arith.shrui %add3A_192, %broadcast_in_dim3A_186 : vector<16xi32>
          %shift_left3A = arith.shli %shift_right_logical3A_193, %broadcast_in_dim3A_186 : vector<16xi32>
          %or3A = arith.ori %shift_right_logical3A_193, %shift_left3A : vector<16xi32>
          %bitcast3A_194 = vector.bitcast %or3A : vector<16xi32> to vector<32xbf16>
          %get3A = arith.constant 0 : i32
          %get3A_195 = arith.index_cast %get3A : i32 to index
          %get3A_196 = arith.index_cast %scan3A_182 : i32 to index
          %get3A_197 = arith.constant 0 : index
          %get3A_198 = tpu.vector_load %arg10[%get3A_195, %get3A_196, %get3A_197] {strides = array<i32>} : memref<2x128x128xbf16, #tpu.memory_space<vmem>>, vector<32xbf16>,
          %mul3A_199 = arith.mulf %get3A_198, %bitcast3A_194 : vector<32xbf16>
          %swap3A = arith.constant 0 : i32
          %swap3A_200 = arith.index_cast %swap3A : i32 to index
          %swap3A_201 = arith.index_cast %scan3A_182 : i32 to index
          %swap3A_202 = arith.constant 0 : index
          %swap3A_203 = tpu.vector_load %arg10[%swap3A_200, %swap3A_201, %swap3A_202] {strides = array<i32>} : memref<2x128x128xbf16, #tpu.memory_space<vmem>>, vector<32xbf16>,
          tpu.vector_store %arg10[%swap3A_200, %swap3A_201, %swap3A_202], %mul3A_199 {strides = array<i32>} : memref<2x128x128xbf16, #tpu.memory_space<vmem>>, vector<32xbf16>,
          %get3A_204 = arith.constant 0 : i32
          %get3A_205 = arith.index_cast %get3A_204 : i32 to index
          %get3A_206 = arith.index_cast %scan3A_182 : i32 to index
          %get3A_207 = arith.constant 32 : index
          %get3A_208 = tpu.vector_load %arg10[%get3A_205, %get3A_206, %get3A_207] {strides = array<i32>} : memref<2x128x128xbf16, #tpu.memory_space<vmem>>, vector<32xbf16>,
          %mul3A_209 = arith.mulf %get3A_208, %bitcast3A_194 : vector<32xbf16>
          %swap3A_210 = arith.constant 0 : i32
          %swap3A_211 = arith.index_cast %swap3A_210 : i32 to index
          %swap3A_212 = arith.index_cast %scan3A_182 : i32 to index
          %swap3A_213 = arith.constant 32 : index
          %swap3A_214 = tpu.vector_load %arg10[%swap3A_211, %swap3A_212, %swap3A_213] {strides = array<i32>} : memref<2x128x128xbf16, #tpu.memory_space<vmem>>, vector<32xbf16>,
          tpu.vector_store %arg10[%swap3A_211, %swap3A_212, %swap3A_213], %mul3A_209 {strides = array<i32>} : memref<2x128x128xbf16, #tpu.memory_space<vmem>>, vector<32xbf16>,
          %get3A_215 = arith.constant 0 : i32
          %get3A_216 = arith.index_cast %get3A_215 : i32 to index
          %get3A_217 = arith.index_cast %scan3A_182 : i32 to index
          %get3A_218 = arith.constant 64 : index
          %get3A_219 = tpu.vector_load %arg10[%get3A_216, %get3A_217, %get3A_218] {strides = array<i32>} : memref<2x128x128xbf16, #tpu.memory_space<vmem>>, vector<32xbf16>,
          %mul3A_220 = arith.mulf %get3A_219, %bitcast3A_194 : vector<32xbf16>
          %swap3A_221 = arith.constant 0 : i32
          %swap3A_222 = arith.index_cast %swap3A_221 : i32 to index
          %swap3A_223 = arith.index_cast %scan3A_182 : i32 to index
          %swap3A_224 = arith.constant 64 : index
          %swap3A_225 = tpu.vector_load %arg10[%swap3A_222, %swap3A_223, %swap3A_224] {strides = array<i32>} : memref<2x128x128xbf16, #tpu.memory_space<vmem>>, vector<32xbf16>,
          tpu.vector_store %arg10[%swap3A_222, %swap3A_223, %swap3A_224], %mul3A_220 {strides = array<i32>} : memref<2x128x128xbf16, #tpu.memory_space<vmem>>, vector<32xbf16>,
          %get3A_226 = arith.constant 0 : i32
          %get3A_227 = arith.index_cast %get3A_226 : i32 to index
          %get3A_228 = arith.index_cast %scan3A_182 : i32 to index
          %get3A_229 = arith.constant 96 : index
          %get3A_230 = tpu.vector_load %arg10[%get3A_227, %get3A_228, %get3A_229] {strides = array<i32>} : memref<2x128x128xbf16, #tpu.memory_space<vmem>>, vector<32xbf16>,
          %mul3A_231 = arith.mulf %get3A_230, %bitcast3A_194 : vector<32xbf16>
          %swap3A_232 = arith.constant 0 : i32
          %swap3A_233 = arith.index_cast %swap3A_232 : i32 to index
          %swap3A_234 = arith.index_cast %scan3A_182 : i32 to index
          %swap3A_235 = arith.constant 96 : index
          %swap3A_236 = tpu.vector_load %arg10[%swap3A_233, %swap3A_234, %swap3A_235] {strides = array<i32>} : memref<2x128x128xbf16, #tpu.memory_space<vmem>>, vector<32xbf16>,
          tpu.vector_store %arg10[%swap3A_233, %swap3A_234, %swap3A_235], %mul3A_231 {strides = array<i32>} : memref<2x128x128xbf16, #tpu.memory_space<vmem>>, vector<32xbf16>,
          %scan3A_237 = arith.constant 0 : i32
          scf.yield %scan3A_237 : i32
        }
        %scan3A_126 = arith.constant 128 : i32
        %dma_start3A_127 = arith.constant 0 : i32
        %dma_start3A_128 = arith.constant 0 : i32
        %dma_start3A_129 = arith.constant 0 : i32
        %dma_start3A_130 = tpu.memref_slice %arg10[%dma_start3A_127, %dma_start3A_128, %dma_start3A_129] : memref<2x128x128xbf16, #tpu.memory_space<vmem>> -> memref<1x128x128xbf16, #tpu.memory_space<vmem>>
        %dma_start3A_131 = tpu.memref_squeeze %dma_start3A_130 : memref<1x128x128xbf16, #tpu.memory_space<vmem>> -> memref<128x128xbf16, #tpu.memory_space<vmem>>
        %dma_start3A_132 = arith.constant 0 : i32
        %dma_start3A_133 = tpu.memref_slice %arg8[%add3A_107, %dma_start3A_132] : memref<104x128xi32, #tpu.memory_space<vmem>> -> memref<1x128xi32, #tpu.memory_space<vmem>>
        %dma_start3A_134 = tpu.memref_squeeze %dma_start3A_133 : memref<1x128xi32, #tpu.memory_space<vmem>> -> memref<128xi32, #tpu.memory_space<vmem>>
        %dma_start3A_135 = arith.constant 0 : i32
        %dma_start3A_136 = arith.constant 0 : i32
        %dma_start3A_137 = tpu.memref_slice %arg11[%dma_start3A_135, %dma_start3A_136] : memref<10240x128xbf16, #tpu.memory_space<vmem_shared>> -> memref<10240x128xbf16, #tpu.memory_space<vmem_shared>>
        tpu.enqueue_indirect_dma source(%dma_start3A_131 : memref<128x128xbf16, #tpu.memory_space<vmem>>) target(%dma_start3A_137 : memref<10240x128xbf16, #tpu.memory_space<vmem_shared>>) offsets(%dma_start3A_134 : memref<128xi32, #tpu.memory_space<vmem>>) semaphore(%arg14 : memref<!tpu.dma_semaphore, #tpu.memory_space<semaphore_mem>>) {add = true}
        %lt3A = arith.constant 51 : i32
        %lt3A_138 = arith.cmpi slt, %scan3A_102, %lt3A : i32
        %convert_element_type3A_139 = arith.extui %lt3A_138 : i1 to i32
        %cond3A_140 = arith.constant 0 : i32
        %cond3A_141 = arith.cmpi ne, %convert_element_type3A_139, %cond3A_140 : i32
        scf.if %cond3A_141 {
          %dma_wait3A_182 = arith.constant 0 : i32
          %dma_wait3A_183 = arith.constant 0 : i32
          %dma_wait3A_184 = arith.constant 0 : i32
          %dma_wait3A_185 = tpu.memref_slice %arg10[%dma_wait3A_182, %dma_wait3A_183, %dma_wait3A_184] : memref<2x128x128xbf16, #tpu.memory_space<vmem>> -> memref<1x128x128xbf16, #tpu.memory_space<vmem>>
          %dma_wait3A_186 = tpu.memref_squeeze %dma_wait3A_185 : memref<1x128x128xbf16, #tpu.memory_space<vmem>> -> memref<128x128xbf16, #tpu.memory_space<vmem>>
          %dma_wait3A_187 = arith.constant 0 : i32
          %dma_wait3A_188 = tpu.memref_slice %arg8[%add3A_107, %dma_wait3A_187] : memref<104x128xi32, #tpu.memory_space<vmem>> -> memref<1x128xi32, #tpu.memory_space<vmem>>
          %dma_wait3A_189 = tpu.memref_squeeze %dma_wait3A_188 : memref<1x128xi32, #tpu.memory_space<vmem>> -> memref<128xi32, #tpu.memory_space<vmem>>
          %dma_wait3A_190 = arith.constant 0 : i32
          %dma_wait3A_191 = arith.constant 0 : i32
          %dma_wait3A_192 = tpu.memref_slice %arg11[%dma_wait3A_190, %dma_wait3A_191] : memref<10240x128xbf16, #tpu.memory_space<vmem_shared>> -> memref<10240x128xbf16, #tpu.memory_space<vmem_shared>>
          tpu.wait_indirect_dma semaphore(%arg14 : memref<!tpu.dma_semaphore, #tpu.memory_space<semaphore_mem>>) src(%dma_wait3A_186 : memref<128x128xbf16, #tpu.memory_space<vmem>>) dst(%dma_wait3A_192 : memref<10240x128xbf16, #tpu.memory_space<vmem_shared>>)
          %add3A_193 = arith.constant 2 : i32
          %add3A_194 = arith.addi %add3A_107, %add3A_193 : i32
          %dma_start3A_195 = arith.constant 0 : i32
          %dma_start3A_196 = arith.constant 0 : i32
          %dma_start3A_197 = arith.constant 0 : i32
          %dma_start3A_198 = tpu.memref_slice %arg10[%dma_start3A_195, %dma_start3A_196, %dma_start3A_197] : memref<2x128x128xbf16, #tpu.memory_space<vmem>> -> memref<1x128x128xbf16, #tpu.memory_space<vmem>>
          %dma_start3A_199 = tpu.memref_squeeze %dma_start3A_198 : memref<1x128x128xbf16, #tpu.memory_space<vmem>> -> memref<128x128xbf16, #tpu.memory_space<vmem>>
          %dma_start3A_200 = arith.constant 0 : i32
          %dma_start3A_201 = tpu.memref_slice %arg7[%add3A_194, %dma_start3A_200] : memref<104x128xi32, #tpu.memory_space<vmem>> -> memref<1x128xi32, #tpu.memory_space<vmem>>
          %dma_start3A_202 = tpu.memref_squeeze %dma_start3A_201 : memref<1x128xi32, #tpu.memory_space<vmem>> -> memref<128xi32, #tpu.memory_space<vmem>>
          %dma_start3A_203 = arith.constant 0 : i32
          %dma_start3A_204 = arith.constant 0 : i32
          %dma_start3A_205 = tpu.memref_slice %arg2[%dma_start3A_203, %dma_start3A_204] : memref<10000x128xbf16, #tpu.memory_space<hbm>> -> memref<10000x128xbf16, #tpu.memory_space<hbm>>
          tpu.enqueue_indirect_dma source(%dma_start3A_205 : memref<10000x128xbf16, #tpu.memory_space<hbm>>) target(%dma_start3A_199 : memref<128x128xbf16, #tpu.memory_space<vmem>>) offsets(%dma_start3A_202 : memref<128xi32, #tpu.memory_space<vmem>>) semaphore(%arg12 : memref<!tpu.dma_semaphore, #tpu.memory_space<semaphore_mem>>)
        } else {
        }
        %mul3A_142 = arith.constant 2 : i32
        %mul3A_143 = arith.muli %mul3A_142, %scan3A_102 : i32
        %add3A_144 = arith.constant 1 : i32
        %add3A_145 = arith.addi %mul3A_143, %add3A_144 : i32
        %dma_wait3A_146 = arith.constant 1 : i32
        %dma_wait3A_147 = arith.constant 0 : i32
        %dma_wait3A_148 = arith.constant 0 : i32
        %dma_wait3A_149 = tpu.memref_slice %arg10[%dma_wait3A_146, %dma_wait3A_147, %dma_wait3A_148] : memref<2x128x128xbf16, #tpu.memory_space<vmem>> -> memref<1x128x128xbf16, #tpu.memory_space<vmem>>
        %dma_wait3A_150 = tpu.memref_squeeze %dma_wait3A_149 : memref<1x128x128xbf16, #tpu.memory_space<vmem>> -> memref<128x128xbf16, #tpu.memory_space<vmem>>
        %dma_wait3A_151 = arith.constant 0 : i32
        %dma_wait3A_152 = tpu.memref_slice %arg7[%add3A_145, %dma_wait3A_151] : memref<104x128xi32, #tpu.memory_space<vmem>> -> memref<1x128xi32, #tpu.memory_space<vmem>>
        %dma_wait3A_153 = tpu.memref_squeeze %dma_wait3A_152 : memref<1x128xi32, #tpu.memory_space<vmem>> -> memref<128xi32, #tpu.memory_space<vmem>>
        %dma_wait3A_154 = arith.constant 0 : i32
        %dma_wait3A_155 = arith.constant 0 : i32
        %dma_wait3A_156 = tpu.memref_slice %arg2[%dma_wait3A_154, %dma_wait3A_155] : memref<10000x128xbf16, #tpu.memory_space<hbm>> -> memref<10000x128xbf16, #tpu.memory_space<hbm>>
        tpu.wait_indirect_dma semaphore(%arg13 : memref<!tpu.dma_semaphore, #tpu.memory_space<semaphore_mem>>) src(%dma_wait3A_156 : memref<10000x128xbf16, #tpu.memory_space<hbm>>) dst(%dma_wait3A_150 : memref<128x128xbf16, #tpu.memory_space<vmem>>)
        %broadcast_in_dim3A_157 = vector.broadcast %add3A_145 : i32 to vector<16xi32>
        %scan3A_158 = arith.constant 0 : i32
        %scan3A_159 = arith.constant 0 : i32
        %scan3A_160 = arith.constant 128 : i32
        %scan3A_161 = arith.addi %scan3A_159, %scan3A_160 : i32
        %scan3A_162 = arith.constant 1 : i32
        %scan3A_163 = scf.for %scan3A_182 = %scan3A_159 to %scan3A_161 step %scan3A_162 iter_args(%scan3A_183 = %scan3A_158) -> (i32)  : i32 {
          %broadcast_in_dim3A_184 = vector.broadcast %scan3A_182 : i32 to vector<16xi32>
          %gather3A = tpu.vector_load_idx %arg9[%broadcast_in_dim3A_157, %broadcast_in_dim3A_184] : memref<104x128xf32, #tpu.memory_space<vmem>>[vector<16xi32>, vector<16xi32>], vector<16xf32>,
          %broadcast_in_dim3A_185 = arith.constant 16 : i32
          %broadcast_in_dim3A_186 = vector.broadcast %broadcast_in_dim3A_185 : i32 to vector<16xi32>
          %broadcast_in_dim3A_187 = arith.constant 1 : i32
          %broadcast_in_dim3A_188 = vector.broadcast %broadcast_in_dim3A_187 : i32 to vector<16xi32>
          %broadcast_in_dim3A_189 = arith.constant 32767 : i32
          %broadcast_in_dim3A_190 = vector.broadcast %broadcast_in_dim3A_189 : i32 to vector<16xi32>
          %bitcast3A = vector.bitcast %gather3A : vector<16xf32> to vector<16xi32>
          %add3A_191 = arith.addi %bitcast3A, %broadcast_in_dim3A_190 : vector<16xi32>
          %shift_right_logical3A = arith.shrui %bitcast3A, %broadcast_in_dim3A_186 : vector<16xi32>
          %and3A = arith.andi %shift_right_logical3A, %broadcast_in_dim3A_188 : vector<16xi32>
          %add3A_192 = arith.addi %add3A_191, %and3A : vector<16xi32>
          %shift_right_logical3A_193 = arith.shrui %add3A_192, %broadcast_in_dim3A_186 : vector<16xi32>
          %shift_left3A = arith.shli %shift_right_logical3A_193, %broadcast_in_dim3A_186 : vector<16xi32>
          %or3A = arith.ori %shift_right_logical3A_193, %shift_left3A : vector<16xi32>
          %bitcast3A_194 = vector.bitcast %or3A : vector<16xi32> to vector<32xbf16>
          %get3A = arith.constant 1 : i32
          %get3A_195 = arith.index_cast %get3A : i32 to index
          %get3A_196 = arith.index_cast %scan3A_182 : i32 to index
          %get3A_197 = arith.constant 0 : index
          %get3A_198 = tpu.vector_load %arg10[%get3A_195, %get3A_196, %get3A_197] {strides = array<i32>} : memref<2x128x128xbf16, #tpu.memory_space<vmem>>, vector<32xbf16>,
          %mul3A_199 = arith.mulf %get3A_198, %bitcast3A_194 : vector<32xbf16>
          %swap3A = arith.constant 1 : i32
          %swap3A_200 = arith.index_cast %swap3A : i32 to index
          %swap3A_201 = arith.index_cast %scan3A_182 : i32 to index
          %swap3A_202 = arith.constant 0 : index
          %swap3A_203 = tpu.vector_load %arg10[%swap3A_200, %swap3A_201, %swap3A_202] {strides = array<i32>} : memref<2x128x128xbf16, #tpu.memory_space<vmem>>, vector<32xbf16>,
          tpu.vector_store %arg10[%swap3A_200, %swap3A_201, %swap3A_202], %mul3A_199 {strides = array<i32>} : memref<2x128x128xbf16, #tpu.memory_space<vmem>>, vector<32xbf16>,
          %get3A_204 = arith.constant 1 : i32
          %get3A_205 = arith.index_cast %get3A_204 : i32 to index
          %get3A_206 = arith.index_cast %scan3A_182 : i32 to index
          %get3A_207 = arith.constant 32 : index
          %get3A_208 = tpu.vector_load %arg10[%get3A_205, %get3A_206, %get3A_207] {strides = array<i32>} : memref<2x128x128xbf16, #tpu.memory_space<vmem>>, vector<32xbf16>,
          %mul3A_209 = arith.mulf %get3A_208, %bitcast3A_194 : vector<32xbf16>
          %swap3A_210 = arith.constant 1 : i32
          %swap3A_211 = arith.index_cast %swap3A_210 : i32 to index
          %swap3A_212 = arith.index_cast %scan3A_182 : i32 to index
          %swap3A_213 = arith.constant 32 : index
          %swap3A_214 = tpu.vector_load %arg10[%swap3A_211, %swap3A_212, %swap3A_213] {strides = array<i32>} : memref<2x128x128xbf16, #tpu.memory_space<vmem>>, vector<32xbf16>,
          tpu.vector_store %arg10[%swap3A_211, %swap3A_212, %swap3A_213], %mul3A_209 {strides = array<i32>} : memref<2x128x128xbf16, #tpu.memory_space<vmem>>, vector<32xbf16>,
          %get3A_215 = arith.constant 1 : i32
          %get3A_216 = arith.index_cast %get3A_215 : i32 to index
          %get3A_217 = arith.index_cast %scan3A_182 : i32 to index
          %get3A_218 = arith.constant 64 : index
          %get3A_219 = tpu.vector_load %arg10[%get3A_216, %get3A_217, %get3A_218] {strides = array<i32>} : memref<2x128x128xbf16, #tpu.memory_space<vmem>>, vector<32xbf16>,
          %mul3A_220 = arith.mulf %get3A_219, %bitcast3A_194 : vector<32xbf16>
          %swap3A_221 = arith.constant 1 : i32
          %swap3A_222 = arith.index_cast %swap3A_221 : i32 to index
          %swap3A_223 = arith.index_cast %scan3A_182 : i32 to index
          %swap3A_224 = arith.constant 64 : index
          %swap3A_225 = tpu.vector_load %arg10[%swap3A_222, %swap3A_223, %swap3A_224] {strides = array<i32>} : memref<2x128x128xbf16, #tpu.memory_space<vmem>>, vector<32xbf16>,
          tpu.vector_store %arg10[%swap3A_222, %swap3A_223, %swap3A_224], %mul3A_220 {strides = array<i32>} : memref<2x128x128xbf16, #tpu.memory_space<vmem>>, vector<32xbf16>,
          %get3A_226 = arith.constant 1 : i32
          %get3A_227 = arith.index_cast %get3A_226 : i32 to index
          %get3A_228 = arith.index_cast %scan3A_182 : i32 to index
          %get3A_229 = arith.constant 96 : index
          %get3A_230 = tpu.vector_load %arg10[%get3A_227, %get3A_228, %get3A_229] {strides = array<i32>} : memref<2x128x128xbf16, #tpu.memory_space<vmem>>, vector<32xbf16>,
          %mul3A_231 = arith.mulf %get3A_230, %bitcast3A_194 : vector<32xbf16>
          %swap3A_232 = arith.constant 1 : i32
          %swap3A_233 = arith.index_cast %swap3A_232 : i32 to index
          %swap3A_234 = arith.index_cast %scan3A_182 : i32 to index
          %swap3A_235 = arith.constant 96 : index
          %swap3A_236 = tpu.vector_load %arg10[%swap3A_233, %swap3A_234, %swap3A_235] {strides = array<i32>} : memref<2x128x128xbf16, #tpu.memory_space<vmem>>, vector<32xbf16>,
          tpu.vector_store %arg10[%swap3A_233, %swap3A_234, %swap3A_235], %mul3A_231 {strides = array<i32>} : memref<2x128x128xbf16, #tpu.memory_space<vmem>>, vector<32xbf16>,
          %scan3A_237 = arith.constant 0 : i32
          scf.yield %scan3A_237 : i32
        }
        %scan3A_164 = arith.constant 128 : i32
        %dma_start3A_165 = arith.constant 1 : i32
        %dma_start3A_166 = arith.constant 0 : i32
        %dma_start3A_167 = arith.constant 0 : i32
        %dma_start3A_168 = tpu.memref_slice %arg10[%dma_start3A_165, %dma_start3A_166, %dma_start3A_167] : memref<2x128x128xbf16, #tpu.memory_space<vmem>> -> memref<1x128x128xbf16, #tpu.memory_space<vmem>>
        %dma_start3A_169 = tpu.memref_squeeze %dma_start3A_168 : memref<1x128x128xbf16, #tpu.memory_space<vmem>> -> memref<128x128xbf16, #tpu.memory_space<vmem>>
        %dma_start3A_170 = arith.constant 0 : i32
        %dma_start3A_171 = tpu.memref_slice %arg8[%add3A_145, %dma_start3A_170] : memref<104x128xi32, #tpu.memory_space<vmem>> -> memref<1x128xi32, #tpu.memory_space<vmem>>
        %dma_start3A_172 = tpu.memref_squeeze %dma_start3A_171 : memref<1x128xi32, #tpu.memory_space<vmem>> -> memref<128xi32, #tpu.memory_space<vmem>>
        %dma_start3A_173 = arith.constant 0 : i32
        %dma_start3A_174 = arith.constant 0 : i32
        %dma_start3A_175 = tpu.memref_slice %arg11[%dma_start3A_173, %dma_start3A_174] : memref<10240x128xbf16, #tpu.memory_space<vmem_shared>> -> memref<10240x128xbf16, #tpu.memory_space<vmem_shared>>
        tpu.enqueue_indirect_dma source(%dma_start3A_169 : memref<128x128xbf16, #tpu.memory_space<vmem>>) target(%dma_start3A_175 : memref<10240x128xbf16, #tpu.memory_space<vmem_shared>>) offsets(%dma_start3A_172 : memref<128xi32, #tpu.memory_space<vmem>>) semaphore(%arg15 : memref<!tpu.dma_semaphore, #tpu.memory_space<semaphore_mem>>) {add = true}
        %lt3A_176 = arith.constant 51 : i32
        %lt3A_177 = arith.cmpi slt, %scan3A_102, %lt3A_176 : i32
        %convert_element_type3A_178 = arith.extui %lt3A_177 : i1 to i32
        %cond3A_179 = arith.constant 0 : i32
        %cond3A_180 = arith.cmpi ne, %convert_element_type3A_178, %cond3A_179 : i32
        scf.if %cond3A_180 {
          %dma_wait3A_182 = arith.constant 1 : i32
          %dma_wait3A_183 = arith.constant 0 : i32
          %dma_wait3A_184 = arith.constant 0 : i32
          %dma_wait3A_185 = tpu.memref_slice %arg10[%dma_wait3A_182, %dma_wait3A_183, %dma_wait3A_184] : memref<2x128x128xbf16, #tpu.memory_space<vmem>> -> memref<1x128x128xbf16, #tpu.memory_space<vmem>>
          %dma_wait3A_186 = tpu.memref_squeeze %dma_wait3A_185 : memref<1x128x128xbf16, #tpu.memory_space<vmem>> -> memref<128x128xbf16, #tpu.memory_space<vmem>>
          %dma_wait3A_187 = arith.constant 0 : i32
          %dma_wait3A_188 = tpu.memref_slice %arg8[%add3A_145, %dma_wait3A_187] : memref<104x128xi32, #tpu.memory_space<vmem>> -> memref<1x128xi32, #tpu.memory_space<vmem>>
          %dma_wait3A_189 = tpu.memref_squeeze %dma_wait3A_188 : memref<1x128xi32, #tpu.memory_space<vmem>> -> memref<128xi32, #tpu.memory_space<vmem>>
          %dma_wait3A_190 = arith.constant 0 : i32
          %dma_wait3A_191 = arith.constant 0 : i32
          %dma_wait3A_192 = tpu.memref_slice %arg11[%dma_wait3A_190, %dma_wait3A_191] : memref<10240x128xbf16, #tpu.memory_space<vmem_shared>> -> memref<10240x128xbf16, #tpu.memory_space<vmem_shared>>
          tpu.wait_indirect_dma semaphore(%arg15 : memref<!tpu.dma_semaphore, #tpu.memory_space<semaphore_mem>>) src(%dma_wait3A_186 : memref<128x128xbf16, #tpu.memory_space<vmem>>) dst(%dma_wait3A_192 : memref<10240x128xbf16, #tpu.memory_space<vmem_shared>>)
          %add3A_193 = arith.constant 2 : i32
          %add3A_194 = arith.addi %add3A_145, %add3A_193 : i32
          %dma_start3A_195 = arith.constant 1 : i32
          %dma_start3A_196 = arith.constant 0 : i32
          %dma_start3A_197 = arith.constant 0 : i32
          %dma_start3A_198 = tpu.memref_slice %arg10[%dma_start3A_195, %dma_start3A_196, %dma_start3A_197] : memref<2x128x128xbf16, #tpu.memory_space<vmem>> -> memref<1x128x128xbf16, #tpu.memory_space<vmem>>
          %dma_start3A_199 = tpu.memref_squeeze %dma_start3A_198 : memref<1x128x128xbf16, #tpu.memory_space<vmem>> -> memref<128x128xbf16, #tpu.memory_space<vmem>>
          %dma_start3A_200 = arith.constant 0 : i32
          %dma_start3A_201 = tpu.memref_slice %arg7[%add3A_194, %dma_start3A_200] : memref<104x128xi32, #tpu.memory_space<vmem>> -> memref<1x128xi32, #tpu.memory_space<vmem>>
          %dma_start3A_202 = tpu.memref_squeeze %dma_start3A_201 : memref<1x128xi32, #tpu.memory_space<vmem>> -> memref<128xi32, #tpu.memory_space<vmem>>
          %dma_start3A_203 = arith.constant 0 : i32
          %dma_start3A_204 = arith.constant 0 : i32
          %dma_start3A_205 = tpu.memref_slice %arg2[%dma_start3A_203, %dma_start3A_204] : memref<10000x128xbf16, #tpu.memory_space<hbm>> -> memref<10000x128xbf16, #tpu.memory_space<hbm>>
          tpu.enqueue_indirect_dma source(%dma_start3A_205 : memref<10000x128xbf16, #tpu.memory_space<hbm>>) target(%dma_start3A_199 : memref<128x128xbf16, #tpu.memory_space<vmem>>) offsets(%dma_start3A_202 : memref<128xi32, #tpu.memory_space<vmem>>) semaphore(%arg13 : memref<!tpu.dma_semaphore, #tpu.memory_space<semaphore_mem>>)
        } else {
        }
        %scan3A_181 = arith.constant 0 : i32
        scf.yield %scan3A_181 : i32
      }
      %scan3A_78 = arith.constant 52 : i32
      %dma_wait3A = arith.constant 0 : i32
      %dma_wait3A_79 = arith.constant 102 : i32
      %dma_wait3A_80 = arith.constant 0 : i32
      %dma_wait3A_81 = arith.constant 0 : i32
      %dma_wait3A_82 = tpu.memref_slice %arg10[%dma_wait3A, %dma_wait3A_80, %dma_wait3A_81] : memref<2x128x128xbf16, #tpu.memory_space<vmem>> -> memref<1x128x128xbf16, #tpu.memory_space<vmem>>
      %dma_wait3A_83 = tpu.memref_squeeze %dma_wait3A_82 : memref<1x128x128xbf16, #tpu.memory_space<vmem>> -> memref<128x128xbf16, #tpu.memory_space<vmem>>
      %dma_wait3A_84 = arith.constant 0 : i32
      %dma_wait3A_85 = tpu.memref_slice %arg8[%dma_wait3A_79, %dma_wait3A_84] : memref<104x128xi32, #tpu.memory_space<vmem>> -> memref<1x128xi32, #tpu.memory_space<vmem>>
      %dma_wait3A_86 = tpu.memref_squeeze %dma_wait3A_85 : memref<1x128xi32, #tpu.memory_space<vmem>> -> memref<128xi32, #tpu.memory_space<vmem>>
      %dma_wait3A_87 = arith.constant 0 : i32
      %dma_wait3A_88 = arith.constant 0 : i32
      %dma_wait3A_89 = tpu.memref_slice %arg11[%dma_wait3A_87, %dma_wait3A_88] : memref<10240x128xbf16, #tpu.memory_space<vmem_shared>> -> memref<10240x128xbf16, #tpu.memory_space<vmem_shared>>
      tpu.wait_indirect_dma semaphore(%arg14 : memref<!tpu.dma_semaphore, #tpu.memory_space<semaphore_mem>>) src(%dma_wait3A_83 : memref<128x128xbf16, #tpu.memory_space<vmem>>) dst(%dma_wait3A_89 : memref<10240x128xbf16, #tpu.memory_space<vmem_shared>>)
      %dma_wait3A_90 = arith.constant 1 : i32
      %dma_wait3A_91 = arith.constant 103 : i32
      %dma_wait3A_92 = arith.constant 0 : i32
      %dma_wait3A_93 = arith.constant 0 : i32
      %dma_wait3A_94 = tpu.memref_slice %arg10[%dma_wait3A_90, %dma_wait3A_92, %dma_wait3A_93] : memref<2x128x128xbf16, #tpu.memory_space<vmem>> -> memref<1x128x128xbf16, #tpu.memory_space<vmem>>
      %dma_wait3A_95 = tpu.memref_squeeze %dma_wait3A_94 : memref<1x128x128xbf16, #tpu.memory_space<vmem>> -> memref<128x128xbf16, #tpu.memory_space<vmem>>
      %dma_wait3A_96 = arith.constant 0 : i32
      %dma_wait3A_97 = tpu.memref_slice %arg8[%dma_wait3A_91, %dma_wait3A_96] : memref<104x128xi32, #tpu.memory_space<vmem>> -> memref<1x128xi32, #tpu.memory_space<vmem>>
      %dma_wait3A_98 = tpu.memref_squeeze %dma_wait3A_97 : memref<1x128xi32, #tpu.memory_space<vmem>> -> memref<128xi32, #tpu.memory_space<vmem>>
      %dma_wait3A_99 = arith.constant 0 : i32
      %dma_wait3A_100 = arith.constant 0 : i32
      %dma_wait3A_101 = tpu.memref_slice %arg11[%dma_wait3A_99, %dma_wait3A_100] : memref<10240x128xbf16, #tpu.memory_space<vmem_shared>> -> memref<10240x128xbf16, #tpu.memory_space<vmem_shared>>
      tpu.wait_indirect_dma semaphore(%arg15 : memref<!tpu.dma_semaphore, #tpu.memory_space<semaphore_mem>>) src(%dma_wait3A_95 : memref<128x128xbf16, #tpu.memory_space<vmem>>) dst(%dma_wait3A_101 : memref<10240x128xbf16, #tpu.memory_space<vmem_shared>>)
    } else {
    }
    %eq3A_23 = arith.constant 1 : i32
    %eq3A_24 = arith.cmpi eq, %arg0, %eq3A_23 : i32
    %convert_element_type3A_25 = arith.extui %eq3A_24 : i1 to i32
    %cond3A_26 = arith.constant 0 : i32
    %cond3A_27 = arith.cmpi ne, %convert_element_type3A_25, %cond3A_26 : i32
    scf.if %cond3A_27 {
      "tpu.region"() ({
        %run_scoped3A_102 = tpu.sem_alloc : memref<!tpu.dma_semaphore, #tpu.memory_space<semaphore_mem>>
        %dma_start3A_103 = arith.constant 0 : i32
        %dma_start3A_104 = arith.constant 0 : i32
        %dma_start3A_105 = tpu.memref_slice %arg7[%dma_start3A_103, %dma_start3A_104] : memref<104x128xi32, #tpu.memory_space<vmem>> -> memref<56x128xi32, #tpu.memory_space<vmem>>
        %dma_start3A_106 = arith.constant 104 : i32
        %dma_start3A_107 = arith.constant 0 : i32
        %dma_start3A_108 = tpu.memref_slice %arg3[%arg1, %dma_start3A_106, %dma_start3A_107] : memref<16x160x128xi32, #tpu.memory_space<hbm>> -> memref<1x56x128xi32, #tpu.memory_space<hbm>>
        %dma_start3A_109 = tpu.memref_squeeze %dma_start3A_108 : memref<1x56x128xi32, #tpu.memory_space<hbm>> -> memref<56x128xi32, #tpu.memory_space<hbm>>
        %dma_start3A_110 = arith.constant 0 : i32
        %dma_start3A_111 = arith.constant 0 : i32
        %dma_start3A_112 = tpu.memref_slice %arg7[%dma_start3A_110, %dma_start3A_111] : memref<104x128xi32, #tpu.memory_space<vmem>> -> memref<56x128xi32, #tpu.memory_space<vmem>>
        %dma_start3A_113 = arith.constant 104 : i32
        %dma_start3A_114 = arith.constant 0 : i32
        %dma_start3A_115 = tpu.memref_slice %arg3[%arg1, %dma_start3A_113, %dma_start3A_114] : memref<16x160x128xi32, #tpu.memory_space<hbm>> -> memref<1x56x128xi32, #tpu.memory_space<hbm>>
        %dma_start3A_116 = tpu.memref_squeeze %dma_start3A_115 : memref<1x56x128xi32, #tpu.memory_space<hbm>> -> memref<56x128xi32, #tpu.memory_space<hbm>>
        tpu.enqueue_dma source(%dma_start3A_116 : memref<56x128xi32, #tpu.memory_space<hbm>>) target(%dma_start3A_112 : memref<56x128xi32, #tpu.memory_space<vmem>>) target_semaphore(%run_scoped3A_102 : memref<!tpu.dma_semaphore, #tpu.memory_space<semaphore_mem>>)
        %dma_wait3A_117 = arith.constant 0 : i32
        %dma_wait3A_118 = arith.constant 0 : i32
        %dma_wait3A_119 = tpu.memref_slice %arg7[%dma_wait3A_117, %dma_wait3A_118] : memref<104x128xi32, #tpu.memory_space<vmem>> -> memref<56x128xi32, #tpu.memory_space<vmem>>
        %dma_wait3A_120 = arith.constant 104 : i32
        %dma_wait3A_121 = arith.constant 0 : i32
        %dma_wait3A_122 = tpu.memref_slice %arg3[%arg1, %dma_wait3A_120, %dma_wait3A_121] : memref<16x160x128xi32, #tpu.memory_space<hbm>> -> memref<1x56x128xi32, #tpu.memory_space<hbm>>
        %dma_wait3A_123 = tpu.memref_squeeze %dma_wait3A_122 : memref<1x56x128xi32, #tpu.memory_space<hbm>> -> memref<56x128xi32, #tpu.memory_space<hbm>>
        %dma_wait3A_124 = arith.constant 0 : i32
        %dma_wait3A_125 = arith.constant 0 : i32
        %dma_wait3A_126 = tpu.memref_slice %arg7[%dma_wait3A_124, %dma_wait3A_125] : memref<104x128xi32, #tpu.memory_space<vmem>> -> memref<56x128xi32, #tpu.memory_space<vmem>>
        %dma_wait3A_127 = arith.constant 104 : i32
        %dma_wait3A_128 = arith.constant 0 : i32
        %dma_wait3A_129 = tpu.memref_slice %arg3[%arg1, %dma_wait3A_127, %dma_wait3A_128] : memref<16x160x128xi32, #tpu.memory_space<hbm>> -> memref<1x56x128xi32, #tpu.memory_space<hbm>>
        %dma_wait3A_130 = tpu.memref_squeeze %dma_wait3A_129 : memref<1x56x128xi32, #tpu.memory_space<hbm>> -> memref<56x128xi32, #tpu.memory_space<hbm>>
        tpu.wait_dma2 semaphore(%run_scoped3A_102 : memref<!tpu.dma_semaphore, #tpu.memory_space<semaphore_mem>>) src(%dma_wait3A_130 : memref<56x128xi32, #tpu.memory_space<hbm>>) dst(%dma_wait3A_126 : memref<56x128xi32, #tpu.memory_space<vmem>>)
        tpu.yield
      }) : () -> ()
      "tpu.region"() ({
        %run_scoped3A_102 = tpu.sem_alloc : memref<!tpu.dma_semaphore, #tpu.memory_space<semaphore_mem>>
        %dma_start3A_103 = arith.constant 0 : i32
        %dma_start3A_104 = arith.constant 0 : i32
        %dma_start3A_105 = tpu.memref_slice %arg8[%dma_start3A_103, %dma_start3A_104] : memref<104x128xi32, #tpu.memory_space<vmem>> -> memref<56x128xi32, #tpu.memory_space<vmem>>
        %dma_start3A_106 = arith.constant 104 : i32
        %dma_start3A_107 = arith.constant 0 : i32
        %dma_start3A_108 = tpu.memref_slice %arg4[%arg1, %dma_start3A_106, %dma_start3A_107] : memref<16x160x128xi32, #tpu.memory_space<hbm>> -> memref<1x56x128xi32, #tpu.memory_space<hbm>>
        %dma_start3A_109 = tpu.memref_squeeze %dma_start3A_108 : memref<1x56x128xi32, #tpu.memory_space<hbm>> -> memref<56x128xi32, #tpu.memory_space<hbm>>
        %dma_start3A_110 = arith.constant 0 : i32
        %dma_start3A_111 = arith.constant 0 : i32
        %dma_start3A_112 = tpu.memref_slice %arg8[%dma_start3A_110, %dma_start3A_111] : memref<104x128xi32, #tpu.memory_space<vmem>> -> memref<56x128xi32, #tpu.memory_space<vmem>>
        %dma_start3A_113 = arith.constant 104 : i32
        %dma_start3A_114 = arith.constant 0 : i32
        %dma_start3A_115 = tpu.memref_slice %arg4[%arg1, %dma_start3A_113, %dma_start3A_114] : memref<16x160x128xi32, #tpu.memory_space<hbm>> -> memref<1x56x128xi32, #tpu.memory_space<hbm>>
        %dma_start3A_116 = tpu.memref_squeeze %dma_start3A_115 : memref<1x56x128xi32, #tpu.memory_space<hbm>> -> memref<56x128xi32, #tpu.memory_space<hbm>>
        tpu.enqueue_dma source(%dma_start3A_116 : memref<56x128xi32, #tpu.memory_space<hbm>>) target(%dma_start3A_112 : memref<56x128xi32, #tpu.memory_space<vmem>>) target_semaphore(%run_scoped3A_102 : memref<!tpu.dma_semaphore, #tpu.memory_space<semaphore_mem>>)
        %dma_wait3A_117 = arith.constant 0 : i32
        %dma_wait3A_118 = arith.constant 0 : i32
        %dma_wait3A_119 = tpu.memref_slice %arg8[%dma_wait3A_117, %dma_wait3A_118] : memref<104x128xi32, #tpu.memory_space<vmem>> -> memref<56x128xi32, #tpu.memory_space<vmem>>
        %dma_wait3A_120 = arith.constant 104 : i32
        %dma_wait3A_121 = arith.constant 0 : i32
        %dma_wait3A_122 = tpu.memref_slice %arg4[%arg1, %dma_wait3A_120, %dma_wait3A_121] : memref<16x160x128xi32, #tpu.memory_space<hbm>> -> memref<1x56x128xi32, #tpu.memory_space<hbm>>
        %dma_wait3A_123 = tpu.memref_squeeze %dma_wait3A_122 : memref<1x56x128xi32, #tpu.memory_space<hbm>> -> memref<56x128xi32, #tpu.memory_space<hbm>>
        %dma_wait3A_124 = arith.constant 0 : i32
        %dma_wait3A_125 = arith.constant 0 : i32
        %dma_wait3A_126 = tpu.memref_slice %arg8[%dma_wait3A_124, %dma_wait3A_125] : memref<104x128xi32, #tpu.memory_space<vmem>> -> memref<56x128xi32, #tpu.memory_space<vmem>>
        %dma_wait3A_127 = arith.constant 104 : i32
        %dma_wait3A_128 = arith.constant 0 : i32
        %dma_wait3A_129 = tpu.memref_slice %arg4[%arg1, %dma_wait3A_127, %dma_wait3A_128] : memref<16x160x128xi32, #tpu.memory_space<hbm>> -> memref<1x56x128xi32, #tpu.memory_space<hbm>>
        %dma_wait3A_130 = tpu.memref_squeeze %dma_wait3A_129 : memref<1x56x128xi32, #tpu.memory_space<hbm>> -> memref<56x128xi32, #tpu.memory_space<hbm>>
        tpu.wait_dma2 semaphore(%run_scoped3A_102 : memref<!tpu.dma_semaphore, #tpu.memory_space<semaphore_mem>>) src(%dma_wait3A_130 : memref<56x128xi32, #tpu.memory_space<hbm>>) dst(%dma_wait3A_126 : memref<56x128xi32, #tpu.memory_space<vmem>>)
        tpu.yield
      }) : () -> ()
      "tpu.region"() ({
        %run_scoped3A_102 = tpu.sem_alloc : memref<!tpu.dma_semaphore, #tpu.memory_space<semaphore_mem>>
        %dma_start3A_103 = arith.constant 0 : i32
        %dma_start3A_104 = arith.constant 0 : i32
        %dma_start3A_105 = tpu.memref_slice %arg9[%dma_start3A_103, %dma_start3A_104] : memref<104x128xf32, #tpu.memory_space<vmem>> -> memref<56x128xf32, #tpu.memory_space<vmem>>
        %dma_start3A_106 = arith.constant 104 : i32
        %dma_start3A_107 = arith.constant 0 : i32
        %dma_start3A_108 = tpu.memref_slice %arg5[%arg1, %dma_start3A_106, %dma_start3A_107] : memref<16x160x128xf32, #tpu.memory_space<hbm>> -> memref<1x56x128xf32, #tpu.memory_space<hbm>>
        %dma_start3A_109 = tpu.memref_squeeze %dma_start3A_108 : memref<1x56x128xf32, #tpu.memory_space<hbm>> -> memref<56x128xf32, #tpu.memory_space<hbm>>
        %dma_start3A_110 = arith.constant 0 : i32
        %dma_start3A_111 = arith.constant 0 : i32
        %dma_start3A_112 = tpu.memref_slice %arg9[%dma_start3A_110, %dma_start3A_111] : memref<104x128xf32, #tpu.memory_space<vmem>> -> memref<56x128xf32, #tpu.memory_space<vmem>>
        %dma_start3A_113 = arith.constant 104 : i32
        %dma_start3A_114 = arith.constant 0 : i32
        %dma_start3A_115 = tpu.memref_slice %arg5[%arg1, %dma_start3A_113, %dma_start3A_114] : memref<16x160x128xf32, #tpu.memory_space<hbm>> -> memref<1x56x128xf32, #tpu.memory_space<hbm>>
        %dma_start3A_116 = tpu.memref_squeeze %dma_start3A_115 : memref<1x56x128xf32, #tpu.memory_space<hbm>> -> memref<56x128xf32, #tpu.memory_space<hbm>>
        tpu.enqueue_dma source(%dma_start3A_116 : memref<56x128xf32, #tpu.memory_space<hbm>>) target(%dma_start3A_112 : memref<56x128xf32, #tpu.memory_space<vmem>>) target_semaphore(%run_scoped3A_102 : memref<!tpu.dma_semaphore, #tpu.memory_space<semaphore_mem>>)
        %dma_wait3A_117 = arith.constant 0 : i32
        %dma_wait3A_118 = arith.constant 0 : i32
        %dma_wait3A_119 = tpu.memref_slice %arg9[%dma_wait3A_117, %dma_wait3A_118] : memref<104x128xf32, #tpu.memory_space<vmem>> -> memref<56x128xf32, #tpu.memory_space<vmem>>
        %dma_wait3A_120 = arith.constant 104 : i32
        %dma_wait3A_121 = arith.constant 0 : i32
        %dma_wait3A_122 = tpu.memref_slice %arg5[%arg1, %dma_wait3A_120, %dma_wait3A_121] : memref<16x160x128xf32, #tpu.memory_space<hbm>> -> memref<1x56x128xf32, #tpu.memory_space<hbm>>
        %dma_wait3A_123 = tpu.memref_squeeze %dma_wait3A_122 : memref<1x56x128xf32, #tpu.memory_space<hbm>> -> memref<56x128xf32, #tpu.memory_space<hbm>>
        %dma_wait3A_124 = arith.constant 0 : i32
        %dma_wait3A_125 = arith.constant 0 : i32
        %dma_wait3A_126 = tpu.memref_slice %arg9[%dma_wait3A_124, %dma_wait3A_125] : memref<104x128xf32, #tpu.memory_space<vmem>> -> memref<56x128xf32, #tpu.memory_space<vmem>>
        %dma_wait3A_127 = arith.constant 104 : i32
        %dma_wait3A_128 = arith.constant 0 : i32
        %dma_wait3A_129 = tpu.memref_slice %arg5[%arg1, %dma_wait3A_127, %dma_wait3A_128] : memref<16x160x128xf32, #tpu.memory_space<hbm>> -> memref<1x56x128xf32, #tpu.memory_space<hbm>>
        %dma_wait3A_130 = tpu.memref_squeeze %dma_wait3A_129 : memref<1x56x128xf32, #tpu.memory_space<hbm>> -> memref<56x128xf32, #tpu.memory_space<hbm>>
        tpu.wait_dma2 semaphore(%run_scoped3A_102 : memref<!tpu.dma_semaphore, #tpu.memory_space<semaphore_mem>>) src(%dma_wait3A_130 : memref<56x128xf32, #tpu.memory_space<hbm>>) dst(%dma_wait3A_126 : memref<56x128xf32, #tpu.memory_space<vmem>>)
        tpu.yield
      }) : () -> ()
      %dma_start3A = arith.constant 0 : i32
      %dma_start3A_49 = arith.constant 0 : i32
      %dma_start3A_50 = arith.constant 0 : i32
      %dma_start3A_51 = arith.constant 0 : i32
      %dma_start3A_52 = tpu.memref_slice %arg10[%dma_start3A_49, %dma_start3A_50, %dma_start3A_51] : memref<2x128x128xbf16, #tpu.memory_space<vmem>> -> memref<1x128x128xbf16, #tpu.memory_space<vmem>>
      %dma_start3A_53 = tpu.memref_squeeze %dma_start3A_52 : memref<1x128x128xbf16, #tpu.memory_space<vmem>> -> memref<128x128xbf16, #tpu.memory_space<vmem>>
      %dma_start3A_54 = arith.constant 0 : i32
      %dma_start3A_55 = tpu.memref_slice %arg7[%dma_start3A, %dma_start3A_54] : memref<104x128xi32, #tpu.memory_space<vmem>> -> memref<1x128xi32, #tpu.memory_space<vmem>>
      %dma_start3A_56 = tpu.memref_squeeze %dma_start3A_55 : memref<1x128xi32, #tpu.memory_space<vmem>> -> memref<128xi32, #tpu.memory_space<vmem>>
      %dma_start3A_57 = arith.constant 0 : i32
      %dma_start3A_58 = arith.constant 0 : i32
      %dma_start3A_59 = tpu.memref_slice %arg2[%dma_start3A_57, %dma_start3A_58] : memref<10000x128xbf16, #tpu.memory_space<hbm>> -> memref<10000x128xbf16, #tpu.memory_space<hbm>>
      tpu.enqueue_indirect_dma source(%dma_start3A_59 : memref<10000x128xbf16, #tpu.memory_space<hbm>>) target(%dma_start3A_53 : memref<128x128xbf16, #tpu.memory_space<vmem>>) offsets(%dma_start3A_56 : memref<128xi32, #tpu.memory_space<vmem>>) semaphore(%arg12 : memref<!tpu.dma_semaphore, #tpu.memory_space<semaphore_mem>>)
      %dma_start3A_60 = arith.constant 1 : i32
      %dma_start3A_61 = arith.constant 1 : i32
      %dma_start3A_62 = arith.constant 0 : i32
      %dma_start3A_63 = arith.constant 0 : i32
      %dma_start3A_64 = tpu.memref_slice %arg10[%dma_start3A_61, %dma_start3A_62, %dma_start3A_63] : memref<2x128x128xbf16, #tpu.memory_space<vmem>> -> memref<1x128x128xbf16, #tpu.memory_space<vmem>>
      %dma_start3A_65 = tpu.memref_squeeze %dma_start3A_64 : memref<1x128x128xbf16, #tpu.memory_space<vmem>> -> memref<128x128xbf16, #tpu.memory_space<vmem>>
      %dma_start3A_66 = arith.constant 0 : i32
      %dma_start3A_67 = tpu.memref_slice %arg7[%dma_start3A_60, %dma_start3A_66] : memref<104x128xi32, #tpu.memory_space<vmem>> -> memref<1x128xi32, #tpu.memory_space<vmem>>
      %dma_start3A_68 = tpu.memref_squeeze %dma_start3A_67 : memref<1x128xi32, #tpu.memory_space<vmem>> -> memref<128xi32, #tpu.memory_space<vmem>>
      %dma_start3A_69 = arith.constant 0 : i32
      %dma_start3A_70 = arith.constant 0 : i32
      %dma_start3A_71 = tpu.memref_slice %arg2[%dma_start3A_69, %dma_start3A_70] : memref<10000x128xbf16, #tpu.memory_space<hbm>> -> memref<10000x128xbf16, #tpu.memory_space<hbm>>
      tpu.enqueue_indirect_dma source(%dma_start3A_71 : memref<10000x128xbf16, #tpu.memory_space<hbm>>) target(%dma_start3A_65 : memref<128x128xbf16, #tpu.memory_space<vmem>>) offsets(%dma_start3A_68 : memref<128xi32, #tpu.memory_space<vmem>>) semaphore(%arg13 : memref<!tpu.dma_semaphore, #tpu.memory_space<semaphore_mem>>)
      %scan3A_72 = arith.constant 0 : i32
      %scan3A_73 = arith.constant 0 : i32
      %scan3A_74 = arith.constant 28 : i32
      %scan3A_75 = arith.addi %scan3A_73, %scan3A_74 : i32
      %scan3A_76 = arith.constant 1 : i32
      %scan3A_77 = scf.for %scan3A_102 = %scan3A_73 to %scan3A_75 step %scan3A_76 iter_args(%scan3A_103 = %scan3A_72) -> (i32)  : i32 {
        %mul3A_104 = arith.constant 2 : i32
        %mul3A_105 = arith.muli %mul3A_104, %scan3A_102 : i32
        %add3A_106 = arith.constant 0 : i32
        %add3A_107 = arith.addi %mul3A_105, %add3A_106 : i32
        %dma_wait3A_108 = arith.constant 0 : i32
        %dma_wait3A_109 = arith.constant 0 : i32
        %dma_wait3A_110 = arith.constant 0 : i32
        %dma_wait3A_111 = tpu.memref_slice %arg10[%dma_wait3A_108, %dma_wait3A_109, %dma_wait3A_110] : memref<2x128x128xbf16, #tpu.memory_space<vmem>> -> memref<1x128x128xbf16, #tpu.memory_space<vmem>>
        %dma_wait3A_112 = tpu.memref_squeeze %dma_wait3A_111 : memref<1x128x128xbf16, #tpu.memory_space<vmem>> -> memref<128x128xbf16, #tpu.memory_space<vmem>>
        %dma_wait3A_113 = arith.constant 0 : i32
        %dma_wait3A_114 = tpu.memref_slice %arg7[%add3A_107, %dma_wait3A_113] : memref<104x128xi32, #tpu.memory_space<vmem>> -> memref<1x128xi32, #tpu.memory_space<vmem>>
        %dma_wait3A_115 = tpu.memref_squeeze %dma_wait3A_114 : memref<1x128xi32, #tpu.memory_space<vmem>> -> memref<128xi32, #tpu.memory_space<vmem>>
        %dma_wait3A_116 = arith.constant 0 : i32
        %dma_wait3A_117 = arith.constant 0 : i32
        %dma_wait3A_118 = tpu.memref_slice %arg2[%dma_wait3A_116, %dma_wait3A_117] : memref<10000x128xbf16, #tpu.memory_space<hbm>> -> memref<10000x128xbf16, #tpu.memory_space<hbm>>
        tpu.wait_indirect_dma semaphore(%arg12 : memref<!tpu.dma_semaphore, #tpu.memory_space<semaphore_mem>>) src(%dma_wait3A_118 : memref<10000x128xbf16, #tpu.memory_space<hbm>>) dst(%dma_wait3A_112 : memref<128x128xbf16, #tpu.memory_space<vmem>>)
        %broadcast_in_dim3A_119 = vector.broadcast %add3A_107 : i32 to vector<16xi32>
        %scan3A_120 = arith.constant 0 : i32
        %scan3A_121 = arith.constant 0 : i32
        %scan3A_122 = arith.constant 128 : i32
        %scan3A_123 = arith.addi %scan3A_121, %scan3A_122 : i32
        %scan3A_124 = arith.constant 1 : i32
        %scan3A_125 = scf.for %scan3A_182 = %scan3A_121 to %scan3A_123 step %scan3A_124 iter_args(%scan3A_183 = %scan3A_120) -> (i32)  : i32 {
          %broadcast_in_dim3A_184 = vector.broadcast %scan3A_182 : i32 to vector<16xi32>
          %gather3A = tpu.vector_load_idx %arg9[%broadcast_in_dim3A_119, %broadcast_in_dim3A_184] : memref<104x128xf32, #tpu.memory_space<vmem>>[vector<16xi32>, vector<16xi32>], vector<16xf32>,
          %broadcast_in_dim3A_185 = arith.constant 16 : i32
          %broadcast_in_dim3A_186 = vector.broadcast %broadcast_in_dim3A_185 : i32 to vector<16xi32>
          %broadcast_in_dim3A_187 = arith.constant 1 : i32
          %broadcast_in_dim3A_188 = vector.broadcast %broadcast_in_dim3A_187 : i32 to vector<16xi32>
          %broadcast_in_dim3A_189 = arith.constant 32767 : i32
          %broadcast_in_dim3A_190 = vector.broadcast %broadcast_in_dim3A_189 : i32 to vector<16xi32>
          %bitcast3A = vector.bitcast %gather3A : vector<16xf32> to vector<16xi32>
          %add3A_191 = arith.addi %bitcast3A, %broadcast_in_dim3A_190 : vector<16xi32>
          %shift_right_logical3A = arith.shrui %bitcast3A, %broadcast_in_dim3A_186 : vector<16xi32>
          %and3A = arith.andi %shift_right_logical3A, %broadcast_in_dim3A_188 : vector<16xi32>
          %add3A_192 = arith.addi %add3A_191, %and3A : vector<16xi32>
          %shift_right_logical3A_193 = arith.shrui %add3A_192, %broadcast_in_dim3A_186 : vector<16xi32>
          %shift_left3A = arith.shli %shift_right_logical3A_193, %broadcast_in_dim3A_186 : vector<16xi32>
          %or3A = arith.ori %shift_right_logical3A_193, %shift_left3A : vector<16xi32>
          %bitcast3A_194 = vector.bitcast %or3A : vector<16xi32> to vector<32xbf16>
          %get3A = arith.constant 0 : i32
          %get3A_195 = arith.index_cast %get3A : i32 to index
          %get3A_196 = arith.index_cast %scan3A_182 : i32 to index
          %get3A_197 = arith.constant 0 : index
          %get3A_198 = tpu.vector_load %arg10[%get3A_195, %get3A_196, %get3A_197] {strides = array<i32>} : memref<2x128x128xbf16, #tpu.memory_space<vmem>>, vector<32xbf16>,
          %mul3A_199 = arith.mulf %get3A_198, %bitcast3A_194 : vector<32xbf16>
          %swap3A = arith.constant 0 : i32
          %swap3A_200 = arith.index_cast %swap3A : i32 to index
          %swap3A_201 = arith.index_cast %scan3A_182 : i32 to index
          %swap3A_202 = arith.constant 0 : index
          %swap3A_203 = tpu.vector_load %arg10[%swap3A_200, %swap3A_201, %swap3A_202] {strides = array<i32>} : memref<2x128x128xbf16, #tpu.memory_space<vmem>>, vector<32xbf16>,
          tpu.vector_store %arg10[%swap3A_200, %swap3A_201, %swap3A_202], %mul3A_199 {strides = array<i32>} : memref<2x128x128xbf16, #tpu.memory_space<vmem>>, vector<32xbf16>,
          %get3A_204 = arith.constant 0 : i32
          %get3A_205 = arith.index_cast %get3A_204 : i32 to index
          %get3A_206 = arith.index_cast %scan3A_182 : i32 to index
          %get3A_207 = arith.constant 32 : index
          %get3A_208 = tpu.vector_load %arg10[%get3A_205, %get3A_206, %get3A_207] {strides = array<i32>} : memref<2x128x128xbf16, #tpu.memory_space<vmem>>, vector<32xbf16>,
          %mul3A_209 = arith.mulf %get3A_208, %bitcast3A_194 : vector<32xbf16>
          %swap3A_210 = arith.constant 0 : i32
          %swap3A_211 = arith.index_cast %swap3A_210 : i32 to index
          %swap3A_212 = arith.index_cast %scan3A_182 : i32 to index
          %swap3A_213 = arith.constant 32 : index
          %swap3A_214 = tpu.vector_load %arg10[%swap3A_211, %swap3A_212, %swap3A_213] {strides = array<i32>} : memref<2x128x128xbf16, #tpu.memory_space<vmem>>, vector<32xbf16>,
          tpu.vector_store %arg10[%swap3A_211, %swap3A_212, %swap3A_213], %mul3A_209 {strides = array<i32>} : memref<2x128x128xbf16, #tpu.memory_space<vmem>>, vector<32xbf16>,
          %get3A_215 = arith.constant 0 : i32
          %get3A_216 = arith.index_cast %get3A_215 : i32 to index
          %get3A_217 = arith.index_cast %scan3A_182 : i32 to index
          %get3A_218 = arith.constant 64 : index
          %get3A_219 = tpu.vector_load %arg10[%get3A_216, %get3A_217, %get3A_218] {strides = array<i32>} : memref<2x128x128xbf16, #tpu.memory_space<vmem>>, vector<32xbf16>,
          %mul3A_220 = arith.mulf %get3A_219, %bitcast3A_194 : vector<32xbf16>
          %swap3A_221 = arith.constant 0 : i32
          %swap3A_222 = arith.index_cast %swap3A_221 : i32 to index
          %swap3A_223 = arith.index_cast %scan3A_182 : i32 to index
          %swap3A_224 = arith.constant 64 : index
          %swap3A_225 = tpu.vector_load %arg10[%swap3A_222, %swap3A_223, %swap3A_224] {strides = array<i32>} : memref<2x128x128xbf16, #tpu.memory_space<vmem>>, vector<32xbf16>,
          tpu.vector_store %arg10[%swap3A_222, %swap3A_223, %swap3A_224], %mul3A_220 {strides = array<i32>} : memref<2x128x128xbf16, #tpu.memory_space<vmem>>, vector<32xbf16>,
          %get3A_226 = arith.constant 0 : i32
          %get3A_227 = arith.index_cast %get3A_226 : i32 to index
          %get3A_228 = arith.index_cast %scan3A_182 : i32 to index
          %get3A_229 = arith.constant 96 : index
          %get3A_230 = tpu.vector_load %arg10[%get3A_227, %get3A_228, %get3A_229] {strides = array<i32>} : memref<2x128x128xbf16, #tpu.memory_space<vmem>>, vector<32xbf16>,
          %mul3A_231 = arith.mulf %get3A_230, %bitcast3A_194 : vector<32xbf16>
          %swap3A_232 = arith.constant 0 : i32
          %swap3A_233 = arith.index_cast %swap3A_232 : i32 to index
          %swap3A_234 = arith.index_cast %scan3A_182 : i32 to index
          %swap3A_235 = arith.constant 96 : index
          %swap3A_236 = tpu.vector_load %arg10[%swap3A_233, %swap3A_234, %swap3A_235] {strides = array<i32>} : memref<2x128x128xbf16, #tpu.memory_space<vmem>>, vector<32xbf16>,
          tpu.vector_store %arg10[%swap3A_233, %swap3A_234, %swap3A_235], %mul3A_231 {strides = array<i32>} : memref<2x128x128xbf16, #tpu.memory_space<vmem>>, vector<32xbf16>,
          %scan3A_237 = arith.constant 0 : i32
          scf.yield %scan3A_237 : i32
        }
        %scan3A_126 = arith.constant 128 : i32
        %dma_start3A_127 = arith.constant 0 : i32
        %dma_start3A_128 = arith.constant 0 : i32
        %dma_start3A_129 = arith.constant 0 : i32
        %dma_start3A_130 = tpu.memref_slice %arg10[%dma_start3A_127, %dma_start3A_128, %dma_start3A_129] : memref<2x128x128xbf16, #tpu.memory_space<vmem>> -> memref<1x128x128xbf16, #tpu.memory_space<vmem>>
        %dma_start3A_131 = tpu.memref_squeeze %dma_start3A_130 : memref<1x128x128xbf16, #tpu.memory_space<vmem>> -> memref<128x128xbf16, #tpu.memory_space<vmem>>
        %dma_start3A_132 = arith.constant 0 : i32
        %dma_start3A_133 = tpu.memref_slice %arg8[%add3A_107, %dma_start3A_132] : memref<104x128xi32, #tpu.memory_space<vmem>> -> memref<1x128xi32, #tpu.memory_space<vmem>>
        %dma_start3A_134 = tpu.memref_squeeze %dma_start3A_133 : memref<1x128xi32, #tpu.memory_space<vmem>> -> memref<128xi32, #tpu.memory_space<vmem>>
        %dma_start3A_135 = arith.constant 0 : i32
        %dma_start3A_136 = arith.constant 0 : i32
        %dma_start3A_137 = tpu.memref_slice %arg11[%dma_start3A_135, %dma_start3A_136] : memref<10240x128xbf16, #tpu.memory_space<vmem_shared>> -> memref<10240x128xbf16, #tpu.memory_space<vmem_shared>>
        tpu.enqueue_indirect_dma source(%dma_start3A_131 : memref<128x128xbf16, #tpu.memory_space<vmem>>) target(%dma_start3A_137 : memref<10240x128xbf16, #tpu.memory_space<vmem_shared>>) offsets(%dma_start3A_134 : memref<128xi32, #tpu.memory_space<vmem>>) semaphore(%arg14 : memref<!tpu.dma_semaphore, #tpu.memory_space<semaphore_mem>>) {add = true}
        %lt3A = arith.constant 27 : i32
        %lt3A_138 = arith.cmpi slt, %scan3A_102, %lt3A : i32
        %convert_element_type3A_139 = arith.extui %lt3A_138 : i1 to i32
        %cond3A_140 = arith.constant 0 : i32
        %cond3A_141 = arith.cmpi ne, %convert_element_type3A_139, %cond3A_140 : i32
        scf.if %cond3A_141 {
          %dma_wait3A_182 = arith.constant 0 : i32
          %dma_wait3A_183 = arith.constant 0 : i32
          %dma_wait3A_184 = arith.constant 0 : i32
          %dma_wait3A_185 = tpu.memref_slice %arg10[%dma_wait3A_182, %dma_wait3A_183, %dma_wait3A_184] : memref<2x128x128xbf16, #tpu.memory_space<vmem>> -> memref<1x128x128xbf16, #tpu.memory_space<vmem>>
          %dma_wait3A_186 = tpu.memref_squeeze %dma_wait3A_185 : memref<1x128x128xbf16, #tpu.memory_space<vmem>> -> memref<128x128xbf16, #tpu.memory_space<vmem>>
          %dma_wait3A_187 = arith.constant 0 : i32
          %dma_wait3A_188 = tpu.memref_slice %arg8[%add3A_107, %dma_wait3A_187] : memref<104x128xi32, #tpu.memory_space<vmem>> -> memref<1x128xi32, #tpu.memory_space<vmem>>
          %dma_wait3A_189 = tpu.memref_squeeze %dma_wait3A_188 : memref<1x128xi32, #tpu.memory_space<vmem>> -> memref<128xi32, #tpu.memory_space<vmem>>
          %dma_wait3A_190 = arith.constant 0 : i32
          %dma_wait3A_191 = arith.constant 0 : i32
          %dma_wait3A_192 = tpu.memref_slice %arg11[%dma_wait3A_190, %dma_wait3A_191] : memref<10240x128xbf16, #tpu.memory_space<vmem_shared>> -> memref<10240x128xbf16, #tpu.memory_space<vmem_shared>>
          tpu.wait_indirect_dma semaphore(%arg14 : memref<!tpu.dma_semaphore, #tpu.memory_space<semaphore_mem>>) src(%dma_wait3A_186 : memref<128x128xbf16, #tpu.memory_space<vmem>>) dst(%dma_wait3A_192 : memref<10240x128xbf16, #tpu.memory_space<vmem_shared>>)
          %add3A_193 = arith.constant 2 : i32
          %add3A_194 = arith.addi %add3A_107, %add3A_193 : i32
          %dma_start3A_195 = arith.constant 0 : i32
          %dma_start3A_196 = arith.constant 0 : i32
          %dma_start3A_197 = arith.constant 0 : i32
          %dma_start3A_198 = tpu.memref_slice %arg10[%dma_start3A_195, %dma_start3A_196, %dma_start3A_197] : memref<2x128x128xbf16, #tpu.memory_space<vmem>> -> memref<1x128x128xbf16, #tpu.memory_space<vmem>>
          %dma_start3A_199 = tpu.memref_squeeze %dma_start3A_198 : memref<1x128x128xbf16, #tpu.memory_space<vmem>> -> memref<128x128xbf16, #tpu.memory_space<vmem>>
          %dma_start3A_200 = arith.constant 0 : i32
          %dma_start3A_201 = tpu.memref_slice %arg7[%add3A_194, %dma_start3A_200] : memref<104x128xi32, #tpu.memory_space<vmem>> -> memref<1x128xi32, #tpu.memory_space<vmem>>
          %dma_start3A_202 = tpu.memref_squeeze %dma_start3A_201 : memref<1x128xi32, #tpu.memory_space<vmem>> -> memref<128xi32, #tpu.memory_space<vmem>>
          %dma_start3A_203 = arith.constant 0 : i32
          %dma_start3A_204 = arith.constant 0 : i32
          %dma_start3A_205 = tpu.memref_slice %arg2[%dma_start3A_203, %dma_start3A_204] : memref<10000x128xbf16, #tpu.memory_space<hbm>> -> memref<10000x128xbf16, #tpu.memory_space<hbm>>
          tpu.enqueue_indirect_dma source(%dma_start3A_205 : memref<10000x128xbf16, #tpu.memory_space<hbm>>) target(%dma_start3A_199 : memref<128x128xbf16, #tpu.memory_space<vmem>>) offsets(%dma_start3A_202 : memref<128xi32, #tpu.memory_space<vmem>>) semaphore(%arg12 : memref<!tpu.dma_semaphore, #tpu.memory_space<semaphore_mem>>)
        } else {
        }
        %mul3A_142 = arith.constant 2 : i32
        %mul3A_143 = arith.muli %mul3A_142, %scan3A_102 : i32
        %add3A_144 = arith.constant 1 : i32
        %add3A_145 = arith.addi %mul3A_143, %add3A_144 : i32
        %dma_wait3A_146 = arith.constant 1 : i32
        %dma_wait3A_147 = arith.constant 0 : i32
        %dma_wait3A_148 = arith.constant 0 : i32
        %dma_wait3A_149 = tpu.memref_slice %arg10[%dma_wait3A_146, %dma_wait3A_147, %dma_wait3A_148] : memref<2x128x128xbf16, #tpu.memory_space<vmem>> -> memref<1x128x128xbf16, #tpu.memory_space<vmem>>
        %dma_wait3A_150 = tpu.memref_squeeze %dma_wait3A_149 : memref<1x128x128xbf16, #tpu.memory_space<vmem>> -> memref<128x128xbf16, #tpu.memory_space<vmem>>
        %dma_wait3A_151 = arith.constant 0 : i32
        %dma_wait3A_152 = tpu.memref_slice %arg7[%add3A_145, %dma_wait3A_151] : memref<104x128xi32, #tpu.memory_space<vmem>> -> memref<1x128xi32, #tpu.memory_space<vmem>>
        %dma_wait3A_153 = tpu.memref_squeeze %dma_wait3A_152 : memref<1x128xi32, #tpu.memory_space<vmem>> -> memref<128xi32, #tpu.memory_space<vmem>>
        %dma_wait3A_154 = arith.constant 0 : i32
        %dma_wait3A_155 = arith.constant 0 : i32
        %dma_wait3A_156 = tpu.memref_slice %arg2[%dma_wait3A_154, %dma_wait3A_155] : memref<10000x128xbf16, #tpu.memory_space<hbm>> -> memref<10000x128xbf16, #tpu.memory_space<hbm>>
        tpu.wait_indirect_dma semaphore(%arg13 : memref<!tpu.dma_semaphore, #tpu.memory_space<semaphore_mem>>) src(%dma_wait3A_156 : memref<10000x128xbf16, #tpu.memory_space<hbm>>) dst(%dma_wait3A_150 : memref<128x128xbf16, #tpu.memory_space<vmem>>)
        %broadcast_in_dim3A_157 = vector.broadcast %add3A_145 : i32 to vector<16xi32>
        %scan3A_158 = arith.constant 0 : i32
        %scan3A_159 = arith.constant 0 : i32
        %scan3A_160 = arith.constant 128 : i32
        %scan3A_161 = arith.addi %scan3A_159, %scan3A_160 : i32
        %scan3A_162 = arith.constant 1 : i32
        %scan3A_163 = scf.for %scan3A_182 = %scan3A_159 to %scan3A_161 step %scan3A_162 iter_args(%scan3A_183 = %scan3A_158) -> (i32)  : i32 {
          %broadcast_in_dim3A_184 = vector.broadcast %scan3A_182 : i32 to vector<16xi32>
          %gather3A = tpu.vector_load_idx %arg9[%broadcast_in_dim3A_157, %broadcast_in_dim3A_184] : memref<104x128xf32, #tpu.memory_space<vmem>>[vector<16xi32>, vector<16xi32>], vector<16xf32>,
          %broadcast_in_dim3A_185 = arith.constant 16 : i32
          %broadcast_in_dim3A_186 = vector.broadcast %broadcast_in_dim3A_185 : i32 to vector<16xi32>
          %broadcast_in_dim3A_187 = arith.constant 1 : i32
          %broadcast_in_dim3A_188 = vector.broadcast %broadcast_in_dim3A_187 : i32 to vector<16xi32>
          %broadcast_in_dim3A_189 = arith.constant 32767 : i32
          %broadcast_in_dim3A_190 = vector.broadcast %broadcast_in_dim3A_189 : i32 to vector<16xi32>
          %bitcast3A = vector.bitcast %gather3A : vector<16xf32> to vector<16xi32>
          %add3A_191 = arith.addi %bitcast3A, %broadcast_in_dim3A_190 : vector<16xi32>
          %shift_right_logical3A = arith.shrui %bitcast3A, %broadcast_in_dim3A_186 : vector<16xi32>
          %and3A = arith.andi %shift_right_logical3A, %broadcast_in_dim3A_188 : vector<16xi32>
          %add3A_192 = arith.addi %add3A_191, %and3A : vector<16xi32>
          %shift_right_logical3A_193 = arith.shrui %add3A_192, %broadcast_in_dim3A_186 : vector<16xi32>
          %shift_left3A = arith.shli %shift_right_logical3A_193, %broadcast_in_dim3A_186 : vector<16xi32>
          %or3A = arith.ori %shift_right_logical3A_193, %shift_left3A : vector<16xi32>
          %bitcast3A_194 = vector.bitcast %or3A : vector<16xi32> to vector<32xbf16>
          %get3A = arith.constant 1 : i32
          %get3A_195 = arith.index_cast %get3A : i32 to index
          %get3A_196 = arith.index_cast %scan3A_182 : i32 to index
          %get3A_197 = arith.constant 0 : index
          %get3A_198 = tpu.vector_load %arg10[%get3A_195, %get3A_196, %get3A_197] {strides = array<i32>} : memref<2x128x128xbf16, #tpu.memory_space<vmem>>, vector<32xbf16>,
          %mul3A_199 = arith.mulf %get3A_198, %bitcast3A_194 : vector<32xbf16>
          %swap3A = arith.constant 1 : i32
          %swap3A_200 = arith.index_cast %swap3A : i32 to index
          %swap3A_201 = arith.index_cast %scan3A_182 : i32 to index
          %swap3A_202 = arith.constant 0 : index
          %swap3A_203 = tpu.vector_load %arg10[%swap3A_200, %swap3A_201, %swap3A_202] {strides = array<i32>} : memref<2x128x128xbf16, #tpu.memory_space<vmem>>, vector<32xbf16>,
          tpu.vector_store %arg10[%swap3A_200, %swap3A_201, %swap3A_202], %mul3A_199 {strides = array<i32>} : memref<2x128x128xbf16, #tpu.memory_space<vmem>>, vector<32xbf16>,
          %get3A_204 = arith.constant 1 : i32
          %get3A_205 = arith.index_cast %get3A_204 : i32 to index
          %get3A_206 = arith.index_cast %scan3A_182 : i32 to index
          %get3A_207 = arith.constant 32 : index
          %get3A_208 = tpu.vector_load %arg10[%get3A_205, %get3A_206, %get3A_207] {strides = array<i32>} : memref<2x128x128xbf16, #tpu.memory_space<vmem>>, vector<32xbf16>,
          %mul3A_209 = arith.mulf %get3A_208, %bitcast3A_194 : vector<32xbf16>
          %swap3A_210 = arith.constant 1 : i32
          %swap3A_211 = arith.index_cast %swap3A_210 : i32 to index
          %swap3A_212 = arith.index_cast %scan3A_182 : i32 to index
          %swap3A_213 = arith.constant 32 : index
          %swap3A_214 = tpu.vector_load %arg10[%swap3A_211, %swap3A_212, %swap3A_213] {strides = array<i32>} : memref<2x128x128xbf16, #tpu.memory_space<vmem>>, vector<32xbf16>,
          tpu.vector_store %arg10[%swap3A_211, %swap3A_212, %swap3A_213], %mul3A_209 {strides = array<i32>} : memref<2x128x128xbf16, #tpu.memory_space<vmem>>, vector<32xbf16>,
          %get3A_215 = arith.constant 1 : i32
          %get3A_216 = arith.index_cast %get3A_215 : i32 to index
          %get3A_217 = arith.index_cast %scan3A_182 : i32 to index
          %get3A_218 = arith.constant 64 : index
          %get3A_219 = tpu.vector_load %arg10[%get3A_216, %get3A_217, %get3A_218] {strides = array<i32>} : memref<2x128x128xbf16, #tpu.memory_space<vmem>>, vector<32xbf16>,
          %mul3A_220 = arith.mulf %get3A_219, %bitcast3A_194 : vector<32xbf16>
          %swap3A_221 = arith.constant 1 : i32
          %swap3A_222 = arith.index_cast %swap3A_221 : i32 to index
          %swap3A_223 = arith.index_cast %scan3A_182 : i32 to index
          %swap3A_224 = arith.constant 64 : index
          %swap3A_225 = tpu.vector_load %arg10[%swap3A_222, %swap3A_223, %swap3A_224] {strides = array<i32>} : memref<2x128x128xbf16, #tpu.memory_space<vmem>>, vector<32xbf16>,
          tpu.vector_store %arg10[%swap3A_222, %swap3A_223, %swap3A_224], %mul3A_220 {strides = array<i32>} : memref<2x128x128xbf16, #tpu.memory_space<vmem>>, vector<32xbf16>,
          %get3A_226 = arith.constant 1 : i32
          %get3A_227 = arith.index_cast %get3A_226 : i32 to index
          %get3A_228 = arith.index_cast %scan3A_182 : i32 to index
          %get3A_229 = arith.constant 96 : index
          %get3A_230 = tpu.vector_load %arg10[%get3A_227, %get3A_228, %get3A_229] {strides = array<i32>} : memref<2x128x128xbf16, #tpu.memory_space<vmem>>, vector<32xbf16>,
          %mul3A_231 = arith.mulf %get3A_230, %bitcast3A_194 : vector<32xbf16>
          %swap3A_232 = arith.constant 1 : i32
          %swap3A_233 = arith.index_cast %swap3A_232 : i32 to index
          %swap3A_234 = arith.index_cast %scan3A_182 : i32 to index
          %swap3A_235 = arith.constant 96 : index
          %swap3A_236 = tpu.vector_load %arg10[%swap3A_233, %swap3A_234, %swap3A_235] {strides = array<i32>} : memref<2x128x128xbf16, #tpu.memory_space<vmem>>, vector<32xbf16>,
          tpu.vector_store %arg10[%swap3A_233, %swap3A_234, %swap3A_235], %mul3A_231 {strides = array<i32>} : memref<2x128x128xbf16, #tpu.memory_space<vmem>>, vector<32xbf16>,
          %scan3A_237 = arith.constant 0 : i32
          scf.yield %scan3A_237 : i32
        }
        %scan3A_164 = arith.constant 128 : i32
        %dma_start3A_165 = arith.constant 1 : i32
        %dma_start3A_166 = arith.constant 0 : i32
        %dma_start3A_167 = arith.constant 0 : i32
        %dma_start3A_168 = tpu.memref_slice %arg10[%dma_start3A_165, %dma_start3A_166, %dma_start3A_167] : memref<2x128x128xbf16, #tpu.memory_space<vmem>> -> memref<1x128x128xbf16, #tpu.memory_space<vmem>>
        %dma_start3A_169 = tpu.memref_squeeze %dma_start3A_168 : memref<1x128x128xbf16, #tpu.memory_space<vmem>> -> memref<128x128xbf16, #tpu.memory_space<vmem>>
        %dma_start3A_170 = arith.constant 0 : i32
        %dma_start3A_171 = tpu.memref_slice %arg8[%add3A_145, %dma_start3A_170] : memref<104x128xi32, #tpu.memory_space<vmem>> -> memref<1x128xi32, #tpu.memory_space<vmem>>
        %dma_start3A_172 = tpu.memref_squeeze %dma_start3A_171 : memref<1x128xi32, #tpu.memory_space<vmem>> -> memref<128xi32, #tpu.memory_space<vmem>>
        %dma_start3A_173 = arith.constant 0 : i32
        %dma_start3A_174 = arith.constant 0 : i32
        %dma_start3A_175 = tpu.memref_slice %arg11[%dma_start3A_173, %dma_start3A_174] : memref<10240x128xbf16, #tpu.memory_space<vmem_shared>> -> memref<10240x128xbf16, #tpu.memory_space<vmem_shared>>
        tpu.enqueue_indirect_dma source(%dma_start3A_169 : memref<128x128xbf16, #tpu.memory_space<vmem>>) target(%dma_start3A_175 : memref<10240x128xbf16, #tpu.memory_space<vmem_shared>>) offsets(%dma_start3A_172 : memref<128xi32, #tpu.memory_space<vmem>>) semaphore(%arg15 : memref<!tpu.dma_semaphore, #tpu.memory_space<semaphore_mem>>) {add = true}
        %lt3A_176 = arith.constant 27 : i32
        %lt3A_177 = arith.cmpi slt, %scan3A_102, %lt3A_176 : i32
        %convert_element_type3A_178 = arith.extui %lt3A_177 : i1 to i32
        %cond3A_179 = arith.constant 0 : i32
        %cond3A_180 = arith.cmpi ne, %convert_element_type3A_178, %cond3A_179 : i32
        scf.if %cond3A_180 {
          %dma_wait3A_182 = arith.constant 1 : i32
          %dma_wait3A_183 = arith.constant 0 : i32
          %dma_wait3A_184 = arith.constant 0 : i32
          %dma_wait3A_185 = tpu.memref_slice %arg10[%dma_wait3A_182, %dma_wait3A_183, %dma_wait3A_184] : memref<2x128x128xbf16, #tpu.memory_space<vmem>> -> memref<1x128x128xbf16, #tpu.memory_space<vmem>>
          %dma_wait3A_186 = tpu.memref_squeeze %dma_wait3A_185 : memref<1x128x128xbf16, #tpu.memory_space<vmem>> -> memref<128x128xbf16, #tpu.memory_space<vmem>>
          %dma_wait3A_187 = arith.constant 0 : i32
          %dma_wait3A_188 = tpu.memref_slice %arg8[%add3A_145, %dma_wait3A_187] : memref<104x128xi32, #tpu.memory_space<vmem>> -> memref<1x128xi32, #tpu.memory_space<vmem>>
          %dma_wait3A_189 = tpu.memref_squeeze %dma_wait3A_188 : memref<1x128xi32, #tpu.memory_space<vmem>> -> memref<128xi32, #tpu.memory_space<vmem>>
          %dma_wait3A_190 = arith.constant 0 : i32
          %dma_wait3A_191 = arith.constant 0 : i32
          %dma_wait3A_192 = tpu.memref_slice %arg11[%dma_wait3A_190, %dma_wait3A_191] : memref<10240x128xbf16, #tpu.memory_space<vmem_shared>> -> memref<10240x128xbf16, #tpu.memory_space<vmem_shared>>
          tpu.wait_indirect_dma semaphore(%arg15 : memref<!tpu.dma_semaphore, #tpu.memory_space<semaphore_mem>>) src(%dma_wait3A_186 : memref<128x128xbf16, #tpu.memory_space<vmem>>) dst(%dma_wait3A_192 : memref<10240x128xbf16, #tpu.memory_space<vmem_shared>>)
          %add3A_193 = arith.constant 2 : i32
          %add3A_194 = arith.addi %add3A_145, %add3A_193 : i32
          %dma_start3A_195 = arith.constant 1 : i32
          %dma_start3A_196 = arith.constant 0 : i32
          %dma_start3A_197 = arith.constant 0 : i32
          %dma_start3A_198 = tpu.memref_slice %arg10[%dma_start3A_195, %dma_start3A_196, %dma_start3A_197] : memref<2x128x128xbf16, #tpu.memory_space<vmem>> -> memref<1x128x128xbf16, #tpu.memory_space<vmem>>
          %dma_start3A_199 = tpu.memref_squeeze %dma_start3A_198 : memref<1x128x128xbf16, #tpu.memory_space<vmem>> -> memref<128x128xbf16, #tpu.memory_space<vmem>>
          %dma_start3A_200 = arith.constant 0 : i32
          %dma_start3A_201 = tpu.memref_slice %arg7[%add3A_194, %dma_start3A_200] : memref<104x128xi32, #tpu.memory_space<vmem>> -> memref<1x128xi32, #tpu.memory_space<vmem>>
          %dma_start3A_202 = tpu.memref_squeeze %dma_start3A_201 : memref<1x128xi32, #tpu.memory_space<vmem>> -> memref<128xi32, #tpu.memory_space<vmem>>
          %dma_start3A_203 = arith.constant 0 : i32
          %dma_start3A_204 = arith.constant 0 : i32
          %dma_start3A_205 = tpu.memref_slice %arg2[%dma_start3A_203, %dma_start3A_204] : memref<10000x128xbf16, #tpu.memory_space<hbm>> -> memref<10000x128xbf16, #tpu.memory_space<hbm>>
          tpu.enqueue_indirect_dma source(%dma_start3A_205 : memref<10000x128xbf16, #tpu.memory_space<hbm>>) target(%dma_start3A_199 : memref<128x128xbf16, #tpu.memory_space<vmem>>) offsets(%dma_start3A_202 : memref<128xi32, #tpu.memory_space<vmem>>) semaphore(%arg13 : memref<!tpu.dma_semaphore, #tpu.memory_space<semaphore_mem>>)
        } else {
        }
        %scan3A_181 = arith.constant 0 : i32
        scf.yield %scan3A_181 : i32
      }
      %scan3A_78 = arith.constant 28 : i32
      %dma_wait3A = arith.constant 0 : i32
      %dma_wait3A_79 = arith.constant 54 : i32
      %dma_wait3A_80 = arith.constant 0 : i32
      %dma_wait3A_81 = arith.constant 0 : i32
      %dma_wait3A_82 = tpu.memref_slice %arg10[%dma_wait3A, %dma_wait3A_80, %dma_wait3A_81] : memref<2x128x128xbf16, #tpu.memory_space<vmem>> -> memref<1x128x128xbf16, #tpu.memory_space<vmem>>
      %dma_wait3A_83 = tpu.memref_squeeze %dma_wait3A_82 : memref<1x128x128xbf16, #tpu.memory_space<vmem>> -> memref<128x128xbf16, #tpu.memory_space<vmem>>
      %dma_wait3A_84 = arith.constant 0 : i32
      %dma_wait3A_85 = tpu.memref_slice %arg8[%dma_wait3A_79, %dma_wait3A_84] : memref<104x128xi32, #tpu.memory_space<vmem>> -> memref<1x128xi32, #tpu.memory_space<vmem>>
      %dma_wait3A_86 = tpu.memref_squeeze %dma_wait3A_85 : memref<1x128xi32, #tpu.memory_space<vmem>> -> memref<128xi32, #tpu.memory_space<vmem>>
      %dma_wait3A_87 = arith.constant 0 : i32
      %dma_wait3A_88 = arith.constant 0 : i32
      %dma_wait3A_89 = tpu.memref_slice %arg11[%dma_wait3A_87, %dma_wait3A_88] : memref<10240x128xbf16, #tpu.memory_space<vmem_shared>> -> memref<10240x128xbf16, #tpu.memory_space<vmem_shared>>
      tpu.wait_indirect_dma semaphore(%arg14 : memref<!tpu.dma_semaphore, #tpu.memory_space<semaphore_mem>>) src(%dma_wait3A_83 : memref<128x128xbf16, #tpu.memory_space<vmem>>) dst(%dma_wait3A_89 : memref<10240x128xbf16, #tpu.memory_space<vmem_shared>>)
      %dma_wait3A_90 = arith.constant 1 : i32
      %dma_wait3A_91 = arith.constant 55 : i32
      %dma_wait3A_92 = arith.constant 0 : i32
      %dma_wait3A_93 = arith.constant 0 : i32
      %dma_wait3A_94 = tpu.memref_slice %arg10[%dma_wait3A_90, %dma_wait3A_92, %dma_wait3A_93] : memref<2x128x128xbf16, #tpu.memory_space<vmem>> -> memref<1x128x128xbf16, #tpu.memory_space<vmem>>
      %dma_wait3A_95 = tpu.memref_squeeze %dma_wait3A_94 : memref<1x128x128xbf16, #tpu.memory_space<vmem>> -> memref<128x128xbf16, #tpu.memory_space<vmem>>
      %dma_wait3A_96 = arith.constant 0 : i32
      %dma_wait3A_97 = tpu.memref_slice %arg8[%dma_wait3A_91, %dma_wait3A_96] : memref<104x128xi32, #tpu.memory_space<vmem>> -> memref<1x128xi32, #tpu.memory_space<vmem>>
      %dma_wait3A_98 = tpu.memref_squeeze %dma_wait3A_97 : memref<1x128xi32, #tpu.memory_space<vmem>> -> memref<128xi32, #tpu.memory_space<vmem>>
      %dma_wait3A_99 = arith.constant 0 : i32
      %dma_wait3A_100 = arith.constant 0 : i32
      %dma_wait3A_101 = tpu.memref_slice %arg11[%dma_wait3A_99, %dma_wait3A_100] : memref<10240x128xbf16, #tpu.memory_space<vmem_shared>> -> memref<10240x128xbf16, #tpu.memory_space<vmem_shared>>
      tpu.wait_indirect_dma semaphore(%arg15 : memref<!tpu.dma_semaphore, #tpu.memory_space<semaphore_mem>>) src(%dma_wait3A_95 : memref<128x128xbf16, #tpu.memory_space<vmem>>) dst(%dma_wait3A_101 : memref<10240x128xbf16, #tpu.memory_space<vmem_shared>>)
    } else {
    }
    %barrier3A_28 = arith.constant 0 : index
    tpu.barrier barrier_id(%barrier3A_28)
    %add3A_29 = arith.constant 0 : i32
    %add3A_30 = arith.addi %mul3A_7, %add3A_29 : i32
    %add3A_31 = arith.constant 0 : i32
    %add3A_32 = arith.addi %mul3A_7, %add3A_31 : i32
    "tpu.region"() ({
      %run_scoped3A_49 = tpu.sem_alloc : memref<!tpu.dma_semaphore, #tpu.memory_space<semaphore_mem>>
      %dma_start3A = arith.constant 0 : i32
      %dma_start3A_50 = tpu.memref_slice %arg6[%arg0, %add3A_32, %dma_start3A] : memref<2x10240x128xbf16, #tpu.memory_space<hbm>> -> memref<1x128x128xbf16, #tpu.memory_space<hbm>>
      %dma_start3A_51 = tpu.memref_squeeze %dma_start3A_50 : memref<1x128x128xbf16, #tpu.memory_space<hbm>> -> memref<128x128xbf16, #tpu.memory_space<hbm>>
      %dma_start3A_52 = arith.constant 0 : i32
      %dma_start3A_53 = tpu.memref_slice %arg11[%add3A_30, %dma_start3A_52] : memref<10240x128xbf16, #tpu.memory_space<vmem_shared>> -> memref<128x128xbf16, #tpu.memory_space<vmem_shared>>
      tpu.enqueue_dma source(%dma_start3A_53 : memref<128x128xbf16, #tpu.memory_space<vmem_shared>>) target(%dma_start3A_51 : memref<128x128xbf16, #tpu.memory_space<hbm>>) target_semaphore(%run_scoped3A_49 : memref<!tpu.dma_semaphore, #tpu.memory_space<semaphore_mem>>)
      %dma_wait3A = arith.constant 0 : i32
      %dma_wait3A_54 = tpu.memref_slice %arg6[%arg0, %add3A_32, %dma_wait3A] : memref<2x10240x128xbf16, #tpu.memory_space<hbm>> -> memref<1x128x128xbf16, #tpu.memory_space<hbm>>
      %dma_wait3A_55 = tpu.memref_squeeze %dma_wait3A_54 : memref<1x128x128xbf16, #tpu.memory_space<hbm>> -> memref<128x128xbf16, #tpu.memory_space<hbm>>
      %dma_wait3A_56 = arith.constant 0 : i32
      %dma_wait3A_57 = tpu.memref_slice %arg11[%add3A_30, %dma_wait3A_56] : memref<10240x128xbf16, #tpu.memory_space<vmem_shared>> -> memref<128x128xbf16, #tpu.memory_space<vmem_shared>>
      tpu.wait_dma2 semaphore(%run_scoped3A_49 : memref<!tpu.dma_semaphore, #tpu.memory_space<semaphore_mem>>) src(%dma_wait3A_57 : memref<128x128xbf16, #tpu.memory_space<vmem_shared>>) dst(%dma_wait3A_55 : memref<128x128xbf16, #tpu.memory_space<hbm>>)
      tpu.yield
    }) : () -> ()
    %add3A_33 = arith.constant 128 : i32
    %add3A_34 = arith.addi %mul3A_7, %add3A_33 : i32
    %add3A_35 = arith.constant 128 : i32
    %add3A_36 = arith.addi %mul3A_7, %add3A_35 : i32
    "tpu.region"() ({
      %run_scoped3A_49 = tpu.sem_alloc : memref<!tpu.dma_semaphore, #tpu.memory_space<semaphore_mem>>
      %dma_start3A = arith.constant 0 : i32
      %dma_start3A_50 = tpu.memref_slice %arg6[%arg0, %add3A_36, %dma_start3A] : memref<2x10240x128xbf16, #tpu.memory_space<hbm>> -> memref<1x128x128xbf16, #tpu.memory_space<hbm>>
      %dma_start3A_51 = tpu.memref_squeeze %dma_start3A_50 : memref<1x128x128xbf16, #tpu.memory_space<hbm>> -> memref<128x128xbf16, #tpu.memory_space<hbm>>
      %dma_start3A_52 = arith.constant 0 : i32
      %dma_start3A_53 = tpu.memref_slice %arg11[%add3A_34, %dma_start3A_52] : memref<10240x128xbf16, #tpu.memory_space<vmem_shared>> -> memref<128x128xbf16, #tpu.memory_space<vmem_shared>>
      tpu.enqueue_dma source(%dma_start3A_53 : memref<128x128xbf16, #tpu.memory_space<vmem_shared>>) target(%dma_start3A_51 : memref<128x128xbf16, #tpu.memory_space<hbm>>) target_semaphore(%run_scoped3A_49 : memref<!tpu.dma_semaphore, #tpu.memory_space<semaphore_mem>>)
      %dma_wait3A = arith.constant 0 : i32
      %dma_wait3A_54 = tpu.memref_slice %arg6[%arg0, %add3A_36, %dma_wait3A] : memref<2x10240x128xbf16, #tpu.memory_space<hbm>> -> memref<1x128x128xbf16, #tpu.memory_space<hbm>>
      %dma_wait3A_55 = tpu.memref_squeeze %dma_wait3A_54 : memref<1x128x128xbf16, #tpu.memory_space<hbm>> -> memref<128x128xbf16, #tpu.memory_space<hbm>>
      %dma_wait3A_56 = arith.constant 0 : i32
      %dma_wait3A_57 = tpu.memref_slice %arg11[%add3A_34, %dma_wait3A_56] : memref<10240x128xbf16, #tpu.memory_space<vmem_shared>> -> memref<128x128xbf16, #tpu.memory_space<vmem_shared>>
      tpu.wait_dma2 semaphore(%run_scoped3A_49 : memref<!tpu.dma_semaphore, #tpu.memory_space<semaphore_mem>>) src(%dma_wait3A_57 : memref<128x128xbf16, #tpu.memory_space<vmem_shared>>) dst(%dma_wait3A_55 : memref<128x128xbf16, #tpu.memory_space<hbm>>)
      tpu.yield
    }) : () -> ()
    %add3A_37 = arith.constant 256 : i32
    %add3A_38 = arith.addi %mul3A_7, %add3A_37 : i32
    %add3A_39 = arith.constant 256 : i32
    %add3A_40 = arith.addi %mul3A_7, %add3A_39 : i32
    "tpu.region"() ({
      %run_scoped3A_49 = tpu.sem_alloc : memref<!tpu.dma_semaphore, #tpu.memory_space<semaphore_mem>>
      %dma_start3A = arith.constant 0 : i32
      %dma_start3A_50 = tpu.memref_slice %arg6[%arg0, %add3A_40, %dma_start3A] : memref<2x10240x128xbf16, #tpu.memory_space<hbm>> -> memref<1x128x128xbf16, #tpu.memory_space<hbm>>
      %dma_start3A_51 = tpu.memref_squeeze %dma_start3A_50 : memref<1x128x128xbf16, #tpu.memory_space<hbm>> -> memref<128x128xbf16, #tpu.memory_space<hbm>>
      %dma_start3A_52 = arith.constant 0 : i32
      %dma_start3A_53 = tpu.memref_slice %arg11[%add3A_38, %dma_start3A_52] : memref<10240x128xbf16, #tpu.memory_space<vmem_shared>> -> memref<128x128xbf16, #tpu.memory_space<vmem_shared>>
      tpu.enqueue_dma source(%dma_start3A_53 : memref<128x128xbf16, #tpu.memory_space<vmem_shared>>) target(%dma_start3A_51 : memref<128x128xbf16, #tpu.memory_space<hbm>>) target_semaphore(%run_scoped3A_49 : memref<!tpu.dma_semaphore, #tpu.memory_space<semaphore_mem>>)
      %dma_wait3A = arith.constant 0 : i32
      %dma_wait3A_54 = tpu.memref_slice %arg6[%arg0, %add3A_40, %dma_wait3A] : memref<2x10240x128xbf16, #tpu.memory_space<hbm>> -> memref<1x128x128xbf16, #tpu.memory_space<hbm>>
      %dma_wait3A_55 = tpu.memref_squeeze %dma_wait3A_54 : memref<1x128x128xbf16, #tpu.memory_space<hbm>> -> memref<128x128xbf16, #tpu.memory_space<hbm>>
      %dma_wait3A_56 = arith.constant 0 : i32
      %dma_wait3A_57 = tpu.memref_slice %arg11[%add3A_38, %dma_wait3A_56] : memref<10240x128xbf16, #tpu.memory_space<vmem_shared>> -> memref<128x128xbf16, #tpu.memory_space<vmem_shared>>
      tpu.wait_dma2 semaphore(%run_scoped3A_49 : memref<!tpu.dma_semaphore, #tpu.memory_space<semaphore_mem>>) src(%dma_wait3A_57 : memref<128x128xbf16, #tpu.memory_space<vmem_shared>>) dst(%dma_wait3A_55 : memref<128x128xbf16, #tpu.memory_space<hbm>>)
      tpu.yield
    }) : () -> ()
    %add3A_41 = arith.constant 384 : i32
    %add3A_42 = arith.addi %mul3A_7, %add3A_41 : i32
    %add3A_43 = arith.constant 384 : i32
    %add3A_44 = arith.addi %mul3A_7, %add3A_43 : i32
    "tpu.region"() ({
      %run_scoped3A_49 = tpu.sem_alloc : memref<!tpu.dma_semaphore, #tpu.memory_space<semaphore_mem>>
      %dma_start3A = arith.constant 0 : i32
      %dma_start3A_50 = tpu.memref_slice %arg6[%arg0, %add3A_44, %dma_start3A] : memref<2x10240x128xbf16, #tpu.memory_space<hbm>> -> memref<1x128x128xbf16, #tpu.memory_space<hbm>>
      %dma_start3A_51 = tpu.memref_squeeze %dma_start3A_50 : memref<1x128x128xbf16, #tpu.memory_space<hbm>> -> memref<128x128xbf16, #tpu.memory_space<hbm>>
      %dma_start3A_52 = arith.constant 0 : i32
      %dma_start3A_53 = tpu.memref_slice %arg11[%add3A_42, %dma_start3A_52] : memref<10240x128xbf16, #tpu.memory_space<vmem_shared>> -> memref<128x128xbf16, #tpu.memory_space<vmem_shared>>
      tpu.enqueue_dma source(%dma_start3A_53 : memref<128x128xbf16, #tpu.memory_space<vmem_shared>>) target(%dma_start3A_51 : memref<128x128xbf16, #tpu.memory_space<hbm>>) target_semaphore(%run_scoped3A_49 : memref<!tpu.dma_semaphore, #tpu.memory_space<semaphore_mem>>)
      %dma_wait3A = arith.constant 0 : i32
      %dma_wait3A_54 = tpu.memref_slice %arg6[%arg0, %add3A_44, %dma_wait3A] : memref<2x10240x128xbf16, #tpu.memory_space<hbm>> -> memref<1x128x128xbf16, #tpu.memory_space<hbm>>
      %dma_wait3A_55 = tpu.memref_squeeze %dma_wait3A_54 : memref<1x128x128xbf16, #tpu.memory_space<hbm>> -> memref<128x128xbf16, #tpu.memory_space<hbm>>
      %dma_wait3A_56 = arith.constant 0 : i32
      %dma_wait3A_57 = tpu.memref_slice %arg11[%add3A_42, %dma_wait3A_56] : memref<10240x128xbf16, #tpu.memory_space<vmem_shared>> -> memref<128x128xbf16, #tpu.memory_space<vmem_shared>>
      tpu.wait_dma2 semaphore(%run_scoped3A_49 : memref<!tpu.dma_semaphore, #tpu.memory_space<semaphore_mem>>) src(%dma_wait3A_57 : memref<128x128xbf16, #tpu.memory_space<vmem_shared>>) dst(%dma_wait3A_55 : memref<128x128xbf16, #tpu.memory_space<hbm>>)
      tpu.yield
    }) : () -> ()
    %add3A_45 = arith.constant 512 : i32
    %add3A_46 = arith.addi %mul3A_7, %add3A_45 : i32
    %add3A_47 = arith.constant 512 : i32
    %add3A_48 = arith.addi %mul3A_7, %add3A_47 : i32
    "tpu.region"() ({
      %run_scoped3A_49 = tpu.sem_alloc : memref<!tpu.dma_semaphore, #tpu.memory_space<semaphore_mem>>
      %dma_start3A = arith.constant 0 : i32
      %dma_start3A_50 = tpu.memref_slice %arg6[%arg0, %add3A_48, %dma_start3A] : memref<2x10240x128xbf16, #tpu.memory_space<hbm>> -> memref<1x128x128xbf16, #tpu.memory_space<hbm>>
      %dma_start3A_51 = tpu.memref_squeeze %dma_start3A_50 : memref<1x128x128xbf16, #tpu.memory_space<hbm>> -> memref<128x128xbf16, #tpu.memory_space<hbm>>
      %dma_start3A_52 = arith.constant 0 : i32
      %dma_start3A_53 = tpu.memref_slice %arg11[%add3A_46, %dma_start3A_52] : memref<10240x128xbf16, #tpu.memory_space<vmem_shared>> -> memref<128x128xbf16, #tpu.memory_space<vmem_shared>>
      tpu.enqueue_dma source(%dma_start3A_53 : memref<128x128xbf16, #tpu.memory_space<vmem_shared>>) target(%dma_start3A_51 : memref<128x128xbf16, #tpu.memory_space<hbm>>) target_semaphore(%run_scoped3A_49 : memref<!tpu.dma_semaphore, #tpu.memory_space<semaphore_mem>>)
      %dma_wait3A = arith.constant 0 : i32
      %dma_wait3A_54 = tpu.memref_slice %arg6[%arg0, %add3A_48, %dma_wait3A] : memref<2x10240x128xbf16, #tpu.memory_space<hbm>> -> memref<1x128x128xbf16, #tpu.memory_space<hbm>>
      %dma_wait3A_55 = tpu.memref_squeeze %dma_wait3A_54 : memref<1x128x128xbf16, #tpu.memory_space<hbm>> -> memref<128x128xbf16, #tpu.memory_space<hbm>>
      %dma_wait3A_56 = arith.constant 0 : i32
      %dma_wait3A_57 = tpu.memref_slice %arg11[%add3A_46, %dma_wait3A_56] : memref<10240x128xbf16, #tpu.memory_space<vmem_shared>> -> memref<128x128xbf16, #tpu.memory_space<vmem_shared>>
      tpu.wait_dma2 semaphore(%run_scoped3A_49 : memref<!tpu.dma_semaphore, #tpu.memory_space<semaphore_mem>>) src(%dma_wait3A_57 : memref<128x128xbf16, #tpu.memory_space<vmem_shared>>) dst(%dma_wait3A_55 : memref<128x128xbf16, #tpu.memory_space<hbm>>)
      tpu.yield
    }) : () -> ()
    return
  }
}

#map = affine_map<(d0, d1) -> (0, 0)>
#map1 = affine_map<(d0, d1) -> (0, 0, 0)>
module attributes {stable_mosaic.version = 14 : i64} {
  func.func @_msg_body(%arg0: i32, %arg1: i32, %arg2: memref<10000x128xbf16, #tpu.memory_space<hbm>>, %arg3: memref<16x160x128xi32, #tpu.memory_space<hbm>>, %arg4: memref<16x160x128xi32, #tpu.memory_space<hbm>>, %arg5: memref<16x160x128xf32, #tpu.memory_space<hbm>>, %arg6: memref<2x10240x128xbf16, #tpu.memory_space<hbm>>, %arg7: memref<104x128xi32, #tpu.memory_space<vmem>>, %arg8: memref<104x128xi32, #tpu.memory_space<vmem>>, %arg9: memref<104x128xf32, #tpu.memory_space<vmem>>, %arg10: memref<2x128x128xbf16, #tpu.memory_space<vmem>>, %arg11: memref<10240x128xbf16, #tpu.memory_space<vmem_shared>>, %arg12: memref<!tpu.dma_semaphore, #tpu.memory_space<semaphore_mem>>, %arg13: memref<!tpu.dma_semaphore, #tpu.memory_space<semaphore_mem>>, %arg14: memref<!tpu.dma_semaphore, #tpu.memory_space<semaphore_mem>>, %arg15: memref<!tpu.dma_semaphore, #tpu.memory_space<semaphore_mem>>) attributes {dimension_semantics = [#tpu.dimension_semantics<core_parallel>, #tpu.dimension_semantics<subcore_parallel>], iteration_bounds = array<i64: 2, 16>, scalar_prefetch = 0 : i64, scratch_operands = 9 : i64, tpu.core_type = #tpu.core_type<sc_vector_subcore>, window_params = [{transform_indices = #map}, {transform_indices = #map1}, {transform_indices = #map1}, {transform_indices = #map1}, {transform_indices = #map1}]} {
    %broadcast_in_dim3A = arith.constant 0.000000e+00 : bf16
    %broadcast_in_dim3A_0 = vector.broadcast %broadcast_in_dim3A : bf16 to vector<32xbf16>
    %scan3A = arith.constant 0 : i32
    %scan3A_1 = arith.constant 0 : i32
    %scan3A_2 = arith.constant 128 : i32
    %scan3A_3 = arith.addi %scan3A_1, %scan3A_2 : i32
    %scan3A_4 = arith.constant 1 : i32
    %scan3A_5 = scf.for %scan3A_49 = %scan3A_1 to %scan3A_3 step %scan3A_4 iter_args(%scan3A_50 = %scan3A) -> (i32)  : i32 {
      %swap3A = arith.constant 0 : i32
      %swap3A_51 = arith.index_cast %swap3A : i32 to index
      %swap3A_52 = arith.index_cast %scan3A_49 : i32 to index
      %swap3A_53 = arith.constant 0 : index
      %swap3A_54 = tpu.vector_load %arg10[%swap3A_51, %swap3A_52, %swap3A_53] {strides = array<i32>} : memref<2x128x128xbf16, #tpu.memory_space<vmem>>, vector<32xbf16>,
      tpu.vector_store %arg10[%swap3A_51, %swap3A_52, %swap3A_53], %broadcast_in_dim3A_0 {strides = array<i32>} : memref<2x128x128xbf16, #tpu.memory_space<vmem>>, vector<32xbf16>,
      %swap3A_55 = arith.constant 0 : i32
      %swap3A_56 = arith.index_cast %swap3A_55 : i32 to index
      %swap3A_57 = arith.index_cast %scan3A_49 : i32 to index
      %swap3A_58 = arith.constant 32 : index
      %swap3A_59 = tpu.vector_load %arg10[%swap3A_56, %swap3A_57, %swap3A_58] {strides = array<i32>} : memref<2x128x128xbf16, #tpu.memory_space<vmem>>, vector<32xbf16>,
      tpu.vector_store %arg10[%swap3A_56, %swap3A_57, %swap3A_58], %broadcast_in_dim3A_0 {strides = array<i32>} : memref<2x128x128xbf16, #tpu.memory_space<vmem>>, vector<32xbf16>,
      %swap3A_60 = arith.constant 0 : i32
      %swap3A_61 = arith.index_cast %swap3A_60 : i32 to index
      %swap3A_62 = arith.index_cast %scan3A_49 : i32 to index
      %swap3A_63 = arith.constant 64 : index
      %swap3A_64 = tpu.vector_load %arg10[%swap3A_61, %swap3A_62, %swap3A_63] {strides = array<i32>} : memref<2x128x128xbf16, #tpu.memory_space<vmem>>, vector<32xbf16>,
      tpu.vector_store %arg10[%swap3A_61, %swap3A_62, %swap3A_63], %broadcast_in_dim3A_0 {strides = array<i32>} : memref<2x128x128xbf16, #tpu.memory_space<vmem>>, vector<32xbf16>,
      %swap3A_65 = arith.constant 0 : i32
      %swap3A_66 = arith.index_cast %swap3A_65 : i32 to index
      %swap3A_67 = arith.index_cast %scan3A_49 : i32 to index
      %swap3A_68 = arith.constant 96 : index
      %swap3A_69 = tpu.vector_load %arg10[%swap3A_66, %swap3A_67, %swap3A_68] {strides = array<i32>} : memref<2x128x128xbf16, #tpu.memory_space<vmem>>, vector<32xbf16>,
      tpu.vector_store %arg10[%swap3A_66, %swap3A_67, %swap3A_68], %broadcast_in_dim3A_0 {strides = array<i32>} : memref<2x128x128xbf16, #tpu.memory_space<vmem>>, vector<32xbf16>,
      %scan3A_70 = arith.constant 0 : i32
      scf.yield %scan3A_70 : i32
    }
    %scan3A_6 = arith.constant 128 : i32
    %mul3A = arith.constant 640 : i32
    %mul3A_7 = arith.muli %arg1, %mul3A : i32
    %add3A = arith.constant 0 : i32
    %add3A_8 = arith.addi %mul3A_7, %add3A : i32
    %run_scoped3A = arith.constant 0 : i32
    "tpu.region"() ({
      %run_scoped3A_49 = tpu.sem_alloc : memref<!tpu.dma_semaphore, #tpu.memory_space<semaphore_mem>>
      %dma_start3A = arith.constant 0 : i32
      %dma_start3A_50 = arith.constant 0 : i32
      %dma_start3A_51 = tpu.memref_slice %arg10[%run_scoped3A, %dma_start3A, %dma_start3A_50] : memref<2x128x128xbf16, #tpu.memory_space<vmem>> -> memref<1x128x128xbf16, #tpu.memory_space<vmem>>
      %dma_start3A_52 = tpu.memref_squeeze %dma_start3A_51 : memref<1x128x128xbf16, #tpu.memory_space<vmem>> -> memref<128x128xbf16, #tpu.memory_space<vmem>>
      %dma_start3A_53 = arith.constant 0 : i32
      %dma_start3A_54 = tpu.memref_slice %arg11[%add3A_8, %dma_start3A_53] : memref<10240x128xbf16, #tpu.memory_space<vmem_shared>> -> memref<128x128xbf16, #tpu.memory_space<vmem_shared>>
      %dma_start3A_55 = arith.constant 0 : i32
      %dma_start3A_56 = tpu.memref_slice %arg11[%add3A_8, %dma_start3A_55] : memref<10240x128xbf16, #tpu.memory_space<vmem_shared>> -> memref<128x128xbf16, #tpu.memory_space<vmem_shared>>
      %dma_start3A_57 = arith.constant 0 : i32
      %dma_start3A_58 = arith.constant 0 : i32
      %dma_start3A_59 = tpu.memref_slice %arg10[%run_scoped3A, %dma_start3A_57, %dma_start3A_58] : memref<2x128x128xbf16, #tpu.memory_space<vmem>> -> memref<1x128x128xbf16, #tpu.memory_space<vmem>>
      %dma_start3A_60 = tpu.memref_squeeze %dma_start3A_59 : memref<1x128x128xbf16, #tpu.memory_space<vmem>> -> memref<128x128xbf16, #tpu.memory_space<vmem>>
      tpu.enqueue_dma source(%dma_start3A_60 : memref<128x128xbf16, #tpu.memory_space<vmem>>) target(%dma_start3A_56 : memref<128x128xbf16, #tpu.memory_space<vmem_shared>>) target_semaphore(%run_scoped3A_49 : memref<!tpu.dma_semaphore, #tpu.memory_space<semaphore_mem>>)
      %dma_wait3A = arith.constant 0 : i32
      %dma_wait3A_61 = arith.constant 0 : i32
      %dma_wait3A_62 = tpu.memref_slice %arg10[%run_scoped3A, %dma_wait3A, %dma_wait3A_61] : memref<2x128x128xbf16, #tpu.memory_space<vmem>> -> memref<1x128x128xbf16, #tpu.memory_space<vmem>>
      %dma_wait3A_63 = tpu.memref_squeeze %dma_wait3A_62 : memref<1x128x128xbf16, #tpu.memory_space<vmem>> -> memref<128x128xbf16, #tpu.memory_space<vmem>>
      %dma_wait3A_64 = arith.constant 0 : i32
      %dma_wait3A_65 = tpu.memref_slice %arg11[%add3A_8, %dma_wait3A_64] : memref<10240x128xbf16, #tpu.memory_space<vmem_shared>> -> memref<128x128xbf16, #tpu.memory_space<vmem_shared>>
      %dma_wait3A_66 = arith.constant 0 : i32
      %dma_wait3A_67 = tpu.memref_slice %arg11[%add3A_8, %dma_wait3A_66] : memref<10240x128xbf16, #tpu.memory_space<vmem_shared>> -> memref<128x128xbf16, #tpu.memory_space<vmem_shared>>
      %dma_wait3A_68 = arith.constant 0 : i32
      %dma_wait3A_69 = arith.constant 0 : i32
      %dma_wait3A_70 = tpu.memref_slice %arg10[%run_scoped3A, %dma_wait3A_68, %dma_wait3A_69] : memref<2x128x128xbf16, #tpu.memory_space<vmem>> -> memref<1x128x128xbf16, #tpu.memory_space<vmem>>
      %dma_wait3A_71 = tpu.memref_squeeze %dma_wait3A_70 : memref<1x128x128xbf16, #tpu.memory_space<vmem>> -> memref<128x128xbf16, #tpu.memory_space<vmem>>
      tpu.wait_dma2 semaphore(%run_scoped3A_49 : memref<!tpu.dma_semaphore, #tpu.memory_space<semaphore_mem>>) src(%dma_wait3A_71 : memref<128x128xbf16, #tpu.memory_space<vmem>>) dst(%dma_wait3A_67 : memref<128x128xbf16, #tpu.memory_space<vmem_shared>>)
      tpu.yield
    }) : () -> ()
    %add3A_9 = arith.constant 128 : i32
    %add3A_10 = arith.addi %mul3A_7, %add3A_9 : i32
    %run_scoped3A_11 = arith.constant 0 : i32
    "tpu.region"() ({
      %run_scoped3A_49 = tpu.sem_alloc : memref<!tpu.dma_semaphore, #tpu.memory_space<semaphore_mem>>
      %dma_start3A = arith.constant 0 : i32
      %dma_start3A_50 = arith.constant 0 : i32
      %dma_start3A_51 = tpu.memref_slice %arg10[%run_scoped3A_11, %dma_start3A, %dma_start3A_50] : memref<2x128x128xbf16, #tpu.memory_space<vmem>> -> memref<1x128x128xbf16, #tpu.memory_space<vmem>>
      %dma_start3A_52 = tpu.memref_squeeze %dma_start3A_51 : memref<1x128x128xbf16, #tpu.memory_space<vmem>> -> memref<128x128xbf16, #tpu.memory_space<vmem>>
      %dma_start3A_53 = arith.constant 0 : i32
      %dma_start3A_54 = tpu.memref_slice %arg11[%add3A_10, %dma_start3A_53] : memref<10240x128xbf16, #tpu.memory_space<vmem_shared>> -> memref<128x128xbf16, #tpu.memory_space<vmem_shared>>
      %dma_start3A_55 = arith.constant 0 : i32
      %dma_start3A_56 = tpu.memref_slice %arg11[%add3A_10, %dma_start3A_55] : memref<10240x128xbf16, #tpu.memory_space<vmem_shared>> -> memref<128x128xbf16, #tpu.memory_space<vmem_shared>>
      %dma_start3A_57 = arith.constant 0 : i32
      %dma_start3A_58 = arith.constant 0 : i32
      %dma_start3A_59 = tpu.memref_slice %arg10[%run_scoped3A_11, %dma_start3A_57, %dma_start3A_58] : memref<2x128x128xbf16, #tpu.memory_space<vmem>> -> memref<1x128x128xbf16, #tpu.memory_space<vmem>>
      %dma_start3A_60 = tpu.memref_squeeze %dma_start3A_59 : memref<1x128x128xbf16, #tpu.memory_space<vmem>> -> memref<128x128xbf16, #tpu.memory_space<vmem>>
      tpu.enqueue_dma source(%dma_start3A_60 : memref<128x128xbf16, #tpu.memory_space<vmem>>) target(%dma_start3A_56 : memref<128x128xbf16, #tpu.memory_space<vmem_shared>>) target_semaphore(%run_scoped3A_49 : memref<!tpu.dma_semaphore, #tpu.memory_space<semaphore_mem>>)
      %dma_wait3A = arith.constant 0 : i32
      %dma_wait3A_61 = arith.constant 0 : i32
      %dma_wait3A_62 = tpu.memref_slice %arg10[%run_scoped3A_11, %dma_wait3A, %dma_wait3A_61] : memref<2x128x128xbf16, #tpu.memory_space<vmem>> -> memref<1x128x128xbf16, #tpu.memory_space<vmem>>
      %dma_wait3A_63 = tpu.memref_squeeze %dma_wait3A_62 : memref<1x128x128xbf16, #tpu.memory_space<vmem>> -> memref<128x128xbf16, #tpu.memory_space<vmem>>
      %dma_wait3A_64 = arith.constant 0 : i32
      %dma_wait3A_65 = tpu.memref_slice %arg11[%add3A_10, %dma_wait3A_64] : memref<10240x128xbf16, #tpu.memory_space<vmem_shared>> -> memref<128x128xbf16, #tpu.memory_space<vmem_shared>>
      %dma_wait3A_66 = arith.constant 0 : i32
      %dma_wait3A_67 = tpu.memref_slice %arg11[%add3A_10, %dma_wait3A_66] : memref<10240x128xbf16, #tpu.memory_space<vmem_shared>> -> memref<128x128xbf16, #tpu.memory_space<vmem_shared>>
      %dma_wait3A_68 = arith.constant 0 : i32
      %dma_wait3A_69 = arith.constant 0 : i32
      %dma_wait3A_70 = tpu.memref_slice %arg10[%run_scoped3A_11, %dma_wait3A_68, %dma_wait3A_69] : memref<2x128x128xbf16, #tpu.memory_space<vmem>> -> memref<1x128x128xbf16, #tpu.memory_space<vmem>>
      %dma_wait3A_71 = tpu.memref_squeeze %dma_wait3A_70 : memref<1x128x128xbf16, #tpu.memory_space<vmem>> -> memref<128x128xbf16, #tpu.memory_space<vmem>>
      tpu.wait_dma2 semaphore(%run_scoped3A_49 : memref<!tpu.dma_semaphore, #tpu.memory_space<semaphore_mem>>) src(%dma_wait3A_71 : memref<128x128xbf16, #tpu.memory_space<vmem>>) dst(%dma_wait3A_67 : memref<128x128xbf16, #tpu.memory_space<vmem_shared>>)
      tpu.yield
    }) : () -> ()
    %add3A_12 = arith.constant 256 : i32
    %add3A_13 = arith.addi %mul3A_7, %add3A_12 : i32
    %run_scoped3A_14 = arith.constant 0 : i32
    "tpu.region"() ({
      %run_scoped3A_49 = tpu.sem_alloc : memref<!tpu.dma_semaphore, #tpu.memory_space<semaphore_mem>>
      %dma_start3A = arith.constant 0 : i32
      %dma_start3A_50 = arith.constant 0 : i32
      %dma_start3A_51 = tpu.memref_slice %arg10[%run_scoped3A_14, %dma_start3A, %dma_start3A_50] : memref<2x128x128xbf16, #tpu.memory_space<vmem>> -> memref<1x128x128xbf16, #tpu.memory_space<vmem>>
      %dma_start3A_52 = tpu.memref_squeeze %dma_start3A_51 : memref<1x128x128xbf16, #tpu.memory_space<vmem>> -> memref<128x128xbf16, #tpu.memory_space<vmem>>
      %dma_start3A_53 = arith.constant 0 : i32
      %dma_start3A_54 = tpu.memref_slice %arg11[%add3A_13, %dma_start3A_53] : memref<10240x128xbf16, #tpu.memory_space<vmem_shared>> -> memref<128x128xbf16, #tpu.memory_space<vmem_shared>>
      %dma_start3A_55 = arith.constant 0 : i32
      %dma_start3A_56 = tpu.memref_slice %arg11[%add3A_13, %dma_start3A_55] : memref<10240x128xbf16, #tpu.memory_space<vmem_shared>> -> memref<128x128xbf16, #tpu.memory_space<vmem_shared>>
      %dma_start3A_57 = arith.constant 0 : i32
      %dma_start3A_58 = arith.constant 0 : i32
      %dma_start3A_59 = tpu.memref_slice %arg10[%run_scoped3A_14, %dma_start3A_57, %dma_start3A_58] : memref<2x128x128xbf16, #tpu.memory_space<vmem>> -> memref<1x128x128xbf16, #tpu.memory_space<vmem>>
      %dma_start3A_60 = tpu.memref_squeeze %dma_start3A_59 : memref<1x128x128xbf16, #tpu.memory_space<vmem>> -> memref<128x128xbf16, #tpu.memory_space<vmem>>
      tpu.enqueue_dma source(%dma_start3A_60 : memref<128x128xbf16, #tpu.memory_space<vmem>>) target(%dma_start3A_56 : memref<128x128xbf16, #tpu.memory_space<vmem_shared>>) target_semaphore(%run_scoped3A_49 : memref<!tpu.dma_semaphore, #tpu.memory_space<semaphore_mem>>)
      %dma_wait3A = arith.constant 0 : i32
      %dma_wait3A_61 = arith.constant 0 : i32
      %dma_wait3A_62 = tpu.memref_slice %arg10[%run_scoped3A_14, %dma_wait3A, %dma_wait3A_61] : memref<2x128x128xbf16, #tpu.memory_space<vmem>> -> memref<1x128x128xbf16, #tpu.memory_space<vmem>>
      %dma_wait3A_63 = tpu.memref_squeeze %dma_wait3A_62 : memref<1x128x128xbf16, #tpu.memory_space<vmem>> -> memref<128x128xbf16, #tpu.memory_space<vmem>>
      %dma_wait3A_64 = arith.constant 0 : i32
      %dma_wait3A_65 = tpu.memref_slice %arg11[%add3A_13, %dma_wait3A_64] : memref<10240x128xbf16, #tpu.memory_space<vmem_shared>> -> memref<128x128xbf16, #tpu.memory_space<vmem_shared>>
      %dma_wait3A_66 = arith.constant 0 : i32
      %dma_wait3A_67 = tpu.memref_slice %arg11[%add3A_13, %dma_wait3A_66] : memref<10240x128xbf16, #tpu.memory_space<vmem_shared>> -> memref<128x128xbf16, #tpu.memory_space<vmem_shared>>
      %dma_wait3A_68 = arith.constant 0 : i32
      %dma_wait3A_69 = arith.constant 0 : i32
      %dma_wait3A_70 = tpu.memref_slice %arg10[%run_scoped3A_14, %dma_wait3A_68, %dma_wait3A_69] : memref<2x128x128xbf16, #tpu.memory_space<vmem>> -> memref<1x128x128xbf16, #tpu.memory_space<vmem>>
      %dma_wait3A_71 = tpu.memref_squeeze %dma_wait3A_70 : memref<1x128x128xbf16, #tpu.memory_space<vmem>> -> memref<128x128xbf16, #tpu.memory_space<vmem>>
      tpu.wait_dma2 semaphore(%run_scoped3A_49 : memref<!tpu.dma_semaphore, #tpu.memory_space<semaphore_mem>>) src(%dma_wait3A_71 : memref<128x128xbf16, #tpu.memory_space<vmem>>) dst(%dma_wait3A_67 : memref<128x128xbf16, #tpu.memory_space<vmem_shared>>)
      tpu.yield
    }) : () -> ()
    %add3A_15 = arith.constant 384 : i32
    %add3A_16 = arith.addi %mul3A_7, %add3A_15 : i32
    %run_scoped3A_17 = arith.constant 0 : i32
    "tpu.region"() ({
      %run_scoped3A_49 = tpu.sem_alloc : memref<!tpu.dma_semaphore, #tpu.memory_space<semaphore_mem>>
      %dma_start3A = arith.constant 0 : i32
      %dma_start3A_50 = arith.constant 0 : i32
      %dma_start3A_51 = tpu.memref_slice %arg10[%run_scoped3A_17, %dma_start3A, %dma_start3A_50] : memref<2x128x128xbf16, #tpu.memory_space<vmem>> -> memref<1x128x128xbf16, #tpu.memory_space<vmem>>
      %dma_start3A_52 = tpu.memref_squeeze %dma_start3A_51 : memref<1x128x128xbf16, #tpu.memory_space<vmem>> -> memref<128x128xbf16, #tpu.memory_space<vmem>>
      %dma_start3A_53 = arith.constant 0 : i32
      %dma_start3A_54 = tpu.memref_slice %arg11[%add3A_16, %dma_start3A_53] : memref<10240x128xbf16, #tpu.memory_space<vmem_shared>> -> memref<128x128xbf16, #tpu.memory_space<vmem_shared>>
      %dma_start3A_55 = arith.constant 0 : i32
      %dma_start3A_56 = tpu.memref_slice %arg11[%add3A_16, %dma_start3A_55] : memref<10240x128xbf16, #tpu.memory_space<vmem_shared>> -> memref<128x128xbf16, #tpu.memory_space<vmem_shared>>
      %dma_start3A_57 = arith.constant 0 : i32
      %dma_start3A_58 = arith.constant 0 : i32
      %dma_start3A_59 = tpu.memref_slice %arg10[%run_scoped3A_17, %dma_start3A_57, %dma_start3A_58] : memref<2x128x128xbf16, #tpu.memory_space<vmem>> -> memref<1x128x128xbf16, #tpu.memory_space<vmem>>
      %dma_start3A_60 = tpu.memref_squeeze %dma_start3A_59 : memref<1x128x128xbf16, #tpu.memory_space<vmem>> -> memref<128x128xbf16, #tpu.memory_space<vmem>>
      tpu.enqueue_dma source(%dma_start3A_60 : memref<128x128xbf16, #tpu.memory_space<vmem>>) target(%dma_start3A_56 : memref<128x128xbf16, #tpu.memory_space<vmem_shared>>) target_semaphore(%run_scoped3A_49 : memref<!tpu.dma_semaphore, #tpu.memory_space<semaphore_mem>>)
      %dma_wait3A = arith.constant 0 : i32
      %dma_wait3A_61 = arith.constant 0 : i32
      %dma_wait3A_62 = tpu.memref_slice %arg10[%run_scoped3A_17, %dma_wait3A, %dma_wait3A_61] : memref<2x128x128xbf16, #tpu.memory_space<vmem>> -> memref<1x128x128xbf16, #tpu.memory_space<vmem>>
      %dma_wait3A_63 = tpu.memref_squeeze %dma_wait3A_62 : memref<1x128x128xbf16, #tpu.memory_space<vmem>> -> memref<128x128xbf16, #tpu.memory_space<vmem>>
      %dma_wait3A_64 = arith.constant 0 : i32
      %dma_wait3A_65 = tpu.memref_slice %arg11[%add3A_16, %dma_wait3A_64] : memref<10240x128xbf16, #tpu.memory_space<vmem_shared>> -> memref<128x128xbf16, #tpu.memory_space<vmem_shared>>
      %dma_wait3A_66 = arith.constant 0 : i32
      %dma_wait3A_67 = tpu.memref_slice %arg11[%add3A_16, %dma_wait3A_66] : memref<10240x128xbf16, #tpu.memory_space<vmem_shared>> -> memref<128x128xbf16, #tpu.memory_space<vmem_shared>>
      %dma_wait3A_68 = arith.constant 0 : i32
      %dma_wait3A_69 = arith.constant 0 : i32
      %dma_wait3A_70 = tpu.memref_slice %arg10[%run_scoped3A_17, %dma_wait3A_68, %dma_wait3A_69] : memref<2x128x128xbf16, #tpu.memory_space<vmem>> -> memref<1x128x128xbf16, #tpu.memory_space<vmem>>
      %dma_wait3A_71 = tpu.memref_squeeze %dma_wait3A_70 : memref<1x128x128xbf16, #tpu.memory_space<vmem>> -> memref<128x128xbf16, #tpu.memory_space<vmem>>
      tpu.wait_dma2 semaphore(%run_scoped3A_49 : memref<!tpu.dma_semaphore, #tpu.memory_space<semaphore_mem>>) src(%dma_wait3A_71 : memref<128x128xbf16, #tpu.memory_space<vmem>>) dst(%dma_wait3A_67 : memref<128x128xbf16, #tpu.memory_space<vmem_shared>>)
      tpu.yield
    }) : () -> ()
    %add3A_18 = arith.constant 512 : i32
    %add3A_19 = arith.addi %mul3A_7, %add3A_18 : i32
    %run_scoped3A_20 = arith.constant 0 : i32
    "tpu.region"() ({
      %run_scoped3A_49 = tpu.sem_alloc : memref<!tpu.dma_semaphore, #tpu.memory_space<semaphore_mem>>
      %dma_start3A = arith.constant 0 : i32
      %dma_start3A_50 = arith.constant 0 : i32
      %dma_start3A_51 = tpu.memref_slice %arg10[%run_scoped3A_20, %dma_start3A, %dma_start3A_50] : memref<2x128x128xbf16, #tpu.memory_space<vmem>> -> memref<1x128x128xbf16, #tpu.memory_space<vmem>>
      %dma_start3A_52 = tpu.memref_squeeze %dma_start3A_51 : memref<1x128x128xbf16, #tpu.memory_space<vmem>> -> memref<128x128xbf16, #tpu.memory_space<vmem>>
      %dma_start3A_53 = arith.constant 0 : i32
      %dma_start3A_54 = tpu.memref_slice %arg11[%add3A_19, %dma_start3A_53] : memref<10240x128xbf16, #tpu.memory_space<vmem_shared>> -> memref<128x128xbf16, #tpu.memory_space<vmem_shared>>
      %dma_start3A_55 = arith.constant 0 : i32
      %dma_start3A_56 = tpu.memref_slice %arg11[%add3A_19, %dma_start3A_55] : memref<10240x128xbf16, #tpu.memory_space<vmem_shared>> -> memref<128x128xbf16, #tpu.memory_space<vmem_shared>>
      %dma_start3A_57 = arith.constant 0 : i32
      %dma_start3A_58 = arith.constant 0 : i32
      %dma_start3A_59 = tpu.memref_slice %arg10[%run_scoped3A_20, %dma_start3A_57, %dma_start3A_58] : memref<2x128x128xbf16, #tpu.memory_space<vmem>> -> memref<1x128x128xbf16, #tpu.memory_space<vmem>>
      %dma_start3A_60 = tpu.memref_squeeze %dma_start3A_59 : memref<1x128x128xbf16, #tpu.memory_space<vmem>> -> memref<128x128xbf16, #tpu.memory_space<vmem>>
      tpu.enqueue_dma source(%dma_start3A_60 : memref<128x128xbf16, #tpu.memory_space<vmem>>) target(%dma_start3A_56 : memref<128x128xbf16, #tpu.memory_space<vmem_shared>>) target_semaphore(%run_scoped3A_49 : memref<!tpu.dma_semaphore, #tpu.memory_space<semaphore_mem>>)
      %dma_wait3A = arith.constant 0 : i32
      %dma_wait3A_61 = arith.constant 0 : i32
      %dma_wait3A_62 = tpu.memref_slice %arg10[%run_scoped3A_20, %dma_wait3A, %dma_wait3A_61] : memref<2x128x128xbf16, #tpu.memory_space<vmem>> -> memref<1x128x128xbf16, #tpu.memory_space<vmem>>
      %dma_wait3A_63 = tpu.memref_squeeze %dma_wait3A_62 : memref<1x128x128xbf16, #tpu.memory_space<vmem>> -> memref<128x128xbf16, #tpu.memory_space<vmem>>
      %dma_wait3A_64 = arith.constant 0 : i32
      %dma_wait3A_65 = tpu.memref_slice %arg11[%add3A_19, %dma_wait3A_64] : memref<10240x128xbf16, #tpu.memory_space<vmem_shared>> -> memref<128x128xbf16, #tpu.memory_space<vmem_shared>>
      %dma_wait3A_66 = arith.constant 0 : i32
      %dma_wait3A_67 = tpu.memref_slice %arg11[%add3A_19, %dma_wait3A_66] : memref<10240x128xbf16, #tpu.memory_space<vmem_shared>> -> memref<128x128xbf16, #tpu.memory_space<vmem_shared>>
      %dma_wait3A_68 = arith.constant 0 : i32
      %dma_wait3A_69 = arith.constant 0 : i32
      %dma_wait3A_70 = tpu.memref_slice %arg10[%run_scoped3A_20, %dma_wait3A_68, %dma_wait3A_69] : memref<2x128x128xbf16, #tpu.memory_space<vmem>> -> memref<1x128x128xbf16, #tpu.memory_space<vmem>>
      %dma_wait3A_71 = tpu.memref_squeeze %dma_wait3A_70 : memref<1x128x128xbf16, #tpu.memory_space<vmem>> -> memref<128x128xbf16, #tpu.memory_space<vmem>>
      tpu.wait_dma2 semaphore(%run_scoped3A_49 : memref<!tpu.dma_semaphore, #tpu.memory_space<semaphore_mem>>) src(%dma_wait3A_71 : memref<128x128xbf16, #tpu.memory_space<vmem>>) dst(%dma_wait3A_67 : memref<128x128xbf16, #tpu.memory_space<vmem_shared>>)
      tpu.yield
    }) : () -> ()
    %barrier3A = arith.constant 0 : index
    tpu.barrier barrier_id(%barrier3A)
    %eq3A = arith.constant 0 : i32
    %eq3A_21 = arith.cmpi eq, %arg0, %eq3A : i32
    %convert_element_type3A = arith.extui %eq3A_21 : i1 to i32
    %cond3A = arith.constant 0 : i32
    %cond3A_22 = arith.cmpi ne, %convert_element_type3A, %cond3A : i32
    scf.if %cond3A_22 {
      "tpu.region"() ({
        %run_scoped3A_102 = tpu.sem_alloc : memref<!tpu.dma_semaphore, #tpu.memory_space<semaphore_mem>>
        %dma_start3A_103 = arith.constant 0 : i32
        %dma_start3A_104 = arith.constant 0 : i32
        %dma_start3A_105 = tpu.memref_slice %arg7[%dma_start3A_103, %dma_start3A_104] : memref<104x128xi32, #tpu.memory_space<vmem>> -> memref<104x128xi32, #tpu.memory_space<vmem>>
        %dma_start3A_106 = arith.constant 0 : i32
        %dma_start3A_107 = arith.constant 0 : i32
        %dma_start3A_108 = tpu.memref_slice %arg3[%arg1, %dma_start3A_106, %dma_start3A_107] : memref<16x160x128xi32, #tpu.memory_space<hbm>> -> memref<1x104x128xi32, #tpu.memory_space<hbm>>
        %dma_start3A_109 = tpu.memref_squeeze %dma_start3A_108 : memref<1x104x128xi32, #tpu.memory_space<hbm>> -> memref<104x128xi32, #tpu.memory_space<hbm>>
        %dma_start3A_110 = arith.constant 0 : i32
        %dma_start3A_111 = arith.constant 0 : i32
        %dma_start3A_112 = tpu.memref_slice %arg7[%dma_start3A_110, %dma_start3A_111] : memref<104x128xi32, #tpu.memory_space<vmem>> -> memref<104x128xi32, #tpu.memory_space<vmem>>
        %dma_start3A_113 = arith.constant 0 : i32
        %dma_start3A_114 = arith.constant 0 : i32
        %dma_start3A_115 = tpu.memref_slice %arg3[%arg1, %dma_start3A_113, %dma_start3A_114] : memref<16x160x128xi32, #tpu.memory_space<hbm>> -> memref<1x104x128xi32, #tpu.memory_space<hbm>>
        %dma_start3A_116 = tpu.memref_squeeze %dma_start3A_115 : memref<1x104x128xi32, #tpu.memory_space<hbm>> -> memref<104x128xi32, #tpu.memory_space<hbm>>
        tpu.enqueue_dma source(%dma_start3A_116 : memref<104x128xi32, #tpu.memory_space<hbm>>) target(%dma_start3A_112 : memref<104x128xi32, #tpu.memory_space<vmem>>) target_semaphore(%run_scoped3A_102 : memref<!tpu.dma_semaphore, #tpu.memory_space<semaphore_mem>>)
        %dma_wait3A_117 = arith.constant 0 : i32
        %dma_wait3A_118 = arith.constant 0 : i32
        %dma_wait3A_119 = tpu.memref_slice %arg7[%dma_wait3A_117, %dma_wait3A_118] : memref<104x128xi32, #tpu.memory_space<vmem>> -> memref<104x128xi32, #tpu.memory_space<vmem>>
        %dma_wait3A_120 = arith.constant 0 : i32
        %dma_wait3A_121 = arith.constant 0 : i32
        %dma_wait3A_122 = tpu.memref_slice %arg3[%arg1, %dma_wait3A_120, %dma_wait3A_121] : memref<16x160x128xi32, #tpu.memory_space<hbm>> -> memref<1x104x128xi32, #tpu.memory_space<hbm>>
        %dma_wait3A_123 = tpu.memref_squeeze %dma_wait3A_122 : memref<1x104x128xi32, #tpu.memory_space<hbm>> -> memref<104x128xi32, #tpu.memory_space<hbm>>
        %dma_wait3A_124 = arith.constant 0 : i32
        %dma_wait3A_125 = arith.constant 0 : i32
        %dma_wait3A_126 = tpu.memref_slice %arg7[%dma_wait3A_124, %dma_wait3A_125] : memref<104x128xi32, #tpu.memory_space<vmem>> -> memref<104x128xi32, #tpu.memory_space<vmem>>
        %dma_wait3A_127 = arith.constant 0 : i32
        %dma_wait3A_128 = arith.constant 0 : i32
        %dma_wait3A_129 = tpu.memref_slice %arg3[%arg1, %dma_wait3A_127, %dma_wait3A_128] : memref<16x160x128xi32, #tpu.memory_space<hbm>> -> memref<1x104x128xi32, #tpu.memory_space<hbm>>
        %dma_wait3A_130 = tpu.memref_squeeze %dma_wait3A_129 : memref<1x104x128xi32, #tpu.memory_space<hbm>> -> memref<104x128xi32, #tpu.memory_space<hbm>>
        tpu.wait_dma2 semaphore(%run_scoped3A_102 : memref<!tpu.dma_semaphore, #tpu.memory_space<semaphore_mem>>) src(%dma_wait3A_130 : memref<104x128xi32, #tpu.memory_space<hbm>>) dst(%dma_wait3A_126 : memref<104x128xi32, #tpu.memory_space<vmem>>)
        tpu.yield
      }) : () -> ()
      "tpu.region"() ({
        %run_scoped3A_102 = tpu.sem_alloc : memref<!tpu.dma_semaphore, #tpu.memory_space<semaphore_mem>>
        %dma_start3A_103 = arith.constant 0 : i32
        %dma_start3A_104 = arith.constant 0 : i32
        %dma_start3A_105 = tpu.memref_slice %arg8[%dma_start3A_103, %dma_start3A_104] : memref<104x128xi32, #tpu.memory_space<vmem>> -> memref<104x128xi32, #tpu.memory_space<vmem>>
        %dma_start3A_106 = arith.constant 0 : i32
        %dma_start3A_107 = arith.constant 0 : i32
        %dma_start3A_108 = tpu.memref_slice %arg4[%arg1, %dma_start3A_106, %dma_start3A_107] : memref<16x160x128xi32, #tpu.memory_space<hbm>> -> memref<1x104x128xi32, #tpu.memory_space<hbm>>
        %dma_start3A_109 = tpu.memref_squeeze %dma_start3A_108 : memref<1x104x128xi32, #tpu.memory_space<hbm>> -> memref<104x128xi32, #tpu.memory_space<hbm>>
        %dma_start3A_110 = arith.constant 0 : i32
        %dma_start3A_111 = arith.constant 0 : i32
        %dma_start3A_112 = tpu.memref_slice %arg8[%dma_start3A_110, %dma_start3A_111] : memref<104x128xi32, #tpu.memory_space<vmem>> -> memref<104x128xi32, #tpu.memory_space<vmem>>
        %dma_start3A_113 = arith.constant 0 : i32
        %dma_start3A_114 = arith.constant 0 : i32
        %dma_start3A_115 = tpu.memref_slice %arg4[%arg1, %dma_start3A_113, %dma_start3A_114] : memref<16x160x128xi32, #tpu.memory_space<hbm>> -> memref<1x104x128xi32, #tpu.memory_space<hbm>>
        %dma_start3A_116 = tpu.memref_squeeze %dma_start3A_115 : memref<1x104x128xi32, #tpu.memory_space<hbm>> -> memref<104x128xi32, #tpu.memory_space<hbm>>
        tpu.enqueue_dma source(%dma_start3A_116 : memref<104x128xi32, #tpu.memory_space<hbm>>) target(%dma_start3A_112 : memref<104x128xi32, #tpu.memory_space<vmem>>) target_semaphore(%run_scoped3A_102 : memref<!tpu.dma_semaphore, #tpu.memory_space<semaphore_mem>>)
        %dma_wait3A_117 = arith.constant 0 : i32
        %dma_wait3A_118 = arith.constant 0 : i32
        %dma_wait3A_119 = tpu.memref_slice %arg8[%dma_wait3A_117, %dma_wait3A_118] : memref<104x128xi32, #tpu.memory_space<vmem>> -> memref<104x128xi32, #tpu.memory_space<vmem>>
        %dma_wait3A_120 = arith.constant 0 : i32
        %dma_wait3A_121 = arith.constant 0 : i32
        %dma_wait3A_122 = tpu.memref_slice %arg4[%arg1, %dma_wait3A_120, %dma_wait3A_121] : memref<16x160x128xi32, #tpu.memory_space<hbm>> -> memref<1x104x128xi32, #tpu.memory_space<hbm>>
        %dma_wait3A_123 = tpu.memref_squeeze %dma_wait3A_122 : memref<1x104x128xi32, #tpu.memory_space<hbm>> -> memref<104x128xi32, #tpu.memory_space<hbm>>
        %dma_wait3A_124 = arith.constant 0 : i32
        %dma_wait3A_125 = arith.constant 0 : i32
        %dma_wait3A_126 = tpu.memref_slice %arg8[%dma_wait3A_124, %dma_wait3A_125] : memref<104x128xi32, #tpu.memory_space<vmem>> -> memref<104x128xi32, #tpu.memory_space<vmem>>
        %dma_wait3A_127 = arith.constant 0 : i32
        %dma_wait3A_128 = arith.constant 0 : i32
        %dma_wait3A_129 = tpu.memref_slice %arg4[%arg1, %dma_wait3A_127, %dma_wait3A_128] : memref<16x160x128xi32, #tpu.memory_space<hbm>> -> memref<1x104x128xi32, #tpu.memory_space<hbm>>
        %dma_wait3A_130 = tpu.memref_squeeze %dma_wait3A_129 : memref<1x104x128xi32, #tpu.memory_space<hbm>> -> memref<104x128xi32, #tpu.memory_space<hbm>>
        tpu.wait_dma2 semaphore(%run_scoped3A_102 : memref<!tpu.dma_semaphore, #tpu.memory_space<semaphore_mem>>) src(%dma_wait3A_130 : memref<104x128xi32, #tpu.memory_space<hbm>>) dst(%dma_wait3A_126 : memref<104x128xi32, #tpu.memory_space<vmem>>)
        tpu.yield
      }) : () -> ()
      "tpu.region"() ({
        %run_scoped3A_102 = tpu.sem_alloc : memref<!tpu.dma_semaphore, #tpu.memory_space<semaphore_mem>>
        %dma_start3A_103 = arith.constant 0 : i32
        %dma_start3A_104 = arith.constant 0 : i32
        %dma_start3A_105 = tpu.memref_slice %arg9[%dma_start3A_103, %dma_start3A_104] : memref<104x128xf32, #tpu.memory_space<vmem>> -> memref<104x128xf32, #tpu.memory_space<vmem>>
        %dma_start3A_106 = arith.constant 0 : i32
        %dma_start3A_107 = arith.constant 0 : i32
        %dma_start3A_108 = tpu.memref_slice %arg5[%arg1, %dma_start3A_106, %dma_start3A_107] : memref<16x160x128xf32, #tpu.memory_space<hbm>> -> memref<1x104x128xf32, #tpu.memory_space<hbm>>
        %dma_start3A_109 = tpu.memref_squeeze %dma_start3A_108 : memref<1x104x128xf32, #tpu.memory_space<hbm>> -> memref<104x128xf32, #tpu.memory_space<hbm>>
        %dma_start3A_110 = arith.constant 0 : i32
        %dma_start3A_111 = arith.constant 0 : i32
        %dma_start3A_112 = tpu.memref_slice %arg9[%dma_start3A_110, %dma_start3A_111] : memref<104x128xf32, #tpu.memory_space<vmem>> -> memref<104x128xf32, #tpu.memory_space<vmem>>
        %dma_start3A_113 = arith.constant 0 : i32
        %dma_start3A_114 = arith.constant 0 : i32
        %dma_start3A_115 = tpu.memref_slice %arg5[%arg1, %dma_start3A_113, %dma_start3A_114] : memref<16x160x128xf32, #tpu.memory_space<hbm>> -> memref<1x104x128xf32, #tpu.memory_space<hbm>>
        %dma_start3A_116 = tpu.memref_squeeze %dma_start3A_115 : memref<1x104x128xf32, #tpu.memory_space<hbm>> -> memref<104x128xf32, #tpu.memory_space<hbm>>
        tpu.enqueue_dma source(%dma_start3A_116 : memref<104x128xf32, #tpu.memory_space<hbm>>) target(%dma_start3A_112 : memref<104x128xf32, #tpu.memory_space<vmem>>) target_semaphore(%run_scoped3A_102 : memref<!tpu.dma_semaphore, #tpu.memory_space<semaphore_mem>>)
        %dma_wait3A_117 = arith.constant 0 : i32
        %dma_wait3A_118 = arith.constant 0 : i32
        %dma_wait3A_119 = tpu.memref_slice %arg9[%dma_wait3A_117, %dma_wait3A_118] : memref<104x128xf32, #tpu.memory_space<vmem>> -> memref<104x128xf32, #tpu.memory_space<vmem>>
        %dma_wait3A_120 = arith.constant 0 : i32
        %dma_wait3A_121 = arith.constant 0 : i32
        %dma_wait3A_122 = tpu.memref_slice %arg5[%arg1, %dma_wait3A_120, %dma_wait3A_121] : memref<16x160x128xf32, #tpu.memory_space<hbm>> -> memref<1x104x128xf32, #tpu.memory_space<hbm>>
        %dma_wait3A_123 = tpu.memref_squeeze %dma_wait3A_122 : memref<1x104x128xf32, #tpu.memory_space<hbm>> -> memref<104x128xf32, #tpu.memory_space<hbm>>
        %dma_wait3A_124 = arith.constant 0 : i32
        %dma_wait3A_125 = arith.constant 0 : i32
        %dma_wait3A_126 = tpu.memref_slice %arg9[%dma_wait3A_124, %dma_wait3A_125] : memref<104x128xf32, #tpu.memory_space<vmem>> -> memref<104x128xf32, #tpu.memory_space<vmem>>
        %dma_wait3A_127 = arith.constant 0 : i32
        %dma_wait3A_128 = arith.constant 0 : i32
        %dma_wait3A_129 = tpu.memref_slice %arg5[%arg1, %dma_wait3A_127, %dma_wait3A_128] : memref<16x160x128xf32, #tpu.memory_space<hbm>> -> memref<1x104x128xf32, #tpu.memory_space<hbm>>
        %dma_wait3A_130 = tpu.memref_squeeze %dma_wait3A_129 : memref<1x104x128xf32, #tpu.memory_space<hbm>> -> memref<104x128xf32, #tpu.memory_space<hbm>>
        tpu.wait_dma2 semaphore(%run_scoped3A_102 : memref<!tpu.dma_semaphore, #tpu.memory_space<semaphore_mem>>) src(%dma_wait3A_130 : memref<104x128xf32, #tpu.memory_space<hbm>>) dst(%dma_wait3A_126 : memref<104x128xf32, #tpu.memory_space<vmem>>)
        tpu.yield
      }) : () -> ()
      %dma_start3A = arith.constant 0 : i32
      %dma_start3A_49 = arith.constant 0 : i32
      %dma_start3A_50 = arith.constant 0 : i32
      %dma_start3A_51 = arith.constant 0 : i32
      %dma_start3A_52 = tpu.memref_slice %arg10[%dma_start3A_49, %dma_start3A_50, %dma_start3A_51] : memref<2x128x128xbf16, #tpu.memory_space<vmem>> -> memref<1x128x128xbf16, #tpu.memory_space<vmem>>
      %dma_start3A_53 = tpu.memref_squeeze %dma_start3A_52 : memref<1x128x128xbf16, #tpu.memory_space<vmem>> -> memref<128x128xbf16, #tpu.memory_space<vmem>>
      %dma_start3A_54 = arith.constant 0 : i32
      %dma_start3A_55 = tpu.memref_slice %arg7[%dma_start3A, %dma_start3A_54] : memref<104x128xi32, #tpu.memory_space<vmem>> -> memref<1x128xi32, #tpu.memory_space<vmem>>
      %dma_start3A_56 = tpu.memref_squeeze %dma_start3A_55 : memref<1x128xi32, #tpu.memory_space<vmem>> -> memref<128xi32, #tpu.memory_space<vmem>>
      %dma_start3A_57 = arith.constant 0 : i32
      %dma_start3A_58 = arith.constant 0 : i32
      %dma_start3A_59 = tpu.memref_slice %arg2[%dma_start3A_57, %dma_start3A_58] : memref<10000x128xbf16, #tpu.memory_space<hbm>> -> memref<10000x128xbf16, #tpu.memory_space<hbm>>
      tpu.enqueue_indirect_dma source(%dma_start3A_59 : memref<10000x128xbf16, #tpu.memory_space<hbm>>) target(%dma_start3A_53 : memref<128x128xbf16, #tpu.memory_space<vmem>>) offsets(%dma_start3A_56 : memref<128xi32, #tpu.memory_space<vmem>>) semaphore(%arg12 : memref<!tpu.dma_semaphore, #tpu.memory_space<semaphore_mem>>)
      %dma_start3A_60 = arith.constant 1 : i32
      %dma_start3A_61 = arith.constant 1 : i32
      %dma_start3A_62 = arith.constant 0 : i32
      %dma_start3A_63 = arith.constant 0 : i32
      %dma_start3A_64 = tpu.memref_slice %arg10[%dma_start3A_61, %dma_start3A_62, %dma_start3A_63] : memref<2x128x128xbf16, #tpu.memory_space<vmem>> -> memref<1x128x128xbf16, #tpu.memory_space<vmem>>
      %dma_start3A_65 = tpu.memref_squeeze %dma_start3A_64 : memref<1x128x128xbf16, #tpu.memory_space<vmem>> -> memref<128x128xbf16, #tpu.memory_space<vmem>>
      %dma_start3A_66 = arith.constant 0 : i32
      %dma_start3A_67 = tpu.memref_slice %arg7[%dma_start3A_60, %dma_start3A_66] : memref<104x128xi32, #tpu.memory_space<vmem>> -> memref<1x128xi32, #tpu.memory_space<vmem>>
      %dma_start3A_68 = tpu.memref_squeeze %dma_start3A_67 : memref<1x128xi32, #tpu.memory_space<vmem>> -> memref<128xi32, #tpu.memory_space<vmem>>
      %dma_start3A_69 = arith.constant 0 : i32
      %dma_start3A_70 = arith.constant 0 : i32
      %dma_start3A_71 = tpu.memref_slice %arg2[%dma_start3A_69, %dma_start3A_70] : memref<10000x128xbf16, #tpu.memory_space<hbm>> -> memref<10000x128xbf16, #tpu.memory_space<hbm>>
      tpu.enqueue_indirect_dma source(%dma_start3A_71 : memref<10000x128xbf16, #tpu.memory_space<hbm>>) target(%dma_start3A_65 : memref<128x128xbf16, #tpu.memory_space<vmem>>) offsets(%dma_start3A_68 : memref<128xi32, #tpu.memory_space<vmem>>) semaphore(%arg13 : memref<!tpu.dma_semaphore, #tpu.memory_space<semaphore_mem>>)
      %scan3A_72 = arith.constant 0 : i32
      %scan3A_73 = arith.constant 0 : i32
      %scan3A_74 = arith.constant 52 : i32
      %scan3A_75 = arith.addi %scan3A_73, %scan3A_74 : i32
      %scan3A_76 = arith.constant 1 : i32
      %scan3A_77 = scf.for %scan3A_102 = %scan3A_73 to %scan3A_75 step %scan3A_76 iter_args(%scan3A_103 = %scan3A_72) -> (i32)  : i32 {
        %mul3A_104 = arith.constant 2 : i32
        %mul3A_105 = arith.muli %mul3A_104, %scan3A_102 : i32
        %add3A_106 = arith.constant 0 : i32
        %add3A_107 = arith.addi %mul3A_105, %add3A_106 : i32
        %dma_wait3A_108 = arith.constant 0 : i32
        %dma_wait3A_109 = arith.constant 0 : i32
        %dma_wait3A_110 = arith.constant 0 : i32
        %dma_wait3A_111 = tpu.memref_slice %arg10[%dma_wait3A_108, %dma_wait3A_109, %dma_wait3A_110] : memref<2x128x128xbf16, #tpu.memory_space<vmem>> -> memref<1x128x128xbf16, #tpu.memory_space<vmem>>
        %dma_wait3A_112 = tpu.memref_squeeze %dma_wait3A_111 : memref<1x128x128xbf16, #tpu.memory_space<vmem>> -> memref<128x128xbf16, #tpu.memory_space<vmem>>
        %dma_wait3A_113 = arith.constant 0 : i32
        %dma_wait3A_114 = tpu.memref_slice %arg7[%add3A_107, %dma_wait3A_113] : memref<104x128xi32, #tpu.memory_space<vmem>> -> memref<1x128xi32, #tpu.memory_space<vmem>>
        %dma_wait3A_115 = tpu.memref_squeeze %dma_wait3A_114 : memref<1x128xi32, #tpu.memory_space<vmem>> -> memref<128xi32, #tpu.memory_space<vmem>>
        %dma_wait3A_116 = arith.constant 0 : i32
        %dma_wait3A_117 = arith.constant 0 : i32
        %dma_wait3A_118 = tpu.memref_slice %arg2[%dma_wait3A_116, %dma_wait3A_117] : memref<10000x128xbf16, #tpu.memory_space<hbm>> -> memref<10000x128xbf16, #tpu.memory_space<hbm>>
        tpu.wait_indirect_dma semaphore(%arg12 : memref<!tpu.dma_semaphore, #tpu.memory_space<semaphore_mem>>) src(%dma_wait3A_118 : memref<10000x128xbf16, #tpu.memory_space<hbm>>) dst(%dma_wait3A_112 : memref<128x128xbf16, #tpu.memory_space<vmem>>)
        %broadcast_in_dim3A_119 = vector.broadcast %add3A_107 : i32 to vector<16xi32>
        %scan3A_120 = arith.constant 0 : i32
        %scan3A_121 = arith.constant 0 : i32
        %scan3A_122 = arith.constant 128 : i32
        %scan3A_123 = arith.addi %scan3A_121, %scan3A_122 : i32
        %scan3A_124 = arith.constant 1 : i32
        %scan3A_125 = scf.for %scan3A_182 = %scan3A_121 to %scan3A_123 step %scan3A_124 iter_args(%scan3A_183 = %scan3A_120) -> (i32)  : i32 {
          %broadcast_in_dim3A_184 = vector.broadcast %scan3A_182 : i32 to vector<16xi32>
          %gather3A = tpu.vector_load_idx %arg9[%broadcast_in_dim3A_119, %broadcast_in_dim3A_184] : memref<104x128xf32, #tpu.memory_space<vmem>>[vector<16xi32>, vector<16xi32>], vector<16xf32>,
          %broadcast_in_dim3A_185 = arith.constant 16 : i32
          %broadcast_in_dim3A_186 = vector.broadcast %broadcast_in_dim3A_185 : i32 to vector<16xi32>
          %broadcast_in_dim3A_187 = arith.constant 1 : i32
          %broadcast_in_dim3A_188 = vector.broadcast %broadcast_in_dim3A_187 : i32 to vector<16xi32>
          %broadcast_in_dim3A_189 = arith.constant 32767 : i32
          %broadcast_in_dim3A_190 = vector.broadcast %broadcast_in_dim3A_189 : i32 to vector<16xi32>
          %bitcast3A = vector.bitcast %gather3A : vector<16xf32> to vector<16xi32>
          %add3A_191 = arith.addi %bitcast3A, %broadcast_in_dim3A_190 : vector<16xi32>
          %shift_right_logical3A = arith.shrui %bitcast3A, %broadcast_in_dim3A_186 : vector<16xi32>
          %and3A = arith.andi %shift_right_logical3A, %broadcast_in_dim3A_188 : vector<16xi32>
          %add3A_192 = arith.addi %add3A_191, %and3A : vector<16xi32>
          %shift_right_logical3A_193 = arith.shrui %add3A_192, %broadcast_in_dim3A_186 : vector<16xi32>
          %shift_left3A = arith.shli %shift_right_logical3A_193, %broadcast_in_dim3A_186 : vector<16xi32>
          %or3A = arith.ori %shift_right_logical3A_193, %shift_left3A : vector<16xi32>
          %bitcast3A_194 = vector.bitcast %or3A : vector<16xi32> to vector<32xbf16>
          %get3A = arith.constant 0 : i32
          %get3A_195 = arith.index_cast %get3A : i32 to index
          %get3A_196 = arith.index_cast %scan3A_182 : i32 to index
          %get3A_197 = arith.constant 0 : index
          %get3A_198 = tpu.vector_load %arg10[%get3A_195, %get3A_196, %get3A_197] {strides = array<i32>} : memref<2x128x128xbf16, #tpu.memory_space<vmem>>, vector<32xbf16>,
          %mul3A_199 = arith.mulf %get3A_198, %bitcast3A_194 : vector<32xbf16>
          %swap3A = arith.constant 0 : i32
          %swap3A_200 = arith.index_cast %swap3A : i32 to index
          %swap3A_201 = arith.index_cast %scan3A_182 : i32 to index
          %swap3A_202 = arith.constant 0 : index
          %swap3A_203 = tpu.vector_load %arg10[%swap3A_200, %swap3A_201, %swap3A_202] {strides = array<i32>} : memref<2x128x128xbf16, #tpu.memory_space<vmem>>, vector<32xbf16>,
          tpu.vector_store %arg10[%swap3A_200, %swap3A_201, %swap3A_202], %mul3A_199 {strides = array<i32>} : memref<2x128x128xbf16, #tpu.memory_space<vmem>>, vector<32xbf16>,
          %get3A_204 = arith.constant 0 : i32
          %get3A_205 = arith.index_cast %get3A_204 : i32 to index
          %get3A_206 = arith.index_cast %scan3A_182 : i32 to index
          %get3A_207 = arith.constant 32 : index
          %get3A_208 = tpu.vector_load %arg10[%get3A_205, %get3A_206, %get3A_207] {strides = array<i32>} : memref<2x128x128xbf16, #tpu.memory_space<vmem>>, vector<32xbf16>,
          %mul3A_209 = arith.mulf %get3A_208, %bitcast3A_194 : vector<32xbf16>
          %swap3A_210 = arith.constant 0 : i32
          %swap3A_211 = arith.index_cast %swap3A_210 : i32 to index
          %swap3A_212 = arith.index_cast %scan3A_182 : i32 to index
          %swap3A_213 = arith.constant 32 : index
          %swap3A_214 = tpu.vector_load %arg10[%swap3A_211, %swap3A_212, %swap3A_213] {strides = array<i32>} : memref<2x128x128xbf16, #tpu.memory_space<vmem>>, vector<32xbf16>,
          tpu.vector_store %arg10[%swap3A_211, %swap3A_212, %swap3A_213], %mul3A_209 {strides = array<i32>} : memref<2x128x128xbf16, #tpu.memory_space<vmem>>, vector<32xbf16>,
          %get3A_215 = arith.constant 0 : i32
          %get3A_216 = arith.index_cast %get3A_215 : i32 to index
          %get3A_217 = arith.index_cast %scan3A_182 : i32 to index
          %get3A_218 = arith.constant 64 : index
          %get3A_219 = tpu.vector_load %arg10[%get3A_216, %get3A_217, %get3A_218] {strides = array<i32>} : memref<2x128x128xbf16, #tpu.memory_space<vmem>>, vector<32xbf16>,
          %mul3A_220 = arith.mulf %get3A_219, %bitcast3A_194 : vector<32xbf16>
          %swap3A_221 = arith.constant 0 : i32
          %swap3A_222 = arith.index_cast %swap3A_221 : i32 to index
          %swap3A_223 = arith.index_cast %scan3A_182 : i32 to index
          %swap3A_224 = arith.constant 64 : index
          %swap3A_225 = tpu.vector_load %arg10[%swap3A_222, %swap3A_223, %swap3A_224] {strides = array<i32>} : memref<2x128x128xbf16, #tpu.memory_space<vmem>>, vector<32xbf16>,
          tpu.vector_store %arg10[%swap3A_222, %swap3A_223, %swap3A_224], %mul3A_220 {strides = array<i32>} : memref<2x128x128xbf16, #tpu.memory_space<vmem>>, vector<32xbf16>,
          %get3A_226 = arith.constant 0 : i32
          %get3A_227 = arith.index_cast %get3A_226 : i32 to index
          %get3A_228 = arith.index_cast %scan3A_182 : i32 to index
          %get3A_229 = arith.constant 96 : index
          %get3A_230 = tpu.vector_load %arg10[%get3A_227, %get3A_228, %get3A_229] {strides = array<i32>} : memref<2x128x128xbf16, #tpu.memory_space<vmem>>, vector<32xbf16>,
          %mul3A_231 = arith.mulf %get3A_230, %bitcast3A_194 : vector<32xbf16>
          %swap3A_232 = arith.constant 0 : i32
          %swap3A_233 = arith.index_cast %swap3A_232 : i32 to index
          %swap3A_234 = arith.index_cast %scan3A_182 : i32 to index
          %swap3A_235 = arith.constant 96 : index
          %swap3A_236 = tpu.vector_load %arg10[%swap3A_233, %swap3A_234, %swap3A_235] {strides = array<i32>} : memref<2x128x128xbf16, #tpu.memory_space<vmem>>, vector<32xbf16>,
          tpu.vector_store %arg10[%swap3A_233, %swap3A_234, %swap3A_235], %mul3A_231 {strides = array<i32>} : memref<2x128x128xbf16, #tpu.memory_space<vmem>>, vector<32xbf16>,
          %scan3A_237 = arith.constant 0 : i32
          scf.yield %scan3A_237 : i32
        }
        %scan3A_126 = arith.constant 128 : i32
        %dma_start3A_127 = arith.constant 0 : i32
        %dma_start3A_128 = arith.constant 0 : i32
        %dma_start3A_129 = arith.constant 0 : i32
        %dma_start3A_130 = tpu.memref_slice %arg10[%dma_start3A_127, %dma_start3A_128, %dma_start3A_129] : memref<2x128x128xbf16, #tpu.memory_space<vmem>> -> memref<1x128x128xbf16, #tpu.memory_space<vmem>>
        %dma_start3A_131 = tpu.memref_squeeze %dma_start3A_130 : memref<1x128x128xbf16, #tpu.memory_space<vmem>> -> memref<128x128xbf16, #tpu.memory_space<vmem>>
        %dma_start3A_132 = arith.constant 0 : i32
        %dma_start3A_133 = tpu.memref_slice %arg8[%add3A_107, %dma_start3A_132] : memref<104x128xi32, #tpu.memory_space<vmem>> -> memref<1x128xi32, #tpu.memory_space<vmem>>
        %dma_start3A_134 = tpu.memref_squeeze %dma_start3A_133 : memref<1x128xi32, #tpu.memory_space<vmem>> -> memref<128xi32, #tpu.memory_space<vmem>>
        %dma_start3A_135 = arith.constant 0 : i32
        %dma_start3A_136 = arith.constant 0 : i32
        %dma_start3A_137 = tpu.memref_slice %arg11[%dma_start3A_135, %dma_start3A_136] : memref<10240x128xbf16, #tpu.memory_space<vmem_shared>> -> memref<10240x128xbf16, #tpu.memory_space<vmem_shared>>
        tpu.enqueue_indirect_dma source(%dma_start3A_131 : memref<128x128xbf16, #tpu.memory_space<vmem>>) target(%dma_start3A_137 : memref<10240x128xbf16, #tpu.memory_space<vmem_shared>>) offsets(%dma_start3A_134 : memref<128xi32, #tpu.memory_space<vmem>>) semaphore(%arg14 : memref<!tpu.dma_semaphore, #tpu.memory_space<semaphore_mem>>) {add = true}
        %lt3A = arith.constant 51 : i32
        %lt3A_138 = arith.cmpi slt, %scan3A_102, %lt3A : i32
        %convert_element_type3A_139 = arith.extui %lt3A_138 : i1 to i32
        %cond3A_140 = arith.constant 0 : i32
        %cond3A_141 = arith.cmpi ne, %convert_element_type3A_139, %cond3A_140 : i32
        scf.if %cond3A_141 {
          %dma_wait3A_182 = arith.constant 0 : i32
          %dma_wait3A_183 = arith.constant 0 : i32
          %dma_wait3A_184 = arith.constant 0 : i32
          %dma_wait3A_185 = tpu.memref_slice %arg10[%dma_wait3A_182, %dma_wait3A_183, %dma_wait3A_184] : memref<2x128x128xbf16, #tpu.memory_space<vmem>> -> memref<1x128x128xbf16, #tpu.memory_space<vmem>>
          %dma_wait3A_186 = tpu.memref_squeeze %dma_wait3A_185 : memref<1x128x128xbf16, #tpu.memory_space<vmem>> -> memref<128x128xbf16, #tpu.memory_space<vmem>>
          %dma_wait3A_187 = arith.constant 0 : i32
          %dma_wait3A_188 = tpu.memref_slice %arg8[%add3A_107, %dma_wait3A_187] : memref<104x128xi32, #tpu.memory_space<vmem>> -> memref<1x128xi32, #tpu.memory_space<vmem>>
          %dma_wait3A_189 = tpu.memref_squeeze %dma_wait3A_188 : memref<1x128xi32, #tpu.memory_space<vmem>> -> memref<128xi32, #tpu.memory_space<vmem>>
          %dma_wait3A_190 = arith.constant 0 : i32
          %dma_wait3A_191 = arith.constant 0 : i32
          %dma_wait3A_192 = tpu.memref_slice %arg11[%dma_wait3A_190, %dma_wait3A_191] : memref<10240x128xbf16, #tpu.memory_space<vmem_shared>> -> memref<10240x128xbf16, #tpu.memory_space<vmem_shared>>
          tpu.wait_indirect_dma semaphore(%arg14 : memref<!tpu.dma_semaphore, #tpu.memory_space<semaphore_mem>>) src(%dma_wait3A_186 : memref<128x128xbf16, #tpu.memory_space<vmem>>) dst(%dma_wait3A_192 : memref<10240x128xbf16, #tpu.memory_space<vmem_shared>>)
          %add3A_193 = arith.constant 2 : i32
          %add3A_194 = arith.addi %add3A_107, %add3A_193 : i32
          %dma_start3A_195 = arith.constant 0 : i32
          %dma_start3A_196 = arith.constant 0 : i32
          %dma_start3A_197 = arith.constant 0 : i32
          %dma_start3A_198 = tpu.memref_slice %arg10[%dma_start3A_195, %dma_start3A_196, %dma_start3A_197] : memref<2x128x128xbf16, #tpu.memory_space<vmem>> -> memref<1x128x128xbf16, #tpu.memory_space<vmem>>
          %dma_start3A_199 = tpu.memref_squeeze %dma_start3A_198 : memref<1x128x128xbf16, #tpu.memory_space<vmem>> -> memref<128x128xbf16, #tpu.memory_space<vmem>>
          %dma_start3A_200 = arith.constant 0 : i32
          %dma_start3A_201 = tpu.memref_slice %arg7[%add3A_194, %dma_start3A_200] : memref<104x128xi32, #tpu.memory_space<vmem>> -> memref<1x128xi32, #tpu.memory_space<vmem>>
          %dma_start3A_202 = tpu.memref_squeeze %dma_start3A_201 : memref<1x128xi32, #tpu.memory_space<vmem>> -> memref<128xi32, #tpu.memory_space<vmem>>
          %dma_start3A_203 = arith.constant 0 : i32
          %dma_start3A_204 = arith.constant 0 : i32
          %dma_start3A_205 = tpu.memref_slice %arg2[%dma_start3A_203, %dma_start3A_204] : memref<10000x128xbf16, #tpu.memory_space<hbm>> -> memref<10000x128xbf16, #tpu.memory_space<hbm>>
          tpu.enqueue_indirect_dma source(%dma_start3A_205 : memref<10000x128xbf16, #tpu.memory_space<hbm>>) target(%dma_start3A_199 : memref<128x128xbf16, #tpu.memory_space<vmem>>) offsets(%dma_start3A_202 : memref<128xi32, #tpu.memory_space<vmem>>) semaphore(%arg12 : memref<!tpu.dma_semaphore, #tpu.memory_space<semaphore_mem>>)
        } else {
        }
        %mul3A_142 = arith.constant 2 : i32
        %mul3A_143 = arith.muli %mul3A_142, %scan3A_102 : i32
        %add3A_144 = arith.constant 1 : i32
        %add3A_145 = arith.addi %mul3A_143, %add3A_144 : i32
        %dma_wait3A_146 = arith.constant 1 : i32
        %dma_wait3A_147 = arith.constant 0 : i32
        %dma_wait3A_148 = arith.constant 0 : i32
        %dma_wait3A_149 = tpu.memref_slice %arg10[%dma_wait3A_146, %dma_wait3A_147, %dma_wait3A_148] : memref<2x128x128xbf16, #tpu.memory_space<vmem>> -> memref<1x128x128xbf16, #tpu.memory_space<vmem>>
        %dma_wait3A_150 = tpu.memref_squeeze %dma_wait3A_149 : memref<1x128x128xbf16, #tpu.memory_space<vmem>> -> memref<128x128xbf16, #tpu.memory_space<vmem>>
        %dma_wait3A_151 = arith.constant 0 : i32
        %dma_wait3A_152 = tpu.memref_slice %arg7[%add3A_145, %dma_wait3A_151] : memref<104x128xi32, #tpu.memory_space<vmem>> -> memref<1x128xi32, #tpu.memory_space<vmem>>
        %dma_wait3A_153 = tpu.memref_squeeze %dma_wait3A_152 : memref<1x128xi32, #tpu.memory_space<vmem>> -> memref<128xi32, #tpu.memory_space<vmem>>
        %dma_wait3A_154 = arith.constant 0 : i32
        %dma_wait3A_155 = arith.constant 0 : i32
        %dma_wait3A_156 = tpu.memref_slice %arg2[%dma_wait3A_154, %dma_wait3A_155] : memref<10000x128xbf16, #tpu.memory_space<hbm>> -> memref<10000x128xbf16, #tpu.memory_space<hbm>>
        tpu.wait_indirect_dma semaphore(%arg13 : memref<!tpu.dma_semaphore, #tpu.memory_space<semaphore_mem>>) src(%dma_wait3A_156 : memref<10000x128xbf16, #tpu.memory_space<hbm>>) dst(%dma_wait3A_150 : memref<128x128xbf16, #tpu.memory_space<vmem>>)
        %broadcast_in_dim3A_157 = vector.broadcast %add3A_145 : i32 to vector<16xi32>
        %scan3A_158 = arith.constant 0 : i32
        %scan3A_159 = arith.constant 0 : i32
        %scan3A_160 = arith.constant 128 : i32
        %scan3A_161 = arith.addi %scan3A_159, %scan3A_160 : i32
        %scan3A_162 = arith.constant 1 : i32
        %scan3A_163 = scf.for %scan3A_182 = %scan3A_159 to %scan3A_161 step %scan3A_162 iter_args(%scan3A_183 = %scan3A_158) -> (i32)  : i32 {
          %broadcast_in_dim3A_184 = vector.broadcast %scan3A_182 : i32 to vector<16xi32>
          %gather3A = tpu.vector_load_idx %arg9[%broadcast_in_dim3A_157, %broadcast_in_dim3A_184] : memref<104x128xf32, #tpu.memory_space<vmem>>[vector<16xi32>, vector<16xi32>], vector<16xf32>,
          %broadcast_in_dim3A_185 = arith.constant 16 : i32
          %broadcast_in_dim3A_186 = vector.broadcast %broadcast_in_dim3A_185 : i32 to vector<16xi32>
          %broadcast_in_dim3A_187 = arith.constant 1 : i32
          %broadcast_in_dim3A_188 = vector.broadcast %broadcast_in_dim3A_187 : i32 to vector<16xi32>
          %broadcast_in_dim3A_189 = arith.constant 32767 : i32
          %broadcast_in_dim3A_190 = vector.broadcast %broadcast_in_dim3A_189 : i32 to vector<16xi32>
          %bitcast3A = vector.bitcast %gather3A : vector<16xf32> to vector<16xi32>
          %add3A_191 = arith.addi %bitcast3A, %broadcast_in_dim3A_190 : vector<16xi32>
          %shift_right_logical3A = arith.shrui %bitcast3A, %broadcast_in_dim3A_186 : vector<16xi32>
          %and3A = arith.andi %shift_right_logical3A, %broadcast_in_dim3A_188 : vector<16xi32>
          %add3A_192 = arith.addi %add3A_191, %and3A : vector<16xi32>
          %shift_right_logical3A_193 = arith.shrui %add3A_192, %broadcast_in_dim3A_186 : vector<16xi32>
          %shift_left3A = arith.shli %shift_right_logical3A_193, %broadcast_in_dim3A_186 : vector<16xi32>
          %or3A = arith.ori %shift_right_logical3A_193, %shift_left3A : vector<16xi32>
          %bitcast3A_194 = vector.bitcast %or3A : vector<16xi32> to vector<32xbf16>
          %get3A = arith.constant 1 : i32
          %get3A_195 = arith.index_cast %get3A : i32 to index
          %get3A_196 = arith.index_cast %scan3A_182 : i32 to index
          %get3A_197 = arith.constant 0 : index
          %get3A_198 = tpu.vector_load %arg10[%get3A_195, %get3A_196, %get3A_197] {strides = array<i32>} : memref<2x128x128xbf16, #tpu.memory_space<vmem>>, vector<32xbf16>,
          %mul3A_199 = arith.mulf %get3A_198, %bitcast3A_194 : vector<32xbf16>
          %swap3A = arith.constant 1 : i32
          %swap3A_200 = arith.index_cast %swap3A : i32 to index
          %swap3A_201 = arith.index_cast %scan3A_182 : i32 to index
          %swap3A_202 = arith.constant 0 : index
          %swap3A_203 = tpu.vector_load %arg10[%swap3A_200, %swap3A_201, %swap3A_202] {strides = array<i32>} : memref<2x128x128xbf16, #tpu.memory_space<vmem>>, vector<32xbf16>,
          tpu.vector_store %arg10[%swap3A_200, %swap3A_201, %swap3A_202], %mul3A_199 {strides = array<i32>} : memref<2x128x128xbf16, #tpu.memory_space<vmem>>, vector<32xbf16>,
          %get3A_204 = arith.constant 1 : i32
          %get3A_205 = arith.index_cast %get3A_204 : i32 to index
          %get3A_206 = arith.index_cast %scan3A_182 : i32 to index
          %get3A_207 = arith.constant 32 : index
          %get3A_208 = tpu.vector_load %arg10[%get3A_205, %get3A_206, %get3A_207] {strides = array<i32>} : memref<2x128x128xbf16, #tpu.memory_space<vmem>>, vector<32xbf16>,
          %mul3A_209 = arith.mulf %get3A_208, %bitcast3A_194 : vector<32xbf16>
          %swap3A_210 = arith.constant 1 : i32
          %swap3A_211 = arith.index_cast %swap3A_210 : i32 to index
          %swap3A_212 = arith.index_cast %scan3A_182 : i32 to index
          %swap3A_213 = arith.constant 32 : index
          %swap3A_214 = tpu.vector_load %arg10[%swap3A_211, %swap3A_212, %swap3A_213] {strides = array<i32>} : memref<2x128x128xbf16, #tpu.memory_space<vmem>>, vector<32xbf16>,
          tpu.vector_store %arg10[%swap3A_211, %swap3A_212, %swap3A_213], %mul3A_209 {strides = array<i32>} : memref<2x128x128xbf16, #tpu.memory_space<vmem>>, vector<32xbf16>,
          %get3A_215 = arith.constant 1 : i32
          %get3A_216 = arith.index_cast %get3A_215 : i32 to index
          %get3A_217 = arith.index_cast %scan3A_182 : i32 to index
          %get3A_218 = arith.constant 64 : index
          %get3A_219 = tpu.vector_load %arg10[%get3A_216, %get3A_217, %get3A_218] {strides = array<i32>} : memref<2x128x128xbf16, #tpu.memory_space<vmem>>, vector<32xbf16>,
          %mul3A_220 = arith.mulf %get3A_219, %bitcast3A_194 : vector<32xbf16>
          %swap3A_221 = arith.constant 1 : i32
          %swap3A_222 = arith.index_cast %swap3A_221 : i32 to index
          %swap3A_223 = arith.index_cast %scan3A_182 : i32 to index
          %swap3A_224 = arith.constant 64 : index
          %swap3A_225 = tpu.vector_load %arg10[%swap3A_222, %swap3A_223, %swap3A_224] {strides = array<i32>} : memref<2x128x128xbf16, #tpu.memory_space<vmem>>, vector<32xbf16>,
          tpu.vector_store %arg10[%swap3A_222, %swap3A_223, %swap3A_224], %mul3A_220 {strides = array<i32>} : memref<2x128x128xbf16, #tpu.memory_space<vmem>>, vector<32xbf16>,
          %get3A_226 = arith.constant 1 : i32
          %get3A_227 = arith.index_cast %get3A_226 : i32 to index
          %get3A_228 = arith.index_cast %scan3A_182 : i32 to index
          %get3A_229 = arith.constant 96 : index
          %get3A_230 = tpu.vector_load %arg10[%get3A_227, %get3A_228, %get3A_229] {strides = array<i32>} : memref<2x128x128xbf16, #tpu.memory_space<vmem>>, vector<32xbf16>,
          %mul3A_231 = arith.mulf %get3A_230, %bitcast3A_194 : vector<32xbf16>
          %swap3A_232 = arith.constant 1 : i32
          %swap3A_233 = arith.index_cast %swap3A_232 : i32 to index
          %swap3A_234 = arith.index_cast %scan3A_182 : i32 to index
          %swap3A_235 = arith.constant 96 : index
          %swap3A_236 = tpu.vector_load %arg10[%swap3A_233, %swap3A_234, %swap3A_235] {strides = array<i32>} : memref<2x128x128xbf16, #tpu.memory_space<vmem>>, vector<32xbf16>,
          tpu.vector_store %arg10[%swap3A_233, %swap3A_234, %swap3A_235], %mul3A_231 {strides = array<i32>} : memref<2x128x128xbf16, #tpu.memory_space<vmem>>, vector<32xbf16>,
          %scan3A_237 = arith.constant 0 : i32
          scf.yield %scan3A_237 : i32
        }
        %scan3A_164 = arith.constant 128 : i32
        %dma_start3A_165 = arith.constant 1 : i32
        %dma_start3A_166 = arith.constant 0 : i32
        %dma_start3A_167 = arith.constant 0 : i32
        %dma_start3A_168 = tpu.memref_slice %arg10[%dma_start3A_165, %dma_start3A_166, %dma_start3A_167] : memref<2x128x128xbf16, #tpu.memory_space<vmem>> -> memref<1x128x128xbf16, #tpu.memory_space<vmem>>
        %dma_start3A_169 = tpu.memref_squeeze %dma_start3A_168 : memref<1x128x128xbf16, #tpu.memory_space<vmem>> -> memref<128x128xbf16, #tpu.memory_space<vmem>>
        %dma_start3A_170 = arith.constant 0 : i32
        %dma_start3A_171 = tpu.memref_slice %arg8[%add3A_145, %dma_start3A_170] : memref<104x128xi32, #tpu.memory_space<vmem>> -> memref<1x128xi32, #tpu.memory_space<vmem>>
        %dma_start3A_172 = tpu.memref_squeeze %dma_start3A_171 : memref<1x128xi32, #tpu.memory_space<vmem>> -> memref<128xi32, #tpu.memory_space<vmem>>
        %dma_start3A_173 = arith.constant 0 : i32
        %dma_start3A_174 = arith.constant 0 : i32
        %dma_start3A_175 = tpu.memref_slice %arg11[%dma_start3A_173, %dma_start3A_174] : memref<10240x128xbf16, #tpu.memory_space<vmem_shared>> -> memref<10240x128xbf16, #tpu.memory_space<vmem_shared>>
        tpu.enqueue_indirect_dma source(%dma_start3A_169 : memref<128x128xbf16, #tpu.memory_space<vmem>>) target(%dma_start3A_175 : memref<10240x128xbf16, #tpu.memory_space<vmem_shared>>) offsets(%dma_start3A_172 : memref<128xi32, #tpu.memory_space<vmem>>) semaphore(%arg15 : memref<!tpu.dma_semaphore, #tpu.memory_space<semaphore_mem>>) {add = true}
        %lt3A_176 = arith.constant 51 : i32
        %lt3A_177 = arith.cmpi slt, %scan3A_102, %lt3A_176 : i32
        %convert_element_type3A_178 = arith.extui %lt3A_177 : i1 to i32
        %cond3A_179 = arith.constant 0 : i32
        %cond3A_180 = arith.cmpi ne, %convert_element_type3A_178, %cond3A_179 : i32
        scf.if %cond3A_180 {
          %dma_wait3A_182 = arith.constant 1 : i32
          %dma_wait3A_183 = arith.constant 0 : i32
          %dma_wait3A_184 = arith.constant 0 : i32
          %dma_wait3A_185 = tpu.memref_slice %arg10[%dma_wait3A_182, %dma_wait3A_183, %dma_wait3A_184] : memref<2x128x128xbf16, #tpu.memory_space<vmem>> -> memref<1x128x128xbf16, #tpu.memory_space<vmem>>
          %dma_wait3A_186 = tpu.memref_squeeze %dma_wait3A_185 : memref<1x128x128xbf16, #tpu.memory_space<vmem>> -> memref<128x128xbf16, #tpu.memory_space<vmem>>
          %dma_wait3A_187 = arith.constant 0 : i32
          %dma_wait3A_188 = tpu.memref_slice %arg8[%add3A_145, %dma_wait3A_187] : memref<104x128xi32, #tpu.memory_space<vmem>> -> memref<1x128xi32, #tpu.memory_space<vmem>>
          %dma_wait3A_189 = tpu.memref_squeeze %dma_wait3A_188 : memref<1x128xi32, #tpu.memory_space<vmem>> -> memref<128xi32, #tpu.memory_space<vmem>>
          %dma_wait3A_190 = arith.constant 0 : i32
          %dma_wait3A_191 = arith.constant 0 : i32
          %dma_wait3A_192 = tpu.memref_slice %arg11[%dma_wait3A_190, %dma_wait3A_191] : memref<10240x128xbf16, #tpu.memory_space<vmem_shared>> -> memref<10240x128xbf16, #tpu.memory_space<vmem_shared>>
          tpu.wait_indirect_dma semaphore(%arg15 : memref<!tpu.dma_semaphore, #tpu.memory_space<semaphore_mem>>) src(%dma_wait3A_186 : memref<128x128xbf16, #tpu.memory_space<vmem>>) dst(%dma_wait3A_192 : memref<10240x128xbf16, #tpu.memory_space<vmem_shared>>)
          %add3A_193 = arith.constant 2 : i32
          %add3A_194 = arith.addi %add3A_145, %add3A_193 : i32
          %dma_start3A_195 = arith.constant 1 : i32
          %dma_start3A_196 = arith.constant 0 : i32
          %dma_start3A_197 = arith.constant 0 : i32
          %dma_start3A_198 = tpu.memref_slice %arg10[%dma_start3A_195, %dma_start3A_196, %dma_start3A_197] : memref<2x128x128xbf16, #tpu.memory_space<vmem>> -> memref<1x128x128xbf16, #tpu.memory_space<vmem>>
          %dma_start3A_199 = tpu.memref_squeeze %dma_start3A_198 : memref<1x128x128xbf16, #tpu.memory_space<vmem>> -> memref<128x128xbf16, #tpu.memory_space<vmem>>
          %dma_start3A_200 = arith.constant 0 : i32
          %dma_start3A_201 = tpu.memref_slice %arg7[%add3A_194, %dma_start3A_200] : memref<104x128xi32, #tpu.memory_space<vmem>> -> memref<1x128xi32, #tpu.memory_space<vmem>>
          %dma_start3A_202 = tpu.memref_squeeze %dma_start3A_201 : memref<1x128xi32, #tpu.memory_space<vmem>> -> memref<128xi32, #tpu.memory_space<vmem>>
          %dma_start3A_203 = arith.constant 0 : i32
          %dma_start3A_204 = arith.constant 0 : i32
          %dma_start3A_205 = tpu.memref_slice %arg2[%dma_start3A_203, %dma_start3A_204] : memref<10000x128xbf16, #tpu.memory_space<hbm>> -> memref<10000x128xbf16, #tpu.memory_space<hbm>>
          tpu.enqueue_indirect_dma source(%dma_start3A_205 : memref<10000x128xbf16, #tpu.memory_space<hbm>>) target(%dma_start3A_199 : memref<128x128xbf16, #tpu.memory_space<vmem>>) offsets(%dma_start3A_202 : memref<128xi32, #tpu.memory_space<vmem>>) semaphore(%arg13 : memref<!tpu.dma_semaphore, #tpu.memory_space<semaphore_mem>>)
        } else {
        }
        %scan3A_181 = arith.constant 0 : i32
        scf.yield %scan3A_181 : i32
      }
      %scan3A_78 = arith.constant 52 : i32
      %dma_wait3A = arith.constant 0 : i32
      %dma_wait3A_79 = arith.constant 102 : i32
      %dma_wait3A_80 = arith.constant 0 : i32
      %dma_wait3A_81 = arith.constant 0 : i32
      %dma_wait3A_82 = tpu.memref_slice %arg10[%dma_wait3A, %dma_wait3A_80, %dma_wait3A_81] : memref<2x128x128xbf16, #tpu.memory_space<vmem>> -> memref<1x128x128xbf16, #tpu.memory_space<vmem>>
      %dma_wait3A_83 = tpu.memref_squeeze %dma_wait3A_82 : memref<1x128x128xbf16, #tpu.memory_space<vmem>> -> memref<128x128xbf16, #tpu.memory_space<vmem>>
      %dma_wait3A_84 = arith.constant 0 : i32
      %dma_wait3A_85 = tpu.memref_slice %arg8[%dma_wait3A_79, %dma_wait3A_84] : memref<104x128xi32, #tpu.memory_space<vmem>> -> memref<1x128xi32, #tpu.memory_space<vmem>>
      %dma_wait3A_86 = tpu.memref_squeeze %dma_wait3A_85 : memref<1x128xi32, #tpu.memory_space<vmem>> -> memref<128xi32, #tpu.memory_space<vmem>>
      %dma_wait3A_87 = arith.constant 0 : i32
      %dma_wait3A_88 = arith.constant 0 : i32
      %dma_wait3A_89 = tpu.memref_slice %arg11[%dma_wait3A_87, %dma_wait3A_88] : memref<10240x128xbf16, #tpu.memory_space<vmem_shared>> -> memref<10240x128xbf16, #tpu.memory_space<vmem_shared>>
      tpu.wait_indirect_dma semaphore(%arg14 : memref<!tpu.dma_semaphore, #tpu.memory_space<semaphore_mem>>) src(%dma_wait3A_83 : memref<128x128xbf16, #tpu.memory_space<vmem>>) dst(%dma_wait3A_89 : memref<10240x128xbf16, #tpu.memory_space<vmem_shared>>)
      %dma_wait3A_90 = arith.constant 1 : i32
      %dma_wait3A_91 = arith.constant 103 : i32
      %dma_wait3A_92 = arith.constant 0 : i32
      %dma_wait3A_93 = arith.constant 0 : i32
      %dma_wait3A_94 = tpu.memref_slice %arg10[%dma_wait3A_90, %dma_wait3A_92, %dma_wait3A_93] : memref<2x128x128xbf16, #tpu.memory_space<vmem>> -> memref<1x128x128xbf16, #tpu.memory_space<vmem>>
      %dma_wait3A_95 = tpu.memref_squeeze %dma_wait3A_94 : memref<1x128x128xbf16, #tpu.memory_space<vmem>> -> memref<128x128xbf16, #tpu.memory_space<vmem>>
      %dma_wait3A_96 = arith.constant 0 : i32
      %dma_wait3A_97 = tpu.memref_slice %arg8[%dma_wait3A_91, %dma_wait3A_96] : memref<104x128xi32, #tpu.memory_space<vmem>> -> memref<1x128xi32, #tpu.memory_space<vmem>>
      %dma_wait3A_98 = tpu.memref_squeeze %dma_wait3A_97 : memref<1x128xi32, #tpu.memory_space<vmem>> -> memref<128xi32, #tpu.memory_space<vmem>>
      %dma_wait3A_99 = arith.constant 0 : i32
      %dma_wait3A_100 = arith.constant 0 : i32
      %dma_wait3A_101 = tpu.memref_slice %arg11[%dma_wait3A_99, %dma_wait3A_100] : memref<10240x128xbf16, #tpu.memory_space<vmem_shared>> -> memref<10240x128xbf16, #tpu.memory_space<vmem_shared>>
      tpu.wait_indirect_dma semaphore(%arg15 : memref<!tpu.dma_semaphore, #tpu.memory_space<semaphore_mem>>) src(%dma_wait3A_95 : memref<128x128xbf16, #tpu.memory_space<vmem>>) dst(%dma_wait3A_101 : memref<10240x128xbf16, #tpu.memory_space<vmem_shared>>)
    } else {
    }
    %eq3A_23 = arith.constant 1 : i32
    %eq3A_24 = arith.cmpi eq, %arg0, %eq3A_23 : i32
    %convert_element_type3A_25 = arith.extui %eq3A_24 : i1 to i32
    %cond3A_26 = arith.constant 0 : i32
    %cond3A_27 = arith.cmpi ne, %convert_element_type3A_25, %cond3A_26 : i32
    scf.if %cond3A_27 {
      "tpu.region"() ({
        %run_scoped3A_102 = tpu.sem_alloc : memref<!tpu.dma_semaphore, #tpu.memory_space<semaphore_mem>>
        %dma_start3A_103 = arith.constant 0 : i32
        %dma_start3A_104 = arith.constant 0 : i32
        %dma_start3A_105 = tpu.memref_slice %arg7[%dma_start3A_103, %dma_start3A_104] : memref<104x128xi32, #tpu.memory_space<vmem>> -> memref<56x128xi32, #tpu.memory_space<vmem>>
        %dma_start3A_106 = arith.constant 104 : i32
        %dma_start3A_107 = arith.constant 0 : i32
        %dma_start3A_108 = tpu.memref_slice %arg3[%arg1, %dma_start3A_106, %dma_start3A_107] : memref<16x160x128xi32, #tpu.memory_space<hbm>> -> memref<1x56x128xi32, #tpu.memory_space<hbm>>
        %dma_start3A_109 = tpu.memref_squeeze %dma_start3A_108 : memref<1x56x128xi32, #tpu.memory_space<hbm>> -> memref<56x128xi32, #tpu.memory_space<hbm>>
        %dma_start3A_110 = arith.constant 0 : i32
        %dma_start3A_111 = arith.constant 0 : i32
        %dma_start3A_112 = tpu.memref_slice %arg7[%dma_start3A_110, %dma_start3A_111] : memref<104x128xi32, #tpu.memory_space<vmem>> -> memref<56x128xi32, #tpu.memory_space<vmem>>
        %dma_start3A_113 = arith.constant 104 : i32
        %dma_start3A_114 = arith.constant 0 : i32
        %dma_start3A_115 = tpu.memref_slice %arg3[%arg1, %dma_start3A_113, %dma_start3A_114] : memref<16x160x128xi32, #tpu.memory_space<hbm>> -> memref<1x56x128xi32, #tpu.memory_space<hbm>>
        %dma_start3A_116 = tpu.memref_squeeze %dma_start3A_115 : memref<1x56x128xi32, #tpu.memory_space<hbm>> -> memref<56x128xi32, #tpu.memory_space<hbm>>
        tpu.enqueue_dma source(%dma_start3A_116 : memref<56x128xi32, #tpu.memory_space<hbm>>) target(%dma_start3A_112 : memref<56x128xi32, #tpu.memory_space<vmem>>) target_semaphore(%run_scoped3A_102 : memref<!tpu.dma_semaphore, #tpu.memory_space<semaphore_mem>>)
        %dma_wait3A_117 = arith.constant 0 : i32
        %dma_wait3A_118 = arith.constant 0 : i32
        %dma_wait3A_119 = tpu.memref_slice %arg7[%dma_wait3A_117, %dma_wait3A_118] : memref<104x128xi32, #tpu.memory_space<vmem>> -> memref<56x128xi32, #tpu.memory_space<vmem>>
        %dma_wait3A_120 = arith.constant 104 : i32
        %dma_wait3A_121 = arith.constant 0 : i32
        %dma_wait3A_122 = tpu.memref_slice %arg3[%arg1, %dma_wait3A_120, %dma_wait3A_121] : memref<16x160x128xi32, #tpu.memory_space<hbm>> -> memref<1x56x128xi32, #tpu.memory_space<hbm>>
        %dma_wait3A_123 = tpu.memref_squeeze %dma_wait3A_122 : memref<1x56x128xi32, #tpu.memory_space<hbm>> -> memref<56x128xi32, #tpu.memory_space<hbm>>
        %dma_wait3A_124 = arith.constant 0 : i32
        %dma_wait3A_125 = arith.constant 0 : i32
        %dma_wait3A_126 = tpu.memref_slice %arg7[%dma_wait3A_124, %dma_wait3A_125] : memref<104x128xi32, #tpu.memory_space<vmem>> -> memref<56x128xi32, #tpu.memory_space<vmem>>
        %dma_wait3A_127 = arith.constant 104 : i32
        %dma_wait3A_128 = arith.constant 0 : i32
        %dma_wait3A_129 = tpu.memref_slice %arg3[%arg1, %dma_wait3A_127, %dma_wait3A_128] : memref<16x160x128xi32, #tpu.memory_space<hbm>> -> memref<1x56x128xi32, #tpu.memory_space<hbm>>
        %dma_wait3A_130 = tpu.memref_squeeze %dma_wait3A_129 : memref<1x56x128xi32, #tpu.memory_space<hbm>> -> memref<56x128xi32, #tpu.memory_space<hbm>>
        tpu.wait_dma2 semaphore(%run_scoped3A_102 : memref<!tpu.dma_semaphore, #tpu.memory_space<semaphore_mem>>) src(%dma_wait3A_130 : memref<56x128xi32, #tpu.memory_space<hbm>>) dst(%dma_wait3A_126 : memref<56x128xi32, #tpu.memory_space<vmem>>)
        tpu.yield
      }) : () -> ()
      "tpu.region"() ({
        %run_scoped3A_102 = tpu.sem_alloc : memref<!tpu.dma_semaphore, #tpu.memory_space<semaphore_mem>>
        %dma_start3A_103 = arith.constant 0 : i32
        %dma_start3A_104 = arith.constant 0 : i32
        %dma_start3A_105 = tpu.memref_slice %arg8[%dma_start3A_103, %dma_start3A_104] : memref<104x128xi32, #tpu.memory_space<vmem>> -> memref<56x128xi32, #tpu.memory_space<vmem>>
        %dma_start3A_106 = arith.constant 104 : i32
        %dma_start3A_107 = arith.constant 0 : i32
        %dma_start3A_108 = tpu.memref_slice %arg4[%arg1, %dma_start3A_106, %dma_start3A_107] : memref<16x160x128xi32, #tpu.memory_space<hbm>> -> memref<1x56x128xi32, #tpu.memory_space<hbm>>
        %dma_start3A_109 = tpu.memref_squeeze %dma_start3A_108 : memref<1x56x128xi32, #tpu.memory_space<hbm>> -> memref<56x128xi32, #tpu.memory_space<hbm>>
        %dma_start3A_110 = arith.constant 0 : i32
        %dma_start3A_111 = arith.constant 0 : i32
        %dma_start3A_112 = tpu.memref_slice %arg8[%dma_start3A_110, %dma_start3A_111] : memref<104x128xi32, #tpu.memory_space<vmem>> -> memref<56x128xi32, #tpu.memory_space<vmem>>
        %dma_start3A_113 = arith.constant 104 : i32
        %dma_start3A_114 = arith.constant 0 : i32
        %dma_start3A_115 = tpu.memref_slice %arg4[%arg1, %dma_start3A_113, %dma_start3A_114] : memref<16x160x128xi32, #tpu.memory_space<hbm>> -> memref<1x56x128xi32, #tpu.memory_space<hbm>>
        %dma_start3A_116 = tpu.memref_squeeze %dma_start3A_115 : memref<1x56x128xi32, #tpu.memory_space<hbm>> -> memref<56x128xi32, #tpu.memory_space<hbm>>
        tpu.enqueue_dma source(%dma_start3A_116 : memref<56x128xi32, #tpu.memory_space<hbm>>) target(%dma_start3A_112 : memref<56x128xi32, #tpu.memory_space<vmem>>) target_semaphore(%run_scoped3A_102 : memref<!tpu.dma_semaphore, #tpu.memory_space<semaphore_mem>>)
        %dma_wait3A_117 = arith.constant 0 : i32
        %dma_wait3A_118 = arith.constant 0 : i32
        %dma_wait3A_119 = tpu.memref_slice %arg8[%dma_wait3A_117, %dma_wait3A_118] : memref<104x128xi32, #tpu.memory_space<vmem>> -> memref<56x128xi32, #tpu.memory_space<vmem>>
        %dma_wait3A_120 = arith.constant 104 : i32
        %dma_wait3A_121 = arith.constant 0 : i32
        %dma_wait3A_122 = tpu.memref_slice %arg4[%arg1, %dma_wait3A_120, %dma_wait3A_121] : memref<16x160x128xi32, #tpu.memory_space<hbm>> -> memref<1x56x128xi32, #tpu.memory_space<hbm>>
        %dma_wait3A_123 = tpu.memref_squeeze %dma_wait3A_122 : memref<1x56x128xi32, #tpu.memory_space<hbm>> -> memref<56x128xi32, #tpu.memory_space<hbm>>
        %dma_wait3A_124 = arith.constant 0 : i32
        %dma_wait3A_125 = arith.constant 0 : i32
        %dma_wait3A_126 = tpu.memref_slice %arg8[%dma_wait3A_124, %dma_wait3A_125] : memref<104x128xi32, #tpu.memory_space<vmem>> -> memref<56x128xi32, #tpu.memory_space<vmem>>
        %dma_wait3A_127 = arith.constant 104 : i32
        %dma_wait3A_128 = arith.constant 0 : i32
        %dma_wait3A_129 = tpu.memref_slice %arg4[%arg1, %dma_wait3A_127, %dma_wait3A_128] : memref<16x160x128xi32, #tpu.memory_space<hbm>> -> memref<1x56x128xi32, #tpu.memory_space<hbm>>
        %dma_wait3A_130 = tpu.memref_squeeze %dma_wait3A_129 : memref<1x56x128xi32, #tpu.memory_space<hbm>> -> memref<56x128xi32, #tpu.memory_space<hbm>>
        tpu.wait_dma2 semaphore(%run_scoped3A_102 : memref<!tpu.dma_semaphore, #tpu.memory_space<semaphore_mem>>) src(%dma_wait3A_130 : memref<56x128xi32, #tpu.memory_space<hbm>>) dst(%dma_wait3A_126 : memref<56x128xi32, #tpu.memory_space<vmem>>)
        tpu.yield
      }) : () -> ()
      "tpu.region"() ({
        %run_scoped3A_102 = tpu.sem_alloc : memref<!tpu.dma_semaphore, #tpu.memory_space<semaphore_mem>>
        %dma_start3A_103 = arith.constant 0 : i32
        %dma_start3A_104 = arith.constant 0 : i32
        %dma_start3A_105 = tpu.memref_slice %arg9[%dma_start3A_103, %dma_start3A_104] : memref<104x128xf32, #tpu.memory_space<vmem>> -> memref<56x128xf32, #tpu.memory_space<vmem>>
        %dma_start3A_106 = arith.constant 104 : i32
        %dma_start3A_107 = arith.constant 0 : i32
        %dma_start3A_108 = tpu.memref_slice %arg5[%arg1, %dma_start3A_106, %dma_start3A_107] : memref<16x160x128xf32, #tpu.memory_space<hbm>> -> memref<1x56x128xf32, #tpu.memory_space<hbm>>
        %dma_start3A_109 = tpu.memref_squeeze %dma_start3A_108 : memref<1x56x128xf32, #tpu.memory_space<hbm>> -> memref<56x128xf32, #tpu.memory_space<hbm>>
        %dma_start3A_110 = arith.constant 0 : i32
        %dma_start3A_111 = arith.constant 0 : i32
        %dma_start3A_112 = tpu.memref_slice %arg9[%dma_start3A_110, %dma_start3A_111] : memref<104x128xf32, #tpu.memory_space<vmem>> -> memref<56x128xf32, #tpu.memory_space<vmem>>
        %dma_start3A_113 = arith.constant 104 : i32
        %dma_start3A_114 = arith.constant 0 : i32
        %dma_start3A_115 = tpu.memref_slice %arg5[%arg1, %dma_start3A_113, %dma_start3A_114] : memref<16x160x128xf32, #tpu.memory_space<hbm>> -> memref<1x56x128xf32, #tpu.memory_space<hbm>>
        %dma_start3A_116 = tpu.memref_squeeze %dma_start3A_115 : memref<1x56x128xf32, #tpu.memory_space<hbm>> -> memref<56x128xf32, #tpu.memory_space<hbm>>
        tpu.enqueue_dma source(%dma_start3A_116 : memref<56x128xf32, #tpu.memory_space<hbm>>) target(%dma_start3A_112 : memref<56x128xf32, #tpu.memory_space<vmem>>) target_semaphore(%run_scoped3A_102 : memref<!tpu.dma_semaphore, #tpu.memory_space<semaphore_mem>>)
        %dma_wait3A_117 = arith.constant 0 : i32
        %dma_wait3A_118 = arith.constant 0 : i32
        %dma_wait3A_119 = tpu.memref_slice %arg9[%dma_wait3A_117, %dma_wait3A_118] : memref<104x128xf32, #tpu.memory_space<vmem>> -> memref<56x128xf32, #tpu.memory_space<vmem>>
        %dma_wait3A_120 = arith.constant 104 : i32
        %dma_wait3A_121 = arith.constant 0 : i32
        %dma_wait3A_122 = tpu.memref_slice %arg5[%arg1, %dma_wait3A_120, %dma_wait3A_121] : memref<16x160x128xf32, #tpu.memory_space<hbm>> -> memref<1x56x128xf32, #tpu.memory_space<hbm>>
        %dma_wait3A_123 = tpu.memref_squeeze %dma_wait3A_122 : memref<1x56x128xf32, #tpu.memory_space<hbm>> -> memref<56x128xf32, #tpu.memory_space<hbm>>
        %dma_wait3A_124 = arith.constant 0 : i32
        %dma_wait3A_125 = arith.constant 0 : i32
        %dma_wait3A_126 = tpu.memref_slice %arg9[%dma_wait3A_124, %dma_wait3A_125] : memref<104x128xf32, #tpu.memory_space<vmem>> -> memref<56x128xf32, #tpu.memory_space<vmem>>
        %dma_wait3A_127 = arith.constant 104 : i32
        %dma_wait3A_128 = arith.constant 0 : i32
        %dma_wait3A_129 = tpu.memref_slice %arg5[%arg1, %dma_wait3A_127, %dma_wait3A_128] : memref<16x160x128xf32, #tpu.memory_space<hbm>> -> memref<1x56x128xf32, #tpu.memory_space<hbm>>
        %dma_wait3A_130 = tpu.memref_squeeze %dma_wait3A_129 : memref<1x56x128xf32, #tpu.memory_space<hbm>> -> memref<56x128xf32, #tpu.memory_space<hbm>>
        tpu.wait_dma2 semaphore(%run_scoped3A_102 : memref<!tpu.dma_semaphore, #tpu.memory_space<semaphore_mem>>) src(%dma_wait3A_130 : memref<56x128xf32, #tpu.memory_space<hbm>>) dst(%dma_wait3A_126 : memref<56x128xf32, #tpu.memory_space<vmem>>)
        tpu.yield
      }) : () -> ()
      %dma_start3A = arith.constant 0 : i32
      %dma_start3A_49 = arith.constant 0 : i32
      %dma_start3A_50 = arith.constant 0 : i32
      %dma_start3A_51 = arith.constant 0 : i32
      %dma_start3A_52 = tpu.memref_slice %arg10[%dma_start3A_49, %dma_start3A_50, %dma_start3A_51] : memref<2x128x128xbf16, #tpu.memory_space<vmem>> -> memref<1x128x128xbf16, #tpu.memory_space<vmem>>
      %dma_start3A_53 = tpu.memref_squeeze %dma_start3A_52 : memref<1x128x128xbf16, #tpu.memory_space<vmem>> -> memref<128x128xbf16, #tpu.memory_space<vmem>>
      %dma_start3A_54 = arith.constant 0 : i32
      %dma_start3A_55 = tpu.memref_slice %arg7[%dma_start3A, %dma_start3A_54] : memref<104x128xi32, #tpu.memory_space<vmem>> -> memref<1x128xi32, #tpu.memory_space<vmem>>
      %dma_start3A_56 = tpu.memref_squeeze %dma_start3A_55 : memref<1x128xi32, #tpu.memory_space<vmem>> -> memref<128xi32, #tpu.memory_space<vmem>>
      %dma_start3A_57 = arith.constant 0 : i32
      %dma_start3A_58 = arith.constant 0 : i32
      %dma_start3A_59 = tpu.memref_slice %arg2[%dma_start3A_57, %dma_start3A_58] : memref<10000x128xbf16, #tpu.memory_space<hbm>> -> memref<10000x128xbf16, #tpu.memory_space<hbm>>
      tpu.enqueue_indirect_dma source(%dma_start3A_59 : memref<10000x128xbf16, #tpu.memory_space<hbm>>) target(%dma_start3A_53 : memref<128x128xbf16, #tpu.memory_space<vmem>>) offsets(%dma_start3A_56 : memref<128xi32, #tpu.memory_space<vmem>>) semaphore(%arg12 : memref<!tpu.dma_semaphore, #tpu.memory_space<semaphore_mem>>)
      %dma_start3A_60 = arith.constant 1 : i32
      %dma_start3A_61 = arith.constant 1 : i32
      %dma_start3A_62 = arith.constant 0 : i32
      %dma_start3A_63 = arith.constant 0 : i32
      %dma_start3A_64 = tpu.memref_slice %arg10[%dma_start3A_61, %dma_start3A_62, %dma_start3A_63] : memref<2x128x128xbf16, #tpu.memory_space<vmem>> -> memref<1x128x128xbf16, #tpu.memory_space<vmem>>
      %dma_start3A_65 = tpu.memref_squeeze %dma_start3A_64 : memref<1x128x128xbf16, #tpu.memory_space<vmem>> -> memref<128x128xbf16, #tpu.memory_space<vmem>>
      %dma_start3A_66 = arith.constant 0 : i32
      %dma_start3A_67 = tpu.memref_slice %arg7[%dma_start3A_60, %dma_start3A_66] : memref<104x128xi32, #tpu.memory_space<vmem>> -> memref<1x128xi32, #tpu.memory_space<vmem>>
      %dma_start3A_68 = tpu.memref_squeeze %dma_start3A_67 : memref<1x128xi32, #tpu.memory_space<vmem>> -> memref<128xi32, #tpu.memory_space<vmem>>
      %dma_start3A_69 = arith.constant 0 : i32
      %dma_start3A_70 = arith.constant 0 : i32
      %dma_start3A_71 = tpu.memref_slice %arg2[%dma_start3A_69, %dma_start3A_70] : memref<10000x128xbf16, #tpu.memory_space<hbm>> -> memref<10000x128xbf16, #tpu.memory_space<hbm>>
      tpu.enqueue_indirect_dma source(%dma_start3A_71 : memref<10000x128xbf16, #tpu.memory_space<hbm>>) target(%dma_start3A_65 : memref<128x128xbf16, #tpu.memory_space<vmem>>) offsets(%dma_start3A_68 : memref<128xi32, #tpu.memory_space<vmem>>) semaphore(%arg13 : memref<!tpu.dma_semaphore, #tpu.memory_space<semaphore_mem>>)
      %scan3A_72 = arith.constant 0 : i32
      %scan3A_73 = arith.constant 0 : i32
      %scan3A_74 = arith.constant 28 : i32
      %scan3A_75 = arith.addi %scan3A_73, %scan3A_74 : i32
      %scan3A_76 = arith.constant 1 : i32
      %scan3A_77 = scf.for %scan3A_102 = %scan3A_73 to %scan3A_75 step %scan3A_76 iter_args(%scan3A_103 = %scan3A_72) -> (i32)  : i32 {
        %mul3A_104 = arith.constant 2 : i32
        %mul3A_105 = arith.muli %mul3A_104, %scan3A_102 : i32
        %add3A_106 = arith.constant 0 : i32
        %add3A_107 = arith.addi %mul3A_105, %add3A_106 : i32
        %dma_wait3A_108 = arith.constant 0 : i32
        %dma_wait3A_109 = arith.constant 0 : i32
        %dma_wait3A_110 = arith.constant 0 : i32
        %dma_wait3A_111 = tpu.memref_slice %arg10[%dma_wait3A_108, %dma_wait3A_109, %dma_wait3A_110] : memref<2x128x128xbf16, #tpu.memory_space<vmem>> -> memref<1x128x128xbf16, #tpu.memory_space<vmem>>
        %dma_wait3A_112 = tpu.memref_squeeze %dma_wait3A_111 : memref<1x128x128xbf16, #tpu.memory_space<vmem>> -> memref<128x128xbf16, #tpu.memory_space<vmem>>
        %dma_wait3A_113 = arith.constant 0 : i32
        %dma_wait3A_114 = tpu.memref_slice %arg7[%add3A_107, %dma_wait3A_113] : memref<104x128xi32, #tpu.memory_space<vmem>> -> memref<1x128xi32, #tpu.memory_space<vmem>>
        %dma_wait3A_115 = tpu.memref_squeeze %dma_wait3A_114 : memref<1x128xi32, #tpu.memory_space<vmem>> -> memref<128xi32, #tpu.memory_space<vmem>>
        %dma_wait3A_116 = arith.constant 0 : i32
        %dma_wait3A_117 = arith.constant 0 : i32
        %dma_wait3A_118 = tpu.memref_slice %arg2[%dma_wait3A_116, %dma_wait3A_117] : memref<10000x128xbf16, #tpu.memory_space<hbm>> -> memref<10000x128xbf16, #tpu.memory_space<hbm>>
        tpu.wait_indirect_dma semaphore(%arg12 : memref<!tpu.dma_semaphore, #tpu.memory_space<semaphore_mem>>) src(%dma_wait3A_118 : memref<10000x128xbf16, #tpu.memory_space<hbm>>) dst(%dma_wait3A_112 : memref<128x128xbf16, #tpu.memory_space<vmem>>)
        %broadcast_in_dim3A_119 = vector.broadcast %add3A_107 : i32 to vector<16xi32>
        %scan3A_120 = arith.constant 0 : i32
        %scan3A_121 = arith.constant 0 : i32
        %scan3A_122 = arith.constant 128 : i32
        %scan3A_123 = arith.addi %scan3A_121, %scan3A_122 : i32
        %scan3A_124 = arith.constant 1 : i32
        %scan3A_125 = scf.for %scan3A_182 = %scan3A_121 to %scan3A_123 step %scan3A_124 iter_args(%scan3A_183 = %scan3A_120) -> (i32)  : i32 {
          %broadcast_in_dim3A_184 = vector.broadcast %scan3A_182 : i32 to vector<16xi32>
          %gather3A = tpu.vector_load_idx %arg9[%broadcast_in_dim3A_119, %broadcast_in_dim3A_184] : memref<104x128xf32, #tpu.memory_space<vmem>>[vector<16xi32>, vector<16xi32>], vector<16xf32>,
          %broadcast_in_dim3A_185 = arith.constant 16 : i32
          %broadcast_in_dim3A_186 = vector.broadcast %broadcast_in_dim3A_185 : i32 to vector<16xi32>
          %broadcast_in_dim3A_187 = arith.constant 1 : i32
          %broadcast_in_dim3A_188 = vector.broadcast %broadcast_in_dim3A_187 : i32 to vector<16xi32>
          %broadcast_in_dim3A_189 = arith.constant 32767 : i32
          %broadcast_in_dim3A_190 = vector.broadcast %broadcast_in_dim3A_189 : i32 to vector<16xi32>
          %bitcast3A = vector.bitcast %gather3A : vector<16xf32> to vector<16xi32>
          %add3A_191 = arith.addi %bitcast3A, %broadcast_in_dim3A_190 : vector<16xi32>
          %shift_right_logical3A = arith.shrui %bitcast3A, %broadcast_in_dim3A_186 : vector<16xi32>
          %and3A = arith.andi %shift_right_logical3A, %broadcast_in_dim3A_188 : vector<16xi32>
          %add3A_192 = arith.addi %add3A_191, %and3A : vector<16xi32>
          %shift_right_logical3A_193 = arith.shrui %add3A_192, %broadcast_in_dim3A_186 : vector<16xi32>
          %shift_left3A = arith.shli %shift_right_logical3A_193, %broadcast_in_dim3A_186 : vector<16xi32>
          %or3A = arith.ori %shift_right_logical3A_193, %shift_left3A : vector<16xi32>
          %bitcast3A_194 = vector.bitcast %or3A : vector<16xi32> to vector<32xbf16>
          %get3A = arith.constant 0 : i32
          %get3A_195 = arith.index_cast %get3A : i32 to index
          %get3A_196 = arith.index_cast %scan3A_182 : i32 to index
          %get3A_197 = arith.constant 0 : index
          %get3A_198 = tpu.vector_load %arg10[%get3A_195, %get3A_196, %get3A_197] {strides = array<i32>} : memref<2x128x128xbf16, #tpu.memory_space<vmem>>, vector<32xbf16>,
          %mul3A_199 = arith.mulf %get3A_198, %bitcast3A_194 : vector<32xbf16>
          %swap3A = arith.constant 0 : i32
          %swap3A_200 = arith.index_cast %swap3A : i32 to index
          %swap3A_201 = arith.index_cast %scan3A_182 : i32 to index
          %swap3A_202 = arith.constant 0 : index
          %swap3A_203 = tpu.vector_load %arg10[%swap3A_200, %swap3A_201, %swap3A_202] {strides = array<i32>} : memref<2x128x128xbf16, #tpu.memory_space<vmem>>, vector<32xbf16>,
          tpu.vector_store %arg10[%swap3A_200, %swap3A_201, %swap3A_202], %mul3A_199 {strides = array<i32>} : memref<2x128x128xbf16, #tpu.memory_space<vmem>>, vector<32xbf16>,
          %get3A_204 = arith.constant 0 : i32
          %get3A_205 = arith.index_cast %get3A_204 : i32 to index
          %get3A_206 = arith.index_cast %scan3A_182 : i32 to index
          %get3A_207 = arith.constant 32 : index
          %get3A_208 = tpu.vector_load %arg10[%get3A_205, %get3A_206, %get3A_207] {strides = array<i32>} : memref<2x128x128xbf16, #tpu.memory_space<vmem>>, vector<32xbf16>,
          %mul3A_209 = arith.mulf %get3A_208, %bitcast3A_194 : vector<32xbf16>
          %swap3A_210 = arith.constant 0 : i32
          %swap3A_211 = arith.index_cast %swap3A_210 : i32 to index
          %swap3A_212 = arith.index_cast %scan3A_182 : i32 to index
          %swap3A_213 = arith.constant 32 : index
          %swap3A_214 = tpu.vector_load %arg10[%swap3A_211, %swap3A_212, %swap3A_213] {strides = array<i32>} : memref<2x128x128xbf16, #tpu.memory_space<vmem>>, vector<32xbf16>,
          tpu.vector_store %arg10[%swap3A_211, %swap3A_212, %swap3A_213], %mul3A_209 {strides = array<i32>} : memref<2x128x128xbf16, #tpu.memory_space<vmem>>, vector<32xbf16>,
          %get3A_215 = arith.constant 0 : i32
          %get3A_216 = arith.index_cast %get3A_215 : i32 to index
          %get3A_217 = arith.index_cast %scan3A_182 : i32 to index
          %get3A_218 = arith.constant 64 : index
          %get3A_219 = tpu.vector_load %arg10[%get3A_216, %get3A_217, %get3A_218] {strides = array<i32>} : memref<2x128x128xbf16, #tpu.memory_space<vmem>>, vector<32xbf16>,
          %mul3A_220 = arith.mulf %get3A_219, %bitcast3A_194 : vector<32xbf16>
          %swap3A_221 = arith.constant 0 : i32
          %swap3A_222 = arith.index_cast %swap3A_221 : i32 to index
          %swap3A_223 = arith.index_cast %scan3A_182 : i32 to index
          %swap3A_224 = arith.constant 64 : index
          %swap3A_225 = tpu.vector_load %arg10[%swap3A_222, %swap3A_223, %swap3A_224] {strides = array<i32>} : memref<2x128x128xbf16, #tpu.memory_space<vmem>>, vector<32xbf16>,
          tpu.vector_store %arg10[%swap3A_222, %swap3A_223, %swap3A_224], %mul3A_220 {strides = array<i32>} : memref<2x128x128xbf16, #tpu.memory_space<vmem>>, vector<32xbf16>,
          %get3A_226 = arith.constant 0 : i32
          %get3A_227 = arith.index_cast %get3A_226 : i32 to index
          %get3A_228 = arith.index_cast %scan3A_182 : i32 to index
          %get3A_229 = arith.constant 96 : index
          %get3A_230 = tpu.vector_load %arg10[%get3A_227, %get3A_228, %get3A_229] {strides = array<i32>} : memref<2x128x128xbf16, #tpu.memory_space<vmem>>, vector<32xbf16>,
          %mul3A_231 = arith.mulf %get3A_230, %bitcast3A_194 : vector<32xbf16>
          %swap3A_232 = arith.constant 0 : i32
          %swap3A_233 = arith.index_cast %swap3A_232 : i32 to index
          %swap3A_234 = arith.index_cast %scan3A_182 : i32 to index
          %swap3A_235 = arith.constant 96 : index
          %swap3A_236 = tpu.vector_load %arg10[%swap3A_233, %swap3A_234, %swap3A_235] {strides = array<i32>} : memref<2x128x128xbf16, #tpu.memory_space<vmem>>, vector<32xbf16>,
          tpu.vector_store %arg10[%swap3A_233, %swap3A_234, %swap3A_235], %mul3A_231 {strides = array<i32>} : memref<2x128x128xbf16, #tpu.memory_space<vmem>>, vector<32xbf16>,
          %scan3A_237 = arith.constant 0 : i32
          scf.yield %scan3A_237 : i32
        }
        %scan3A_126 = arith.constant 128 : i32
        %dma_start3A_127 = arith.constant 0 : i32
        %dma_start3A_128 = arith.constant 0 : i32
        %dma_start3A_129 = arith.constant 0 : i32
        %dma_start3A_130 = tpu.memref_slice %arg10[%dma_start3A_127, %dma_start3A_128, %dma_start3A_129] : memref<2x128x128xbf16, #tpu.memory_space<vmem>> -> memref<1x128x128xbf16, #tpu.memory_space<vmem>>
        %dma_start3A_131 = tpu.memref_squeeze %dma_start3A_130 : memref<1x128x128xbf16, #tpu.memory_space<vmem>> -> memref<128x128xbf16, #tpu.memory_space<vmem>>
        %dma_start3A_132 = arith.constant 0 : i32
        %dma_start3A_133 = tpu.memref_slice %arg8[%add3A_107, %dma_start3A_132] : memref<104x128xi32, #tpu.memory_space<vmem>> -> memref<1x128xi32, #tpu.memory_space<vmem>>
        %dma_start3A_134 = tpu.memref_squeeze %dma_start3A_133 : memref<1x128xi32, #tpu.memory_space<vmem>> -> memref<128xi32, #tpu.memory_space<vmem>>
        %dma_start3A_135 = arith.constant 0 : i32
        %dma_start3A_136 = arith.constant 0 : i32
        %dma_start3A_137 = tpu.memref_slice %arg11[%dma_start3A_135, %dma_start3A_136] : memref<10240x128xbf16, #tpu.memory_space<vmem_shared>> -> memref<10240x128xbf16, #tpu.memory_space<vmem_shared>>
        tpu.enqueue_indirect_dma source(%dma_start3A_131 : memref<128x128xbf16, #tpu.memory_space<vmem>>) target(%dma_start3A_137 : memref<10240x128xbf16, #tpu.memory_space<vmem_shared>>) offsets(%dma_start3A_134 : memref<128xi32, #tpu.memory_space<vmem>>) semaphore(%arg14 : memref<!tpu.dma_semaphore, #tpu.memory_space<semaphore_mem>>) {add = true}
        %lt3A = arith.constant 27 : i32
        %lt3A_138 = arith.cmpi slt, %scan3A_102, %lt3A : i32
        %convert_element_type3A_139 = arith.extui %lt3A_138 : i1 to i32
        %cond3A_140 = arith.constant 0 : i32
        %cond3A_141 = arith.cmpi ne, %convert_element_type3A_139, %cond3A_140 : i32
        scf.if %cond3A_141 {
          %dma_wait3A_182 = arith.constant 0 : i32
          %dma_wait3A_183 = arith.constant 0 : i32
          %dma_wait3A_184 = arith.constant 0 : i32
          %dma_wait3A_185 = tpu.memref_slice %arg10[%dma_wait3A_182, %dma_wait3A_183, %dma_wait3A_184] : memref<2x128x128xbf16, #tpu.memory_space<vmem>> -> memref<1x128x128xbf16, #tpu.memory_space<vmem>>
          %dma_wait3A_186 = tpu.memref_squeeze %dma_wait3A_185 : memref<1x128x128xbf16, #tpu.memory_space<vmem>> -> memref<128x128xbf16, #tpu.memory_space<vmem>>
          %dma_wait3A_187 = arith.constant 0 : i32
          %dma_wait3A_188 = tpu.memref_slice %arg8[%add3A_107, %dma_wait3A_187] : memref<104x128xi32, #tpu.memory_space<vmem>> -> memref<1x128xi32, #tpu.memory_space<vmem>>
          %dma_wait3A_189 = tpu.memref_squeeze %dma_wait3A_188 : memref<1x128xi32, #tpu.memory_space<vmem>> -> memref<128xi32, #tpu.memory_space<vmem>>
          %dma_wait3A_190 = arith.constant 0 : i32
          %dma_wait3A_191 = arith.constant 0 : i32
          %dma_wait3A_192 = tpu.memref_slice %arg11[%dma_wait3A_190, %dma_wait3A_191] : memref<10240x128xbf16, #tpu.memory_space<vmem_shared>> -> memref<10240x128xbf16, #tpu.memory_space<vmem_shared>>
          tpu.wait_indirect_dma semaphore(%arg14 : memref<!tpu.dma_semaphore, #tpu.memory_space<semaphore_mem>>) src(%dma_wait3A_186 : memref<128x128xbf16, #tpu.memory_space<vmem>>) dst(%dma_wait3A_192 : memref<10240x128xbf16, #tpu.memory_space<vmem_shared>>)
          %add3A_193 = arith.constant 2 : i32
          %add3A_194 = arith.addi %add3A_107, %add3A_193 : i32
          %dma_start3A_195 = arith.constant 0 : i32
          %dma_start3A_196 = arith.constant 0 : i32
          %dma_start3A_197 = arith.constant 0 : i32
          %dma_start3A_198 = tpu.memref_slice %arg10[%dma_start3A_195, %dma_start3A_196, %dma_start3A_197] : memref<2x128x128xbf16, #tpu.memory_space<vmem>> -> memref<1x128x128xbf16, #tpu.memory_space<vmem>>
          %dma_start3A_199 = tpu.memref_squeeze %dma_start3A_198 : memref<1x128x128xbf16, #tpu.memory_space<vmem>> -> memref<128x128xbf16, #tpu.memory_space<vmem>>
          %dma_start3A_200 = arith.constant 0 : i32
          %dma_start3A_201 = tpu.memref_slice %arg7[%add3A_194, %dma_start3A_200] : memref<104x128xi32, #tpu.memory_space<vmem>> -> memref<1x128xi32, #tpu.memory_space<vmem>>
          %dma_start3A_202 = tpu.memref_squeeze %dma_start3A_201 : memref<1x128xi32, #tpu.memory_space<vmem>> -> memref<128xi32, #tpu.memory_space<vmem>>
          %dma_start3A_203 = arith.constant 0 : i32
          %dma_start3A_204 = arith.constant 0 : i32
          %dma_start3A_205 = tpu.memref_slice %arg2[%dma_start3A_203, %dma_start3A_204] : memref<10000x128xbf16, #tpu.memory_space<hbm>> -> memref<10000x128xbf16, #tpu.memory_space<hbm>>
          tpu.enqueue_indirect_dma source(%dma_start3A_205 : memref<10000x128xbf16, #tpu.memory_space<hbm>>) target(%dma_start3A_199 : memref<128x128xbf16, #tpu.memory_space<vmem>>) offsets(%dma_start3A_202 : memref<128xi32, #tpu.memory_space<vmem>>) semaphore(%arg12 : memref<!tpu.dma_semaphore, #tpu.memory_space<semaphore_mem>>)
        } else {
        }
        %mul3A_142 = arith.constant 2 : i32
        %mul3A_143 = arith.muli %mul3A_142, %scan3A_102 : i32
        %add3A_144 = arith.constant 1 : i32
        %add3A_145 = arith.addi %mul3A_143, %add3A_144 : i32
        %dma_wait3A_146 = arith.constant 1 : i32
        %dma_wait3A_147 = arith.constant 0 : i32
        %dma_wait3A_148 = arith.constant 0 : i32
        %dma_wait3A_149 = tpu.memref_slice %arg10[%dma_wait3A_146, %dma_wait3A_147, %dma_wait3A_148] : memref<2x128x128xbf16, #tpu.memory_space<vmem>> -> memref<1x128x128xbf16, #tpu.memory_space<vmem>>
        %dma_wait3A_150 = tpu.memref_squeeze %dma_wait3A_149 : memref<1x128x128xbf16, #tpu.memory_space<vmem>> -> memref<128x128xbf16, #tpu.memory_space<vmem>>
        %dma_wait3A_151 = arith.constant 0 : i32
        %dma_wait3A_152 = tpu.memref_slice %arg7[%add3A_145, %dma_wait3A_151] : memref<104x128xi32, #tpu.memory_space<vmem>> -> memref<1x128xi32, #tpu.memory_space<vmem>>
        %dma_wait3A_153 = tpu.memref_squeeze %dma_wait3A_152 : memref<1x128xi32, #tpu.memory_space<vmem>> -> memref<128xi32, #tpu.memory_space<vmem>>
        %dma_wait3A_154 = arith.constant 0 : i32
        %dma_wait3A_155 = arith.constant 0 : i32
        %dma_wait3A_156 = tpu.memref_slice %arg2[%dma_wait3A_154, %dma_wait3A_155] : memref<10000x128xbf16, #tpu.memory_space<hbm>> -> memref<10000x128xbf16, #tpu.memory_space<hbm>>
        tpu.wait_indirect_dma semaphore(%arg13 : memref<!tpu.dma_semaphore, #tpu.memory_space<semaphore_mem>>) src(%dma_wait3A_156 : memref<10000x128xbf16, #tpu.memory_space<hbm>>) dst(%dma_wait3A_150 : memref<128x128xbf16, #tpu.memory_space<vmem>>)
        %broadcast_in_dim3A_157 = vector.broadcast %add3A_145 : i32 to vector<16xi32>
        %scan3A_158 = arith.constant 0 : i32
        %scan3A_159 = arith.constant 0 : i32
        %scan3A_160 = arith.constant 128 : i32
        %scan3A_161 = arith.addi %scan3A_159, %scan3A_160 : i32
        %scan3A_162 = arith.constant 1 : i32
        %scan3A_163 = scf.for %scan3A_182 = %scan3A_159 to %scan3A_161 step %scan3A_162 iter_args(%scan3A_183 = %scan3A_158) -> (i32)  : i32 {
          %broadcast_in_dim3A_184 = vector.broadcast %scan3A_182 : i32 to vector<16xi32>
          %gather3A = tpu.vector_load_idx %arg9[%broadcast_in_dim3A_157, %broadcast_in_dim3A_184] : memref<104x128xf32, #tpu.memory_space<vmem>>[vector<16xi32>, vector<16xi32>], vector<16xf32>,
          %broadcast_in_dim3A_185 = arith.constant 16 : i32
          %broadcast_in_dim3A_186 = vector.broadcast %broadcast_in_dim3A_185 : i32 to vector<16xi32>
          %broadcast_in_dim3A_187 = arith.constant 1 : i32
          %broadcast_in_dim3A_188 = vector.broadcast %broadcast_in_dim3A_187 : i32 to vector<16xi32>
          %broadcast_in_dim3A_189 = arith.constant 32767 : i32
          %broadcast_in_dim3A_190 = vector.broadcast %broadcast_in_dim3A_189 : i32 to vector<16xi32>
          %bitcast3A = vector.bitcast %gather3A : vector<16xf32> to vector<16xi32>
          %add3A_191 = arith.addi %bitcast3A, %broadcast_in_dim3A_190 : vector<16xi32>
          %shift_right_logical3A = arith.shrui %bitcast3A, %broadcast_in_dim3A_186 : vector<16xi32>
          %and3A = arith.andi %shift_right_logical3A, %broadcast_in_dim3A_188 : vector<16xi32>
          %add3A_192 = arith.addi %add3A_191, %and3A : vector<16xi32>
          %shift_right_logical3A_193 = arith.shrui %add3A_192, %broadcast_in_dim3A_186 : vector<16xi32>
          %shift_left3A = arith.shli %shift_right_logical3A_193, %broadcast_in_dim3A_186 : vector<16xi32>
          %or3A = arith.ori %shift_right_logical3A_193, %shift_left3A : vector<16xi32>
          %bitcast3A_194 = vector.bitcast %or3A : vector<16xi32> to vector<32xbf16>
          %get3A = arith.constant 1 : i32
          %get3A_195 = arith.index_cast %get3A : i32 to index
          %get3A_196 = arith.index_cast %scan3A_182 : i32 to index
          %get3A_197 = arith.constant 0 : index
          %get3A_198 = tpu.vector_load %arg10[%get3A_195, %get3A_196, %get3A_197] {strides = array<i32>} : memref<2x128x128xbf16, #tpu.memory_space<vmem>>, vector<32xbf16>,
          %mul3A_199 = arith.mulf %get3A_198, %bitcast3A_194 : vector<32xbf16>
          %swap3A = arith.constant 1 : i32
          %swap3A_200 = arith.index_cast %swap3A : i32 to index
          %swap3A_201 = arith.index_cast %scan3A_182 : i32 to index
          %swap3A_202 = arith.constant 0 : index
          %swap3A_203 = tpu.vector_load %arg10[%swap3A_200, %swap3A_201, %swap3A_202] {strides = array<i32>} : memref<2x128x128xbf16, #tpu.memory_space<vmem>>, vector<32xbf16>,
          tpu.vector_store %arg10[%swap3A_200, %swap3A_201, %swap3A_202], %mul3A_199 {strides = array<i32>} : memref<2x128x128xbf16, #tpu.memory_space<vmem>>, vector<32xbf16>,
          %get3A_204 = arith.constant 1 : i32
          %get3A_205 = arith.index_cast %get3A_204 : i32 to index
          %get3A_206 = arith.index_cast %scan3A_182 : i32 to index
          %get3A_207 = arith.constant 32 : index
          %get3A_208 = tpu.vector_load %arg10[%get3A_205, %get3A_206, %get3A_207] {strides = array<i32>} : memref<2x128x128xbf16, #tpu.memory_space<vmem>>, vector<32xbf16>,
          %mul3A_209 = arith.mulf %get3A_208, %bitcast3A_194 : vector<32xbf16>
          %swap3A_210 = arith.constant 1 : i32
          %swap3A_211 = arith.index_cast %swap3A_210 : i32 to index
          %swap3A_212 = arith.index_cast %scan3A_182 : i32 to index
          %swap3A_213 = arith.constant 32 : index
          %swap3A_214 = tpu.vector_load %arg10[%swap3A_211, %swap3A_212, %swap3A_213] {strides = array<i32>} : memref<2x128x128xbf16, #tpu.memory_space<vmem>>, vector<32xbf16>,
          tpu.vector_store %arg10[%swap3A_211, %swap3A_212, %swap3A_213], %mul3A_209 {strides = array<i32>} : memref<2x128x128xbf16, #tpu.memory_space<vmem>>, vector<32xbf16>,
          %get3A_215 = arith.constant 1 : i32
          %get3A_216 = arith.index_cast %get3A_215 : i32 to index
          %get3A_217 = arith.index_cast %scan3A_182 : i32 to index
          %get3A_218 = arith.constant 64 : index
          %get3A_219 = tpu.vector_load %arg10[%get3A_216, %get3A_217, %get3A_218] {strides = array<i32>} : memref<2x128x128xbf16, #tpu.memory_space<vmem>>, vector<32xbf16>,
          %mul3A_220 = arith.mulf %get3A_219, %bitcast3A_194 : vector<32xbf16>
          %swap3A_221 = arith.constant 1 : i32
          %swap3A_222 = arith.index_cast %swap3A_221 : i32 to index
          %swap3A_223 = arith.index_cast %scan3A_182 : i32 to index
          %swap3A_224 = arith.constant 64 : index
          %swap3A_225 = tpu.vector_load %arg10[%swap3A_222, %swap3A_223, %swap3A_224] {strides = array<i32>} : memref<2x128x128xbf16, #tpu.memory_space<vmem>>, vector<32xbf16>,
          tpu.vector_store %arg10[%swap3A_222, %swap3A_223, %swap3A_224], %mul3A_220 {strides = array<i32>} : memref<2x128x128xbf16, #tpu.memory_space<vmem>>, vector<32xbf16>,
          %get3A_226 = arith.constant 1 : i32
          %get3A_227 = arith.index_cast %get3A_226 : i32 to index
          %get3A_228 = arith.index_cast %scan3A_182 : i32 to index
          %get3A_229 = arith.constant 96 : index
          %get3A_230 = tpu.vector_load %arg10[%get3A_227, %get3A_228, %get3A_229] {strides = array<i32>} : memref<2x128x128xbf16, #tpu.memory_space<vmem>>, vector<32xbf16>,
          %mul3A_231 = arith.mulf %get3A_230, %bitcast3A_194 : vector<32xbf16>
          %swap3A_232 = arith.constant 1 : i32
          %swap3A_233 = arith.index_cast %swap3A_232 : i32 to index
          %swap3A_234 = arith.index_cast %scan3A_182 : i32 to index
          %swap3A_235 = arith.constant 96 : index
          %swap3A_236 = tpu.vector_load %arg10[%swap3A_233, %swap3A_234, %swap3A_235] {strides = array<i32>} : memref<2x128x128xbf16, #tpu.memory_space<vmem>>, vector<32xbf16>,
          tpu.vector_store %arg10[%swap3A_233, %swap3A_234, %swap3A_235], %mul3A_231 {strides = array<i32>} : memref<2x128x128xbf16, #tpu.memory_space<vmem>>, vector<32xbf16>,
          %scan3A_237 = arith.constant 0 : i32
          scf.yield %scan3A_237 : i32
        }
        %scan3A_164 = arith.constant 128 : i32
        %dma_start3A_165 = arith.constant 1 : i32
        %dma_start3A_166 = arith.constant 0 : i32
        %dma_start3A_167 = arith.constant 0 : i32
        %dma_start3A_168 = tpu.memref_slice %arg10[%dma_start3A_165, %dma_start3A_166, %dma_start3A_167] : memref<2x128x128xbf16, #tpu.memory_space<vmem>> -> memref<1x128x128xbf16, #tpu.memory_space<vmem>>
        %dma_start3A_169 = tpu.memref_squeeze %dma_start3A_168 : memref<1x128x128xbf16, #tpu.memory_space<vmem>> -> memref<128x128xbf16, #tpu.memory_space<vmem>>
        %dma_start3A_170 = arith.constant 0 : i32
        %dma_start3A_171 = tpu.memref_slice %arg8[%add3A_145, %dma_start3A_170] : memref<104x128xi32, #tpu.memory_space<vmem>> -> memref<1x128xi32, #tpu.memory_space<vmem>>
        %dma_start3A_172 = tpu.memref_squeeze %dma_start3A_171 : memref<1x128xi32, #tpu.memory_space<vmem>> -> memref<128xi32, #tpu.memory_space<vmem>>
        %dma_start3A_173 = arith.constant 0 : i32
        %dma_start3A_174 = arith.constant 0 : i32
        %dma_start3A_175 = tpu.memref_slice %arg11[%dma_start3A_173, %dma_start3A_174] : memref<10240x128xbf16, #tpu.memory_space<vmem_shared>> -> memref<10240x128xbf16, #tpu.memory_space<vmem_shared>>
        tpu.enqueue_indirect_dma source(%dma_start3A_169 : memref<128x128xbf16, #tpu.memory_space<vmem>>) target(%dma_start3A_175 : memref<10240x128xbf16, #tpu.memory_space<vmem_shared>>) offsets(%dma_start3A_172 : memref<128xi32, #tpu.memory_space<vmem>>) semaphore(%arg15 : memref<!tpu.dma_semaphore, #tpu.memory_space<semaphore_mem>>) {add = true}
        %lt3A_176 = arith.constant 27 : i32
        %lt3A_177 = arith.cmpi slt, %scan3A_102, %lt3A_176 : i32
        %convert_element_type3A_178 = arith.extui %lt3A_177 : i1 to i32
        %cond3A_179 = arith.constant 0 : i32
        %cond3A_180 = arith.cmpi ne, %convert_element_type3A_178, %cond3A_179 : i32
        scf.if %cond3A_180 {
          %dma_wait3A_182 = arith.constant 1 : i32
          %dma_wait3A_183 = arith.constant 0 : i32
          %dma_wait3A_184 = arith.constant 0 : i32
          %dma_wait3A_185 = tpu.memref_slice %arg10[%dma_wait3A_182, %dma_wait3A_183, %dma_wait3A_184] : memref<2x128x128xbf16, #tpu.memory_space<vmem>> -> memref<1x128x128xbf16, #tpu.memory_space<vmem>>
          %dma_wait3A_186 = tpu.memref_squeeze %dma_wait3A_185 : memref<1x128x128xbf16, #tpu.memory_space<vmem>> -> memref<128x128xbf16, #tpu.memory_space<vmem>>
          %dma_wait3A_187 = arith.constant 0 : i32
          %dma_wait3A_188 = tpu.memref_slice %arg8[%add3A_145, %dma_wait3A_187] : memref<104x128xi32, #tpu.memory_space<vmem>> -> memref<1x128xi32, #tpu.memory_space<vmem>>
          %dma_wait3A_189 = tpu.memref_squeeze %dma_wait3A_188 : memref<1x128xi32, #tpu.memory_space<vmem>> -> memref<128xi32, #tpu.memory_space<vmem>>
          %dma_wait3A_190 = arith.constant 0 : i32
          %dma_wait3A_191 = arith.constant 0 : i32
          %dma_wait3A_192 = tpu.memref_slice %arg11[%dma_wait3A_190, %dma_wait3A_191] : memref<10240x128xbf16, #tpu.memory_space<vmem_shared>> -> memref<10240x128xbf16, #tpu.memory_space<vmem_shared>>
          tpu.wait_indirect_dma semaphore(%arg15 : memref<!tpu.dma_semaphore, #tpu.memory_space<semaphore_mem>>) src(%dma_wait3A_186 : memref<128x128xbf16, #tpu.memory_space<vmem>>) dst(%dma_wait3A_192 : memref<10240x128xbf16, #tpu.memory_space<vmem_shared>>)
          %add3A_193 = arith.constant 2 : i32
          %add3A_194 = arith.addi %add3A_145, %add3A_193 : i32
          %dma_start3A_195 = arith.constant 1 : i32
          %dma_start3A_196 = arith.constant 0 : i32
          %dma_start3A_197 = arith.constant 0 : i32
          %dma_start3A_198 = tpu.memref_slice %arg10[%dma_start3A_195, %dma_start3A_196, %dma_start3A_197] : memref<2x128x128xbf16, #tpu.memory_space<vmem>> -> memref<1x128x128xbf16, #tpu.memory_space<vmem>>
          %dma_start3A_199 = tpu.memref_squeeze %dma_start3A_198 : memref<1x128x128xbf16, #tpu.memory_space<vmem>> -> memref<128x128xbf16, #tpu.memory_space<vmem>>
          %dma_start3A_200 = arith.constant 0 : i32
          %dma_start3A_201 = tpu.memref_slice %arg7[%add3A_194, %dma_start3A_200] : memref<104x128xi32, #tpu.memory_space<vmem>> -> memref<1x128xi32, #tpu.memory_space<vmem>>
          %dma_start3A_202 = tpu.memref_squeeze %dma_start3A_201 : memref<1x128xi32, #tpu.memory_space<vmem>> -> memref<128xi32, #tpu.memory_space<vmem>>
          %dma_start3A_203 = arith.constant 0 : i32
          %dma_start3A_204 = arith.constant 0 : i32
          %dma_start3A_205 = tpu.memref_slice %arg2[%dma_start3A_203, %dma_start3A_204] : memref<10000x128xbf16, #tpu.memory_space<hbm>> -> memref<10000x128xbf16, #tpu.memory_space<hbm>>
          tpu.enqueue_indirect_dma source(%dma_start3A_205 : memref<10000x128xbf16, #tpu.memory_space<hbm>>) target(%dma_start3A_199 : memref<128x128xbf16, #tpu.memory_space<vmem>>) offsets(%dma_start3A_202 : memref<128xi32, #tpu.memory_space<vmem>>) semaphore(%arg13 : memref<!tpu.dma_semaphore, #tpu.memory_space<semaphore_mem>>)
        } else {
        }
        %scan3A_181 = arith.constant 0 : i32
        scf.yield %scan3A_181 : i32
      }
      %scan3A_78 = arith.constant 28 : i32
      %dma_wait3A = arith.constant 0 : i32
      %dma_wait3A_79 = arith.constant 54 : i32
      %dma_wait3A_80 = arith.constant 0 : i32
      %dma_wait3A_81 = arith.constant 0 : i32
      %dma_wait3A_82 = tpu.memref_slice %arg10[%dma_wait3A, %dma_wait3A_80, %dma_wait3A_81] : memref<2x128x128xbf16, #tpu.memory_space<vmem>> -> memref<1x128x128xbf16, #tpu.memory_space<vmem>>
      %dma_wait3A_83 = tpu.memref_squeeze %dma_wait3A_82 : memref<1x128x128xbf16, #tpu.memory_space<vmem>> -> memref<128x128xbf16, #tpu.memory_space<vmem>>
      %dma_wait3A_84 = arith.constant 0 : i32
      %dma_wait3A_85 = tpu.memref_slice %arg8[%dma_wait3A_79, %dma_wait3A_84] : memref<104x128xi32, #tpu.memory_space<vmem>> -> memref<1x128xi32, #tpu.memory_space<vmem>>
      %dma_wait3A_86 = tpu.memref_squeeze %dma_wait3A_85 : memref<1x128xi32, #tpu.memory_space<vmem>> -> memref<128xi32, #tpu.memory_space<vmem>>
      %dma_wait3A_87 = arith.constant 0 : i32
      %dma_wait3A_88 = arith.constant 0 : i32
      %dma_wait3A_89 = tpu.memref_slice %arg11[%dma_wait3A_87, %dma_wait3A_88] : memref<10240x128xbf16, #tpu.memory_space<vmem_shared>> -> memref<10240x128xbf16, #tpu.memory_space<vmem_shared>>
      tpu.wait_indirect_dma semaphore(%arg14 : memref<!tpu.dma_semaphore, #tpu.memory_space<semaphore_mem>>) src(%dma_wait3A_83 : memref<128x128xbf16, #tpu.memory_space<vmem>>) dst(%dma_wait3A_89 : memref<10240x128xbf16, #tpu.memory_space<vmem_shared>>)
      %dma_wait3A_90 = arith.constant 1 : i32
      %dma_wait3A_91 = arith.constant 55 : i32
      %dma_wait3A_92 = arith.constant 0 : i32
      %dma_wait3A_93 = arith.constant 0 : i32
      %dma_wait3A_94 = tpu.memref_slice %arg10[%dma_wait3A_90, %dma_wait3A_92, %dma_wait3A_93] : memref<2x128x128xbf16, #tpu.memory_space<vmem>> -> memref<1x128x128xbf16, #tpu.memory_space<vmem>>
      %dma_wait3A_95 = tpu.memref_squeeze %dma_wait3A_94 : memref<1x128x128xbf16, #tpu.memory_space<vmem>> -> memref<128x128xbf16, #tpu.memory_space<vmem>>
      %dma_wait3A_96 = arith.constant 0 : i32
      %dma_wait3A_97 = tpu.memref_slice %arg8[%dma_wait3A_91, %dma_wait3A_96] : memref<104x128xi32, #tpu.memory_space<vmem>> -> memref<1x128xi32, #tpu.memory_space<vmem>>
      %dma_wait3A_98 = tpu.memref_squeeze %dma_wait3A_97 : memref<1x128xi32, #tpu.memory_space<vmem>> -> memref<128xi32, #tpu.memory_space<vmem>>
      %dma_wait3A_99 = arith.constant 0 : i32
      %dma_wait3A_100 = arith.constant 0 : i32
      %dma_wait3A_101 = tpu.memref_slice %arg11[%dma_wait3A_99, %dma_wait3A_100] : memref<10240x128xbf16, #tpu.memory_space<vmem_shared>> -> memref<10240x128xbf16, #tpu.memory_space<vmem_shared>>
      tpu.wait_indirect_dma semaphore(%arg15 : memref<!tpu.dma_semaphore, #tpu.memory_space<semaphore_mem>>) src(%dma_wait3A_95 : memref<128x128xbf16, #tpu.memory_space<vmem>>) dst(%dma_wait3A_101 : memref<10240x128xbf16, #tpu.memory_space<vmem_shared>>)
    } else {
    }
    %barrier3A_28 = arith.constant 0 : index
    tpu.barrier barrier_id(%barrier3A_28)
    %add3A_29 = arith.constant 0 : i32
    %add3A_30 = arith.addi %mul3A_7, %add3A_29 : i32
    %add3A_31 = arith.constant 0 : i32
    %add3A_32 = arith.addi %mul3A_7, %add3A_31 : i32
    "tpu.region"() ({
      %run_scoped3A_49 = tpu.sem_alloc : memref<!tpu.dma_semaphore, #tpu.memory_space<semaphore_mem>>
      %dma_start3A = arith.constant 0 : i32
      %dma_start3A_50 = tpu.memref_slice %arg6[%arg0, %add3A_32, %dma_start3A] : memref<2x10240x128xbf16, #tpu.memory_space<hbm>> -> memref<1x128x128xbf16, #tpu.memory_space<hbm>>
      %dma_start3A_51 = tpu.memref_squeeze %dma_start3A_50 : memref<1x128x128xbf16, #tpu.memory_space<hbm>> -> memref<128x128xbf16, #tpu.memory_space<hbm>>
      %dma_start3A_52 = arith.constant 0 : i32
      %dma_start3A_53 = tpu.memref_slice %arg11[%add3A_30, %dma_start3A_52] : memref<10240x128xbf16, #tpu.memory_space<vmem_shared>> -> memref<128x128xbf16, #tpu.memory_space<vmem_shared>>
      tpu.enqueue_dma source(%dma_start3A_53 : memref<128x128xbf16, #tpu.memory_space<vmem_shared>>) target(%dma_start3A_51 : memref<128x128xbf16, #tpu.memory_space<hbm>>) target_semaphore(%run_scoped3A_49 : memref<!tpu.dma_semaphore, #tpu.memory_space<semaphore_mem>>)
      %dma_wait3A = arith.constant 0 : i32
      %dma_wait3A_54 = tpu.memref_slice %arg6[%arg0, %add3A_32, %dma_wait3A] : memref<2x10240x128xbf16, #tpu.memory_space<hbm>> -> memref<1x128x128xbf16, #tpu.memory_space<hbm>>
      %dma_wait3A_55 = tpu.memref_squeeze %dma_wait3A_54 : memref<1x128x128xbf16, #tpu.memory_space<hbm>> -> memref<128x128xbf16, #tpu.memory_space<hbm>>
      %dma_wait3A_56 = arith.constant 0 : i32
      %dma_wait3A_57 = tpu.memref_slice %arg11[%add3A_30, %dma_wait3A_56] : memref<10240x128xbf16, #tpu.memory_space<vmem_shared>> -> memref<128x128xbf16, #tpu.memory_space<vmem_shared>>
      tpu.wait_dma2 semaphore(%run_scoped3A_49 : memref<!tpu.dma_semaphore, #tpu.memory_space<semaphore_mem>>) src(%dma_wait3A_57 : memref<128x128xbf16, #tpu.memory_space<vmem_shared>>) dst(%dma_wait3A_55 : memref<128x128xbf16, #tpu.memory_space<hbm>>)
      tpu.yield
    }) : () -> ()
    %add3A_33 = arith.constant 128 : i32
    %add3A_34 = arith.addi %mul3A_7, %add3A_33 : i32
    %add3A_35 = arith.constant 128 : i32
    %add3A_36 = arith.addi %mul3A_7, %add3A_35 : i32
    "tpu.region"() ({
      %run_scoped3A_49 = tpu.sem_alloc : memref<!tpu.dma_semaphore, #tpu.memory_space<semaphore_mem>>
      %dma_start3A = arith.constant 0 : i32
      %dma_start3A_50 = tpu.memref_slice %arg6[%arg0, %add3A_36, %dma_start3A] : memref<2x10240x128xbf16, #tpu.memory_space<hbm>> -> memref<1x128x128xbf16, #tpu.memory_space<hbm>>
      %dma_start3A_51 = tpu.memref_squeeze %dma_start3A_50 : memref<1x128x128xbf16, #tpu.memory_space<hbm>> -> memref<128x128xbf16, #tpu.memory_space<hbm>>
      %dma_start3A_52 = arith.constant 0 : i32
      %dma_start3A_53 = tpu.memref_slice %arg11[%add3A_34, %dma_start3A_52] : memref<10240x128xbf16, #tpu.memory_space<vmem_shared>> -> memref<128x128xbf16, #tpu.memory_space<vmem_shared>>
      tpu.enqueue_dma source(%dma_start3A_53 : memref<128x128xbf16, #tpu.memory_space<vmem_shared>>) target(%dma_start3A_51 : memref<128x128xbf16, #tpu.memory_space<hbm>>) target_semaphore(%run_scoped3A_49 : memref<!tpu.dma_semaphore, #tpu.memory_space<semaphore_mem>>)
      %dma_wait3A = arith.constant 0 : i32
      %dma_wait3A_54 = tpu.memref_slice %arg6[%arg0, %add3A_36, %dma_wait3A] : memref<2x10240x128xbf16, #tpu.memory_space<hbm>> -> memref<1x128x128xbf16, #tpu.memory_space<hbm>>
      %dma_wait3A_55 = tpu.memref_squeeze %dma_wait3A_54 : memref<1x128x128xbf16, #tpu.memory_space<hbm>> -> memref<128x128xbf16, #tpu.memory_space<hbm>>
      %dma_wait3A_56 = arith.constant 0 : i32
      %dma_wait3A_57 = tpu.memref_slice %arg11[%add3A_34, %dma_wait3A_56] : memref<10240x128xbf16, #tpu.memory_space<vmem_shared>> -> memref<128x128xbf16, #tpu.memory_space<vmem_shared>>
      tpu.wait_dma2 semaphore(%run_scoped3A_49 : memref<!tpu.dma_semaphore, #tpu.memory_space<semaphore_mem>>) src(%dma_wait3A_57 : memref<128x128xbf16, #tpu.memory_space<vmem_shared>>) dst(%dma_wait3A_55 : memref<128x128xbf16, #tpu.memory_space<hbm>>)
      tpu.yield
    }) : () -> ()
    %add3A_37 = arith.constant 256 : i32
    %add3A_38 = arith.addi %mul3A_7, %add3A_37 : i32
    %add3A_39 = arith.constant 256 : i32
    %add3A_40 = arith.addi %mul3A_7, %add3A_39 : i32
    "tpu.region"() ({
      %run_scoped3A_49 = tpu.sem_alloc : memref<!tpu.dma_semaphore, #tpu.memory_space<semaphore_mem>>
      %dma_start3A = arith.constant 0 : i32
      %dma_start3A_50 = tpu.memref_slice %arg6[%arg0, %add3A_40, %dma_start3A] : memref<2x10240x128xbf16, #tpu.memory_space<hbm>> -> memref<1x128x128xbf16, #tpu.memory_space<hbm>>
      %dma_start3A_51 = tpu.memref_squeeze %dma_start3A_50 : memref<1x128x128xbf16, #tpu.memory_space<hbm>> -> memref<128x128xbf16, #tpu.memory_space<hbm>>
      %dma_start3A_52 = arith.constant 0 : i32
      %dma_start3A_53 = tpu.memref_slice %arg11[%add3A_38, %dma_start3A_52] : memref<10240x128xbf16, #tpu.memory_space<vmem_shared>> -> memref<128x128xbf16, #tpu.memory_space<vmem_shared>>
      tpu.enqueue_dma source(%dma_start3A_53 : memref<128x128xbf16, #tpu.memory_space<vmem_shared>>) target(%dma_start3A_51 : memref<128x128xbf16, #tpu.memory_space<hbm>>) target_semaphore(%run_scoped3A_49 : memref<!tpu.dma_semaphore, #tpu.memory_space<semaphore_mem>>)
      %dma_wait3A = arith.constant 0 : i32
      %dma_wait3A_54 = tpu.memref_slice %arg6[%arg0, %add3A_40, %dma_wait3A] : memref<2x10240x128xbf16, #tpu.memory_space<hbm>> -> memref<1x128x128xbf16, #tpu.memory_space<hbm>>
      %dma_wait3A_55 = tpu.memref_squeeze %dma_wait3A_54 : memref<1x128x128xbf16, #tpu.memory_space<hbm>> -> memref<128x128xbf16, #tpu.memory_space<hbm>>
      %dma_wait3A_56 = arith.constant 0 : i32
      %dma_wait3A_57 = tpu.memref_slice %arg11[%add3A_38, %dma_wait3A_56] : memref<10240x128xbf16, #tpu.memory_space<vmem_shared>> -> memref<128x128xbf16, #tpu.memory_space<vmem_shared>>
      tpu.wait_dma2 semaphore(%run_scoped3A_49 : memref<!tpu.dma_semaphore, #tpu.memory_space<semaphore_mem>>) src(%dma_wait3A_57 : memref<128x128xbf16, #tpu.memory_space<vmem_shared>>) dst(%dma_wait3A_55 : memref<128x128xbf16, #tpu.memory_space<hbm>>)
      tpu.yield
    }) : () -> ()
    %add3A_41 = arith.constant 384 : i32
    %add3A_42 = arith.addi %mul3A_7, %add3A_41 : i32
    %add3A_43 = arith.constant 384 : i32
    %add3A_44 = arith.addi %mul3A_7, %add3A_43 : i32
    "tpu.region"() ({
      %run_scoped3A_49 = tpu.sem_alloc : memref<!tpu.dma_semaphore, #tpu.memory_space<semaphore_mem>>
      %dma_start3A = arith.constant 0 : i32
      %dma_start3A_50 = tpu.memref_slice %arg6[%arg0, %add3A_44, %dma_start3A] : memref<2x10240x128xbf16, #tpu.memory_space<hbm>> -> memref<1x128x128xbf16, #tpu.memory_space<hbm>>
      %dma_start3A_51 = tpu.memref_squeeze %dma_start3A_50 : memref<1x128x128xbf16, #tpu.memory_space<hbm>> -> memref<128x128xbf16, #tpu.memory_space<hbm>>
      %dma_start3A_52 = arith.constant 0 : i32
      %dma_start3A_53 = tpu.memref_slice %arg11[%add3A_42, %dma_start3A_52] : memref<10240x128xbf16, #tpu.memory_space<vmem_shared>> -> memref<128x128xbf16, #tpu.memory_space<vmem_shared>>
      tpu.enqueue_dma source(%dma_start3A_53 : memref<128x128xbf16, #tpu.memory_space<vmem_shared>>) target(%dma_start3A_51 : memref<128x128xbf16, #tpu.memory_space<hbm>>) target_semaphore(%run_scoped3A_49 : memref<!tpu.dma_semaphore, #tpu.memory_space<semaphore_mem>>)
      %dma_wait3A = arith.constant 0 : i32
      %dma_wait3A_54 = tpu.memref_slice %arg6[%arg0, %add3A_44, %dma_wait3A] : memref<2x10240x128xbf16, #tpu.memory_space<hbm>> -> memref<1x128x128xbf16, #tpu.memory_space<hbm>>
      %dma_wait3A_55 = tpu.memref_squeeze %dma_wait3A_54 : memref<1x128x128xbf16, #tpu.memory_space<hbm>> -> memref<128x128xbf16, #tpu.memory_space<hbm>>
      %dma_wait3A_56 = arith.constant 0 : i32
      %dma_wait3A_57 = tpu.memref_slice %arg11[%add3A_42, %dma_wait3A_56] : memref<10240x128xbf16, #tpu.memory_space<vmem_shared>> -> memref<128x128xbf16, #tpu.memory_space<vmem_shared>>
      tpu.wait_dma2 semaphore(%run_scoped3A_49 : memref<!tpu.dma_semaphore, #tpu.memory_space<semaphore_mem>>) src(%dma_wait3A_57 : memref<128x128xbf16, #tpu.memory_space<vmem_shared>>) dst(%dma_wait3A_55 : memref<128x128xbf16, #tpu.memory_space<hbm>>)
      tpu.yield
    }) : () -> ()
    %add3A_45 = arith.constant 512 : i32
    %add3A_46 = arith.addi %mul3A_7, %add3A_45 : i32
    %add3A_47 = arith.constant 512 : i32
    %add3A_48 = arith.addi %mul3A_7, %add3A_47 : i32
    "tpu.region"() ({
      %run_scoped3A_49 = tpu.sem_alloc : memref<!tpu.dma_semaphore, #tpu.memory_space<semaphore_mem>>
      %dma_start3A = arith.constant 0 : i32
      %dma_start3A_50 = tpu.memref_slice %arg6[%arg0, %add3A_48, %dma_start3A] : memref<2x10240x128xbf16, #tpu.memory_space<hbm>> -> memref<1x128x128xbf16, #tpu.memory_space<hbm>>
      %dma_start3A_51 = tpu.memref_squeeze %dma_start3A_50 : memref<1x128x128xbf16, #tpu.memory_space<hbm>> -> memref<128x128xbf16, #tpu.memory_space<hbm>>
      %dma_start3A_52 = arith.constant 0 : i32
      %dma_start3A_53 = tpu.memref_slice %arg11[%add3A_46, %dma_start3A_52] : memref<10240x128xbf16, #tpu.memory_space<vmem_shared>> -> memref<128x128xbf16, #tpu.memory_space<vmem_shared>>
      tpu.enqueue_dma source(%dma_start3A_53 : memref<128x128xbf16, #tpu.memory_space<vmem_shared>>) target(%dma_start3A_51 : memref<128x128xbf16, #tpu.memory_space<hbm>>) target_semaphore(%run_scoped3A_49 : memref<!tpu.dma_semaphore, #tpu.memory_space<semaphore_mem>>)
      %dma_wait3A = arith.constant 0 : i32
      %dma_wait3A_54 = tpu.memref_slice %arg6[%arg0, %add3A_48, %dma_wait3A] : memref<2x10240x128xbf16, #tpu.memory_space<hbm>> -> memref<1x128x128xbf16, #tpu.memory_space<hbm>>
      %dma_wait3A_55 = tpu.memref_squeeze %dma_wait3A_54 : memref<1x128x128xbf16, #tpu.memory_space<hbm>> -> memref<128x128xbf16, #tpu.memory_space<hbm>>
      %dma_wait3A_56 = arith.constant 0 : i32
      %dma_wait3A_57 = tpu.memref_slice %arg11[%add3A_46, %dma_wait3A_56] : memref<10240x128xbf16, #tpu.memory_space<vmem_shared>> -> memref<128x128xbf16, #tpu.memory_space<vmem_shared>>
      tpu.wait_dma2 semaphore(%run_scoped3A_49 : memref<!tpu.dma_semaphore, #tpu.memory_space<semaphore_mem>>) src(%dma_wait3A_57 : memref<128x128xbf16, #tpu.memory_space<vmem_shared>>) dst(%dma_wait3A_55 : memref<128x128xbf16, #tpu.memory_space<hbm>>)
      tpu.yield
    }) : () -> ()
    return
  }
}

module attributes {stable_mosaic.version = 14 : i64} {
  func.func @_tc1_body(%arg0: i32, %arg1: memref<2000x128xf32, #tpu.memory_space<vmem>>, %arg2: memref<128x128xf32, #tpu.memory_space<vmem>>, %arg3: memref<2000x128xf32, #tpu.memory_space<vmem>>, %arg4: memref<2000x128xbf16, #tpu.memory_space<vmem>>) attributes {dimension_semantics = [#tpu.dimension_semantics<arbitrary>], iteration_bounds = array<i64: 5>, scalar_prefetch = 0 : i64, scratch_operands = 0 : i64, tpu.core_type = #tpu.core_type<tc>, window_params = [{transform_indices = @transform_0, window_bounds = array<i64: 2000, 128>}, {pipeline_mode = #tpu.pipeline_mode<synchronous>, transform_indices = @transform_1, window_bounds = array<i64: 128, 128>}, {transform_indices = @transform_2, window_bounds = array<i64: 2000, 128>}, {transform_indices = @transform_3, window_bounds = array<i64: 2000, 128>}]} {
    %get3A = arith.constant 0 : index
    %get3A_0 = arith.constant 0 : index
    %get3A_1 = vector.load %arg1[%get3A, %get3A_0] : memref<2000x128xf32, #tpu.memory_space<vmem>>, vector<2000x128xf32>
    %get3A_2 = arith.constant 0 : index
    %get3A_3 = arith.constant 0 : index
    %get3A_4 = vector.load %arg2[%get3A_2, %get3A_3] : memref<128x128xf32, #tpu.memory_space<vmem>>, vector<128x128xf32>
    %dot_general3A = arith.constant dense<0.000000e+00> : vector<2000x128xf32>
    %dot_general3A_5 = tpu.matmul %get3A_1, %get3A_4, %dot_general3A {dimension_numbers = #tpu.dot_dimension_numbers<[1], [0], [0], [1], [0, 0, 1, 1], [], []>, transpose_lhs_hint = false} : vector<2000x128xf32>, vector<128x128xf32>, vector<2000x128xf32> -> vector<2000x128xf32>
    %swap3A = arith.constant 0 : index
    %swap3A_6 = arith.constant 0 : index
    %swap3A_7 = vector.load %arg3[%swap3A, %swap3A_6] : memref<2000x128xf32, #tpu.memory_space<vmem>>, vector<2000x128xf32>
    tpu.vector_store %arg3[%swap3A, %swap3A_6], %dot_general3A_5 {strides = array<i32>} : memref<2000x128xf32, #tpu.memory_space<vmem>>, vector<2000x128xf32>,
    %convert_element_type3A = arith.truncf %dot_general3A_5 : vector<2000x128xf32> to vector<2000x128xbf16>
    %swap3A_8 = arith.constant 0 : index
    %swap3A_9 = arith.constant 0 : index
    %swap3A_10 = vector.load %arg4[%swap3A_8, %swap3A_9] : memref<2000x128xbf16, #tpu.memory_space<vmem>>, vector<2000x128xbf16>
    tpu.vector_store %arg4[%swap3A_8, %swap3A_9], %convert_element_type3A {strides = array<i32>} : memref<2000x128xbf16, #tpu.memory_space<vmem>>, vector<2000x128xbf16>,
    return
  }
  func.func @transform_0(%arg0: i32) -> (i32, i32) {
    %c0_i32 = arith.constant 0 : i32
    %c0_i32_0 = arith.constant 0 : i32
    return %arg0, %c0_i32 : i32, i32
  }
  func.func @transform_1(%arg0: i32) -> (i32, i32) {
    %c0_i32 = arith.constant 0 : i32
    %c0_i32_0 = arith.constant 0 : i32
    %c0_i32_1 = arith.constant 0 : i32
    return %c0_i32, %c0_i32_0 : i32, i32
  }
  func.func @transform_2(%arg0: i32) -> (i32, i32) {
    %c0_i32 = arith.constant 0 : i32
    %c0_i32_0 = arith.constant 0 : i32
    return %arg0, %c0_i32 : i32, i32
  }
  func.func @transform_3(%arg0: i32) -> (i32, i32) {
    %c0_i32 = arith.constant 0 : i32
    %c0_i32_0 = arith.constant 0 : i32
    return %arg0, %c0_i32 : i32, i32
  }
}

module attributes {stable_mosaic.version = 14 : i64} {
  func.func @_tc2_body(%arg0: i32, %arg1: memref<2x2000x128xbf16, #tpu.memory_space<vmem>>, %arg2: memref<2000x128xf32, #tpu.memory_space<vmem>>, %arg3: memref<2000x1xf32, #tpu.memory_space<vmem>>, %arg4: memref<1x128xf32, #tpu.memory_space<vmem>>, %arg5: memref<128x128xf32, #tpu.memory_space<vmem>>, %arg6: memref<2000x128xf32, #tpu.memory_space<vmem>>, %arg7: memref<2000x128xbf16, #tpu.memory_space<vmem>>) attributes {dimension_semantics = [#tpu.dimension_semantics<arbitrary>], iteration_bounds = array<i64: 5>, scalar_prefetch = 0 : i64, scratch_operands = 0 : i64, tpu.core_type = #tpu.core_type<tc>, window_params = [{transform_indices = @transform_0, window_bounds = array<i64: 2, 2000, 128>}, {transform_indices = @transform_1, window_bounds = array<i64: 2000, 128>}, {transform_indices = @transform_2, window_bounds = array<i64: 2000, 1>}, {pipeline_mode = #tpu.pipeline_mode<synchronous>, transform_indices = @transform_3, window_bounds = array<i64: 1, 128>}, {pipeline_mode = #tpu.pipeline_mode<synchronous>, transform_indices = @transform_4, window_bounds = array<i64: 128, 128>}, {transform_indices = @transform_5, window_bounds = array<i64: 2000, 128>}, {transform_indices = @transform_6, window_bounds = array<i64: 2000, 128>}]} {
    %get3A = arith.constant 0 : index
    %get3A_0 = arith.constant 0 : index
    %get3A_1 = arith.constant 0 : index
    %get3A_2 = vector.load %arg1[%get3A, %get3A_0, %get3A_1] : memref<2x2000x128xbf16, #tpu.memory_space<vmem>>, vector<1x2000x128xbf16>
    %get3A_3 = vector.shape_cast %get3A_2 : vector<1x2000x128xbf16> to vector<2000x128xbf16>
    %convert_element_type3A = arith.extf %get3A_3 : vector<2000x128xbf16> to vector<2000x128xf32>
    %get3A_4 = arith.constant 1 : index
    %get3A_5 = arith.constant 0 : index
    %get3A_6 = arith.constant 0 : index
    %get3A_7 = vector.load %arg1[%get3A_4, %get3A_5, %get3A_6] : memref<2x2000x128xbf16, #tpu.memory_space<vmem>>, vector<1x2000x128xbf16>
    %get3A_8 = vector.shape_cast %get3A_7 : vector<1x2000x128xbf16> to vector<2000x128xbf16>
    %convert_element_type3A_9 = arith.extf %get3A_8 : vector<2000x128xbf16> to vector<2000x128xf32>
    %add3A = arith.addf %convert_element_type3A, %convert_element_type3A_9 : vector<2000x128xf32>
    %get3A_10 = arith.constant 0 : index
    %get3A_11 = arith.constant 0 : index
    %get3A_12 = vector.load %arg3[%get3A_10, %get3A_11] : memref<2000x1xf32, #tpu.memory_space<vmem>>, vector<2000x1xf32>
    %get3A_13 = arith.constant 0 : index
    %get3A_14 = arith.constant 0 : index
    %get3A_15 = vector.load %arg2[%get3A_13, %get3A_14] : memref<2000x128xf32, #tpu.memory_space<vmem>>, vector<2000x128xf32>
    %mul3A = arith.mulf %get3A_12, %get3A_12 : vector<2000x1xf32>
    %mul3A_16 = vector.broadcast %mul3A : vector<2000x1xf32> to vector<2000x128xf32>
    %mul3A_17 = arith.mulf %get3A_15, %mul3A_16 : vector<2000x128xf32>
    %add3A_18 = arith.addf %add3A, %mul3A_17 : vector<2000x128xf32>
    %get3A_19 = arith.constant 0 : index
    %get3A_20 = arith.constant 0 : index
    %get3A_21 = vector.load %arg4[%get3A_19, %get3A_20] : memref<1x128xf32, #tpu.memory_space<vmem>>, vector<1x128xf32>
    %add3A_22 = vector.broadcast %get3A_21 : vector<1x128xf32> to vector<2000x128xf32>
    %add3A_23 = arith.addf %add3A_18, %add3A_22 : vector<2000x128xf32>
    %max3A = arith.constant 0.000000e+00 : f32
    %max3A_24 = vector.broadcast %max3A : f32 to vector<2000x128xf32>
    %max3A_25 = arith.maximumf %add3A_23, %max3A_24 : vector<2000x128xf32>
    %get3A_26 = arith.constant 0 : index
    %get3A_27 = arith.constant 0 : index
    %get3A_28 = vector.load %arg5[%get3A_26, %get3A_27] : memref<128x128xf32, #tpu.memory_space<vmem>>, vector<128x128xf32>
    %dot_general3A = arith.constant dense<0.000000e+00> : vector<2000x128xf32>
    %dot_general3A_29 = tpu.matmul %max3A_25, %get3A_28, %dot_general3A {dimension_numbers = #tpu.dot_dimension_numbers<[1], [0], [0], [1], [0, 0, 1, 1], [], []>, transpose_lhs_hint = false} : vector<2000x128xf32>, vector<128x128xf32>, vector<2000x128xf32> -> vector<2000x128xf32>
    %swap3A = arith.constant 0 : index
    %swap3A_30 = arith.constant 0 : index
    %swap3A_31 = vector.load %arg6[%swap3A, %swap3A_30] : memref<2000x128xf32, #tpu.memory_space<vmem>>, vector<2000x128xf32>
    tpu.vector_store %arg6[%swap3A, %swap3A_30], %dot_general3A_29 {strides = array<i32>} : memref<2000x128xf32, #tpu.memory_space<vmem>>, vector<2000x128xf32>,
    %convert_element_type3A_32 = arith.truncf %dot_general3A_29 : vector<2000x128xf32> to vector<2000x128xbf16>
    %swap3A_33 = arith.constant 0 : index
    %swap3A_34 = arith.constant 0 : index
    %swap3A_35 = vector.load %arg7[%swap3A_33, %swap3A_34] : memref<2000x128xbf16, #tpu.memory_space<vmem>>, vector<2000x128xbf16>
    tpu.vector_store %arg7[%swap3A_33, %swap3A_34], %convert_element_type3A_32 {strides = array<i32>} : memref<2000x128xbf16, #tpu.memory_space<vmem>>, vector<2000x128xbf16>,
    return
  }
  func.func @transform_0(%arg0: i32) -> (i32, i32, i32) {
    %c0_i32 = arith.constant 0 : i32
    %c0_i32_0 = arith.constant 0 : i32
    %c0_i32_1 = arith.constant 0 : i32
    return %c0_i32, %arg0, %c0_i32_0 : i32, i32, i32
  }
  func.func @transform_1(%arg0: i32) -> (i32, i32) {
    %c0_i32 = arith.constant 0 : i32
    %c0_i32_0 = arith.constant 0 : i32
    return %arg0, %c0_i32 : i32, i32
  }
  func.func @transform_2(%arg0: i32) -> (i32, i32) {
    %c0_i32 = arith.constant 0 : i32
    %c0_i32_0 = arith.constant 0 : i32
    return %arg0, %c0_i32 : i32, i32
  }
  func.func @transform_3(%arg0: i32) -> (i32, i32) {
    %c0_i32 = arith.constant 0 : i32
    %c0_i32_0 = arith.constant 0 : i32
    %c0_i32_1 = arith.constant 0 : i32
    return %c0_i32, %c0_i32_0 : i32, i32
  }
  func.func @transform_4(%arg0: i32) -> (i32, i32) {
    %c0_i32 = arith.constant 0 : i32
    %c0_i32_0 = arith.constant 0 : i32
    %c0_i32_1 = arith.constant 0 : i32
    return %c0_i32, %c0_i32_0 : i32, i32
  }
  func.func @transform_5(%arg0: i32) -> (i32, i32) {
    %c0_i32 = arith.constant 0 : i32
    %c0_i32_0 = arith.constant 0 : i32
    return %arg0, %c0_i32 : i32, i32
  }
  func.func @transform_6(%arg0: i32) -> (i32, i32) {
    %c0_i32 = arith.constant 0 : i32
    %c0_i32_0 = arith.constant 0 : i32
    return %arg0, %c0_i32 : i32, i32
  }
}

module attributes {stable_mosaic.version = 14 : i64} {
  func.func @_tc3_body(%arg0: i32, %arg1: memref<2x2000x128xbf16, #tpu.memory_space<vmem>>, %arg2: memref<2000x128xf32, #tpu.memory_space<vmem>>, %arg3: memref<2000x1xf32, #tpu.memory_space<vmem>>, %arg4: memref<1x128xf32, #tpu.memory_space<vmem>>, %arg5: memref<2000x128xf32, #tpu.memory_space<vmem>>) attributes {dimension_semantics = [#tpu.dimension_semantics<arbitrary>], iteration_bounds = array<i64: 5>, scalar_prefetch = 0 : i64, scratch_operands = 0 : i64, tpu.core_type = #tpu.core_type<tc>, window_params = [{transform_indices = @transform_0, window_bounds = array<i64: 2, 2000, 128>}, {transform_indices = @transform_1, window_bounds = array<i64: 2000, 128>}, {transform_indices = @transform_2, window_bounds = array<i64: 2000, 1>}, {pipeline_mode = #tpu.pipeline_mode<synchronous>, transform_indices = @transform_3, window_bounds = array<i64: 1, 128>}, {transform_indices = @transform_4, window_bounds = array<i64: 2000, 128>}]} {
    %get3A = arith.constant 0 : index
    %get3A_0 = arith.constant 0 : index
    %get3A_1 = arith.constant 0 : index
    %get3A_2 = vector.load %arg1[%get3A, %get3A_0, %get3A_1] : memref<2x2000x128xbf16, #tpu.memory_space<vmem>>, vector<1x2000x128xbf16>
    %get3A_3 = vector.shape_cast %get3A_2 : vector<1x2000x128xbf16> to vector<2000x128xbf16>
    %convert_element_type3A = arith.extf %get3A_3 : vector<2000x128xbf16> to vector<2000x128xf32>
    %get3A_4 = arith.constant 1 : index
    %get3A_5 = arith.constant 0 : index
    %get3A_6 = arith.constant 0 : index
    %get3A_7 = vector.load %arg1[%get3A_4, %get3A_5, %get3A_6] : memref<2x2000x128xbf16, #tpu.memory_space<vmem>>, vector<1x2000x128xbf16>
    %get3A_8 = vector.shape_cast %get3A_7 : vector<1x2000x128xbf16> to vector<2000x128xbf16>
    %convert_element_type3A_9 = arith.extf %get3A_8 : vector<2000x128xbf16> to vector<2000x128xf32>
    %add3A = arith.addf %convert_element_type3A, %convert_element_type3A_9 : vector<2000x128xf32>
    %get3A_10 = arith.constant 0 : index
    %get3A_11 = arith.constant 0 : index
    %get3A_12 = vector.load %arg3[%get3A_10, %get3A_11] : memref<2000x1xf32, #tpu.memory_space<vmem>>, vector<2000x1xf32>
    %get3A_13 = arith.constant 0 : index
    %get3A_14 = arith.constant 0 : index
    %get3A_15 = vector.load %arg2[%get3A_13, %get3A_14] : memref<2000x128xf32, #tpu.memory_space<vmem>>, vector<2000x128xf32>
    %mul3A = arith.mulf %get3A_12, %get3A_12 : vector<2000x1xf32>
    %mul3A_16 = vector.broadcast %mul3A : vector<2000x1xf32> to vector<2000x128xf32>
    %mul3A_17 = arith.mulf %get3A_15, %mul3A_16 : vector<2000x128xf32>
    %add3A_18 = arith.addf %add3A, %mul3A_17 : vector<2000x128xf32>
    %get3A_19 = arith.constant 0 : index
    %get3A_20 = arith.constant 0 : index
    %get3A_21 = vector.load %arg4[%get3A_19, %get3A_20] : memref<1x128xf32, #tpu.memory_space<vmem>>, vector<1x128xf32>
    %add3A_22 = vector.broadcast %get3A_21 : vector<1x128xf32> to vector<2000x128xf32>
    %add3A_23 = arith.addf %add3A_18, %add3A_22 : vector<2000x128xf32>
    %swap3A = arith.constant 0 : index
    %swap3A_24 = arith.constant 0 : index
    %swap3A_25 = vector.load %arg5[%swap3A, %swap3A_24] : memref<2000x128xf32, #tpu.memory_space<vmem>>, vector<2000x128xf32>
    tpu.vector_store %arg5[%swap3A, %swap3A_24], %add3A_23 {strides = array<i32>} : memref<2000x128xf32, #tpu.memory_space<vmem>>, vector<2000x128xf32>,
    return
  }
  func.func @transform_0(%arg0: i32) -> (i32, i32, i32) {
    %c0_i32 = arith.constant 0 : i32
    %c0_i32_0 = arith.constant 0 : i32
    %c0_i32_1 = arith.constant 0 : i32
    return %c0_i32, %arg0, %c0_i32_0 : i32, i32, i32
  }
  func.func @transform_1(%arg0: i32) -> (i32, i32) {
    %c0_i32 = arith.constant 0 : i32
    %c0_i32_0 = arith.constant 0 : i32
    return %arg0, %c0_i32 : i32, i32
  }
  func.func @transform_2(%arg0: i32) -> (i32, i32) {
    %c0_i32 = arith.constant 0 : i32
    %c0_i32_0 = arith.constant 0 : i32
    return %arg0, %c0_i32 : i32, i32
  }
  func.func @transform_3(%arg0: i32) -> (i32, i32) {
    %c0_i32 = arith.constant 0 : i32
    %c0_i32_0 = arith.constant 0 : i32
    %c0_i32_1 = arith.constant 0 : i32
    return %c0_i32, %c0_i32_0 : i32, i32
  }
  func.func @transform_4(%arg0: i32) -> (i32, i32) {
    %c0_i32 = arith.constant 0 : i32
    %c0_i32_0 = arith.constant 0 : i32
    return %arg0, %c0_i32 : i32, i32
  }
}

</mosaic_0001>

<sc_bundles>
// kernel: kernel.11.cloned.1.call-start
scs
__scs_entry_jumppad:
0x0: {  	(pc) =	sbr.rel $0x88, $3  }
0x1: {  	(tag) =	ssettag $0x0;
	lr =	simm.s32 $0x1  }
0x2: {  	[smem:$0x3F9A] =	sst lr;
	_ =	strace $0xD0000000  }
0x3: {  	_ = 	snop  }
0x4: {  	_ = 	snop  }
0x5: {  	_ = 	snop  }
0x6: {  	_ = 	snop  }
0x7: {  	_ = 	snop  }
__scs_overlays_trampoline_lowered:
0x8: {  	[smem:$0x3FA9] =	sst s0  }
0x9: {  	[smem:$0x3FAA] =	sst s1  }
0xa: {  	[smem:$0x3FAB] =	sst s2  }
0xb: {  	[smem:$0x3FAC] =	sst s3  }
0xc: {  	[smem:$0x3FAD] =	sst s4  }
0xd: {  	[smem:$0x3FAE] =	sst s5  }
0xe: {  	[smem:$0x3FAF] =	sst s6  }
0xf: {  	[smem:$0x3FB0] =	sst s7  }
0x10: {  	[smem:$0x3FB1] =	sst s8  }
0x11: {  	[smem:$0x3FB2] =	sst s9;
	s0 =	simm.s32 @!p0 $0x0  }
0x12: {  	s1 =	sld [smem:$0x3F98];
	s0 =	simm.s32 @p0 $0x1  }
0x13: {  	[smem:$0x3FB3] =	sst s0;
	s0 =	simm.s32 @!p1 $0x0  }
0x14: {  	s2 =	sld [smem:$0x3F97];
	s0 =	simm.s32 @p1 $0x1  }
0x15: {  	[smem:$0x3FB4] =	sst s0;
	s0 =	simm.s32 @!p2 $0x0  }
0x16: {  	s3 =	sld [smem:$0x3FDB];
	s0 =	simm.s32 @p2 $0x1  }
0x17: {  	s4 =	simm.s32 $0x1BF5;
	[smem:$0x3FB6] =	sst s0  }
0x18: {  	s0 =	sld [smem:$0x3F99];
	_ =	swait.ge [sflag:s4], $0x0  }
0x19: {  	s7 =	sld [smem:$0x3F9A]  }
0x1a: {  	s8 =	sadd.s32 $0xFFFFE003, lr  }
0x1b: {  	s9 =	sadd.s32 $0xFFFFFEF7, lr;
	s5 =	simm.s32 $0xFFFFFFFF;
	p2 =	slt.u32 s8, $0xFFFFF086  }
0x1c: {  	p1 =	slt.u32 s9, $0xF7A;
	s5 =	simm.s32 @!p2 $0x0  }
0x1d: {  	s5 =	simm.s32 @p1 $0x1;
	p0 =	seq.s32 s7, s2  }
0x1e: {  	s7 =	smul.u32 @!p0 $0xF7A, s2;
	p2 =	seq.s32 @!p0 s5, $0x0  }
0x1f: {  	s9 =	smul.u32 $0xF7A, s1;
	s8 =	simm.s32 @!p0 $0x1BF5;
	p2 =	por !p2, p0  }
0x20: {  	[sflag:s8] =	ssyncset.s32 @!p0 $0xFFFFF086;
	s6 =	sadd.s32 @!p0 s3, s7;
	s7 =	simm.s32 @!p0 $0x108  }
0x21: {  	s3 =	sadd.s32 s3, s9;
	s6 =	sadd.s32 @!p0 $0x88, s6;
	s7 =	simm.s32 @p2 $0x1082  }
0x22: {  	[simem:s7], [sflag:s8] =	dma.local @!p0 [hbm:s6], $0xF7A  }
0x23: {  	s9 =	sor.u32 $0xD0000000, s2;
	s6 =	simm.s32 $0x108;
	_ =	swait.ge @!p0 [sflag:s8], $0x0  }
0x24: {  	s3 =	sadd.s32 $0x88, s3;
	s6 =	simm.s32 @!p1 $0x1082;
	[sflag:s4] =	ssyncset.s32 $0xFFFFF086  }
0x25: {  	[simem:s6], [sflag:s4] =	dma.local [hbm:s3], $0xF7A  }
0x26: {  	[smem:$0x3F9A] =	sst s1;
	(tag) =	ssettag s2;
	_ =	strace s9  }
0x27: {  	s1 =	sld [smem:$0x3FAA]  }
0x28: {  	s2 =	sld [smem:$0x3FAB]  }
0x29: {  	s4 =	sld [smem:$0x3FAD]  }
0x2a: {  	p0 =	seq.s32 s5, $0x0;
	s5 =	sld [smem:$0x3FAE]  }
0x2b: {  	s6 =	sld [smem:$0x3FAF]  }
0x2c: {  	s7 =	sld [smem:$0x3FB0]  }
0x2d: {  	s3 =	simm.s32 $0x108;
	s8 =	sld [smem:$0x3FB1]  }
0x2e: {  	s3 =	simm.s32 @!p0 $0x1082;
	s9 =	sld [smem:$0x3FB2]  }
0x2f: {  	lr =	sadd.s32 s0, s3;
	s0 =	sld [smem:$0x3FA9]  }
0x30: {  	s3 =	sld [smem:$0x3FAC]  }
0x31: {  	[smem:$0x3FB5] =	sst s10  }
0x32: {  	s10 =	sld [smem:$0x3FB3];
	_ =	sdelay $0x3  }
0x33: {  	p0 =	seq.s32 s10, $0x1;
	s10 =	sld [smem:$0x3FB5];
	_ =	sdelay $0x3  }
0x34: {  	[smem:$0x3FB5] =	sst s10  }
0x35: {  	s10 =	sld [smem:$0x3FB4];
	_ =	sdelay $0x3  }
0x36: {  	p1 =	seq.s32 s10, $0x1;
	s10 =	sld [smem:$0x3FB5];
	_ =	sdelay $0x3  }
0x37: {  	[smem:$0x3FB5] =	sst s10  }
0x38: {  	s10 =	sld [smem:$0x3FB6]  }
0x39: {  	_ = 	snop;
	(pc) =	sbr.ind lr, $3  }
0x3a: {  	_ = 	snop  }
0x3b: {  	_ = 	snop  }
0x3c: {  	p2 =	seq.s32 s10, $0x1;
	s10 =	sld [smem:$0x3FB5]  }
0x3d: {  	_ =	shalt  }
0x3e: {  	_ =	shalt  }
0x3f: {  	_ =	shalt  }
0x40: {  	_ =	shalt  }
0x41: {  	_ =	shalt  }
0x42: {  	_ =	shalt  }
0x43: {  	_ =	shalt  }
0x44: {  	_ =	shalt  }
0x45: {  	_ =	shalt  }
0x46: {  	_ =	shalt  }
0x47: {  	_ =	shalt  }
0x48: {  	_ =	shalt  }
0x49: {  	_ =	shalt  }
0x4a: {  	_ =	shalt  }
0x4b: {  	_ =	shalt  }
0x4c: {  	_ =	shalt  }
0x4d: {  	_ =	shalt  }
0x4e: {  	_ =	shalt  }
0x4f: {  	_ =	shalt  }
0x50: {  	_ =	shalt  }
0x51: {  	_ =	shalt  }
0x52: {  	_ =	shalt  }
0x53: {  	_ =	shalt  }
0x54: {  	_ =	shalt  }
0x55: {  	_ =	shalt  }
0x56: {  	_ =	shalt  }
0x57: {  	_ =	shalt  }
0x58: {  	_ =	shalt  }
0x59: {  	_ =	shalt  }
0x5a: {  	_ =	shalt  }
0x5b: {  	_ =	shalt  }
0x5c: {  	_ =	shalt  }
0x5d: {  	_ =	shalt  }
0x5e: {  	_ =	shalt  }
0x5f: {  	_ =	shalt  }
0x60: {  	_ =	shalt  }
0x61: {  	_ =	shalt  }
0x62: {  	_ =	shalt  }
0x63: {  	_ =	shalt  }
0x64: {  	_ =	shalt  }
0x65: {  	_ =	shalt  }
0x66: {  	_ =	shalt  }
0x67: {  	_ =	shalt  }
0x68: {  	_ =	shalt  }
0x69: {  	_ =	shalt  }
0x6a: {  	_ =	shalt  }
0x6b: {  	_ =	shalt  }
0x6c: {  	_ =	shalt  }
0x6d: {  	_ =	shalt  }
0x6e: {  	_ =	shalt  }
0x6f: {  	_ =	shalt  }
0x70: {  	_ =	shalt  }
0x71: {  	_ =	shalt  }
0x72: {  	_ =	shalt  }
0x73: {  	_ =	shalt  }
0x74: {  	_ =	shalt  }
0x75: {  	_ =	shalt  }
0x76: {  	_ =	shalt  }
0x77: {  	_ =	shalt  }
0x78: {  	_ =	shalt  }
0x79: {  	_ =	shalt  }
0x7a: {  	_ =	shalt  }
0x7b: {  	_ =	shalt  }
0x7c: {  	_ =	shalt  }
0x7d: {  	_ =	shalt  }
0x7e: {  	_ =	shalt  }
0x7f: {  	_ =	shalt  }
0x80: {  	_ =	shalt  }
0x81: {  	_ =	shalt  }
0x82: {  	_ =	shalt  }
0x83: {  	_ =	shalt  }
0x84: {  	_ =	shalt  }
0x85: {  	_ =	shalt  }
0x86: {  	_ =	shalt  }
0x87: {  	_ =	shalt  }
.Lfunc_end0:
.L_simem_size_0:
called_computation.1_lowered:
.L_overlay_start_0:
0x88: {  	s2 =	sld [smem:$0x3FD9]  }
0x89: {  	s3 =	sld [smem:$0x3FFE];
	_ =	sdelay $0x1  }
0x8a: {  	s1 =	srdreg.scid  }
0x8b: {  	s0 =	sand.u32 $0x1, s1  }
0x8c: {  	s17 =	sshll.u32 s0, $0xA;
	s2 =	sadd.s32 s3, s2  }
0x8d: {  	s2 =	sadd.s32 s2, s17  }
0x8e: {  	[smem:$0x3FC1] =	sst s2  }
0x8f: {  	_ = 	snop  }
0x90: {  	s2 =	sld [smem:$0x3FD0];
	(tm) =	ssettm $0x1  }
0x91: {  	s18 =	sld [smem:$0x3FFB];
	_ =	sdelay $0x3  }
0x92: {  	_ =	strace s18  }
0x93: {  	s3 =	sld [smem:$0x3FFC];
	_ =	sdelay $0x3  }
0x94: {  	_ =	strace s3  }
0x95: {  	s3 =	sld [smem:$0x3FFD];
	_ =	sdelay $0x3  }
0x96: {  	_ =	strace s3  }
0x97: {  	_ =	strace $0x8FFFFFFF  }
0x98: {  	s19 =	sld [smem:$0x3FDB];
	_ =	sdelay $0x1  }
0x99: {  	s4 =	simm.s32 $_scs_section_size  }
0x9a: {  	s5 =	simm.s32 $_size__tile_overlayer_lowered;
	s6 =	simm.s32 $_tile_overlayer_lowered  }
0x9b: {  	s22 =	simm.s32 $0x1BFF;
	s21 =	sshll.u32 s6, $0x1;
	s3 =	sadd.s32 s4, s19  }
0x9c: {  	s7 =	simm.s32 $0x0;
	s20 =	sshll.u32 s5, $0x1;
	s5 =	sadd.s32 s21, s3  }
0x9d: {  	[timem:s7], [sflag:s22] =	dma.local [hbm:s5], s20  }
0x9e: {  	_ =	swait.ge [sflag:s22], s20  }
0x9f: {  	s4 =	ssub.s32 $0x0, s20;
	[sflag:s22] =	ssyncset.done $0x0  }
0xa0: {  	[sflag:s22] =	ssyncadd.s32 s4;
	_ =	sdelay $0x1  }
0xa1: {  	s23 =	simm.s32 $0x1B8B  }
0xa2: {  	_ =	swait.ge [sflag:s23], $0x1  }
0xa3: {  	[sflag:s23] =	ssyncset.done $0x0  }
0xa4: {  	s25 =	simm.s32 $0x1B8E;
	s24 =	sld [smem:$0x3FFE];
	[sflag:s23] =	ssyncadd.s32 $0xFFFFFFFF  }
0xa5: {  	s26 =	simm.s32 $execute0_lowered;
	[smem:$0x3FD2] =	sst s25  }
0xa6: {  	s5 =	sshll.u32 s26, $0x1;
	_ =	strace $0x80000049;
	[dreg:$0x1] =	wrdreg $0xFFFFFFFF  }
0xa7: {  	s28 =	simm.s32 $_size_execute0_lowered;
	s3 =	sadd.s32 s3, s5;
	[dreg:$0x0] =	wrdreg $0x0  }
0xa8: {  	s5 =	sshll.u32 s28, $0x1;
	[dreg:$0x2] =	wrdreg s3  }
0xa9: {  	[dreg:$0x3] =	wrdreg s5  }
0xaa: {  	[dreg:$0x4] =	wrdreg $0xC0  }
0xab: {  	_ =	task [dreg:s7], $0x5FFFF  }
0xac: {  	[dreg:$0x1] =	wrdreg $0xFFFFFFFF  }
0xad: {  	[dreg:$0x0] =	wrdreg $0x60  }
0xae: {  	[dreg:$0x2] =	wrdreg s2  }
0xaf: {  	[dreg:$0x3] =	wrdreg s24  }
0xb0: {  	[dreg:$0x4] =	wrdreg $0xDC000  }
0xb1: {  	[dreg:$0x5] =	wrdreg $0x9  }
0xb2: {  	_ =	task.clear_ibuf [dreg:s7], $0x6FFFF;
	_ =	strace $0x90000049  }
0xb3: {  	s29 =	simm.s32 $0x9;
	_ =	strace $0x8000004B  }
0xb4: {  	_ =	swait.ge [sflag:s29], $0x1  }
0xb5: {  	[sflag:s29] =	ssyncadd.s32 $0xFFFFFFFF  }
0xb6: {  	_ =	strace $0x9000004B  }
0xb7: {  	_ =	sfence  }
0xb8: {  	s30 =	sld [smem:$0x0];
	_ =	sdelay $0x2  }
0xb9: {  	s31 =	sshll.u32 s1, $0xD;
	s1 =	sshrl.u32 s1, $0x2  }
0xba: {  	s3 =	sand.u32 $0x4000, s31;
	s1 =	sadd.s32 s1, s30  }
0xbb: {  	s0 =	sor.u32 s3, s0;
	s1 =	sshll.u32 s1, $0x11  }
0xbc: {  	s0 =	sor.u32 s1, s0  }
0xbd: {  	s0 =	sadd.s32 $0x8F2B, s0  }
0xbe: {  	[sflag:s0] =	ssyncadd.remote.s32 $0x1  }
0xbf: {  	_ =	sfence.sel $0xFFFF  }
0xc0: {  	[dreg:$0x0] =	wrdreg $0xFFFFFFFF;
	(pc) =	sbr.abs _section_cstart, $3  }
0xc1: {  	[dreg:$0x1] =	wrdreg $0xFFFFFFFF  }
0xc2: {  	_ =	task.clear_ibuf [dreg:s7], $0x2FFFF;
	_ =	strace $0x9FFFFFFF  }
0xc3: {  	(tm) =	ssettm $0x7FFFFFFF  }
tec
execute0_lowered:
.L_overlay_start_1:
0x0: {  	(tag) =	ssettag $0x1  }
0x1: {  	s1 =	rddreg [dreg:$0x0]  }
0x2: {  	s0 =	rddreg [dreg:$0x1]  }
0x3: {  	s2 =	rddreg [dreg:$0x2]  }
0x4: {  	s4 =	simm.s32 $0x0;
	s5 =	srdreg.scid;
	s3 =	stileid.u32  }
0x5: {  	s28 =	simm.s32 $0xBC00;
	s29 =	simm.s32 $0x1;
	s30 =	simm.s32 $0x2  }
0x6: {  	s31 =	simm.s32 $0x4;
	[smem:$0x7FF] =	sst s4;
	s10 =	sand.u32 $0x1, s5  }
0x7: {  	s11 =	sadd.s32 $0xC000, s0;
	s12 =	smul.u32 $0x14000, s3;
	s13 =	sadd.s32 $0x2000, s0  }
0x8: {  	s14 =	sadd.s32 $0x20600, s0;
	s0 =	sadd.s32 $0x2A600, s0;
	s16 =	smul.u32 $0x5000, s3  }
0x9: {  	s17 =	smul.u32 $0xA00, s3;
	_ =	strace $0x8000004A;
	s5 =	ssub.s32 $0x2, s10  }
0xa: {  	p0 =	seq.s32 s10, $0x1;
	s10 =	smul.u32 $0x140000, s10;
	s6 =	sshrl.u32 s5, $0x1  }
0xb: {  	s15 =	sadd.s32 $0x4000, s12;
	s23 =	sshrl.u32 s12, $0x1;
	s18 =	sadd.s32 $0x8000, s12  }
0xc: {  	s19 =	sadd.s32 $0xC000, s12;
	s20 =	sadd.s32 $0x10000, s12;
	s16 =	sshrl.u32 s16, $0x3  }
0xd: {  	s22 =	sadd.s32 s11, s17;
	s25 =	sadd.s32 s13, s17;
	s17 =	sadd.s32 s14, s17  }
0xe: {  	s21 =	ssub.s32 s5, s6;
	s24 =	sshrl.u32 s15, $0x1;
	s5 =	sadd.s32 s23, s2  }
0xf: {  	s7 =	sshrl.u32 s18, $0x1;
	s8 =	sshrl.u32 s19, $0x1;
	[dreg:$0x4] =	wrdreg s22  }
0x10: {  	s9 =	sshrl.u32 s20, $0x1;
	[dreg:$0x5] =	wrdreg s25;
	s16 =	sadd.s32 $0x680, s16  }
0x11: {  	[dreg:$0x6] =	wrdreg s17;
	s26 =	sadd.s32 s12, s10;
	s22 =	sadd.s32 s10, s15  }
0x12: {  	s25 =	sadd.s32 s10, s18;
	s6 =	sadd.s32 s24, s2;
	s7 =	sadd.s32 s7, s2  }
0x13: {  	s8 =	sadd.s32 s8, s2;
	s9 =	sadd.s32 s9, s2;
	s11 =	sadd.s32 s11, s16  }
0x14: {  	s17 =	sadd.s32 s13, s16;
	s23 =	sadd.s32 s14, s16;
	[dreg:$0x7] =	wrdreg s11  }
0x15: {  	s24 =	sshrl.u32 s22, $0x4;
	s21 =	smax.u32 s21, $0x1;
	[dreg:$0x8] =	wrdreg s17  }
0x16: {  	s22 =	simm.s32 $0x9C00;
	s11 =	sshrl.u32 s26, $0x4;
	[dreg:$0x9] =	wrdreg s23  }
.Ltmp0:
0x17: {  	s17 =	sadd.s32 s0, s24;
	s26 =	sadd.s32 s10, s19;
	(pc) =	sbr.rel .LBB2_1-.Ltmp0, $4  }
0x18: {  	s10 =	sadd.s32 s10, s20;
	s23 =	simm.s32 $0x5;
	s16 =	sadd.s32 s0, s11  }
0x19: {  	s11 =	sshrl.u32 s25, $0x4;
	s12 =	sshrl.u32 s26, $0x4;
	s10 =	sshrl.u32 s10, $0x4  }
0x1a: {  	s25 =	simm.s32 $0x6800;
	s26 =	simm.s32 $0x80;
	s18 =	sadd.s32 s0, s11  }
0x1b: {  	v0 =	vimm.bf16 $0.0e+00;
	s19 =	sadd.s32 s0, s12;
	s20 =	sadd.s32 s0, s10;
	s0 =	simm.s32 $0x3  }
.LBB2_18:
0x1c: {  	_ =	swait.ge [sflag:s0], $0x2000  }
0x1d: {  	[sflag:s0] =	ssyncset.done $0x0  }
0x1e: {  	[sflag:s0] =	ssyncadd.s32 $0xFFFFE000  }
0x1f: {  	_ =	swait.ge [sflag:s31], $0x2000  }
0x20: {  	[sflag:s31] =	ssyncset.done $0x0  }
0x21: {  	s10 =	sshll.u32 s3, $0x6;
	[sflag:s31] =	ssyncadd.s32 $0xFFFFE000  }
0x22: {  	s11 =	sshrl.u32 s5, $0x3;
	s10 =	sor.u32 $0x1C05, s10;
	[bflag:$0x0] =	sbarrier.arrive $0xFFFF  }
0x23: {  	[hbm:s16], [sflag:s10] =	dma.local [spmem:s11], $0x400  }
0x24: {  	_ =	swait.ge [sflag:s23], $0x400  }
0x25: {  	[sflag:s23] =	ssyncset.done $0x0  }
0x26: {  	s13 =	sshrl.u32 s6, $0x3;
	[sflag:s23] =	ssyncadd.s32 $0xFFFFFC00  }
0x27: {  	[hbm:s17], [sflag:s10] =	dma.local [spmem:s13], $0x400  }
0x28: {  	_ =	swait.ge [sflag:s23], $0x400  }
0x29: {  	[sflag:s23] =	ssyncset.done $0x0  }
0x2a: {  	s14 =	sshrl.u32 s7, $0x3;
	[sflag:s23] =	ssyncadd.s32 $0xFFFFFC00  }
0x2b: {  	[hbm:s18], [sflag:s10] =	dma.local [spmem:s14], $0x400  }
0x2c: {  	_ =	swait.ge [sflag:s23], $0x400  }
0x2d: {  	[sflag:s23] =	ssyncset.done $0x0  }
0x2e: {  	s15 =	sshrl.u32 s8, $0x3;
	[sflag:s23] =	ssyncadd.s32 $0xFFFFFC00  }
0x2f: {  	[hbm:s19], [sflag:s10] =	dma.local [spmem:s15], $0x400  }
0x30: {  	s4 =	sadd.s32 $0x1, s4;
	_ =	swait.ge [sflag:s23], $0x400  }
0x31: {  	p1 =	sne.s32 s4, s21;
	[sflag:s23] =	ssyncset.done $0x0  }
.Ltmp1:
0x32: {  	s24 =	sshrl.u32 s9, $0x3;
	[sflag:s23] =	ssyncadd.s32 $0xFFFFFC00;
	(pc) =	sbr.rel @!p1 .LBB2_19-.Ltmp1, $4  }
0x33: {  	[hbm:s20], [sflag:s10] =	dma.local [spmem:s24], $0x400  }
0x34: {  	_ =	swait.ge [sflag:s23], $0x400  }
0x35: {  	[sflag:s23] =	ssyncset.done $0x0  }
0x36: {  	[sflag:s23] =	ssyncadd.s32 $0xFFFFFC00  }
.LBB2_1:
0x37: {  	s11 =	simm.s32 $0x100;
	s10 =	simm.s32 $0x0  }
.LBB2_2:
0x38: {  	p1 =	sne.s32 s11, $0x7F00;
	[tilespmem:s10+$0x9C30] =	vst v0;
	s12 =	smov.u32 s11;
	s11 =	sadd.s32 $0x100, s11  }
.Ltmp2:
0x39: {  	[tilespmem:s10+$0x9C20] =	vst v0;
	(pc) =	sbr.rel @p1 .LBB2_2-.Ltmp2, $3  }
0x3a: {  	[tilespmem:s10+$0x9C00] =	vst v0  }
0x3b: {  	[tilespmem:s10+$0x9C10] =	vst v0;
	_ =	sdelay $0x1  }
0x3c: {  	s10 =	sshra.s32 s12, $0x2  }
0x3d: {  	[tilespmem:s10+$0x9C30] =	vst v0  }
0x3e: {  	[tilespmem:s10+$0x9C20] =	vst v0  }
0x3f: {  	[tilespmem:s10+$0x9C00] =	vst v0  }
0x40: {  	[tilespmem:s10+$0x9C10] =	vst v0  }
0x41: {  	[spmem:s5] =	stream.linear.scatter [tilespmem:s22], [sflag:$0x5], $0x2000, $0x38;
	[tilespmem:$0x17C00] =	vst v63  }
0x42: {  	_ =	swait.ge [sflag:s23], $0x2000  }
0x43: {  	[sflag:s23] =	ssyncset.done $0x0  }
0x44: {  	[sflag:s23] =	ssyncadd.s32 $0xFFFFE000  }
0x45: {  	[spmem:s6] =	stream.linear.scatter [tilespmem:s22], [sflag:$0x5], $0x2000, $0x38;
	[tilespmem:$0x17C00] =	vst v63  }
0x46: {  	_ =	swait.ge [sflag:s23], $0x2000  }
0x47: {  	[sflag:s23] =	ssyncset.done $0x0  }
0x48: {  	[sflag:s23] =	ssyncadd.s32 $0xFFFFE000  }
0x49: {  	[spmem:s7] =	stream.linear.scatter [tilespmem:s22], [sflag:$0x5], $0x2000, $0x38;
	[tilespmem:$0x17C00] =	vst v63  }
0x4a: {  	_ =	swait.ge [sflag:s23], $0x2000  }
0x4b: {  	[sflag:s23] =	ssyncset.done $0x0  }
0x4c: {  	[sflag:s23] =	ssyncadd.s32 $0xFFFFE000  }
0x4d: {  	[spmem:s8] =	stream.linear.scatter [tilespmem:s22], [sflag:$0x5], $0x2000, $0x38;
	[tilespmem:$0x17C00] =	vst v63  }
0x4e: {  	_ =	swait.ge [sflag:s23], $0x2000  }
0x4f: {  	[sflag:s23] =	ssyncset.done $0x0  }
0x50: {  	[sflag:s23] =	ssyncadd.s32 $0xFFFFE000  }
0x51: {  	[spmem:s9] =	stream.linear.scatter [tilespmem:s22], [sflag:$0x5], $0x2000, $0x38;
	[tilespmem:$0x17C00] =	vst v63  }
.Ltmp3:
0x52: {  	_ =	swait.ge [sflag:s23], $0x2000;
	(pc) =	sbr.rel @!p0 .LBB2_4-.Ltmp3, $4  }
0x53: {  	[sflag:s23] =	ssyncset.done $0x0  }
0x54: {  	[sflag:s23] =	ssyncadd.s32 $0xFFFFE000  }
0x55: {  	[bflag:$0x0] =	sbarrier.arrive $0xFFFF  }
0x56: {  	s10 =	simm.s32 $0x0  }
0x57: {  	s11 =	rddreg [dreg:$0x7]  }
0x58: {  	[tilespmem:s10], [sflag:$0x5] =	stream.linear.gather [hbm4b:s11+s10], $0x1C00, $0x38;
	[tilespmem:$0x17C00] =	vst v63  }
0x59: {  	_ =	swait.ge [sflag:s23], $0x1C00  }
0x5a: {  	[sflag:s23] =	ssyncset.done $0x0  }
0x5b: {  	s12 =	simm.s32 $0x3400;
	s15 =	rddreg [dreg:$0x8];
	[sflag:s23] =	ssyncadd.s32 $0xFFFFE400  }
0x5c: {  	[tilespmem:s12], [sflag:$0x5] =	stream.linear.gather [hbm4b:s15+s10], $0x1C00, $0x38;
	[tilespmem:$0x17C00] =	vst v63  }
0x5d: {  	_ =	swait.ge [sflag:s23], $0x1C00  }
0x5e: {  	[sflag:s23] =	ssyncset.done $0x0  }
0x5f: {  	s24 =	rddreg [dreg:$0x9];
	[sflag:s23] =	ssyncadd.s32 $0xFFFFE400  }
0x60: {  	[tilespmem:s25], [sflag:$0x5] =	stream.linear.gather [hbm4b:s24+s10], $0x1C00, $0x38;
	[tilespmem:$0x17C00] =	vst v63  }
0x61: {  	_ =	swait.ge [sflag:s23], $0x1C00  }
0x62: {  	[sflag:s23] =	ssyncset.done $0x0  }
0x63: {  	[sflag:s23] =	ssyncadd.s32 $0xFFFFE400  }
0x64: {  	[tilespmem:s22], [sflag:$0x1] =	stream.indirect.gather [hbm4b:s1+s26], $0x40, s10, s26, $0xb8;
	[tilespmem:$0x17C00] =	vst v63  }
0x65: {  	s11 =	simm.s32 $0x0  }
0x66: {  	[tilespmem:s28], [sflag:$0x2] =	stream.indirect.gather [hbm4b:s1+s26], $0x40, s26, s26, $0xb8;
	[tilespmem:$0x17C00] =	vst v63  }
.LBB2_12:
0x67: {  	s12 =	sshll.u32 s11, $0x8;
	v2 =	vmov s10  }
0x68: {  	v1 =	vmov s12;
	v2 =	vand.u32 $0x7F, v2  }
0x69: {  	v2 =	vor.u32 v1, v2  }
0x6a: {  	v2 =	vbroadcast v2, $0x0;
	_ =	sdelay $0x2  }
0x6b: {  	_ =	swait.ge [sflag:s29], $0x2000  }
0x6c: {  	[sflag:s29] =	ssyncset.done $0x0  }
0x6d: {  	[sflag:s29] =	ssyncadd.s32 $0xFFFFE000  }
0x6e: {  	v5 =	vld.idx.msk [tilespmem:v2+s25+$0x0], $0xffff;
	_ =	sdelay $0x2  }
0x6f: {  	s12 =	simm.s32 $0x9C20  }
0x70: {  	v3 =	vld [tilespmem:s12+$0x10]  }
0x71: {  	v2 =	vld [tilespmem:s12+$0xFFFFFFF0];
	v4 =	vshrl.u32 v5, $0x10  }
0x72: {  	s13 =	simm.s32 $0x1;
	v6 =	vand.u32 $0x1, v4;
	v4 =	vld [tilespmem:s12+$0xFFFFFFE0]  }
0x73: {  	v7 =	vmov s13;
	v8 =	vadd.s32 v6, v5;
	v5 =	vld [tilespmem:s12+$0x0]  }
0x74: {  	s14 =	simm.s32 $0x2;
	s13 =	sshll.u32 s11, $0x1;
	v6 =	vand.u32 $0x7F, v7;
	v7 =	vadd.s32 $0x7FFF, v8  }
.LBB2_13:
0x75: {  	p1 =	sne.s32 s14, $0x7F;
	v6 =	vor.u32 v1, v6;
	v8 =	vshrl.u32 v7, $0x10;
	v7 =	vand.u32 $0xFFFF0000, v7  }
0x76: {  	v6 =	vbroadcast v6, $0x0;
	v7 =	vor.u32 v7, v8  }
0x77: {  	v4 =	vmul.bf16 v7, v4;
	v2 =	vmul.bf16 v7, v2  }
0x78: {  	v3 =	vmul.bf16 v7, v3;
	v5 =	vmul.bf16 v7, v5  }
0x79: {  	[tilespmem:s12+$0xFFFFFFE0] =	vst v4  }
0x7a: {  	[tilespmem:s12+$0xFFFFFFF0] =	vst v2  }
0x7b: {  	[tilespmem:s12+$0x0] =	vst v5  }
0x7c: {  	[tilespmem:s12+$0x10] =	vst v3  }
0x7d: {  	v5 =	vld.idx.msk [tilespmem:v6+s25+$0x0], $0xffff;
	_ =	sdelay $0x3  }
0x7e: {  	s12 =	sadd.s32 $0x40, s12  }
.Ltmp4:
0x7f: {  	v2 =	vld [tilespmem:s12+$0xFFFFFFF0];
	(pc) =	sbr.rel @p1 .LBB2_13-.Ltmp4, $4  }
0x80: {  	v4 =	vshrl.u32 v5, $0x10;
	v3 =	vld [tilespmem:s12+$0x10]  }
0x81: {  	v6 =	vand.u32 $0x1, v4;
	v4 =	vld [tilespmem:s12+$0xFFFFFFE0]  }
0x82: {  	v7 =	vmov s14;
	v8 =	vadd.s32 v6, v5;
	v5 =	vld [tilespmem:s12+$0x0]  }
0x83: {  	s14 =	sadd.s32 $0x1, s14;
	v6 =	vand.u32 $0x7F, v7;
	v7 =	vadd.s32 $0x7FFF, v8  }
0x84: {  	v8 =	vshrl.u32 v7, $0x10;
	v7 =	vand.u32 $0xFFFF0000, v7  }
0x85: {  	v1 =	vor.u32 v1, v6;
	v6 =	vor.u32 v7, v8  }
0x86: {  	v1 =	vbroadcast v1, $0x0;
	v4 =	vmul.bf16 v6, v4  }
0x87: {  	v2 =	vmul.bf16 v6, v2  }
0x88: {  	v3 =	vmul.bf16 v6, v3;
	[tilespmem:s12+$0xFFFFFFE0] =	vst v4  }
0x89: {  	v5 =	vmul.bf16 v6, v5;
	[tilespmem:s12+$0xFFFFFFF0] =	vst v2  }
0x8a: {  	[tilespmem:s12+$0x10] =	vst v3  }
0x8b: {  	[tilespmem:s12+$0x0] =	vst v5  }
0x8c: {  	v1 =	vld.idx.msk [tilespmem:v1+s25+$0x0], $0xffff;
	_ =	sdelay $0x4  }
0x8d: {  	s14 =	sadd.s32 $0x40, s12;
	v2 =	vshrl.u32 v1, $0x10  }
0x8e: {  	v3 =	vld [tilespmem:s14+$0xFFFFFFE0];
	v2 =	vand.u32 $0x1, v2  }
0x8f: {  	v4 =	vld [tilespmem:s14+$0xFFFFFFF0];
	v1 =	vadd.s32 v2, v1  }
0x90: {  	v2 =	vld [tilespmem:s14+$0x0];
	v1 =	vadd.s32 $0x7FFF, v1  }
0x91: {  	v5 =	vld [tilespmem:s14+$0x10];
	v6 =	vshrl.u32 v1, $0x10;
	v1 =	vand.u32 $0xFFFF0000, v1  }
0x92: {  	v1 =	vor.u32 v1, v6  }
0x93: {  	v3 =	vmul.bf16 v1, v3  }
0x94: {  	v4 =	vmul.bf16 v1, v4  }
0x95: {  	v2 =	vmul.bf16 v1, v2;
	[tilespmem:s14+$0xFFFFFFE0] =	vst v3  }
0x96: {  	s15 =	sshll.u32 s11, $0xA;
	v1 =	vmul.bf16 v1, v5;
	[tilespmem:s14+$0xFFFFFFF0] =	vst v4  }
0x97: {  	p1 =	seq.s32 s11, $0x1B;
	s13 =	sor.u32 $0x1, s13;
	s12 =	sshrl.u32 s15, $0x2;
	[tilespmem:s14+$0x0] =	vst v2  }
0x98: {  	s13 =	sshll.u32 s13, $0x7;
	s24 =	sadd.s32 $0x3400, s12;
	[tilespmem:s14+$0x10] =	vst v1;
	s14 =	simm.s32 $0x0  }
0x99: {  	[spmem:s2] =	stream.indirect.scatter.add.bf16 [tilespmem:s22], [sflag:$0x3], $0x40, s24, s26, $0xb8;
	v2 =	vmov s14;
	[tilespmem:$0x17C00] =	vst v63  }
0x9a: {  	v1 =	vmov s13;
	s24 =	simm.s32 @!p1 $0x3;
	v2 =	vand.u32 $0x7F, v2  }
0x9b: {  	_ =	swait.ge @!p1 [sflag:s24], $0x2000;
	v2 =	vor.u32 v1, v2  }
0x9c: {  	s14 =	sshrl.u32 @!p1 s15, $0x2;
	s15 =	simm.s32 @!p1 $0x80;
	[sflag:s24] =	ssyncset.done @!p1 $0x0;
	v2 =	vbroadcast v2, $0x0  }
0x9d: {  	s14 =	sadd.s32 @!p1 $0x100, s14;
	[sflag:s24] =	ssyncadd.s32 @!p1 $0xFFFFE000;
	s24 =	simm.s32 @!p1 $0x9C00  }
0x9e: {  	[tilespmem:s24], [sflag:$0x1] =	stream.indirect.gather @!p1 [hbm4b:s1+s15], $0x40, s14, s15, $0xb8;
	[tilespmem:$0x17C00] =	vst v63  }
0x9f: {  	_ =	swait.ge [sflag:s30], $0x2000  }
0xa0: {  	[sflag:s30] =	ssyncset.done $0x0  }
0xa1: {  	[sflag:s30] =	ssyncadd.s32 $0xFFFFE000  }
0xa2: {  	v4 =	vld.idx.msk [tilespmem:v2+s25+$0x0], $0xffff;
	_ =	sdelay $0x2  }
0xa3: {  	s24 =	simm.s32 $0xBC30  }
0xa4: {  	v3 =	vld [tilespmem:s24+$0xFFFFFFE0]  }
0xa5: {  	v2 =	vld [tilespmem:s24+$0xFFFFFFF0];
	v5 =	vshrl.u32 v4, $0x10  }
0xa6: {  	s15 =	simm.s32 $0x1;
	v6 =	vand.u32 $0x1, v5;
	v5 =	vld [tilespmem:s24+$0xFFFFFFD0]  }
0xa7: {  	v7 =	vmov s15;
	v8 =	vadd.s32 v6, v4;
	v4 =	vld [tilespmem:s24+$0x0]  }
0xa8: {  	s14 =	simm.s32 $0x2;
	v6 =	vand.u32 $0x7F, v7;
	v7 =	vadd.s32 $0x7FFF, v8  }
.LBB2_15:
0xa9: {  	p2 =	sne.s32 s14, $0x7F;
	v6 =	vor.u32 v1, v6;
	v8 =	vshrl.u32 v7, $0x10;
	v7 =	vand.u32 $0xFFFF0000, v7  }
0xaa: {  	v6 =	vbroadcast v6, $0x0;
	v7 =	vor.u32 v7, v8  }
0xab: {  	v5 =	vmul.bf16 v7, v5;
	v3 =	vmul.bf16 v7, v3  }
0xac: {  	v2 =	vmul.bf16 v7, v2;
	v4 =	vmul.bf16 v7, v4  }
0xad: {  	[tilespmem:s24+$0xFFFFFFD0] =	vst v5  }
0xae: {  	[tilespmem:s24+$0xFFFFFFE0] =	vst v3  }
0xaf: {  	[tilespmem:s24+$0xFFFFFFF0] =	vst v2  }
0xb0: {  	[tilespmem:s24+$0x0] =	vst v4  }
0xb1: {  	v4 =	vld.idx.msk [tilespmem:v6+s25+$0x0], $0xffff;
	_ =	sdelay $0x3  }
0xb2: {  	s24 =	sadd.s32 $0x40, s24  }
.Ltmp5:
0xb3: {  	v2 =	vld [tilespmem:s24+$0xFFFFFFF0];
	(pc) =	sbr.rel @p2 .LBB2_15-.Ltmp5, $4  }
0xb4: {  	v5 =	vshrl.u32 v4, $0x10;
	v3 =	vld [tilespmem:s24+$0xFFFFFFE0]  }
0xb5: {  	v6 =	vand.u32 $0x1, v5;
	v5 =	vld [tilespmem:s24+$0xFFFFFFD0]  }
0xb6: {  	v7 =	vmov s14;
	v8 =	vadd.s32 v6, v4;
	v4 =	vld [tilespmem:s24+$0x0]  }
0xb7: {  	s14 =	sadd.s32 $0x1, s14;
	v6 =	vand.u32 $0x7F, v7;
	v7 =	vadd.s32 $0x7FFF, v8  }
0xb8: {  	v8 =	vshrl.u32 v7, $0x10;
	v61 =	vand.u32 $0xFFFF0000, v7  }
0xb9: {  	v1 =	vor.u32 v1, v6;
	v62 =	vor.u32 v61, v8  }
0xba: {  	v1 =	vbroadcast v1, $0x0;
	v5 =	vmul.bf16 v62, v5  }
0xbb: {  	v3 =	vmul.bf16 v62, v3  }
0xbc: {  	v2 =	vmul.bf16 v62, v2;
	[tilespmem:s24+$0xFFFFFFD0] =	vst v5  }
0xbd: {  	v4 =	vmul.bf16 v62, v4;
	[tilespmem:s24+$0xFFFFFFE0] =	vst v3  }
0xbe: {  	[tilespmem:s24+$0xFFFFFFF0] =	vst v2  }
0xbf: {  	[tilespmem:s24+$0x0] =	vst v4  }
0xc0: {  	v1 =	vld.idx.msk [tilespmem:v1+s25+$0x0], $0xffff;
	_ =	sdelay $0x4  }
0xc1: {  	s14 =	sadd.s32 $0x40, s24;
	v2 =	vshrl.u32 v1, $0x10  }
0xc2: {  	v3 =	vld [tilespmem:s14+$0xFFFFFFD0];
	v2 =	vand.u32 $0x1, v2  }
0xc3: {  	v4 =	vld [tilespmem:s14+$0xFFFFFFE0];
	v1 =	vadd.s32 v2, v1  }
0xc4: {  	v2 =	vld [tilespmem:s14+$0xFFFFFFF0];
	v1 =	vadd.s32 $0x7FFF, v1  }
0xc5: {  	v5 =	vld [tilespmem:s14+$0x0];
	v63 =	vshrl.u32 v1, $0x10;
	v1 =	vand.u32 $0xFFFF0000, v1  }
0xc6: {  	v1 =	vor.u32 v1, v63  }
0xc7: {  	v3 =	vmul.bf16 v1, v3  }
0xc8: {  	v4 =	vmul.bf16 v1, v4  }
.Ltmp6:
0xc9: {  	v2 =	vmul.bf16 v1, v2;
	[tilespmem:s14+$0xFFFFFFD0] =	vst v3;
	(pc) =	sbr.rel @p1 .LBB2_18-.Ltmp6, $4  }
0xca: {  	v1 =	vmul.bf16 v1, v5;
	[tilespmem:s14+$0xFFFFFFE0] =	vst v4  }
0xcb: {  	s13 =	sand.u32 $0x3FFFFF80, s13;
	[tilespmem:s14+$0xFFFFFFF0] =	vst v2  }
0xcc: {  	s13 =	sadd.s32 $0x3400, s13;
	[tilespmem:s14+$0x0] =	vst v1  }
0xcd: {  	[spmem:s2] =	stream.indirect.scatter.add.bf16 [tilespmem:s28], [sflag:$0x4], $0x40, s13, s26, $0xb8;
	[tilespmem:$0x17C00] =	vst v63  }
.Ltmp7:
0xce: {  	(pc) =	sbr.rel .LBB2_12-.Ltmp7, $4  }
0xcf: {  	_ =	swait.ge [sflag:s31], $0x2000  }
0xd0: {  	[sflag:s31] =	ssyncset.done $0x0  }
0xd1: {  	s12 =	sadd.s32 $0x180, s12;
	s11 =	sadd.s32 $0x1, s11;
	[sflag:s31] =	ssyncadd.s32 $0xFFFFE000  }
0xd2: {  	[tilespmem:s28], [sflag:$0x2] =	stream.indirect.gather [hbm4b:s1+s26], $0x40, s12, s26, $0xb8;
	[tilespmem:$0x17C00] =	vst v63  }
.LBB2_4:
0xd3: {  	s11 =	rddreg [dreg:$0x4]  }
0xd4: {  	[tilespmem:s10], [sflag:$0x5] =	stream.linear.gather [hbm4b:s11+s10], $0x3400, $0x38;
	[tilespmem:$0x17C00] =	vst v63  }
0xd5: {  	_ =	swait.ge [sflag:s23], $0x3400  }
0xd6: {  	[sflag:s23] =	ssyncset.done $0x0  }
0xd7: {  	s12 =	simm.s32 $0x3400;
	s15 =	rddreg [dreg:$0x5];
	[sflag:s23] =	ssyncadd.s32 $0xFFFFCC00  }
0xd8: {  	[tilespmem:s12], [sflag:$0x5] =	stream.linear.gather [hbm4b:s15+s10], $0x3400, $0x38;
	[tilespmem:$0x17C00] =	vst v63  }
0xd9: {  	_ =	swait.ge [sflag:s23], $0x3400  }
0xda: {  	[sflag:s23] =	ssyncset.done $0x0  }
0xdb: {  	s24 =	rddreg [dreg:$0x6];
	[sflag:s23] =	ssyncadd.s32 $0xFFFFCC00  }
0xdc: {  	[tilespmem:s25], [sflag:$0x5] =	stream.linear.gather [hbm4b:s24+s10], $0x3400, $0x38;
	[tilespmem:$0x17C00] =	vst v63  }
0xdd: {  	_ =	swait.ge [sflag:s23], $0x3400  }
0xde: {  	[sflag:s23] =	ssyncset.done $0x0  }
0xdf: {  	[sflag:s23] =	ssyncadd.s32 $0xFFFFCC00  }
0xe0: {  	[tilespmem:s22], [sflag:$0x1] =	stream.indirect.gather [hbm4b:s1+s26], $0x40, s10, s26, $0xb8;
	[tilespmem:$0x17C00] =	vst v63  }
0xe1: {  	s11 =	simm.s32 $0x0  }
0xe2: {  	[tilespmem:s28], [sflag:$0x2] =	stream.indirect.gather [hbm4b:s1+s26], $0x40, s26, s26, $0xb8;
	[tilespmem:$0x17C00] =	vst v63  }
.LBB2_5:
0xe3: {  	s12 =	sshll.u32 s11, $0x8;
	v2 =	vmov s10  }
0xe4: {  	v1 =	vmov s12;
	v2 =	vand.u32 $0x7F, v2  }
0xe5: {  	v2 =	vor.u32 v1, v2  }
0xe6: {  	v2 =	vbroadcast v2, $0x0;
	_ =	sdelay $0x2  }
0xe7: {  	_ =	swait.ge [sflag:s29], $0x2000  }
0xe8: {  	[sflag:s29] =	ssyncset.done $0x0  }
0xe9: {  	[sflag:s29] =	ssyncadd.s32 $0xFFFFE000  }
0xea: {  	v5 =	vld.idx.msk [tilespmem:v2+s25+$0x0], $0xffff;
	_ =	sdelay $0x2  }
0xeb: {  	s12 =	simm.s32 $0x9C20  }
0xec: {  	v3 =	vld [tilespmem:s12+$0x10]  }
0xed: {  	v2 =	vld [tilespmem:s12+$0xFFFFFFF0];
	v4 =	vshrl.u32 v5, $0x10  }
0xee: {  	s13 =	simm.s32 $0x1;
	v6 =	vand.u32 $0x1, v4;
	v4 =	vld [tilespmem:s12+$0xFFFFFFE0]  }
0xef: {  	v7 =	vmov s13;
	v8 =	vadd.s32 v6, v5;
	v5 =	vld [tilespmem:s12+$0x0]  }
0xf0: {  	s24 =	simm.s32 $0x2;
	s13 =	sshll.u32 s11, $0x1;
	v6 =	vand.u32 $0x7F, v7;
	v7 =	vadd.s32 $0x7FFF, v8  }
.LBB2_6:
0xf1: {  	p1 =	sne.s32 s24, $0x7F;
	v6 =	vor.u32 v1, v6;
	v8 =	vshrl.u32 v7, $0x10;
	v7 =	vand.u32 $0xFFFF0000, v7  }
0xf2: {  	v6 =	vbroadcast v6, $0x0;
	v7 =	vor.u32 v7, v8  }
0xf3: {  	v4 =	vmul.bf16 v7, v4;
	v2 =	vmul.bf16 v7, v2  }
0xf4: {  	v3 =	vmul.bf16 v7, v3;
	v5 =	vmul.bf16 v7, v5  }
0xf5: {  	[tilespmem:s12+$0xFFFFFFE0] =	vst v4  }
0xf6: {  	[tilespmem:s12+$0xFFFFFFF0] =	vst v2  }
0xf7: {  	[tilespmem:s12+$0x0] =	vst v5  }
0xf8: {  	[tilespmem:s12+$0x10] =	vst v3  }
0xf9: {  	v5 =	vld.idx.msk [tilespmem:v6+s25+$0x0], $0xffff;
	_ =	sdelay $0x3  }
0xfa: {  	s12 =	sadd.s32 $0x40, s12  }
.Ltmp8:
0xfb: {  	v2 =	vld [tilespmem:s12+$0xFFFFFFF0];
	(pc) =	sbr.rel @p1 .LBB2_6-.Ltmp8, $4  }
0xfc: {  	v4 =	vshrl.u32 v5, $0x10;
	v3 =	vld [tilespmem:s12+$0x10]  }
0xfd: {  	v6 =	vand.u32 $0x1, v4;
	v4 =	vld [tilespmem:s12+$0xFFFFFFE0]  }
0xfe: {  	v7 =	vmov s24;
	v8 =	vadd.s32 v6, v5;
	v5 =	vld [tilespmem:s12+$0x0]  }
0xff: {  	s24 =	sadd.s32 $0x1, s24;
	v6 =	vand.u32 $0x7F, v7;
	v7 =	vadd.s32 $0x7FFF, v8  }
0x100: {  	v8 =	vshrl.u32 v7, $0x10;
	v7 =	vand.u32 $0xFFFF0000, v7  }
0x101: {  	v1 =	vor.u32 v1, v6;
	v6 =	vor.u32 v7, v8  }
0x102: {  	v1 =	vbroadcast v1, $0x0;
	v4 =	vmul.bf16 v6, v4  }
0x103: {  	v2 =	vmul.bf16 v6, v2  }
0x104: {  	v3 =	vmul.bf16 v6, v3;
	[tilespmem:s12+$0xFFFFFFE0] =	vst v4  }
0x105: {  	v5 =	vmul.bf16 v6, v5;
	[tilespmem:s12+$0xFFFFFFF0] =	vst v2  }
0x106: {  	[tilespmem:s12+$0x10] =	vst v3  }
0x107: {  	[tilespmem:s12+$0x0] =	vst v5  }
0x108: {  	v1 =	vld.idx.msk [tilespmem:v1+s25+$0x0], $0xffff;
	_ =	sdelay $0x4  }
0x109: {  	s14 =	sadd.s32 $0x40, s12;
	v2 =	vshrl.u32 v1, $0x10  }
0x10a: {  	v3 =	vld [tilespmem:s14+$0xFFFFFFE0];
	v2 =	vand.u32 $0x1, v2  }
0x10b: {  	v4 =	vld [tilespmem:s14+$0xFFFFFFF0];
	v1 =	vadd.s32 v2, v1  }
0x10c: {  	v2 =	vld [tilespmem:s14+$0x0];
	v1 =	vadd.s32 $0x7FFF, v1  }
0x10d: {  	v5 =	vld [tilespmem:s14+$0x10];
	v6 =	vshrl.u32 v1, $0x10;
	v1 =	vand.u32 $0xFFFF0000, v1  }
0x10e: {  	v1 =	vor.u32 v1, v6  }
0x10f: {  	v3 =	vmul.bf16 v1, v3  }
0x110: {  	v4 =	vmul.bf16 v1, v4  }
0x111: {  	v2 =	vmul.bf16 v1, v2;
	[tilespmem:s14+$0xFFFFFFE0] =	vst v3  }
0x112: {  	s24 =	sshll.u32 s11, $0xA;
	v1 =	vmul.bf16 v1, v5;
	[tilespmem:s14+$0xFFFFFFF0] =	vst v4  }
0x113: {  	p1 =	seq.s32 s11, $0x33;
	s13 =	sor.u32 $0x1, s13;
	s12 =	sshrl.u32 s24, $0x2;
	[tilespmem:s14+$0x0] =	vst v2  }
0x114: {  	s13 =	sshll.u32 s13, $0x7;
	s15 =	sadd.s32 $0x3400, s12;
	[tilespmem:s14+$0x10] =	vst v1;
	s14 =	simm.s32 $0x0  }
0x115: {  	[spmem:s2] =	stream.indirect.scatter.add.bf16 [tilespmem:s22], [sflag:$0x3], $0x40, s15, s26, $0xb8;
	v2 =	vmov s14;
	[tilespmem:$0x17C00] =	vst v63  }
0x116: {  	v1 =	vmov s13;
	s15 =	simm.s32 @!p1 $0x3;
	v2 =	vand.u32 $0x7F, v2  }
0x117: {  	_ =	swait.ge @!p1 [sflag:s15], $0x2000;
	v2 =	vor.u32 v1, v2  }
0x118: {  	s14 =	sshrl.u32 @!p1 s24, $0x2;
	s24 =	simm.s32 @!p1 $0x9C00;
	[sflag:s15] =	ssyncset.done @!p1 $0x0;
	v2 =	vbroadcast v2, $0x0  }
0x119: {  	s14 =	sadd.s32 @!p1 $0x100, s14;
	[sflag:s15] =	ssyncadd.s32 @!p1 $0xFFFFE000;
	s15 =	simm.s32 @!p1 $0x80  }
0x11a: {  	[tilespmem:s24], [sflag:$0x1] =	stream.indirect.gather @!p1 [hbm4b:s1+s15], $0x40, s14, s15, $0xb8;
	[tilespmem:$0x17C00] =	vst v63  }
0x11b: {  	_ =	swait.ge [sflag:s30], $0x2000  }
0x11c: {  	[sflag:s30] =	ssyncset.done $0x0  }
0x11d: {  	[sflag:s30] =	ssyncadd.s32 $0xFFFFE000  }
0x11e: {  	v4 =	vld.idx.msk [tilespmem:v2+s25+$0x0], $0xffff;
	_ =	sdelay $0x2  }
0x11f: {  	s24 =	simm.s32 $0xBC30  }
0x120: {  	v3 =	vld [tilespmem:s24+$0xFFFFFFE0]  }
0x121: {  	v2 =	vld [tilespmem:s24+$0xFFFFFFF0];
	v5 =	vshrl.u32 v4, $0x10  }
0x122: {  	s15 =	simm.s32 $0x1;
	v6 =	vand.u32 $0x1, v5;
	v5 =	vld [tilespmem:s24+$0xFFFFFFD0]  }
0x123: {  	v7 =	vmov s15;
	v8 =	vadd.s32 v6, v4;
	v4 =	vld [tilespmem:s24+$0x0]  }
0x124: {  	s14 =	simm.s32 $0x2;
	v6 =	vand.u32 $0x7F, v7;
	v7 =	vadd.s32 $0x7FFF, v8  }
.LBB2_8:
0x125: {  	p2 =	sne.s32 s14, $0x7F;
	v6 =	vor.u32 v1, v6;
	v8 =	vshrl.u32 v7, $0x10;
	v7 =	vand.u32 $0xFFFF0000, v7  }
0x126: {  	v6 =	vbroadcast v6, $0x0;
	v7 =	vor.u32 v7, v8  }
0x127: {  	v5 =	vmul.bf16 v7, v5;
	v3 =	vmul.bf16 v7, v3  }
0x128: {  	v2 =	vmul.bf16 v7, v2;
	v4 =	vmul.bf16 v7, v4  }
0x129: {  	[tilespmem:s24+$0xFFFFFFD0] =	vst v5  }
0x12a: {  	[tilespmem:s24+$0xFFFFFFE0] =	vst v3  }
0x12b: {  	[tilespmem:s24+$0xFFFFFFF0] =	vst v2  }
0x12c: {  	[tilespmem:s24+$0x0] =	vst v4  }
0x12d: {  	v4 =	vld.idx.msk [tilespmem:v6+s25+$0x0], $0xffff;
	_ =	sdelay $0x3  }
0x12e: {  	s24 =	sadd.s32 $0x40, s24  }
.Ltmp9:
0x12f: {  	v2 =	vld [tilespmem:s24+$0xFFFFFFF0];
	(pc) =	sbr.rel @p2 .LBB2_8-.Ltmp9, $4  }
0x130: {  	v5 =	vshrl.u32 v4, $0x10;
	v3 =	vld [tilespmem:s24+$0xFFFFFFE0]  }
0x131: {  	v6 =	vand.u32 $0x1, v5;
	v5 =	vld [tilespmem:s24+$0xFFFFFFD0]  }
0x132: {  	v7 =	vmov s14;
	v8 =	vadd.s32 v6, v4;
	v4 =	vld [tilespmem:s24+$0x0]  }
0x133: {  	s14 =	sadd.s32 $0x1, s14;
	v6 =	vand.u32 $0x7F, v7;
	v7 =	vadd.s32 $0x7FFF, v8  }
0x134: {  	v8 =	vshrl.u32 v7, $0x10;
	v61 =	vand.u32 $0xFFFF0000, v7  }
0x135: {  	v1 =	vor.u32 v1, v6;
	v62 =	vor.u32 v61, v8  }
0x136: {  	v1 =	vbroadcast v1, $0x0;
	v5 =	vmul.bf16 v62, v5  }
0x137: {  	v3 =	vmul.bf16 v62, v3  }
0x138: {  	v2 =	vmul.bf16 v62, v2;
	[tilespmem:s24+$0xFFFFFFD0] =	vst v5  }
0x139: {  	v4 =	vmul.bf16 v62, v4;
	[tilespmem:s24+$0xFFFFFFE0] =	vst v3  }
0x13a: {  	[tilespmem:s24+$0xFFFFFFF0] =	vst v2  }
0x13b: {  	[tilespmem:s24+$0x0] =	vst v4  }
0x13c: {  	v1 =	vld.idx.msk [tilespmem:v1+s25+$0x0], $0xffff;
	_ =	sdelay $0x4  }
0x13d: {  	s14 =	sadd.s32 $0x40, s24;
	v2 =	vshrl.u32 v1, $0x10  }
0x13e: {  	v3 =	vld [tilespmem:s14+$0xFFFFFFD0];
	v2 =	vand.u32 $0x1, v2  }
0x13f: {  	v4 =	vld [tilespmem:s14+$0xFFFFFFE0];
	v1 =	vadd.s32 v2, v1  }
0x140: {  	v2 =	vld [tilespmem:s14+$0xFFFFFFF0];
	v1 =	vadd.s32 $0x7FFF, v1  }
0x141: {  	v5 =	vld [tilespmem:s14+$0x0];
	v63 =	vshrl.u32 v1, $0x10;
	v1 =	vand.u32 $0xFFFF0000, v1  }
0x142: {  	v1 =	vor.u32 v1, v63  }
0x143: {  	v3 =	vmul.bf16 v1, v3  }
0x144: {  	v4 =	vmul.bf16 v1, v4  }
.Ltmp10:
0x145: {  	v2 =	vmul.bf16 v1, v2;
	[tilespmem:s14+$0xFFFFFFD0] =	vst v3;
	(pc) =	sbr.rel @p1 .LBB2_18-.Ltmp10, $4  }
0x146: {  	v1 =	vmul.bf16 v1, v5;
	[tilespmem:s14+$0xFFFFFFE0] =	vst v4  }
0x147: {  	s13 =	sand.u32 $0x3FFFFF80, s13;
	[tilespmem:s14+$0xFFFFFFF0] =	vst v2  }
0x148: {  	s13 =	sadd.s32 $0x3400, s13;
	[tilespmem:s14+$0x0] =	vst v1  }
0x149: {  	[spmem:s2] =	stream.indirect.scatter.add.bf16 [tilespmem:s28], [sflag:$0x4], $0x40, s13, s26, $0xb8;
	[tilespmem:$0x17C00] =	vst v63  }
.Ltmp11:
0x14a: {  	(pc) =	sbr.rel .LBB2_5-.Ltmp11, $4  }
0x14b: {  	_ =	swait.ge [sflag:s31], $0x2000  }
0x14c: {  	[sflag:s31] =	ssyncset.done $0x0  }
0x14d: {  	s12 =	sadd.s32 $0x180, s12;
	s11 =	sadd.s32 $0x1, s11;
	[sflag:s31] =	ssyncadd.s32 $0xFFFFE000  }
0x14e: {  	[tilespmem:s28], [sflag:$0x2] =	stream.indirect.gather [hbm4b:s1+s26], $0x40, s12, s26, $0xb8;
	[tilespmem:$0x17C00] =	vst v63  }
.LBB2_19:
0x14f: {  	_ =	sfence.sel $0x180000  }
0x150: {  	[bflag:$0x0] =	sbarrier.arrive $0xFFFF  }
0x151: {  	_ =	strace $0x9000004A  }
0x152: {  	[bflag:$0x2] =	sbarrier.arrive $0xFFFF  }
0x153: {  	p0 =	sne.s32 s3, $0x0;
	s0 =	rddreg [dreg:$0x3]  }
0x154: {  	s0 =	sadd.s32 @!p0 $0x100000, s0  }
0x155: {  	[sflag:s0] =	ssyncadd.tile.s32 @!p0 $0x1;
	_ =	shalt  }
.Lfunc_end2:
_tile_overlayer_lowered:
.L_overlay_start_2:
0x156: {  	(tag) =	ssettag $0x2  }
0x157: {  	s0 =	rddreg [dreg:$0x0];
	s2 =	stileid.u32  }
0x158: {  	s1 =	rddreg [dreg:$0x1];
	p0 =	sne.s32 s2, $0x0  }
0x159: {  	s3 =	rddreg [dreg:$0x2];
	[bflag:$0x3] =	sbarrier.arrive $0xFFFF;
	s2 =	simm.s32 @!p0 $0x1C05  }
0x15a: {  	[timem:s3], [sflag:s2] =	dma.local @!p0 [hbm:s0], s1  }
0x15b: {  	s0 =	simm.s32 @!p0 $0x5  }
0x15c: {  	_ =	swait.ge @!p0 [sflag:s0], s1  }
0x15d: {  	s1 =	ssub.s32 @!p0 $0x0, s1;
	[sflag:s0] =	ssyncset.done @!p0 $0x0  }
0x15e: {  	[sflag:s0] =	ssyncadd.s32 @!p0 s1  }
0x15f: {  	[bflag:$0x3] =	sbarrier.arrive $0xFFFF  }
0x160: {  	_ =	shalt  }

// kernel: kernel.14.cloned.1.call-start
scs
__scs_entry_jumppad:
0x0: {  	(pc) =	sbr.rel $0x88, $3  }
0x1: {  	(tag) =	ssettag $0x0;
	lr =	simm.s32 $0x1  }
0x2: {  	[smem:$0x3F9A] =	sst lr;
	_ =	strace $0xD0000000  }
0x3: {  	_ = 	snop  }
0x4: {  	_ = 	snop  }
0x5: {  	_ = 	snop  }
0x6: {  	_ = 	snop  }
0x7: {  	_ = 	snop  }
__scs_overlays_trampoline_lowered:
0x8: {  	[smem:$0x3FA9] =	sst s0  }
0x9: {  	[smem:$0x3FAA] =	sst s1  }
0xa: {  	[smem:$0x3FAB] =	sst s2  }
0xb: {  	[smem:$0x3FAC] =	sst s3  }
0xc: {  	[smem:$0x3FAD] =	sst s4  }
0xd: {  	[smem:$0x3FAE] =	sst s5  }
0xe: {  	[smem:$0x3FAF] =	sst s6  }
0xf: {  	[smem:$0x3FB0] =	sst s7  }
0x10: {  	[smem:$0x3FB1] =	sst s8  }
0x11: {  	[smem:$0x3FB2] =	sst s9;
	s0 =	simm.s32 @!p0 $0x0  }
0x12: {  	s1 =	sld [smem:$0x3F98];
	s0 =	simm.s32 @p0 $0x1  }
0x13: {  	[smem:$0x3FB3] =	sst s0;
	s0 =	simm.s32 @!p1 $0x0  }
0x14: {  	s2 =	sld [smem:$0x3F97];
	s0 =	simm.s32 @p1 $0x1  }
0x15: {  	[smem:$0x3FB4] =	sst s0;
	s0 =	simm.s32 @!p2 $0x0  }
0x16: {  	s3 =	sld [smem:$0x3FDB];
	s0 =	simm.s32 @p2 $0x1  }
0x17: {  	s4 =	simm.s32 $0x1BF5;
	[smem:$0x3FB6] =	sst s0  }
0x18: {  	s0 =	sld [smem:$0x3F99];
	_ =	swait.ge [sflag:s4], $0x0  }
0x19: {  	s7 =	sld [smem:$0x3F9A]  }
0x1a: {  	s8 =	sadd.s32 $0xFFFFE003, lr  }
0x1b: {  	s9 =	sadd.s32 $0xFFFFFEF7, lr;
	s5 =	simm.s32 $0xFFFFFFFF;
	p2 =	slt.u32 s8, $0xFFFFF086  }
0x1c: {  	p1 =	slt.u32 s9, $0xF7A;
	s5 =	simm.s32 @!p2 $0x0  }
0x1d: {  	s5 =	simm.s32 @p1 $0x1;
	p0 =	seq.s32 s7, s2  }
0x1e: {  	s7 =	smul.u32 @!p0 $0xF7A, s2;
	p2 =	seq.s32 @!p0 s5, $0x0  }
0x1f: {  	s9 =	smul.u32 $0xF7A, s1;
	s8 =	simm.s32 @!p0 $0x1BF5;
	p2 =	por !p2, p0  }
0x20: {  	[sflag:s8] =	ssyncset.s32 @!p0 $0xFFFFF086;
	s6 =	sadd.s32 @!p0 s3, s7;
	s7 =	simm.s32 @!p0 $0x108  }
0x21: {  	s3 =	sadd.s32 s3, s9;
	s6 =	sadd.s32 @!p0 $0x88, s6;
	s7 =	simm.s32 @p2 $0x1082  }
0x22: {  	[simem:s7], [sflag:s8] =	dma.local @!p0 [hbm:s6], $0xF7A  }
0x23: {  	s9 =	sor.u32 $0xD0000000, s2;
	s6 =	simm.s32 $0x108;
	_ =	swait.ge @!p0 [sflag:s8], $0x0  }
0x24: {  	s3 =	sadd.s32 $0x88, s3;
	s6 =	simm.s32 @!p1 $0x1082;
	[sflag:s4] =	ssyncset.s32 $0xFFFFF086  }
0x25: {  	[simem:s6], [sflag:s4] =	dma.local [hbm:s3], $0xF7A  }
0x26: {  	[smem:$0x3F9A] =	sst s1;
	(tag) =	ssettag s2;
	_ =	strace s9  }
0x27: {  	s1 =	sld [smem:$0x3FAA]  }
0x28: {  	s2 =	sld [smem:$0x3FAB]  }
0x29: {  	s4 =	sld [smem:$0x3FAD]  }
0x2a: {  	p0 =	seq.s32 s5, $0x0;
	s5 =	sld [smem:$0x3FAE]  }
0x2b: {  	s6 =	sld [smem:$0x3FAF]  }
0x2c: {  	s7 =	sld [smem:$0x3FB0]  }
0x2d: {  	s3 =	simm.s32 $0x108;
	s8 =	sld [smem:$0x3FB1]  }
0x2e: {  	s3 =	simm.s32 @!p0 $0x1082;
	s9 =	sld [smem:$0x3FB2]  }
0x2f: {  	lr =	sadd.s32 s0, s3;
	s0 =	sld [smem:$0x3FA9]  }
0x30: {  	s3 =	sld [smem:$0x3FAC]  }
0x31: {  	[smem:$0x3FB5] =	sst s10  }
0x32: {  	s10 =	sld [smem:$0x3FB3];
	_ =	sdelay $0x3  }
0x33: {  	p0 =	seq.s32 s10, $0x1;
	s10 =	sld [smem:$0x3FB5];
	_ =	sdelay $0x3  }
0x34: {  	[smem:$0x3FB5] =	sst s10  }
0x35: {  	s10 =	sld [smem:$0x3FB4];
	_ =	sdelay $0x3  }
0x36: {  	p1 =	seq.s32 s10, $0x1;
	s10 =	sld [smem:$0x3FB5];
	_ =	sdelay $0x3  }
0x37: {  	[smem:$0x3FB5] =	sst s10  }
0x38: {  	s10 =	sld [smem:$0x3FB6]  }
0x39: {  	_ = 	snop;
	(pc) =	sbr.ind lr, $3  }
0x3a: {  	_ = 	snop  }
0x3b: {  	_ = 	snop  }
0x3c: {  	p2 =	seq.s32 s10, $0x1;
	s10 =	sld [smem:$0x3FB5]  }
0x3d: {  	_ =	shalt  }
0x3e: {  	_ =	shalt  }
0x3f: {  	_ =	shalt  }
0x40: {  	_ =	shalt  }
0x41: {  	_ =	shalt  }
0x42: {  	_ =	shalt  }
0x43: {  	_ =	shalt  }
0x44: {  	_ =	shalt  }
0x45: {  	_ =	shalt  }
0x46: {  	_ =	shalt  }
0x47: {  	_ =	shalt  }
0x48: {  	_ =	shalt  }
0x49: {  	_ =	shalt  }
0x4a: {  	_ =	shalt  }
0x4b: {  	_ =	shalt  }
0x4c: {  	_ =	shalt  }
0x4d: {  	_ =	shalt  }
0x4e: {  	_ =	shalt  }
0x4f: {  	_ =	shalt  }
0x50: {  	_ =	shalt  }
0x51: {  	_ =	shalt  }
0x52: {  	_ =	shalt  }
0x53: {  	_ =	shalt  }
0x54: {  	_ =	shalt  }
0x55: {  	_ =	shalt  }
0x56: {  	_ =	shalt  }
0x57: {  	_ =	shalt  }
0x58: {  	_ =	shalt  }
0x59: {  	_ =	shalt  }
0x5a: {  	_ =	shalt  }
0x5b: {  	_ =	shalt  }
0x5c: {  	_ =	shalt  }
0x5d: {  	_ =	shalt  }
0x5e: {  	_ =	shalt  }
0x5f: {  	_ =	shalt  }
0x60: {  	_ =	shalt  }
0x61: {  	_ =	shalt  }
0x62: {  	_ =	shalt  }
0x63: {  	_ =	shalt  }
0x64: {  	_ =	shalt  }
0x65: {  	_ =	shalt  }
0x66: {  	_ =	shalt  }
0x67: {  	_ =	shalt  }
0x68: {  	_ =	shalt  }
0x69: {  	_ =	shalt  }
0x6a: {  	_ =	shalt  }
0x6b: {  	_ =	shalt  }
0x6c: {  	_ =	shalt  }
0x6d: {  	_ =	shalt  }
0x6e: {  	_ =	shalt  }
0x6f: {  	_ =	shalt  }
0x70: {  	_ =	shalt  }
0x71: {  	_ =	shalt  }
0x72: {  	_ =	shalt  }
0x73: {  	_ =	shalt  }
0x74: {  	_ =	shalt  }
0x75: {  	_ =	shalt  }
0x76: {  	_ =	shalt  }
0x77: {  	_ =	shalt  }
0x78: {  	_ =	shalt  }
0x79: {  	_ =	shalt  }
0x7a: {  	_ =	shalt  }
0x7b: {  	_ =	shalt  }
0x7c: {  	_ =	shalt  }
0x7d: {  	_ =	shalt  }
0x7e: {  	_ =	shalt  }
0x7f: {  	_ =	shalt  }
0x80: {  	_ =	shalt  }
0x81: {  	_ =	shalt  }
0x82: {  	_ =	shalt  }
0x83: {  	_ =	shalt  }
0x84: {  	_ =	shalt  }
0x85: {  	_ =	shalt  }
0x86: {  	_ =	shalt  }
0x87: {  	_ =	shalt  }
.Lfunc_end0:
.L_simem_size_0:
called_computation.2_lowered:
.L_overlay_start_0:
0x88: {  	s2 =	sld [smem:$0x3FD9]  }
0x89: {  	s3 =	sld [smem:$0x3FFE];
	_ =	sdelay $0x1  }
0x8a: {  	s1 =	srdreg.scid  }
0x8b: {  	s0 =	sand.u32 $0x1, s1  }
0x8c: {  	s17 =	sshll.u32 s0, $0xA;
	s2 =	sadd.s32 s3, s2  }
0x8d: {  	s2 =	sadd.s32 s2, s17  }
0x8e: {  	[smem:$0x3FC1] =	sst s2  }
0x8f: {  	_ = 	snop  }
0x90: {  	s2 =	sld [smem:$0x3FD0];
	(tm) =	ssettm $0x1  }
0x91: {  	s18 =	sld [smem:$0x3FFB];
	_ =	sdelay $0x3  }
0x92: {  	_ =	strace s18  }
0x93: {  	s3 =	sld [smem:$0x3FFC];
	_ =	sdelay $0x3  }
0x94: {  	_ =	strace s3  }
0x95: {  	s3 =	sld [smem:$0x3FFD];
	_ =	sdelay $0x3  }
0x96: {  	_ =	strace s3  }
0x97: {  	_ =	strace $0x8FFFFFFF  }
0x98: {  	s19 =	sld [smem:$0x3FDB];
	_ =	sdelay $0x1  }
0x99: {  	s4 =	simm.s32 $_scs_section_size  }
0x9a: {  	s5 =	simm.s32 $_size__tile_overlayer_lowered;
	s6 =	simm.s32 $_tile_overlayer_lowered  }
0x9b: {  	s22 =	simm.s32 $0x1BFF;
	s21 =	sshll.u32 s6, $0x1;
	s3 =	sadd.s32 s4, s19  }
0x9c: {  	s7 =	simm.s32 $0x0;
	s20 =	sshll.u32 s5, $0x1;
	s5 =	sadd.s32 s21, s3  }
0x9d: {  	[timem:s7], [sflag:s22] =	dma.local [hbm:s5], s20  }
0x9e: {  	_ =	swait.ge [sflag:s22], s20  }
0x9f: {  	s4 =	ssub.s32 $0x0, s20;
	[sflag:s22] =	ssyncset.done $0x0  }
0xa0: {  	[sflag:s22] =	ssyncadd.s32 s4;
	_ =	sdelay $0x1  }
0xa1: {  	s23 =	simm.s32 $0x1B8B  }
0xa2: {  	_ =	swait.ge [sflag:s23], $0x1  }
0xa3: {  	[sflag:s23] =	ssyncset.done $0x0  }
0xa4: {  	s25 =	simm.s32 $0x1B8E;
	s24 =	sld [smem:$0x3FFE];
	[sflag:s23] =	ssyncadd.s32 $0xFFFFFFFF  }
0xa5: {  	s26 =	simm.s32 $execute0_lowered;
	[smem:$0x3FD2] =	sst s25  }
0xa6: {  	s5 =	sshll.u32 s26, $0x1;
	_ =	strace $0x8000004C;
	[dreg:$0x1] =	wrdreg $0xFFFFFFFF  }
0xa7: {  	s28 =	simm.s32 $_size_execute0_lowered;
	s3 =	sadd.s32 s3, s5;
	[dreg:$0x0] =	wrdreg $0x0  }
0xa8: {  	s5 =	sshll.u32 s28, $0x1;
	[dreg:$0x2] =	wrdreg s3  }
0xa9: {  	[dreg:$0x3] =	wrdreg s5  }
0xaa: {  	[dreg:$0x4] =	wrdreg $0xC0  }
0xab: {  	_ =	task [dreg:s7], $0x5FFFF  }
0xac: {  	[dreg:$0x1] =	wrdreg $0xFFFFFFFF  }
0xad: {  	[dreg:$0x0] =	wrdreg $0x60  }
0xae: {  	[dreg:$0x2] =	wrdreg s2  }
0xaf: {  	[dreg:$0x3] =	wrdreg s24  }
0xb0: {  	[dreg:$0x4] =	wrdreg $0xDC000  }
0xb1: {  	[dreg:$0x5] =	wrdreg $0x9  }
0xb2: {  	_ =	task.clear_ibuf [dreg:s7], $0x6FFFF;
	_ =	strace $0x9000004C  }
0xb3: {  	s29 =	simm.s32 $0x9;
	_ =	strace $0x8000004E  }
0xb4: {  	_ =	swait.ge [sflag:s29], $0x1  }
0xb5: {  	[sflag:s29] =	ssyncadd.s32 $0xFFFFFFFF  }
0xb6: {  	_ =	strace $0x9000004E  }
0xb7: {  	_ =	sfence  }
0xb8: {  	s30 =	sld [smem:$0x0];
	_ =	sdelay $0x2  }
0xb9: {  	s31 =	sshll.u32 s1, $0xD;
	s1 =	sshrl.u32 s1, $0x2  }
0xba: {  	s3 =	sand.u32 $0x4000, s31;
	s1 =	sadd.s32 s1, s30  }
0xbb: {  	s0 =	sor.u32 s3, s0;
	s1 =	sshll.u32 s1, $0x11  }
0xbc: {  	s0 =	sor.u32 s1, s0  }
0xbd: {  	s0 =	sadd.s32 $0x8F2B, s0  }
0xbe: {  	[sflag:s0] =	ssyncadd.remote.s32 $0x1  }
0xbf: {  	_ =	sfence.sel $0xFFFF  }
0xc0: {  	[dreg:$0x0] =	wrdreg $0xFFFFFFFF;
	(pc) =	sbr.abs _section_cstart, $3  }
0xc1: {  	[dreg:$0x1] =	wrdreg $0xFFFFFFFF  }
0xc2: {  	_ =	task.clear_ibuf [dreg:s7], $0x2FFFF;
	_ =	strace $0x9FFFFFFF  }
0xc3: {  	(tm) =	ssettm $0x7FFFFFFF  }
tec
execute0_lowered:
.L_overlay_start_1:
0x0: {  	(tag) =	ssettag $0x1  }
0x1: {  	s1 =	rddreg [dreg:$0x0]  }
0x2: {  	s0 =	rddreg [dreg:$0x1]  }
0x3: {  	s2 =	rddreg [dreg:$0x2]  }
0x4: {  	s4 =	simm.s32 $0x0;
	s5 =	srdreg.scid;
	s3 =	stileid.u32  }
0x5: {  	s28 =	simm.s32 $0xBC00;
	s29 =	simm.s32 $0x1;
	s30 =	simm.s32 $0x2  }
0x6: {  	s31 =	simm.s32 $0x4;
	[smem:$0x7FF] =	sst s4;
	s10 =	sand.u32 $0x1, s5  }
0x7: {  	s11 =	sadd.s32 $0xC000, s0;
	s12 =	smul.u32 $0x14000, s3;
	s13 =	sadd.s32 $0x2000, s0  }
0x8: {  	s14 =	sadd.s32 $0x20600, s0;
	s0 =	sadd.s32 $0x2A600, s0;
	s16 =	smul.u32 $0x5000, s3  }
0x9: {  	s17 =	smul.u32 $0xA00, s3;
	_ =	strace $0x8000004D;
	s5 =	ssub.s32 $0x2, s10  }
0xa: {  	p0 =	seq.s32 s10, $0x1;
	s10 =	smul.u32 $0x140000, s10;
	s6 =	sshrl.u32 s5, $0x1  }
0xb: {  	s15 =	sadd.s32 $0x4000, s12;
	s23 =	sshrl.u32 s12, $0x1;
	s18 =	sadd.s32 $0x8000, s12  }
0xc: {  	s19 =	sadd.s32 $0xC000, s12;
	s20 =	sadd.s32 $0x10000, s12;
	s16 =	sshrl.u32 s16, $0x3  }
0xd: {  	s22 =	sadd.s32 s11, s17;
	s25 =	sadd.s32 s13, s17;
	s17 =	sadd.s32 s14, s17  }
0xe: {  	s21 =	ssub.s32 s5, s6;
	s24 =	sshrl.u32 s15, $0x1;
	s5 =	sadd.s32 s23, s2  }
0xf: {  	s7 =	sshrl.u32 s18, $0x1;
	s8 =	sshrl.u32 s19, $0x1;
	[dreg:$0x4] =	wrdreg s22  }
0x10: {  	s9 =	sshrl.u32 s20, $0x1;
	[dreg:$0x5] =	wrdreg s25;
	s16 =	sadd.s32 $0x680, s16  }
0x11: {  	[dreg:$0x6] =	wrdreg s17;
	s26 =	sadd.s32 s12, s10;
	s22 =	sadd.s32 s10, s15  }
0x12: {  	s25 =	sadd.s32 s10, s18;
	s6 =	sadd.s32 s24, s2;
	s7 =	sadd.s32 s7, s2  }
0x13: {  	s8 =	sadd.s32 s8, s2;
	s9 =	sadd.s32 s9, s2;
	s11 =	sadd.s32 s11, s16  }
0x14: {  	s17 =	sadd.s32 s13, s16;
	s23 =	sadd.s32 s14, s16;
	[dreg:$0x7] =	wrdreg s11  }
0x15: {  	s24 =	sshrl.u32 s22, $0x4;
	s21 =	smax.u32 s21, $0x1;
	[dreg:$0x8] =	wrdreg s17  }
0x16: {  	s22 =	simm.s32 $0x9C00;
	s11 =	sshrl.u32 s26, $0x4;
	[dreg:$0x9] =	wrdreg s23  }
.Ltmp0:
0x17: {  	s17 =	sadd.s32 s0, s24;
	s26 =	sadd.s32 s10, s19;
	(pc) =	sbr.rel .LBB2_1-.Ltmp0, $4  }
0x18: {  	s10 =	sadd.s32 s10, s20;
	s23 =	simm.s32 $0x5;
	s16 =	sadd.s32 s0, s11  }
0x19: {  	s11 =	sshrl.u32 s25, $0x4;
	s12 =	sshrl.u32 s26, $0x4;
	s10 =	sshrl.u32 s10, $0x4  }
0x1a: {  	s25 =	simm.s32 $0x6800;
	s26 =	simm.s32 $0x80;
	s18 =	sadd.s32 s0, s11  }
0x1b: {  	v0 =	vimm.bf16 $0.0e+00;
	s19 =	sadd.s32 s0, s12;
	s20 =	sadd.s32 s0, s10;
	s0 =	simm.s32 $0x3  }
.LBB2_18:
0x1c: {  	_ =	swait.ge [sflag:s0], $0x2000  }
0x1d: {  	[sflag:s0] =	ssyncset.done $0x0  }
0x1e: {  	[sflag:s0] =	ssyncadd.s32 $0xFFFFE000  }
0x1f: {  	_ =	swait.ge [sflag:s31], $0x2000  }
0x20: {  	[sflag:s31] =	ssyncset.done $0x0  }
0x21: {  	s10 =	sshll.u32 s3, $0x6;
	[sflag:s31] =	ssyncadd.s32 $0xFFFFE000  }
0x22: {  	s11 =	sshrl.u32 s5, $0x3;
	s10 =	sor.u32 $0x1C05, s10;
	[bflag:$0x0] =	sbarrier.arrive $0xFFFF  }
0x23: {  	[hbm:s16], [sflag:s10] =	dma.local [spmem:s11], $0x400  }
0x24: {  	_ =	swait.ge [sflag:s23], $0x400  }
0x25: {  	[sflag:s23] =	ssyncset.done $0x0  }
0x26: {  	s13 =	sshrl.u32 s6, $0x3;
	[sflag:s23] =	ssyncadd.s32 $0xFFFFFC00  }
0x27: {  	[hbm:s17], [sflag:s10] =	dma.local [spmem:s13], $0x400  }
0x28: {  	_ =	swait.ge [sflag:s23], $0x400  }
0x29: {  	[sflag:s23] =	ssyncset.done $0x0  }
0x2a: {  	s14 =	sshrl.u32 s7, $0x3;
	[sflag:s23] =	ssyncadd.s32 $0xFFFFFC00  }
0x2b: {  	[hbm:s18], [sflag:s10] =	dma.local [spmem:s14], $0x400  }
0x2c: {  	_ =	swait.ge [sflag:s23], $0x400  }
0x2d: {  	[sflag:s23] =	ssyncset.done $0x0  }
0x2e: {  	s15 =	sshrl.u32 s8, $0x3;
	[sflag:s23] =	ssyncadd.s32 $0xFFFFFC00  }
0x2f: {  	[hbm:s19], [sflag:s10] =	dma.local [spmem:s15], $0x400  }
0x30: {  	s4 =	sadd.s32 $0x1, s4;
	_ =	swait.ge [sflag:s23], $0x400  }
0x31: {  	p1 =	sne.s32 s4, s21;
	[sflag:s23] =	ssyncset.done $0x0  }
.Ltmp1:
0x32: {  	s24 =	sshrl.u32 s9, $0x3;
	[sflag:s23] =	ssyncadd.s32 $0xFFFFFC00;
	(pc) =	sbr.rel @!p1 .LBB2_19-.Ltmp1, $4  }
0x33: {  	[hbm:s20], [sflag:s10] =	dma.local [spmem:s24], $0x400  }
0x34: {  	_ =	swait.ge [sflag:s23], $0x400  }
0x35: {  	[sflag:s23] =	ssyncset.done $0x0  }
0x36: {  	[sflag:s23] =	ssyncadd.s32 $0xFFFFFC00  }
.LBB2_1:
0x37: {  	s11 =	simm.s32 $0x100;
	s10 =	simm.s32 $0x0  }
.LBB2_2:
0x38: {  	p1 =	sne.s32 s11, $0x7F00;
	[tilespmem:s10+$0x9C30] =	vst v0;
	s12 =	smov.u32 s11;
	s11 =	sadd.s32 $0x100, s11  }
.Ltmp2:
0x39: {  	[tilespmem:s10+$0x9C20] =	vst v0;
	(pc) =	sbr.rel @p1 .LBB2_2-.Ltmp2, $3  }
0x3a: {  	[tilespmem:s10+$0x9C00] =	vst v0  }
0x3b: {  	[tilespmem:s10+$0x9C10] =	vst v0;
	_ =	sdelay $0x1  }
0x3c: {  	s10 =	sshra.s32 s12, $0x2  }
0x3d: {  	[tilespmem:s10+$0x9C30] =	vst v0  }
0x3e: {  	[tilespmem:s10+$0x9C20] =	vst v0  }
0x3f: {  	[tilespmem:s10+$0x9C00] =	vst v0  }
0x40: {  	[tilespmem:s10+$0x9C10] =	vst v0  }
0x41: {  	[spmem:s5] =	stream.linear.scatter [tilespmem:s22], [sflag:$0x5], $0x2000, $0x38;
	[tilespmem:$0x17C00] =	vst v63  }
0x42: {  	_ =	swait.ge [sflag:s23], $0x2000  }
0x43: {  	[sflag:s23] =	ssyncset.done $0x0  }
0x44: {  	[sflag:s23] =	ssyncadd.s32 $0xFFFFE000  }
0x45: {  	[spmem:s6] =	stream.linear.scatter [tilespmem:s22], [sflag:$0x5], $0x2000, $0x38;
	[tilespmem:$0x17C00] =	vst v63  }
0x46: {  	_ =	swait.ge [sflag:s23], $0x2000  }
0x47: {  	[sflag:s23] =	ssyncset.done $0x0  }
0x48: {  	[sflag:s23] =	ssyncadd.s32 $0xFFFFE000  }
0x49: {  	[spmem:s7] =	stream.linear.scatter [tilespmem:s22], [sflag:$0x5], $0x2000, $0x38;
	[tilespmem:$0x17C00] =	vst v63  }
0x4a: {  	_ =	swait.ge [sflag:s23], $0x2000  }
0x4b: {  	[sflag:s23] =	ssyncset.done $0x0  }
0x4c: {  	[sflag:s23] =	ssyncadd.s32 $0xFFFFE000  }
0x4d: {  	[spmem:s8] =	stream.linear.scatter [tilespmem:s22], [sflag:$0x5], $0x2000, $0x38;
	[tilespmem:$0x17C00] =	vst v63  }
0x4e: {  	_ =	swait.ge [sflag:s23], $0x2000  }
0x4f: {  	[sflag:s23] =	ssyncset.done $0x0  }
0x50: {  	[sflag:s23] =	ssyncadd.s32 $0xFFFFE000  }
0x51: {  	[spmem:s9] =	stream.linear.scatter [tilespmem:s22], [sflag:$0x5], $0x2000, $0x38;
	[tilespmem:$0x17C00] =	vst v63  }
.Ltmp3:
0x52: {  	_ =	swait.ge [sflag:s23], $0x2000;
	(pc) =	sbr.rel @!p0 .LBB2_4-.Ltmp3, $4  }
0x53: {  	[sflag:s23] =	ssyncset.done $0x0  }
0x54: {  	[sflag:s23] =	ssyncadd.s32 $0xFFFFE000  }
0x55: {  	[bflag:$0x0] =	sbarrier.arrive $0xFFFF  }
0x56: {  	s10 =	simm.s32 $0x0  }
0x57: {  	s11 =	rddreg [dreg:$0x7]  }
0x58: {  	[tilespmem:s10], [sflag:$0x5] =	stream.linear.gather [hbm4b:s11+s10], $0x1C00, $0x38;
	[tilespmem:$0x17C00] =	vst v63  }
0x59: {  	_ =	swait.ge [sflag:s23], $0x1C00  }
0x5a: {  	[sflag:s23] =	ssyncset.done $0x0  }
0x5b: {  	s12 =	simm.s32 $0x3400;
	s15 =	rddreg [dreg:$0x8];
	[sflag:s23] =	ssyncadd.s32 $0xFFFFE400  }
0x5c: {  	[tilespmem:s12], [sflag:$0x5] =	stream.linear.gather [hbm4b:s15+s10], $0x1C00, $0x38;
	[tilespmem:$0x17C00] =	vst v63  }
0x5d: {  	_ =	swait.ge [sflag:s23], $0x1C00  }
0x5e: {  	[sflag:s23] =	ssyncset.done $0x0  }
0x5f: {  	s24 =	rddreg [dreg:$0x9];
	[sflag:s23] =	ssyncadd.s32 $0xFFFFE400  }
0x60: {  	[tilespmem:s25], [sflag:$0x5] =	stream.linear.gather [hbm4b:s24+s10], $0x1C00, $0x38;
	[tilespmem:$0x17C00] =	vst v63  }
0x61: {  	_ =	swait.ge [sflag:s23], $0x1C00  }
0x62: {  	[sflag:s23] =	ssyncset.done $0x0  }
0x63: {  	[sflag:s23] =	ssyncadd.s32 $0xFFFFE400  }
0x64: {  	[tilespmem:s22], [sflag:$0x1] =	stream.indirect.gather [hbm4b:s1+s26], $0x40, s10, s26, $0xb8;
	[tilespmem:$0x17C00] =	vst v63  }
0x65: {  	s11 =	simm.s32 $0x0  }
0x66: {  	[tilespmem:s28], [sflag:$0x2] =	stream.indirect.gather [hbm4b:s1+s26], $0x40, s26, s26, $0xb8;
	[tilespmem:$0x17C00] =	vst v63  }
.LBB2_12:
0x67: {  	s12 =	sshll.u32 s11, $0x8;
	v2 =	vmov s10  }
0x68: {  	v1 =	vmov s12;
	v2 =	vand.u32 $0x7F, v2  }
0x69: {  	v2 =	vor.u32 v1, v2  }
0x6a: {  	v2 =	vbroadcast v2, $0x0;
	_ =	sdelay $0x2  }
0x6b: {  	_ =	swait.ge [sflag:s29], $0x2000  }
0x6c: {  	[sflag:s29] =	ssyncset.done $0x0  }
0x6d: {  	[sflag:s29] =	ssyncadd.s32 $0xFFFFE000  }
0x6e: {  	v5 =	vld.idx.msk [tilespmem:v2+s25+$0x0], $0xffff;
	_ =	sdelay $0x2  }
0x6f: {  	s12 =	simm.s32 $0x9C20  }
0x70: {  	v3 =	vld [tilespmem:s12+$0x10]  }
0x71: {  	v2 =	vld [tilespmem:s12+$0xFFFFFFF0];
	v4 =	vshrl.u32 v5, $0x10  }
0x72: {  	s13 =	simm.s32 $0x1;
	v6 =	vand.u32 $0x1, v4;
	v4 =	vld [tilespmem:s12+$0xFFFFFFE0]  }
0x73: {  	v7 =	vmov s13;
	v8 =	vadd.s32 v6, v5;
	v5 =	vld [tilespmem:s12+$0x0]  }
0x74: {  	s14 =	simm.s32 $0x2;
	s13 =	sshll.u32 s11, $0x1;
	v6 =	vand.u32 $0x7F, v7;
	v7 =	vadd.s32 $0x7FFF, v8  }
.LBB2_13:
0x75: {  	p1 =	sne.s32 s14, $0x7F;
	v6 =	vor.u32 v1, v6;
	v8 =	vshrl.u32 v7, $0x10;
	v7 =	vand.u32 $0xFFFF0000, v7  }
0x76: {  	v6 =	vbroadcast v6, $0x0;
	v7 =	vor.u32 v7, v8  }
0x77: {  	v4 =	vmul.bf16 v7, v4;
	v2 =	vmul.bf16 v7, v2  }
0x78: {  	v3 =	vmul.bf16 v7, v3;
	v5 =	vmul.bf16 v7, v5  }
0x79: {  	[tilespmem:s12+$0xFFFFFFE0] =	vst v4  }
0x7a: {  	[tilespmem:s12+$0xFFFFFFF0] =	vst v2  }
0x7b: {  	[tilespmem:s12+$0x0] =	vst v5  }
0x7c: {  	[tilespmem:s12+$0x10] =	vst v3  }
0x7d: {  	v5 =	vld.idx.msk [tilespmem:v6+s25+$0x0], $0xffff;
	_ =	sdelay $0x3  }
0x7e: {  	s12 =	sadd.s32 $0x40, s12  }
.Ltmp4:
0x7f: {  	v2 =	vld [tilespmem:s12+$0xFFFFFFF0];
	(pc) =	sbr.rel @p1 .LBB2_13-.Ltmp4, $4  }
0x80: {  	v4 =	vshrl.u32 v5, $0x10;
	v3 =	vld [tilespmem:s12+$0x10]  }
0x81: {  	v6 =	vand.u32 $0x1, v4;
	v4 =	vld [tilespmem:s12+$0xFFFFFFE0]  }
0x82: {  	v7 =	vmov s14;
	v8 =	vadd.s32 v6, v5;
	v5 =	vld [tilespmem:s12+$0x0]  }
0x83: {  	s14 =	sadd.s32 $0x1, s14;
	v6 =	vand.u32 $0x7F, v7;
	v7 =	vadd.s32 $0x7FFF, v8  }
0x84: {  	v8 =	vshrl.u32 v7, $0x10;
	v7 =	vand.u32 $0xFFFF0000, v7  }
0x85: {  	v1 =	vor.u32 v1, v6;
	v6 =	vor.u32 v7, v8  }
0x86: {  	v1 =	vbroadcast v1, $0x0;
	v4 =	vmul.bf16 v6, v4  }
0x87: {  	v2 =	vmul.bf16 v6, v2  }
0x88: {  	v3 =	vmul.bf16 v6, v3;
	[tilespmem:s12+$0xFFFFFFE0] =	vst v4  }
0x89: {  	v5 =	vmul.bf16 v6, v5;
	[tilespmem:s12+$0xFFFFFFF0] =	vst v2  }
0x8a: {  	[tilespmem:s12+$0x10] =	vst v3  }
0x8b: {  	[tilespmem:s12+$0x0] =	vst v5  }
0x8c: {  	v1 =	vld.idx.msk [tilespmem:v1+s25+$0x0], $0xffff;
	_ =	sdelay $0x4  }
0x8d: {  	s14 =	sadd.s32 $0x40, s12;
	v2 =	vshrl.u32 v1, $0x10  }
0x8e: {  	v3 =	vld [tilespmem:s14+$0xFFFFFFE0];
	v2 =	vand.u32 $0x1, v2  }
0x8f: {  	v4 =	vld [tilespmem:s14+$0xFFFFFFF0];
	v1 =	vadd.s32 v2, v1  }
0x90: {  	v2 =	vld [tilespmem:s14+$0x0];
	v1 =	vadd.s32 $0x7FFF, v1  }
0x91: {  	v5 =	vld [tilespmem:s14+$0x10];
	v6 =	vshrl.u32 v1, $0x10;
	v1 =	vand.u32 $0xFFFF0000, v1  }
0x92: {  	v1 =	vor.u32 v1, v6  }
0x93: {  	v3 =	vmul.bf16 v1, v3  }
0x94: {  	v4 =	vmul.bf16 v1, v4  }
0x95: {  	v2 =	vmul.bf16 v1, v2;
	[tilespmem:s14+$0xFFFFFFE0] =	vst v3  }
0x96: {  	s15 =	sshll.u32 s11, $0xA;
	v1 =	vmul.bf16 v1, v5;
	[tilespmem:s14+$0xFFFFFFF0] =	vst v4  }
0x97: {  	p1 =	seq.s32 s11, $0x1B;
	s13 =	sor.u32 $0x1, s13;
	s12 =	sshrl.u32 s15, $0x2;
	[tilespmem:s14+$0x0] =	vst v2  }
0x98: {  	s13 =	sshll.u32 s13, $0x7;
	s24 =	sadd.s32 $0x3400, s12;
	[tilespmem:s14+$0x10] =	vst v1;
	s14 =	simm.s32 $0x0  }
0x99: {  	[spmem:s2] =	stream.indirect.scatter.add.bf16 [tilespmem:s22], [sflag:$0x3], $0x40, s24, s26, $0xb8;
	v2 =	vmov s14;
	[tilespmem:$0x17C00] =	vst v63  }
0x9a: {  	v1 =	vmov s13;
	s24 =	simm.s32 @!p1 $0x3;
	v2 =	vand.u32 $0x7F, v2  }
0x9b: {  	_ =	swait.ge @!p1 [sflag:s24], $0x2000;
	v2 =	vor.u32 v1, v2  }
0x9c: {  	s14 =	sshrl.u32 @!p1 s15, $0x2;
	s15 =	simm.s32 @!p1 $0x80;
	[sflag:s24] =	ssyncset.done @!p1 $0x0;
	v2 =	vbroadcast v2, $0x0  }
0x9d: {  	s14 =	sadd.s32 @!p1 $0x100, s14;
	[sflag:s24] =	ssyncadd.s32 @!p1 $0xFFFFE000;
	s24 =	simm.s32 @!p1 $0x9C00  }
0x9e: {  	[tilespmem:s24], [sflag:$0x1] =	stream.indirect.gather @!p1 [hbm4b:s1+s15], $0x40, s14, s15, $0xb8;
	[tilespmem:$0x17C00] =	vst v63  }
0x9f: {  	_ =	swait.ge [sflag:s30], $0x2000  }
0xa0: {  	[sflag:s30] =	ssyncset.done $0x0  }
0xa1: {  	[sflag:s30] =	ssyncadd.s32 $0xFFFFE000  }
0xa2: {  	v4 =	vld.idx.msk [tilespmem:v2+s25+$0x0], $0xffff;
	_ =	sdelay $0x2  }
0xa3: {  	s24 =	simm.s32 $0xBC30  }
0xa4: {  	v3 =	vld [tilespmem:s24+$0xFFFFFFE0]  }
0xa5: {  	v2 =	vld [tilespmem:s24+$0xFFFFFFF0];
	v5 =	vshrl.u32 v4, $0x10  }
0xa6: {  	s15 =	simm.s32 $0x1;
	v6 =	vand.u32 $0x1, v5;
	v5 =	vld [tilespmem:s24+$0xFFFFFFD0]  }
0xa7: {  	v7 =	vmov s15;
	v8 =	vadd.s32 v6, v4;
	v4 =	vld [tilespmem:s24+$0x0]  }
0xa8: {  	s14 =	simm.s32 $0x2;
	v6 =	vand.u32 $0x7F, v7;
	v7 =	vadd.s32 $0x7FFF, v8  }
.LBB2_15:
0xa9: {  	p2 =	sne.s32 s14, $0x7F;
	v6 =	vor.u32 v1, v6;
	v8 =	vshrl.u32 v7, $0x10;
	v7 =	vand.u32 $0xFFFF0000, v7  }
0xaa: {  	v6 =	vbroadcast v6, $0x0;
	v7 =	vor.u32 v7, v8  }
0xab: {  	v5 =	vmul.bf16 v7, v5;
	v3 =	vmul.bf16 v7, v3  }
0xac: {  	v2 =	vmul.bf16 v7, v2;
	v4 =	vmul.bf16 v7, v4  }
0xad: {  	[tilespmem:s24+$0xFFFFFFD0] =	vst v5  }
0xae: {  	[tilespmem:s24+$0xFFFFFFE0] =	vst v3  }
0xaf: {  	[tilespmem:s24+$0xFFFFFFF0] =	vst v2  }
0xb0: {  	[tilespmem:s24+$0x0] =	vst v4  }
0xb1: {  	v4 =	vld.idx.msk [tilespmem:v6+s25+$0x0], $0xffff;
	_ =	sdelay $0x3  }
0xb2: {  	s24 =	sadd.s32 $0x40, s24  }
.Ltmp5:
0xb3: {  	v2 =	vld [tilespmem:s24+$0xFFFFFFF0];
	(pc) =	sbr.rel @p2 .LBB2_15-.Ltmp5, $4  }
0xb4: {  	v5 =	vshrl.u32 v4, $0x10;
	v3 =	vld [tilespmem:s24+$0xFFFFFFE0]  }
0xb5: {  	v6 =	vand.u32 $0x1, v5;
	v5 =	vld [tilespmem:s24+$0xFFFFFFD0]  }
0xb6: {  	v7 =	vmov s14;
	v8 =	vadd.s32 v6, v4;
	v4 =	vld [tilespmem:s24+$0x0]  }
0xb7: {  	s14 =	sadd.s32 $0x1, s14;
	v6 =	vand.u32 $0x7F, v7;
	v7 =	vadd.s32 $0x7FFF, v8  }
0xb8: {  	v8 =	vshrl.u32 v7, $0x10;
	v61 =	vand.u32 $0xFFFF0000, v7  }
0xb9: {  	v1 =	vor.u32 v1, v6;
	v62 =	vor.u32 v61, v8  }
0xba: {  	v1 =	vbroadcast v1, $0x0;
	v5 =	vmul.bf16 v62, v5  }
0xbb: {  	v3 =	vmul.bf16 v62, v3  }
0xbc: {  	v2 =	vmul.bf16 v62, v2;
	[tilespmem:s24+$0xFFFFFFD0] =	vst v5  }
0xbd: {  	v4 =	vmul.bf16 v62, v4;
	[tilespmem:s24+$0xFFFFFFE0] =	vst v3  }
0xbe: {  	[tilespmem:s24+$0xFFFFFFF0] =	vst v2  }
0xbf: {  	[tilespmem:s24+$0x0] =	vst v4  }
0xc0: {  	v1 =	vld.idx.msk [tilespmem:v1+s25+$0x0], $0xffff;
	_ =	sdelay $0x4  }
0xc1: {  	s14 =	sadd.s32 $0x40, s24;
	v2 =	vshrl.u32 v1, $0x10  }
0xc2: {  	v3 =	vld [tilespmem:s14+$0xFFFFFFD0];
	v2 =	vand.u32 $0x1, v2  }
0xc3: {  	v4 =	vld [tilespmem:s14+$0xFFFFFFE0];
	v1 =	vadd.s32 v2, v1  }
0xc4: {  	v2 =	vld [tilespmem:s14+$0xFFFFFFF0];
	v1 =	vadd.s32 $0x7FFF, v1  }
0xc5: {  	v5 =	vld [tilespmem:s14+$0x0];
	v63 =	vshrl.u32 v1, $0x10;
	v1 =	vand.u32 $0xFFFF0000, v1  }
0xc6: {  	v1 =	vor.u32 v1, v63  }
0xc7: {  	v3 =	vmul.bf16 v1, v3  }
0xc8: {  	v4 =	vmul.bf16 v1, v4  }
.Ltmp6:
0xc9: {  	v2 =	vmul.bf16 v1, v2;
	[tilespmem:s14+$0xFFFFFFD0] =	vst v3;
	(pc) =	sbr.rel @p1 .LBB2_18-.Ltmp6, $4  }
0xca: {  	v1 =	vmul.bf16 v1, v5;
	[tilespmem:s14+$0xFFFFFFE0] =	vst v4  }
0xcb: {  	s13 =	sand.u32 $0x3FFFFF80, s13;
	[tilespmem:s14+$0xFFFFFFF0] =	vst v2  }
0xcc: {  	s13 =	sadd.s32 $0x3400, s13;
	[tilespmem:s14+$0x0] =	vst v1  }
0xcd: {  	[spmem:s2] =	stream.indirect.scatter.add.bf16 [tilespmem:s28], [sflag:$0x4], $0x40, s13, s26, $0xb8;
	[tilespmem:$0x17C00] =	vst v63  }
.Ltmp7:
0xce: {  	(pc) =	sbr.rel .LBB2_12-.Ltmp7, $4  }
0xcf: {  	_ =	swait.ge [sflag:s31], $0x2000  }
0xd0: {  	[sflag:s31] =	ssyncset.done $0x0  }
0xd1: {  	s12 =	sadd.s32 $0x180, s12;
	s11 =	sadd.s32 $0x1, s11;
	[sflag:s31] =	ssyncadd.s32 $0xFFFFE000  }
0xd2: {  	[tilespmem:s28], [sflag:$0x2] =	stream.indirect.gather [hbm4b:s1+s26], $0x40, s12, s26, $0xb8;
	[tilespmem:$0x17C00] =	vst v63  }
.LBB2_4:
0xd3: {  	s11 =	rddreg [dreg:$0x4]  }
0xd4: {  	[tilespmem:s10], [sflag:$0x5] =	stream.linear.gather [hbm4b:s11+s10], $0x3400, $0x38;
	[tilespmem:$0x17C00] =	vst v63  }
0xd5: {  	_ =	swait.ge [sflag:s23], $0x3400  }
0xd6: {  	[sflag:s23] =	ssyncset.done $0x0  }
0xd7: {  	s12 =	simm.s32 $0x3400;
	s15 =	rddreg [dreg:$0x5];
	[sflag:s23] =	ssyncadd.s32 $0xFFFFCC00  }
0xd8: {  	[tilespmem:s12], [sflag:$0x5] =	stream.linear.gather [hbm4b:s15+s10], $0x3400, $0x38;
	[tilespmem:$0x17C00] =	vst v63  }
0xd9: {  	_ =	swait.ge [sflag:s23], $0x3400  }
0xda: {  	[sflag:s23] =	ssyncset.done $0x0  }
0xdb: {  	s24 =	rddreg [dreg:$0x6];
	[sflag:s23] =	ssyncadd.s32 $0xFFFFCC00  }
0xdc: {  	[tilespmem:s25], [sflag:$0x5] =	stream.linear.gather [hbm4b:s24+s10], $0x3400, $0x38;
	[tilespmem:$0x17C00] =	vst v63  }
0xdd: {  	_ =	swait.ge [sflag:s23], $0x3400  }
0xde: {  	[sflag:s23] =	ssyncset.done $0x0  }
0xdf: {  	[sflag:s23] =	ssyncadd.s32 $0xFFFFCC00  }
0xe0: {  	[tilespmem:s22], [sflag:$0x1] =	stream.indirect.gather [hbm4b:s1+s26], $0x40, s10, s26, $0xb8;
	[tilespmem:$0x17C00] =	vst v63  }
0xe1: {  	s11 =	simm.s32 $0x0  }
0xe2: {  	[tilespmem:s28], [sflag:$0x2] =	stream.indirect.gather [hbm4b:s1+s26], $0x40, s26, s26, $0xb8;
	[tilespmem:$0x17C00] =	vst v63  }
.LBB2_5:
0xe3: {  	s12 =	sshll.u32 s11, $0x8;
	v2 =	vmov s10  }
0xe4: {  	v1 =	vmov s12;
	v2 =	vand.u32 $0x7F, v2  }
0xe5: {  	v2 =	vor.u32 v1, v2  }
0xe6: {  	v2 =	vbroadcast v2, $0x0;
	_ =	sdelay $0x2  }
0xe7: {  	_ =	swait.ge [sflag:s29], $0x2000  }
0xe8: {  	[sflag:s29] =	ssyncset.done $0x0  }
0xe9: {  	[sflag:s29] =	ssyncadd.s32 $0xFFFFE000  }
0xea: {  	v5 =	vld.idx.msk [tilespmem:v2+s25+$0x0], $0xffff;
	_ =	sdelay $0x2  }
0xeb: {  	s12 =	simm.s32 $0x9C20  }
0xec: {  	v3 =	vld [tilespmem:s12+$0x10]  }
0xed: {  	v2 =	vld [tilespmem:s12+$0xFFFFFFF0];
	v4 =	vshrl.u32 v5, $0x10  }
0xee: {  	s13 =	simm.s32 $0x1;
	v6 =	vand.u32 $0x1, v4;
	v4 =	vld [tilespmem:s12+$0xFFFFFFE0]  }
0xef: {  	v7 =	vmov s13;
	v8 =	vadd.s32 v6, v5;
	v5 =	vld [tilespmem:s12+$0x0]  }
0xf0: {  	s24 =	simm.s32 $0x2;
	s13 =	sshll.u32 s11, $0x1;
	v6 =	vand.u32 $0x7F, v7;
	v7 =	vadd.s32 $0x7FFF, v8  }
.LBB2_6:
0xf1: {  	p1 =	sne.s32 s24, $0x7F;
	v6 =	vor.u32 v1, v6;
	v8 =	vshrl.u32 v7, $0x10;
	v7 =	vand.u32 $0xFFFF0000, v7  }
0xf2: {  	v6 =	vbroadcast v6, $0x0;
	v7 =	vor.u32 v7, v8  }
0xf3: {  	v4 =	vmul.bf16 v7, v4;
	v2 =	vmul.bf16 v7, v2  }
0xf4: {  	v3 =	vmul.bf16 v7, v3;
	v5 =	vmul.bf16 v7, v5  }
0xf5: {  	[tilespmem:s12+$0xFFFFFFE0] =	vst v4  }
0xf6: {  	[tilespmem:s12+$0xFFFFFFF0] =	vst v2  }
0xf7: {  	[tilespmem:s12+$0x0] =	vst v5  }
0xf8: {  	[tilespmem:s12+$0x10] =	vst v3  }
0xf9: {  	v5 =	vld.idx.msk [tilespmem:v6+s25+$0x0], $0xffff;
	_ =	sdelay $0x3  }
0xfa: {  	s12 =	sadd.s32 $0x40, s12  }
.Ltmp8:
0xfb: {  	v2 =	vld [tilespmem:s12+$0xFFFFFFF0];
	(pc) =	sbr.rel @p1 .LBB2_6-.Ltmp8, $4  }
0xfc: {  	v4 =	vshrl.u32 v5, $0x10;
	v3 =	vld [tilespmem:s12+$0x10]  }
0xfd: {  	v6 =	vand.u32 $0x1, v4;
	v4 =	vld [tilespmem:s12+$0xFFFFFFE0]  }
0xfe: {  	v7 =	vmov s24;
	v8 =	vadd.s32 v6, v5;
	v5 =	vld [tilespmem:s12+$0x0]  }
0xff: {  	s24 =	sadd.s32 $0x1, s24;
	v6 =	vand.u32 $0x7F, v7;
	v7 =	vadd.s32 $0x7FFF, v8  }
0x100: {  	v8 =	vshrl.u32 v7, $0x10;
	v7 =	vand.u32 $0xFFFF0000, v7  }
0x101: {  	v1 =	vor.u32 v1, v6;
	v6 =	vor.u32 v7, v8  }
0x102: {  	v1 =	vbroadcast v1, $0x0;
	v4 =	vmul.bf16 v6, v4  }
0x103: {  	v2 =	vmul.bf16 v6, v2  }
0x104: {  	v3 =	vmul.bf16 v6, v3;
	[tilespmem:s12+$0xFFFFFFE0] =	vst v4  }
0x105: {  	v5 =	vmul.bf16 v6, v5;
	[tilespmem:s12+$0xFFFFFFF0] =	vst v2  }
0x106: {  	[tilespmem:s12+$0x10] =	vst v3  }
0x107: {  	[tilespmem:s12+$0x0] =	vst v5  }
0x108: {  	v1 =	vld.idx.msk [tilespmem:v1+s25+$0x0], $0xffff;
	_ =	sdelay $0x4  }
0x109: {  	s14 =	sadd.s32 $0x40, s12;
	v2 =	vshrl.u32 v1, $0x10  }
0x10a: {  	v3 =	vld [tilespmem:s14+$0xFFFFFFE0];
	v2 =	vand.u32 $0x1, v2  }
0x10b: {  	v4 =	vld [tilespmem:s14+$0xFFFFFFF0];
	v1 =	vadd.s32 v2, v1  }
0x10c: {  	v2 =	vld [tilespmem:s14+$0x0];
	v1 =	vadd.s32 $0x7FFF, v1  }
0x10d: {  	v5 =	vld [tilespmem:s14+$0x10];
	v6 =	vshrl.u32 v1, $0x10;
	v1 =	vand.u32 $0xFFFF0000, v1  }
0x10e: {  	v1 =	vor.u32 v1, v6  }
0x10f: {  	v3 =	vmul.bf16 v1, v3  }
0x110: {  	v4 =	vmul.bf16 v1, v4  }
0x111: {  	v2 =	vmul.bf16 v1, v2;
	[tilespmem:s14+$0xFFFFFFE0] =	vst v3  }
0x112: {  	s24 =	sshll.u32 s11, $0xA;
	v1 =	vmul.bf16 v1, v5;
	[tilespmem:s14+$0xFFFFFFF0] =	vst v4  }
0x113: {  	p1 =	seq.s32 s11, $0x33;
	s13 =	sor.u32 $0x1, s13;
	s12 =	sshrl.u32 s24, $0x2;
	[tilespmem:s14+$0x0] =	vst v2  }
0x114: {  	s13 =	sshll.u32 s13, $0x7;
	s15 =	sadd.s32 $0x3400, s12;
	[tilespmem:s14+$0x10] =	vst v1;
	s14 =	simm.s32 $0x0  }
0x115: {  	[spmem:s2] =	stream.indirect.scatter.add.bf16 [tilespmem:s22], [sflag:$0x3], $0x40, s15, s26, $0xb8;
	v2 =	vmov s14;
	[tilespmem:$0x17C00] =	vst v63  }
0x116: {  	v1 =	vmov s13;
	s15 =	simm.s32 @!p1 $0x3;
	v2 =	vand.u32 $0x7F, v2  }
0x117: {  	_ =	swait.ge @!p1 [sflag:s15], $0x2000;
	v2 =	vor.u32 v1, v2  }
0x118: {  	s14 =	sshrl.u32 @!p1 s24, $0x2;
	s24 =	simm.s32 @!p1 $0x9C00;
	[sflag:s15] =	ssyncset.done @!p1 $0x0;
	v2 =	vbroadcast v2, $0x0  }
0x119: {  	s14 =	sadd.s32 @!p1 $0x100, s14;
	[sflag:s15] =	ssyncadd.s32 @!p1 $0xFFFFE000;
	s15 =	simm.s32 @!p1 $0x80  }
0x11a: {  	[tilespmem:s24], [sflag:$0x1] =	stream.indirect.gather @!p1 [hbm4b:s1+s15], $0x40, s14, s15, $0xb8;
	[tilespmem:$0x17C00] =	vst v63  }
0x11b: {  	_ =	swait.ge [sflag:s30], $0x2000  }
0x11c: {  	[sflag:s30] =	ssyncset.done $0x0  }
0x11d: {  	[sflag:s30] =	ssyncadd.s32 $0xFFFFE000  }
0x11e: {  	v4 =	vld.idx.msk [tilespmem:v2+s25+$0x0], $0xffff;
	_ =	sdelay $0x2  }
0x11f: {  	s24 =	simm.s32 $0xBC30  }
0x120: {  	v3 =	vld [tilespmem:s24+$0xFFFFFFE0]  }
0x121: {  	v2 =	vld [tilespmem:s24+$0xFFFFFFF0];
	v5 =	vshrl.u32 v4, $0x10  }
0x122: {  	s15 =	simm.s32 $0x1;
	v6 =	vand.u32 $0x1, v5;
	v5 =	vld [tilespmem:s24+$0xFFFFFFD0]  }
0x123: {  	v7 =	vmov s15;
	v8 =	vadd.s32 v6, v4;
	v4 =	vld [tilespmem:s24+$0x0]  }
0x124: {  	s14 =	simm.s32 $0x2;
	v6 =	vand.u32 $0x7F, v7;
	v7 =	vadd.s32 $0x7FFF, v8  }
.LBB2_8:
0x125: {  	p2 =	sne.s32 s14, $0x7F;
	v6 =	vor.u32 v1, v6;
	v8 =	vshrl.u32 v7, $0x10;
	v7 =	vand.u32 $0xFFFF0000, v7  }
0x126: {  	v6 =	vbroadcast v6, $0x0;
	v7 =	vor.u32 v7, v8  }
0x127: {  	v5 =	vmul.bf16 v7, v5;
	v3 =	vmul.bf16 v7, v3  }
0x128: {  	v2 =	vmul.bf16 v7, v2;
	v4 =	vmul.bf16 v7, v4  }
0x129: {  	[tilespmem:s24+$0xFFFFFFD0] =	vst v5  }
0x12a: {  	[tilespmem:s24+$0xFFFFFFE0] =	vst v3  }
0x12b: {  	[tilespmem:s24+$0xFFFFFFF0] =	vst v2  }
0x12c: {  	[tilespmem:s24+$0x0] =	vst v4  }
0x12d: {  	v4 =	vld.idx.msk [tilespmem:v6+s25+$0x0], $0xffff;
	_ =	sdelay $0x3  }
0x12e: {  	s24 =	sadd.s32 $0x40, s24  }
.Ltmp9:
0x12f: {  	v2 =	vld [tilespmem:s24+$0xFFFFFFF0];
	(pc) =	sbr.rel @p2 .LBB2_8-.Ltmp9, $4  }
0x130: {  	v5 =	vshrl.u32 v4, $0x10;
	v3 =	vld [tilespmem:s24+$0xFFFFFFE0]  }
0x131: {  	v6 =	vand.u32 $0x1, v5;
	v5 =	vld [tilespmem:s24+$0xFFFFFFD0]  }
0x132: {  	v7 =	vmov s14;
	v8 =	vadd.s32 v6, v4;
	v4 =	vld [tilespmem:s24+$0x0]  }
0x133: {  	s14 =	sadd.s32 $0x1, s14;
	v6 =	vand.u32 $0x7F, v7;
	v7 =	vadd.s32 $0x7FFF, v8  }
0x134: {  	v8 =	vshrl.u32 v7, $0x10;
	v61 =	vand.u32 $0xFFFF0000, v7  }
0x135: {  	v1 =	vor.u32 v1, v6;
	v62 =	vor.u32 v61, v8  }
0x136: {  	v1 =	vbroadcast v1, $0x0;
	v5 =	vmul.bf16 v62, v5  }
0x137: {  	v3 =	vmul.bf16 v62, v3  }
0x138: {  	v2 =	vmul.bf16 v62, v2;
	[tilespmem:s24+$0xFFFFFFD0] =	vst v5  }
0x139: {  	v4 =	vmul.bf16 v62, v4;
	[tilespmem:s24+$0xFFFFFFE0] =	vst v3  }
0x13a: {  	[tilespmem:s24+$0xFFFFFFF0] =	vst v2  }
0x13b: {  	[tilespmem:s24+$0x0] =	vst v4  }
0x13c: {  	v1 =	vld.idx.msk [tilespmem:v1+s25+$0x0], $0xffff;
	_ =	sdelay $0x4  }
0x13d: {  	s14 =	sadd.s32 $0x40, s24;
	v2 =	vshrl.u32 v1, $0x10  }
0x13e: {  	v3 =	vld [tilespmem:s14+$0xFFFFFFD0];
	v2 =	vand.u32 $0x1, v2  }
0x13f: {  	v4 =	vld [tilespmem:s14+$0xFFFFFFE0];
	v1 =	vadd.s32 v2, v1  }
0x140: {  	v2 =	vld [tilespmem:s14+$0xFFFFFFF0];
	v1 =	vadd.s32 $0x7FFF, v1  }
0x141: {  	v5 =	vld [tilespmem:s14+$0x0];
	v63 =	vshrl.u32 v1, $0x10;
	v1 =	vand.u32 $0xFFFF0000, v1  }
0x142: {  	v1 =	vor.u32 v1, v63  }
0x143: {  	v3 =	vmul.bf16 v1, v3  }
0x144: {  	v4 =	vmul.bf16 v1, v4  }
.Ltmp10:
0x145: {  	v2 =	vmul.bf16 v1, v2;
	[tilespmem:s14+$0xFFFFFFD0] =	vst v3;
	(pc) =	sbr.rel @p1 .LBB2_18-.Ltmp10, $4  }
0x146: {  	v1 =	vmul.bf16 v1, v5;
	[tilespmem:s14+$0xFFFFFFE0] =	vst v4  }
0x147: {  	s13 =	sand.u32 $0x3FFFFF80, s13;
	[tilespmem:s14+$0xFFFFFFF0] =	vst v2  }
0x148: {  	s13 =	sadd.s32 $0x3400, s13;
	[tilespmem:s14+$0x0] =	vst v1  }
0x149: {  	[spmem:s2] =	stream.indirect.scatter.add.bf16 [tilespmem:s28], [sflag:$0x4], $0x40, s13, s26, $0xb8;
	[tilespmem:$0x17C00] =	vst v63  }
.Ltmp11:
0x14a: {  	(pc) =	sbr.rel .LBB2_5-.Ltmp11, $4  }
0x14b: {  	_ =	swait.ge [sflag:s31], $0x2000  }
0x14c: {  	[sflag:s31] =	ssyncset.done $0x0  }
0x14d: {  	s12 =	sadd.s32 $0x180, s12;
	s11 =	sadd.s32 $0x1, s11;
	[sflag:s31] =	ssyncadd.s32 $0xFFFFE000  }
0x14e: {  	[tilespmem:s28], [sflag:$0x2] =	stream.indirect.gather [hbm4b:s1+s26], $0x40, s12, s26, $0xb8;
	[tilespmem:$0x17C00] =	vst v63  }
.LBB2_19:
0x14f: {  	_ =	sfence.sel $0x180000  }
0x150: {  	[bflag:$0x0] =	sbarrier.arrive $0xFFFF  }
0x151: {  	_ =	strace $0x9000004D  }
0x152: {  	[bflag:$0x2] =	sbarrier.arrive $0xFFFF  }
0x153: {  	p0 =	sne.s32 s3, $0x0;
	s0 =	rddreg [dreg:$0x3]  }
0x154: {  	s0 =	sadd.s32 @!p0 $0x100000, s0  }
0x155: {  	[sflag:s0] =	ssyncadd.tile.s32 @!p0 $0x1;
	_ =	shalt  }
.Lfunc_end2:
_tile_overlayer_lowered:
.L_overlay_start_2:
0x156: {  	(tag) =	ssettag $0x2  }
0x157: {  	s0 =	rddreg [dreg:$0x0];
	s2 =	stileid.u32  }
0x158: {  	s1 =	rddreg [dreg:$0x1];
	p0 =	sne.s32 s2, $0x0  }
0x159: {  	s3 =	rddreg [dreg:$0x2];
	[bflag:$0x3] =	sbarrier.arrive $0xFFFF;
	s2 =	simm.s32 @!p0 $0x1C05  }
0x15a: {  	[timem:s3], [sflag:s2] =	dma.local @!p0 [hbm:s0], s1  }
0x15b: {  	s0 =	simm.s32 @!p0 $0x5  }
0x15c: {  	_ =	swait.ge @!p0 [sflag:s0], s1  }
0x15d: {  	s1 =	ssub.s32 @!p0 $0x0, s1;
	[sflag:s0] =	ssyncset.done @!p0 $0x0  }
0x15e: {  	[sflag:s0] =	ssyncadd.s32 @!p0 s1  }
0x15f: {  	[bflag:$0x3] =	sbarrier.arrive $0xFFFF  }
0x160: {  	_ =	shalt  }

// kernel: kernel.8.cloned.1.call-start
scs
__scs_entry_jumppad:
0x0: {  	(pc) =	sbr.rel $0x88, $3  }
0x1: {  	(tag) =	ssettag $0x0;
	lr =	simm.s32 $0x1  }
0x2: {  	[smem:$0x3F9A] =	sst lr;
	_ =	strace $0xD0000000  }
0x3: {  	_ = 	snop  }
0x4: {  	_ = 	snop  }
0x5: {  	_ = 	snop  }
0x6: {  	_ = 	snop  }
0x7: {  	_ = 	snop  }
__scs_overlays_trampoline_lowered:
0x8: {  	[smem:$0x3FA9] =	sst s0  }
0x9: {  	[smem:$0x3FAA] =	sst s1  }
0xa: {  	[smem:$0x3FAB] =	sst s2  }
0xb: {  	[smem:$0x3FAC] =	sst s3  }
0xc: {  	[smem:$0x3FAD] =	sst s4  }
0xd: {  	[smem:$0x3FAE] =	sst s5  }
0xe: {  	[smem:$0x3FAF] =	sst s6  }
0xf: {  	[smem:$0x3FB0] =	sst s7  }
0x10: {  	[smem:$0x3FB1] =	sst s8  }
0x11: {  	[smem:$0x3FB2] =	sst s9;
	s0 =	simm.s32 @!p0 $0x0  }
0x12: {  	s1 =	sld [smem:$0x3F98];
	s0 =	simm.s32 @p0 $0x1  }
0x13: {  	[smem:$0x3FB3] =	sst s0;
	s0 =	simm.s32 @!p1 $0x0  }
0x14: {  	s2 =	sld [smem:$0x3F97];
	s0 =	simm.s32 @p1 $0x1  }
0x15: {  	[smem:$0x3FB4] =	sst s0;
	s0 =	simm.s32 @!p2 $0x0  }
0x16: {  	s3 =	sld [smem:$0x3FDB];
	s0 =	simm.s32 @p2 $0x1  }
0x17: {  	s4 =	simm.s32 $0x1BF5;
	[smem:$0x3FB6] =	sst s0  }
0x18: {  	s0 =	sld [smem:$0x3F99];
	_ =	swait.ge [sflag:s4], $0x0  }
0x19: {  	s7 =	sld [smem:$0x3F9A]  }
0x1a: {  	s8 =	sadd.s32 $0xFFFFE003, lr  }
0x1b: {  	s9 =	sadd.s32 $0xFFFFFEF7, lr;
	s5 =	simm.s32 $0xFFFFFFFF;
	p2 =	slt.u32 s8, $0xFFFFF086  }
0x1c: {  	p1 =	slt.u32 s9, $0xF7A;
	s5 =	simm.s32 @!p2 $0x0  }
0x1d: {  	s5 =	simm.s32 @p1 $0x1;
	p0 =	seq.s32 s7, s2  }
0x1e: {  	s7 =	smul.u32 @!p0 $0xF7A, s2;
	p2 =	seq.s32 @!p0 s5, $0x0  }
0x1f: {  	s9 =	smul.u32 $0xF7A, s1;
	s8 =	simm.s32 @!p0 $0x1BF5;
	p2 =	por !p2, p0  }
0x20: {  	[sflag:s8] =	ssyncset.s32 @!p0 $0xFFFFF086;
	s6 =	sadd.s32 @!p0 s3, s7;
	s7 =	simm.s32 @!p0 $0x108  }
0x21: {  	s3 =	sadd.s32 s3, s9;
	s6 =	sadd.s32 @!p0 $0x88, s6;
	s7 =	simm.s32 @p2 $0x1082  }
0x22: {  	[simem:s7], [sflag:s8] =	dma.local @!p0 [hbm:s6], $0xF7A  }
0x23: {  	s9 =	sor.u32 $0xD0000000, s2;
	s6 =	simm.s32 $0x108;
	_ =	swait.ge @!p0 [sflag:s8], $0x0  }
0x24: {  	s3 =	sadd.s32 $0x88, s3;
	s6 =	simm.s32 @!p1 $0x1082;
	[sflag:s4] =	ssyncset.s32 $0xFFFFF086  }
0x25: {  	[simem:s6], [sflag:s4] =	dma.local [hbm:s3], $0xF7A  }
0x26: {  	[smem:$0x3F9A] =	sst s1;
	(tag) =	ssettag s2;
	_ =	strace s9  }
0x27: {  	s1 =	sld [smem:$0x3FAA]  }
0x28: {  	s2 =	sld [smem:$0x3FAB]  }
0x29: {  	s4 =	sld [smem:$0x3FAD]  }
0x2a: {  	p0 =	seq.s32 s5, $0x0;
	s5 =	sld [smem:$0x3FAE]  }
0x2b: {  	s6 =	sld [smem:$0x3FAF]  }
0x2c: {  	s7 =	sld [smem:$0x3FB0]  }
0x2d: {  	s3 =	simm.s32 $0x108;
	s8 =	sld [smem:$0x3FB1]  }
0x2e: {  	s3 =	simm.s32 @!p0 $0x1082;
	s9 =	sld [smem:$0x3FB2]  }
0x2f: {  	lr =	sadd.s32 s0, s3;
	s0 =	sld [smem:$0x3FA9]  }
0x30: {  	s3 =	sld [smem:$0x3FAC]  }
0x31: {  	[smem:$0x3FB5] =	sst s10  }
0x32: {  	s10 =	sld [smem:$0x3FB3];
	_ =	sdelay $0x3  }
0x33: {  	p0 =	seq.s32 s10, $0x1;
	s10 =	sld [smem:$0x3FB5];
	_ =	sdelay $0x3  }
0x34: {  	[smem:$0x3FB5] =	sst s10  }
0x35: {  	s10 =	sld [smem:$0x3FB4];
	_ =	sdelay $0x3  }
0x36: {  	p1 =	seq.s32 s10, $0x1;
	s10 =	sld [smem:$0x3FB5];
	_ =	sdelay $0x3  }
0x37: {  	[smem:$0x3FB5] =	sst s10  }
0x38: {  	s10 =	sld [smem:$0x3FB6]  }
0x39: {  	_ = 	snop;
	(pc) =	sbr.ind lr, $3  }
0x3a: {  	_ = 	snop  }
0x3b: {  	_ = 	snop  }
0x3c: {  	p2 =	seq.s32 s10, $0x1;
	s10 =	sld [smem:$0x3FB5]  }
0x3d: {  	_ =	shalt  }
0x3e: {  	_ =	shalt  }
0x3f: {  	_ =	shalt  }
0x40: {  	_ =	shalt  }
0x41: {  	_ =	shalt  }
0x42: {  	_ =	shalt  }
0x43: {  	_ =	shalt  }
0x44: {  	_ =	shalt  }
0x45: {  	_ =	shalt  }
0x46: {  	_ =	shalt  }
0x47: {  	_ =	shalt  }
0x48: {  	_ =	shalt  }
0x49: {  	_ =	shalt  }
0x4a: {  	_ =	shalt  }
0x4b: {  	_ =	shalt  }
0x4c: {  	_ =	shalt  }
0x4d: {  	_ =	shalt  }
0x4e: {  	_ =	shalt  }
0x4f: {  	_ =	shalt  }
0x50: {  	_ =	shalt  }
0x51: {  	_ =	shalt  }
0x52: {  	_ =	shalt  }
0x53: {  	_ =	shalt  }
0x54: {  	_ =	shalt  }
0x55: {  	_ =	shalt  }
0x56: {  	_ =	shalt  }
0x57: {  	_ =	shalt  }
0x58: {  	_ =	shalt  }
0x59: {  	_ =	shalt  }
0x5a: {  	_ =	shalt  }
0x5b: {  	_ =	shalt  }
0x5c: {  	_ =	shalt  }
0x5d: {  	_ =	shalt  }
0x5e: {  	_ =	shalt  }
0x5f: {  	_ =	shalt  }
0x60: {  	_ =	shalt  }
0x61: {  	_ =	shalt  }
0x62: {  	_ =	shalt  }
0x63: {  	_ =	shalt  }
0x64: {  	_ =	shalt  }
0x65: {  	_ =	shalt  }
0x66: {  	_ =	shalt  }
0x67: {  	_ =	shalt  }
0x68: {  	_ =	shalt  }
0x69: {  	_ =	shalt  }
0x6a: {  	_ =	shalt  }
0x6b: {  	_ =	shalt  }
0x6c: {  	_ =	shalt  }
0x6d: {  	_ =	shalt  }
0x6e: {  	_ =	shalt  }
0x6f: {  	_ =	shalt  }
0x70: {  	_ =	shalt  }
0x71: {  	_ =	shalt  }
0x72: {  	_ =	shalt  }
0x73: {  	_ =	shalt  }
0x74: {  	_ =	shalt  }
0x75: {  	_ =	shalt  }
0x76: {  	_ =	shalt  }
0x77: {  	_ =	shalt  }
0x78: {  	_ =	shalt  }
0x79: {  	_ =	shalt  }
0x7a: {  	_ =	shalt  }
0x7b: {  	_ =	shalt  }
0x7c: {  	_ =	shalt  }
0x7d: {  	_ =	shalt  }
0x7e: {  	_ =	shalt  }
0x7f: {  	_ =	shalt  }
0x80: {  	_ =	shalt  }
0x81: {  	_ =	shalt  }
0x82: {  	_ =	shalt  }
0x83: {  	_ =	shalt  }
0x84: {  	_ =	shalt  }
0x85: {  	_ =	shalt  }
0x86: {  	_ =	shalt  }
0x87: {  	_ =	shalt  }
.Lfunc_end0:
.L_simem_size_0:
called_computation_lowered:
.L_overlay_start_0:
0x88: {  	s2 =	sld [smem:$0x3FD9]  }
0x89: {  	s3 =	sld [smem:$0x3FFE];
	_ =	sdelay $0x1  }
0x8a: {  	s1 =	srdreg.scid  }
0x8b: {  	s0 =	sand.u32 $0x1, s1  }
0x8c: {  	s16 =	sshll.u32 s0, $0xA;
	s2 =	sadd.s32 s3, s2  }
0x8d: {  	s2 =	sadd.s32 s2, s16  }
0x8e: {  	[smem:$0x3FC1] =	sst s2  }
0x8f: {  	_ = 	snop  }
0x90: {  	(tm) =	ssettm $0x1  }
0x91: {  	s17 =	sld [smem:$0x3FFB];
	_ =	sdelay $0x3  }
0x92: {  	_ =	strace s17  }
0x93: {  	s2 =	sld [smem:$0x3FFC];
	_ =	sdelay $0x3  }
0x94: {  	_ =	strace s2  }
0x95: {  	s2 =	sld [smem:$0x3FFD];
	_ =	sdelay $0x3  }
0x96: {  	_ =	strace s2  }
0x97: {  	_ =	strace $0x8FFFFFFF  }
0x98: {  	s18 =	sld [smem:$0x3FDB];
	_ =	sdelay $0x1  }
0x99: {  	s19 =	simm.s32 $_scs_section_size  }
0x9a: {  	s4 =	simm.s32 $_size__tile_overlayer_lowered;
	s5 =	simm.s32 $_tile_overlayer_lowered  }
0x9b: {  	s22 =	simm.s32 $0x1BFF;
	s21 =	sshll.u32 s5, $0x1;
	s2 =	sadd.s32 s19, s18  }
0x9c: {  	s6 =	simm.s32 $0x0;
	s20 =	sshll.u32 s4, $0x1;
	s4 =	sadd.s32 s21, s2  }
0x9d: {  	[timem:s6], [sflag:s22] =	dma.local [hbm:s4], s20  }
0x9e: {  	_ =	swait.ge [sflag:s22], s20  }
0x9f: {  	s3 =	ssub.s32 $0x0, s20;
	[sflag:s22] =	ssyncset.done $0x0  }
0xa0: {  	[sflag:s22] =	ssyncadd.s32 s3;
	_ =	sdelay $0x1  }
0xa1: {  	s23 =	simm.s32 $0x1B8B  }
0xa2: {  	_ =	swait.ge [sflag:s23], $0x1  }
0xa3: {  	[sflag:s23] =	ssyncset.done $0x0  }
0xa4: {  	s25 =	simm.s32 $0x1B8E;
	s24 =	sld [smem:$0x3FFE];
	[sflag:s23] =	ssyncadd.s32 $0xFFFFFFFF  }
0xa5: {  	s26 =	simm.s32 $execute0_lowered;
	[smem:$0x3FD2] =	sst s25  }
0xa6: {  	s4 =	sshll.u32 s26, $0x1;
	_ =	strace $0x80000046;
	[dreg:$0x1] =	wrdreg $0xFFFFFFFF  }
0xa7: {  	s28 =	simm.s32 $_size_execute0_lowered;
	s2 =	sadd.s32 s2, s4;
	[dreg:$0x0] =	wrdreg $0x0  }
0xa8: {  	s4 =	sshll.u32 s28, $0x1;
	[dreg:$0x2] =	wrdreg s2  }
0xa9: {  	[dreg:$0x3] =	wrdreg s4  }
0xaa: {  	[dreg:$0x4] =	wrdreg $0xC0  }
0xab: {  	_ =	task [dreg:s6], $0x5FFFF  }
0xac: {  	[dreg:$0x1] =	wrdreg $0xFFFFFFFF  }
0xad: {  	[dreg:$0x0] =	wrdreg $0x60  }
0xae: {  	[dreg:$0x2] =	wrdreg s24  }
0xaf: {  	[dreg:$0x3] =	wrdreg $0x118000  }
0xb0: {  	[dreg:$0x4] =	wrdreg $0x140000  }
0xb1: {  	[dreg:$0x5] =	wrdreg $0x9  }
0xb2: {  	_ =	task.clear_ibuf [dreg:s6], $0x6FFFF;
	_ =	strace $0x90000046  }
0xb3: {  	s29 =	simm.s32 $0x9;
	_ =	strace $0x80000048  }
0xb4: {  	_ =	swait.ge [sflag:s29], $0x1  }
0xb5: {  	[sflag:s29] =	ssyncadd.s32 $0xFFFFFFFF  }
0xb6: {  	_ =	strace $0x90000048  }
0xb7: {  	_ =	sfence  }
0xb8: {  	s30 =	sld [smem:$0x0];
	_ =	sdelay $0x2  }
0xb9: {  	s31 =	sshll.u32 s1, $0xD;
	s1 =	sshrl.u32 s1, $0x2  }
0xba: {  	s3 =	sand.u32 $0x4000, s31;
	s1 =	sadd.s32 s1, s30  }
0xbb: {  	s0 =	sor.u32 s3, s0;
	s1 =	sshll.u32 s1, $0x11  }
0xbc: {  	s0 =	sor.u32 s1, s0  }
0xbd: {  	s0 =	sadd.s32 $0x8F2B, s0  }
0xbe: {  	[sflag:s0] =	ssyncadd.remote.s32 $0x1  }
0xbf: {  	_ =	sfence.sel $0xFFFF  }
0xc0: {  	[dreg:$0x0] =	wrdreg $0xFFFFFFFF;
	(pc) =	sbr.abs _section_cstart, $3  }
0xc1: {  	[dreg:$0x1] =	wrdreg $0xFFFFFFFF  }
0xc2: {  	_ =	task.clear_ibuf [dreg:s6], $0x2FFFF;
	_ =	strace $0x9FFFFFFF  }
0xc3: {  	(tm) =	ssettm $0x7FFFFFFF  }
tec
execute0_lowered:
.L_overlay_start_1:
0x0: {  	(tag) =	ssettag $0x1  }
0x1: {  	s1 =	srdreg.scid  }
0x2: {  	s1 =	sand.u32 $0x1, s1  }
0x3: {  	p0 =	seq.s32 s1, $0x1  }
.Ltmp0:
0x4: {  	s4 =	rddreg [dreg:$0x0];
	(pc) =	sbr.rel @p0 .LBB2_40-.Ltmp0, $4  }
0x5: {  	s3 =	rddreg [dreg:$0x1]  }
0x6: {  	s2 =	rddreg [dreg:$0x2];
	s23 =	simm.s32 $0x0  }
0x7: {  	[smem:$0x7FF] =	sst s23  }
0x8: {  	s0 =	rddreg [dreg:$0x3];
	_ =	strace $0x80000047;
	s1 =	stileid.u32  }
0x9: {  	s24 =	smul.u32 $0x280, s1  }
0xa: {  	s5 =	smul.u32 $0xA00, s1;
	s6 =	sshrl.u32 s1, $0x3  }
0xb: {  	s7 =	sadd.s32 $0x2000, s4;
	s8 =	sadd.s32 $0x16000, s4;
	s9 =	sadd.s32 $0xC000, s4  }
0xc: {  	s11 =	smul.u32 $0x5000, s1;
	s20 =	sshll.u32 s1, $0x7;
	s29 =	simm.s32 $0x5000  }
0xd: {  	s31 =	simm.s32 $0xA000;
	s6 =	smul.u32 $0x50000, s6;
	s10 =	sshrl.u32 s24, $0x3  }
0xe: {  	s26 =	sadd.s32 s5, s4;
	s21 =	sshrl.u32 s11, $0x2;
	s22 =	sadd.s32 s7, s5  }
0xf: {  	s28 =	sadd.s32 s8, s5;
	s30 =	sadd.s32 s9, s5;
	s25 =	sadd.s32 s10, s4  }
0x10: {  	s4 =	sand.u32 $0x380, s20;
	s6 =	sshrl.u32 s6, $0x2;
	s21 =	sadd.s32 s21, s3  }
0x11: {  	[tilespmem:s23], [sflag:$0x1] =	stream.linear.gather [hbm4b:s22+s23], $0x5000, $0x38;
	[tilespmem:$0x16F80] =	vst v63  }
0x12: {  	s6 =	sadd.s32 s6, s3;
	s20 =	sadd.s32 $0x80, s21;
	s3 =	simm.s32 $0x1  }
0x13: {  	s19 =	sadd.s32 $0x100, s21;
	s18 =	sadd.s32 $0x180, s21;
	_ =	swait.ge [sflag:s3], $0x5000  }
0x14: {  	s17 =	sadd.s32 $0x200, s21;
	s16 =	sadd.s32 $0x280, s21;
	[sflag:s3] =	ssyncset.done $0x0  }
0x15: {  	s15 =	sadd.s32 $0x300, s21;
	s14 =	sadd.s32 $0x380, s21;
	[sflag:s3] =	ssyncadd.s32 $0xFFFFB000  }
0x16: {  	[tilespmem:s29], [sflag:$0x1] =	stream.linear.gather [hbm4b:s28+s23], $0x5000, $0x38;
	[tilespmem:$0x16F80] =	vst v63  }
0x17: {  	s13 =	sadd.s32 $0x14000, s21;
	s12 =	sadd.s32 $0x14080, s21;
	_ =	swait.ge [sflag:s3], $0x5000  }
0x18: {  	s11 =	sadd.s32 $0x14100, s21;
	s10 =	sadd.s32 $0x14180, s21;
	[sflag:s3] =	ssyncset.done $0x0  }
0x19: {  	s9 =	sadd.s32 $0x14200, s21;
	s8 =	sadd.s32 $0x14280, s21;
	[sflag:s3] =	ssyncadd.s32 $0xFFFFB000  }
0x1a: {  	[tilespmem:s31], [sflag:$0x1] =	stream.linear.gather [hbm4b:s30+s23], $0x5000, $0x38;
	[tilespmem:$0x16F80] =	vst v63  }
0x1b: {  	s7 =	sadd.s32 $0x14300, s21;
	s5 =	sadd.s32 $0x20000, s25;
	_ =	swait.ge [sflag:s3], $0x5000  }
0x1c: {  	s22 =	sadd.s32 s4, s6;
	s6 =	sadd.s32 $0x14380, s21;
	[sflag:s3] =	ssyncset.done $0x0  }
0x1d: {  	v0 =	vimm.f32 $0.0e+00;
	s4 =	sadd.s32 s24, s2;
	[sflag:s3] =	ssyncadd.s32 $0xFFFFB000;
	s3 =	sadd.s32 $0x20600, s26  }
.LBB2_2:
0x1e: {  	p0 =	sne.s32 s23, $0x9FC0  }
.Ltmp1:
0x1f: {  	_ = 	snop;
	(pc) =	sbr.rel @p0 .LBB2_2-.Ltmp1, $3  }
0x20: {  	_ =	sdelay $0x1  }
0x21: {  	s24 =	sshra.s32 s23, $0x2  }
0x22: {  	s23 =	sadd.s32 $0x40, s23;
	[tilespmem:s24+$0xF000] =	vst v0  }
0x23: {  	s23 =	simm.s32 $0xF000;
	s25 =	simm.s32 $0x0;
	s24 =	simm.s32 $0x40  }
.LBB2_4:
0x24: {  	p0 =	sne.s32 s24, $0x13FC0;
	v0 =	vld [tilespmem:s25+$0x0];
	_ =	sdelay $0x2  }
0x25: {  	v1 =	vld [tilespmem:s25+$0x5000]  }
.Ltmp2:
0x26: {  	(pc) =	sbr.rel @p0 .LBB2_4-.Ltmp2, $2  }
0x27: {  	_ =	sdelay $0x2  }
0x28: {  	s25 =	sshra.s32 s24, $0x2;
	s24 =	sadd.s32 $0x40, s24;
	[tilespmem:v0+s23+$0x0] =	vst.idx.add.f32.msk $0xffff, v1  }
0x29: {  	v0 =	vld [tilespmem:s25+$0x0];
	_ =	sdelay $0x2  }
0x2a: {  	v1 =	vld [tilespmem:s25+$0x5000];
	_ =	sdelay $0x3  }
0x2b: {  	s26 =	simm.s32 $0x80  }
0x2c: {  	s24 =	simm.s32 $0x400;
	s28 =	simm.s32 $0xF000;
	s29 =	simm.s32 $0x1;
	[tilespmem:v0+s23+$0x0] =	vst.idx.add.f32.msk $0xffff, v1  }
0x2d: {  	[spmem:s22] =	stream.strided.scatter [tilespmem:s28], [sflag:$0x1], $0x2800, s24, s26, $0x38;
	[tilespmem:$0x16F80] =	vst v63  }
0x2e: {  	_ =	swait.ge [sflag:s29], $0x2800  }
0x2f: {  	[sflag:s29] =	ssyncset.done $0x0  }
0x30: {  	[sflag:s29] =	ssyncadd.s32 $0xFFFFD800  }
0x31: {  	s30 =	simm.s32 $0x14280;
	[bflag:$0x0] =	sbarrier.arrive $0xFFFF  }
0x32: {  	[tilespmem:s30], [sflag:$0x1] =	stream.strided.gather [spmem:s21], $0x280, s24, s26, $0x38;
	[tilespmem:$0x16F80] =	vst v63  }
0x33: {  	_ =	swait.ge [sflag:s29], $0x280  }
0x34: {  	[sflag:s29] =	ssyncset.done $0x0  }
0x35: {  	s31 =	simm.s32 $0x14500;
	[sflag:s29] =	ssyncadd.s32 $0xFFFFFD80  }
0x36: {  	[tilespmem:s31], [sflag:$0x1] =	stream.strided.gather [spmem:s20], $0x280, s24, s26, $0x38;
	[tilespmem:$0x16F80] =	vst v63  }
0x37: {  	_ =	swait.ge [sflag:s29], $0x280  }
0x38: {  	[sflag:s29] =	ssyncset.done $0x0  }
0x39: {  	s20 =	simm.s32 $0x0;
	[sflag:s29] =	ssyncadd.s32 $0xFFFFFD80  }
0x3a: {  	s21 =	simm.s32 $0x40;
	v0 =	vld [tilespmem:s20+$0x14500]  }
.LBB2_6:
0x3b: {  	p0 =	sne.s32 s21, $0x9C0;
	v1 =	vld [tilespmem:s20+$0x14280];
	_ =	sdelay $0x2  }
.Ltmp3:
0x3c: {  	(pc) =	sbr.rel @p0 .LBB2_6-.Ltmp3, $4  }
0x3d: {  	_ = 	snop  }
0x3e: {  	v1 =	vadd.f32 v0, v1  }
0x3f: {  	s22 =	sshra.s32 s21, $0x2  }
0x40: {  	s21 =	sadd.s32 $0x40, s21;
	v0 =	vld [tilespmem:s22+$0x14500];
	[tilespmem:s20+$0x14280] =	vst v1;
	s20 =	smov.u32 s22  }
0x41: {  	v1 =	vld [tilespmem:s20+$0x14280];
	_ =	sdelay $0x4  }
0x42: {  	v0 =	vadd.f32 v0, v1  }
0x43: {  	s30 =	simm.s32 $0x80  }
0x44: {  	s21 =	simm.s32 $0x400;
	s22 =	simm.s32 $0x14500;
	s31 =	simm.s32 $0x1;
	[tilespmem:s20+$0x14280] =	vst v0  }
0x45: {  	[tilespmem:s22], [sflag:$0x1] =	stream.strided.gather [spmem:s19], $0x280, s21, s30, $0x38;
	[tilespmem:$0x16F80] =	vst v63  }
0x46: {  	_ =	swait.ge [sflag:s31], $0x280  }
0x47: {  	[sflag:s31] =	ssyncset.done $0x0  }
0x48: {  	s19 =	simm.s32 $0x0;
	[sflag:s31] =	ssyncadd.s32 $0xFFFFFD80  }
0x49: {  	s20 =	simm.s32 $0x40;
	v0 =	vld [tilespmem:s19+$0x14500]  }
.LBB2_8:
0x4a: {  	p0 =	sne.s32 s20, $0x9C0;
	v1 =	vld [tilespmem:s19+$0x14280];
	_ =	sdelay $0x2  }
.Ltmp4:
0x4b: {  	(pc) =	sbr.rel @p0 .LBB2_8-.Ltmp4, $4  }
0x4c: {  	_ = 	snop  }
0x4d: {  	v1 =	vadd.f32 v0, v1  }
0x4e: {  	s21 =	sshra.s32 s20, $0x2  }
0x4f: {  	s20 =	sadd.s32 $0x40, s20;
	v0 =	vld [tilespmem:s21+$0x14500];
	[tilespmem:s19+$0x14280] =	vst v1;
	s19 =	smov.u32 s21  }
0x50: {  	v1 =	vld [tilespmem:s19+$0x14280];
	_ =	sdelay $0x4  }
0x51: {  	v0 =	vadd.f32 v0, v1  }
0x52: {  	s30 =	simm.s32 $0x80  }
0x53: {  	s20 =	simm.s32 $0x400;
	s21 =	simm.s32 $0x14500;
	s31 =	simm.s32 $0x1;
	[tilespmem:s19+$0x14280] =	vst v0  }
0x54: {  	[tilespmem:s21], [sflag:$0x1] =	stream.strided.gather [spmem:s18], $0x280, s20, s30, $0x38;
	[tilespmem:$0x16F80] =	vst v63  }
0x55: {  	_ =	swait.ge [sflag:s31], $0x280  }
0x56: {  	[sflag:s31] =	ssyncset.done $0x0  }
0x57: {  	s18 =	simm.s32 $0x0;
	[sflag:s31] =	ssyncadd.s32 $0xFFFFFD80  }
0x58: {  	s19 =	simm.s32 $0x40;
	v0 =	vld [tilespmem:s18+$0x14500]  }
.LBB2_10:
0x59: {  	p0 =	sne.s32 s19, $0x9C0;
	v1 =	vld [tilespmem:s18+$0x14280];
	_ =	sdelay $0x2  }
.Ltmp5:
0x5a: {  	(pc) =	sbr.rel @p0 .LBB2_10-.Ltmp5, $4  }
0x5b: {  	_ = 	snop  }
0x5c: {  	v1 =	vadd.f32 v0, v1  }
0x5d: {  	s20 =	sshra.s32 s19, $0x2  }
0x5e: {  	s19 =	sadd.s32 $0x40, s19;
	v0 =	vld [tilespmem:s20+$0x14500];
	[tilespmem:s18+$0x14280] =	vst v1;
	s18 =	smov.u32 s20  }
0x5f: {  	v1 =	vld [tilespmem:s18+$0x14280];
	_ =	sdelay $0x4  }
0x60: {  	v0 =	vadd.f32 v0, v1  }
0x61: {  	s30 =	simm.s32 $0x80  }
0x62: {  	s19 =	simm.s32 $0x400;
	s20 =	simm.s32 $0x14500;
	s31 =	simm.s32 $0x1;
	[tilespmem:s18+$0x14280] =	vst v0  }
0x63: {  	[tilespmem:s20], [sflag:$0x1] =	stream.strided.gather [spmem:s17], $0x280, s19, s30, $0x38;
	[tilespmem:$0x16F80] =	vst v63  }
0x64: {  	_ =	swait.ge [sflag:s31], $0x280  }
0x65: {  	[sflag:s31] =	ssyncset.done $0x0  }
0x66: {  	s17 =	simm.s32 $0x0;
	[sflag:s31] =	ssyncadd.s32 $0xFFFFFD80  }
0x67: {  	s18 =	simm.s32 $0x40;
	v0 =	vld [tilespmem:s17+$0x14500]  }
.LBB2_12:
0x68: {  	p0 =	sne.s32 s18, $0x9C0;
	v1 =	vld [tilespmem:s17+$0x14280];
	_ =	sdelay $0x2  }
.Ltmp6:
0x69: {  	(pc) =	sbr.rel @p0 .LBB2_12-.Ltmp6, $4  }
0x6a: {  	_ = 	snop  }
0x6b: {  	v1 =	vadd.f32 v0, v1  }
0x6c: {  	s19 =	sshra.s32 s18, $0x2  }
0x6d: {  	s18 =	sadd.s32 $0x40, s18;
	v0 =	vld [tilespmem:s19+$0x14500];
	[tilespmem:s17+$0x14280] =	vst v1;
	s17 =	smov.u32 s19  }
0x6e: {  	v1 =	vld [tilespmem:s17+$0x14280];
	_ =	sdelay $0x4  }
0x6f: {  	v0 =	vadd.f32 v0, v1  }
0x70: {  	s30 =	simm.s32 $0x80  }
0x71: {  	s18 =	simm.s32 $0x400;
	s19 =	simm.s32 $0x14500;
	s31 =	simm.s32 $0x1;
	[tilespmem:s17+$0x14280] =	vst v0  }
0x72: {  	[tilespmem:s19], [sflag:$0x1] =	stream.strided.gather [spmem:s16], $0x280, s18, s30, $0x38;
	[tilespmem:$0x16F80] =	vst v63  }
0x73: {  	_ =	swait.ge [sflag:s31], $0x280  }
0x74: {  	[sflag:s31] =	ssyncset.done $0x0  }
0x75: {  	s16 =	simm.s32 $0x0;
	[sflag:s31] =	ssyncadd.s32 $0xFFFFFD80  }
0x76: {  	s17 =	simm.s32 $0x40;
	v0 =	vld [tilespmem:s16+$0x14500]  }
.LBB2_14:
0x77: {  	p0 =	sne.s32 s17, $0x9C0;
	v1 =	vld [tilespmem:s16+$0x14280];
	_ =	sdelay $0x2  }
.Ltmp7:
0x78: {  	(pc) =	sbr.rel @p0 .LBB2_14-.Ltmp7, $4  }
0x79: {  	_ = 	snop  }
0x7a: {  	v1 =	vadd.f32 v0, v1  }
0x7b: {  	s18 =	sshra.s32 s17, $0x2  }
0x7c: {  	s17 =	sadd.s32 $0x40, s17;
	v0 =	vld [tilespmem:s18+$0x14500];
	[tilespmem:s16+$0x14280] =	vst v1;
	s16 =	smov.u32 s18  }
0x7d: {  	v1 =	vld [tilespmem:s16+$0x14280];
	_ =	sdelay $0x4  }
0x7e: {  	v0 =	vadd.f32 v0, v1  }
0x7f: {  	s30 =	simm.s32 $0x80  }
0x80: {  	s17 =	simm.s32 $0x400;
	s18 =	simm.s32 $0x14500;
	s31 =	simm.s32 $0x1;
	[tilespmem:s16+$0x14280] =	vst v0  }
0x81: {  	[tilespmem:s18], [sflag:$0x1] =	stream.strided.gather [spmem:s15], $0x280, s17, s30, $0x38;
	[tilespmem:$0x16F80] =	vst v63  }
0x82: {  	_ =	swait.ge [sflag:s31], $0x280  }
0x83: {  	[sflag:s31] =	ssyncset.done $0x0  }
0x84: {  	s15 =	simm.s32 $0x0;
	[sflag:s31] =	ssyncadd.s32 $0xFFFFFD80  }
0x85: {  	s16 =	simm.s32 $0x40;
	v0 =	vld [tilespmem:s15+$0x14500]  }
.LBB2_16:
0x86: {  	p0 =	sne.s32 s16, $0x9C0;
	v1 =	vld [tilespmem:s15+$0x14280];
	_ =	sdelay $0x2  }
.Ltmp8:
0x87: {  	(pc) =	sbr.rel @p0 .LBB2_16-.Ltmp8, $4  }
0x88: {  	_ = 	snop  }
0x89: {  	v1 =	vadd.f32 v0, v1  }
0x8a: {  	s17 =	sshra.s32 s16, $0x2  }
0x8b: {  	s16 =	sadd.s32 $0x40, s16;
	v0 =	vld [tilespmem:s17+$0x14500];
	[tilespmem:s15+$0x14280] =	vst v1;
	s15 =	smov.u32 s17  }
0x8c: {  	v1 =	vld [tilespmem:s15+$0x14280];
	_ =	sdelay $0x4  }
0x8d: {  	v0 =	vadd.f32 v0, v1  }
0x8e: {  	s30 =	simm.s32 $0x80  }
0x8f: {  	s16 =	simm.s32 $0x400;
	s17 =	simm.s32 $0x14500;
	s31 =	simm.s32 $0x1;
	[tilespmem:s15+$0x14280] =	vst v0  }
0x90: {  	[tilespmem:s17], [sflag:$0x1] =	stream.strided.gather [spmem:s14], $0x280, s16, s30, $0x38;
	[tilespmem:$0x16F80] =	vst v63  }
0x91: {  	_ =	swait.ge [sflag:s31], $0x280  }
0x92: {  	[sflag:s31] =	ssyncset.done $0x0  }
0x93: {  	s14 =	simm.s32 $0x0;
	[sflag:s31] =	ssyncadd.s32 $0xFFFFFD80  }
0x94: {  	s15 =	simm.s32 $0x40;
	v0 =	vld [tilespmem:s14+$0x14500]  }
.LBB2_18:
0x95: {  	p0 =	sne.s32 s15, $0x9C0;
	v1 =	vld [tilespmem:s14+$0x14280];
	_ =	sdelay $0x2  }
.Ltmp9:
0x96: {  	(pc) =	sbr.rel @p0 .LBB2_18-.Ltmp9, $4  }
0x97: {  	_ = 	snop  }
0x98: {  	v1 =	vadd.f32 v0, v1  }
0x99: {  	s16 =	sshra.s32 s15, $0x2  }
0x9a: {  	s15 =	sadd.s32 $0x40, s15;
	v0 =	vld [tilespmem:s16+$0x14500];
	[tilespmem:s14+$0x14280] =	vst v1;
	s14 =	smov.u32 s16  }
0x9b: {  	v1 =	vld [tilespmem:s14+$0x14280];
	_ =	sdelay $0x4  }
0x9c: {  	v0 =	vadd.f32 v0, v1  }
0x9d: {  	s30 =	simm.s32 $0x80  }
0x9e: {  	s15 =	simm.s32 $0x400;
	s16 =	simm.s32 $0x14500;
	s31 =	simm.s32 $0x1;
	[tilespmem:s14+$0x14280] =	vst v0  }
0x9f: {  	[tilespmem:s16], [sflag:$0x1] =	stream.strided.gather [spmem:s13], $0x280, s15, s30, $0x38;
	[tilespmem:$0x16F80] =	vst v63  }
0xa0: {  	_ =	swait.ge [sflag:s31], $0x280  }
0xa1: {  	[sflag:s31] =	ssyncset.done $0x0  }
0xa2: {  	s13 =	simm.s32 $0x0;
	[sflag:s31] =	ssyncadd.s32 $0xFFFFFD80  }
0xa3: {  	s14 =	simm.s32 $0x40;
	v0 =	vld [tilespmem:s13+$0x14500]  }
.LBB2_20:
0xa4: {  	p0 =	sne.s32 s14, $0x9C0;
	v1 =	vld [tilespmem:s13+$0x14280];
	_ =	sdelay $0x2  }
.Ltmp10:
0xa5: {  	(pc) =	sbr.rel @p0 .LBB2_20-.Ltmp10, $4  }
0xa6: {  	_ = 	snop  }
0xa7: {  	v1 =	vadd.f32 v0, v1  }
0xa8: {  	s15 =	sshra.s32 s14, $0x2  }
0xa9: {  	s14 =	sadd.s32 $0x40, s14;
	v0 =	vld [tilespmem:s15+$0x14500];
	[tilespmem:s13+$0x14280] =	vst v1;
	s13 =	smov.u32 s15  }
0xaa: {  	v1 =	vld [tilespmem:s13+$0x14280];
	_ =	sdelay $0x4  }
0xab: {  	v0 =	vadd.f32 v0, v1  }
0xac: {  	s30 =	simm.s32 $0x80  }
0xad: {  	s14 =	simm.s32 $0x400;
	s15 =	simm.s32 $0x14500;
	s31 =	simm.s32 $0x1;
	[tilespmem:s13+$0x14280] =	vst v0  }
0xae: {  	[tilespmem:s15], [sflag:$0x1] =	stream.strided.gather [spmem:s12], $0x280, s14, s30, $0x38;
	[tilespmem:$0x16F80] =	vst v63  }
0xaf: {  	_ =	swait.ge [sflag:s31], $0x280  }
0xb0: {  	[sflag:s31] =	ssyncset.done $0x0  }
0xb1: {  	s12 =	simm.s32 $0x0;
	[sflag:s31] =	ssyncadd.s32 $0xFFFFFD80  }
0xb2: {  	s13 =	simm.s32 $0x40;
	v0 =	vld [tilespmem:s12+$0x14500]  }
.LBB2_22:
0xb3: {  	p0 =	sne.s32 s13, $0x9C0;
	v1 =	vld [tilespmem:s12+$0x14280];
	_ =	sdelay $0x2  }
.Ltmp11:
0xb4: {  	(pc) =	sbr.rel @p0 .LBB2_22-.Ltmp11, $4  }
0xb5: {  	_ = 	snop  }
0xb6: {  	v1 =	vadd.f32 v0, v1  }
0xb7: {  	s14 =	sshra.s32 s13, $0x2  }
0xb8: {  	s13 =	sadd.s32 $0x40, s13;
	v0 =	vld [tilespmem:s14+$0x14500];
	[tilespmem:s12+$0x14280] =	vst v1;
	s12 =	smov.u32 s14  }
0xb9: {  	v1 =	vld [tilespmem:s12+$0x14280];
	_ =	sdelay $0x4  }
0xba: {  	v0 =	vadd.f32 v0, v1  }
0xbb: {  	s30 =	simm.s32 $0x80  }
0xbc: {  	s13 =	simm.s32 $0x400;
	s14 =	simm.s32 $0x14500;
	s31 =	simm.s32 $0x1;
	[tilespmem:s12+$0x14280] =	vst v0  }
0xbd: {  	[tilespmem:s14], [sflag:$0x1] =	stream.strided.gather [spmem:s11], $0x280, s13, s30, $0x38;
	[tilespmem:$0x16F80] =	vst v63  }
0xbe: {  	_ =	swait.ge [sflag:s31], $0x280  }
0xbf: {  	[sflag:s31] =	ssyncset.done $0x0  }
0xc0: {  	s11 =	simm.s32 $0x0;
	[sflag:s31] =	ssyncadd.s32 $0xFFFFFD80  }
0xc1: {  	s12 =	simm.s32 $0x40;
	v0 =	vld [tilespmem:s11+$0x14500]  }
.LBB2_24:
0xc2: {  	p0 =	sne.s32 s12, $0x9C0;
	v1 =	vld [tilespmem:s11+$0x14280];
	_ =	sdelay $0x2  }
.Ltmp12:
0xc3: {  	(pc) =	sbr.rel @p0 .LBB2_24-.Ltmp12, $4  }
0xc4: {  	_ = 	snop  }
0xc5: {  	v1 =	vadd.f32 v0, v1  }
0xc6: {  	s13 =	sshra.s32 s12, $0x2  }
0xc7: {  	s12 =	sadd.s32 $0x40, s12;
	v0 =	vld [tilespmem:s13+$0x14500];
	[tilespmem:s11+$0x14280] =	vst v1;
	s11 =	smov.u32 s13  }
0xc8: {  	v1 =	vld [tilespmem:s11+$0x14280];
	_ =	sdelay $0x4  }
0xc9: {  	v0 =	vadd.f32 v0, v1  }
0xca: {  	s30 =	simm.s32 $0x80  }
0xcb: {  	s12 =	simm.s32 $0x400;
	s13 =	simm.s32 $0x14500;
	s31 =	simm.s32 $0x1;
	[tilespmem:s11+$0x14280] =	vst v0  }
0xcc: {  	[tilespmem:s13], [sflag:$0x1] =	stream.strided.gather [spmem:s10], $0x280, s12, s30, $0x38;
	[tilespmem:$0x16F80] =	vst v63  }
0xcd: {  	_ =	swait.ge [sflag:s31], $0x280  }
0xce: {  	[sflag:s31] =	ssyncset.done $0x0  }
0xcf: {  	s10 =	simm.s32 $0x0;
	[sflag:s31] =	ssyncadd.s32 $0xFFFFFD80  }
0xd0: {  	s11 =	simm.s32 $0x40;
	v0 =	vld [tilespmem:s10+$0x14500]  }
.LBB2_26:
0xd1: {  	p0 =	sne.s32 s11, $0x9C0;
	v1 =	vld [tilespmem:s10+$0x14280];
	_ =	sdelay $0x2  }
.Ltmp13:
0xd2: {  	(pc) =	sbr.rel @p0 .LBB2_26-.Ltmp13, $4  }
0xd3: {  	_ = 	snop  }
0xd4: {  	v1 =	vadd.f32 v0, v1  }
0xd5: {  	s12 =	sshra.s32 s11, $0x2  }
0xd6: {  	s11 =	sadd.s32 $0x40, s11;
	v0 =	vld [tilespmem:s12+$0x14500];
	[tilespmem:s10+$0x14280] =	vst v1;
	s10 =	smov.u32 s12  }
0xd7: {  	v1 =	vld [tilespmem:s10+$0x14280];
	_ =	sdelay $0x4  }
0xd8: {  	v0 =	vadd.f32 v0, v1  }
0xd9: {  	s30 =	simm.s32 $0x80  }
0xda: {  	s11 =	simm.s32 $0x400;
	s12 =	simm.s32 $0x14500;
	s31 =	simm.s32 $0x1;
	[tilespmem:s10+$0x14280] =	vst v0  }
0xdb: {  	[tilespmem:s12], [sflag:$0x1] =	stream.strided.gather [spmem:s9], $0x280, s11, s30, $0x38;
	[tilespmem:$0x16F80] =	vst v63  }
0xdc: {  	_ =	swait.ge [sflag:s31], $0x280  }
0xdd: {  	[sflag:s31] =	ssyncset.done $0x0  }
0xde: {  	s9 =	simm.s32 $0x0;
	[sflag:s31] =	ssyncadd.s32 $0xFFFFFD80  }
0xdf: {  	s10 =	simm.s32 $0x40;
	v0 =	vld [tilespmem:s9+$0x14500]  }
.LBB2_28:
0xe0: {  	p0 =	sne.s32 s10, $0x9C0;
	v1 =	vld [tilespmem:s9+$0x14280];
	_ =	sdelay $0x2  }
.Ltmp14:
0xe1: {  	(pc) =	sbr.rel @p0 .LBB2_28-.Ltmp14, $4  }
0xe2: {  	_ = 	snop  }
0xe3: {  	v1 =	vadd.f32 v0, v1  }
0xe4: {  	s11 =	sshra.s32 s10, $0x2  }
0xe5: {  	s10 =	sadd.s32 $0x40, s10;
	v0 =	vld [tilespmem:s11+$0x14500];
	[tilespmem:s9+$0x14280] =	vst v1;
	s9 =	smov.u32 s11  }
0xe6: {  	v1 =	vld [tilespmem:s9+$0x14280];
	_ =	sdelay $0x4  }
0xe7: {  	v0 =	vadd.f32 v0, v1  }
0xe8: {  	s30 =	simm.s32 $0x80  }
0xe9: {  	s10 =	simm.s32 $0x400;
	s11 =	simm.s32 $0x14500;
	s31 =	simm.s32 $0x1;
	[tilespmem:s9+$0x14280] =	vst v0  }
0xea: {  	[tilespmem:s11], [sflag:$0x1] =	stream.strided.gather [spmem:s8], $0x280, s10, s30, $0x38;
	[tilespmem:$0x16F80] =	vst v63  }
0xeb: {  	_ =	swait.ge [sflag:s31], $0x280  }
0xec: {  	[sflag:s31] =	ssyncset.done $0x0  }
0xed: {  	s8 =	simm.s32 $0x0;
	[sflag:s31] =	ssyncadd.s32 $0xFFFFFD80  }
0xee: {  	s9 =	simm.s32 $0x40;
	v0 =	vld [tilespmem:s8+$0x14500]  }
.LBB2_30:
0xef: {  	p0 =	sne.s32 s9, $0x9C0;
	v1 =	vld [tilespmem:s8+$0x14280];
	_ =	sdelay $0x2  }
.Ltmp15:
0xf0: {  	(pc) =	sbr.rel @p0 .LBB2_30-.Ltmp15, $4  }
0xf1: {  	_ = 	snop  }
0xf2: {  	v1 =	vadd.f32 v0, v1  }
0xf3: {  	s10 =	sshra.s32 s9, $0x2  }
0xf4: {  	s9 =	sadd.s32 $0x40, s9;
	v0 =	vld [tilespmem:s10+$0x14500];
	[tilespmem:s8+$0x14280] =	vst v1;
	s8 =	smov.u32 s10  }
0xf5: {  	v1 =	vld [tilespmem:s8+$0x14280];
	_ =	sdelay $0x4  }
0xf6: {  	v0 =	vadd.f32 v0, v1  }
0xf7: {  	s30 =	simm.s32 $0x80  }
0xf8: {  	s9 =	simm.s32 $0x400;
	s10 =	simm.s32 $0x14500;
	s31 =	simm.s32 $0x1;
	[tilespmem:s8+$0x14280] =	vst v0  }
0xf9: {  	[tilespmem:s10], [sflag:$0x1] =	stream.strided.gather [spmem:s7], $0x280, s9, s30, $0x38;
	[tilespmem:$0x16F80] =	vst v63  }
0xfa: {  	_ =	swait.ge [sflag:s31], $0x280  }
0xfb: {  	[sflag:s31] =	ssyncset.done $0x0  }
0xfc: {  	s7 =	simm.s32 $0x0;
	[sflag:s31] =	ssyncadd.s32 $0xFFFFFD80  }
0xfd: {  	s8 =	simm.s32 $0x40;
	v0 =	vld [tilespmem:s7+$0x14500]  }
.LBB2_32:
0xfe: {  	p0 =	sne.s32 s8, $0x9C0;
	v1 =	vld [tilespmem:s7+$0x14280];
	_ =	sdelay $0x2  }
.Ltmp16:
0xff: {  	(pc) =	sbr.rel @p0 .LBB2_32-.Ltmp16, $4  }
0x100: {  	_ = 	snop  }
0x101: {  	v1 =	vadd.f32 v0, v1  }
0x102: {  	s9 =	sshra.s32 s8, $0x2  }
0x103: {  	s8 =	sadd.s32 $0x40, s8;
	v0 =	vld [tilespmem:s9+$0x14500];
	[tilespmem:s7+$0x14280] =	vst v1;
	s7 =	smov.u32 s9  }
0x104: {  	v1 =	vld [tilespmem:s7+$0x14280];
	_ =	sdelay $0x4  }
0x105: {  	v0 =	vadd.f32 v0, v1  }
0x106: {  	s30 =	simm.s32 $0x80  }
0x107: {  	s8 =	simm.s32 $0x400;
	s9 =	simm.s32 $0x14500;
	s31 =	simm.s32 $0x1;
	[tilespmem:s7+$0x14280] =	vst v0  }
0x108: {  	[tilespmem:s9], [sflag:$0x1] =	stream.strided.gather [spmem:s6], $0x280, s8, s30, $0x38;
	[tilespmem:$0x16F80] =	vst v63  }
0x109: {  	_ =	swait.ge [sflag:s31], $0x280  }
0x10a: {  	[sflag:s31] =	ssyncset.done $0x0  }
0x10b: {  	s6 =	simm.s32 $0x0;
	[sflag:s31] =	ssyncadd.s32 $0xFFFFFD80  }
0x10c: {  	s7 =	simm.s32 $0x0;
	s8 =	simm.s32 $0x40;
	v0 =	vld [tilespmem:s6+$0x14500]  }
.LBB2_34:
0x10d: {  	p0 =	sne.s32 s8, $0x9C0;
	v1 =	vld [tilespmem:s7+$0x14280];
	_ =	sdelay $0x2  }
.Ltmp17:
0x10e: {  	(pc) =	sbr.rel @p0 .LBB2_34-.Ltmp17, $4  }
0x10f: {  	_ = 	snop  }
0x110: {  	v1 =	vadd.f32 v0, v1  }
0x111: {  	s9 =	sshra.s32 s8, $0x2  }
0x112: {  	s8 =	sadd.s32 $0x40, s8;
	v0 =	vld [tilespmem:s9+$0x14500];
	[tilespmem:s7+$0x14280] =	vst v1;
	s7 =	smov.u32 s9  }
0x113: {  	v1 =	vld [tilespmem:s7+$0x14280];
	_ =	sdelay $0x4  }
0x114: {  	v0 =	vadd.f32 v0, v1;
	_ =	sdelay $0x1  }
0x115: {  	[tilespmem:s7+$0x14280] =	vst v0;
	s7 =	simm.s32 $0x40  }
.LBB2_36:
0x116: {  	p0 =	sne.s32 s7, $0x9C0;
	v0 =	vld [tilespmem:s6+$0x14280];
	_ =	sdelay $0x4  }
0x117: {  	v0 =	vadd.f32 $1.000000000e+00, v0;
	_ =	sdelay $0x1  }
0x118: {  	v1 =	vshrl.u32 v0, $0x1;
	v0 =	vmul.f32 $5.000000000e-01, v0  }
0x119: {  	v1 =	vsub.s32 $0x5F3759DF, v1  }
0x11a: {  	v2 =	vmul.f32 v1, v0;
	_ =	sdelay $0x1  }
0x11b: {  	v2 =	vmul.f32 v1, v2;
	_ =	sdelay $0x1  }
0x11c: {  	v2 =	vsub.f32 $1.500000000e+00, v2;
	_ =	sdelay $0x1  }
0x11d: {  	v1 =	vmul.f32 v1, v2;
	_ =	sdelay $0x1  }
0x11e: {  	v2 =	vmul.f32 v1, v0;
	_ =	sdelay $0x1  }
0x11f: {  	v2 =	vmul.f32 v2, v1;
	_ =	sdelay $0x1  }
0x120: {  	v2 =	vsub.f32 $1.500000000e+00, v2;
	_ =	sdelay $0x1  }
0x121: {  	v1 =	vmul.f32 v2, v1;
	_ =	sdelay $0x1  }
0x122: {  	v0 =	vmul.f32 v1, v0;
	_ =	sdelay $0x1  }
0x123: {  	v0 =	vmul.f32 v0, v1;
	_ =	sdelay $0x1  }
.Ltmp18:
0x124: {  	v0 =	vsub.f32 $1.500000000e+00, v0;
	(pc) =	sbr.rel @p0 .LBB2_36-.Ltmp18, $3  }
0x125: {  	_ = 	snop  }
0x126: {  	v0 =	vmul.f32 v0, v1;
	_ =	sdelay $0x1  }
0x127: {  	[tilespmem:s6+$0x14280] =	vst v0;
	s6 =	sshra.s32 s7, $0x2;
	s7 =	sadd.s32 $0x40, s7  }
0x128: {  	v0 =	vld [tilespmem:s6+$0x14280];
	_ =	sdelay $0x4  }
0x129: {  	v0 =	vadd.f32 $1.000000000e+00, v0;
	_ =	sdelay $0x1  }
0x12a: {  	v1 =	vshrl.u32 v0, $0x1;
	v0 =	vmul.f32 $5.000000000e-01, v0  }
0x12b: {  	v1 =	vsub.s32 $0x5F3759DF, v1  }
0x12c: {  	v2 =	vmul.f32 v1, v0;
	_ =	sdelay $0x1  }
0x12d: {  	v2 =	vmul.f32 v1, v2;
	_ =	sdelay $0x1  }
0x12e: {  	v2 =	vsub.f32 $1.500000000e+00, v2;
	_ =	sdelay $0x1  }
0x12f: {  	v1 =	vmul.f32 v1, v2;
	_ =	sdelay $0x1  }
0x130: {  	v2 =	vmul.f32 v1, v0;
	_ =	sdelay $0x1  }
0x131: {  	v2 =	vmul.f32 v2, v1;
	_ =	sdelay $0x1  }
0x132: {  	v2 =	vsub.f32 $1.500000000e+00, v2;
	_ =	sdelay $0x1  }
0x133: {  	v1 =	vmul.f32 v2, v1;
	_ =	sdelay $0x1  }
0x134: {  	v0 =	vmul.f32 v1, v0;
	_ =	sdelay $0x1  }
0x135: {  	v0 =	vmul.f32 v0, v1;
	_ =	sdelay $0x1  }
0x136: {  	v0 =	vsub.f32 $1.500000000e+00, v0;
	_ =	sdelay $0x1  }
0x137: {  	v0 =	vmul.f32 v0, v1;
	_ =	sdelay $0x1  }
0x138: {  	s30 =	simm.s32 $0x0;
	s7 =	simm.s32 $0x14280;
	s31 =	simm.s32 $0x1;
	[tilespmem:s6+$0x14280] =	vst v0  }
0x139: {  	[hbm4b:s5+s30] =	stream.linear.scatter [tilespmem:s7], [sflag:$0x1], $0x280, $0x38;
	[tilespmem:$0x16F80] =	vst v63  }
0x13a: {  	_ =	swait.ge [sflag:s31], $0x280  }
0x13b: {  	[sflag:s31] =	ssyncset.done $0x0  }
0x13c: {  	[sflag:s31] =	ssyncadd.s32 $0xFFFFFD80  }
0x13d: {  	[spmem:s4] =	stream.linear.scatter [tilespmem:s7], [sflag:$0x1], $0x280, $0x38;
	[tilespmem:$0x16F80] =	vst v63  }
0x13e: {  	_ =	swait.ge [sflag:s31], $0x280  }
0x13f: {  	[sflag:s31] =	ssyncset.done $0x0  }
0x140: {  	[sflag:s31] =	ssyncadd.s32 $0xFFFFFD80  }
0x141: {  	s4 =	simm.s32 $0x14780;
	[bflag:$0x0] =	sbarrier.arrive $0xFFFF  }
0x142: {  	[tilespmem:s4], [sflag:$0x1] =	stream.linear.gather [spmem:s2], $0x2800, $0x38;
	[tilespmem:$0x16F80] =	vst v63  }
0x143: {  	_ =	swait.ge [sflag:s31], $0x2800  }
0x144: {  	[sflag:s31] =	ssyncset.done $0x0  }
0x145: {  	s2 =	simm.s32 $0x0;
	[sflag:s31] =	ssyncadd.s32 $0xFFFFD800  }
0x146: {  	v0 =	vld [tilespmem:s2+$0xA000]  }
0x147: {  	v2 =	vld [tilespmem:s2+$0x0];
	_ =	sdelay $0x5  }
0x148: {  	v1 =	vld [tilespmem:s2+$0x5000]  }
0x149: {  	v0 =	vld.idx.msk [tilespmem:v0+s4+$0x0], $0xffff  }
0x14a: {  	s6 =	simm.s32 $0x80;
	s5 =	simm.s32 $0x10;
	v2 =	vld.idx.msk [tilespmem:v2+s4+$0x0], $0xffff  }
.LBB2_38:
0x14b: {  	p0 =	sne.s32 s6, $0x13FC0;
	v3 =	vld [tilespmem:s5+$0xA000];
	_ =	sdelay $0x1  }
0x14c: {  	v4 =	vld [tilespmem:s5+$0x0]  }
0x14d: {  	v0 =	vmul.f32 v1, v0;
	_ =	sdelay $0x1  }
0x14e: {  	v0 =	vmul.f32 v0, v2  }
.Ltmp19:
0x14f: {  	(pc) =	sbr.rel @p0 .LBB2_38-.Ltmp19, $4  }
0x150: {  	[tilespmem:s2+$0x5000] =	vst v0;
	s2 =	smov.u32 s5  }
0x151: {  	v0 =	vld.idx.msk [tilespmem:v3+s4+$0x0], $0xffff  }
0x152: {  	v1 =	vld [tilespmem:s2+$0x5000]  }
0x153: {  	s5 =	sshra.s32 s6, $0x2;
	s6 =	sadd.s32 $0x40, s6;
	v2 =	vld.idx.msk [tilespmem:v4+s4+$0x0], $0xffff  }
0x154: {  	v3 =	vld [tilespmem:s5+$0xA000];
	_ =	sdelay $0x2  }
0x155: {  	v4 =	vld [tilespmem:s5+$0x0];
	v0 =	vmul.f32 v1, v0;
	_ =	sdelay $0x1  }
0x156: {  	v0 =	vmul.f32 v0, v2;
	_ =	sdelay $0x1  }
0x157: {  	[tilespmem:s2+$0x5000] =	vst v0  }
0x158: {  	v0 =	vld.idx.msk [tilespmem:v3+s4+$0x0], $0xffff  }
0x159: {  	v62 =	vld [tilespmem:s5+$0x5000];
	_ =	sdelay $0x1  }
0x15a: {  	v63 =	vld.idx.msk [tilespmem:v4+s4+$0x0], $0xffff;
	_ =	sdelay $0x2  }
0x15b: {  	v0 =	vmul.f32 v62, v0;
	_ =	sdelay $0x1  }
0x15c: {  	v0 =	vmul.f32 v0, v63;
	_ =	sdelay $0x1  }
0x15d: {  	s29 =	simm.s32 $0x0;
	s30 =	simm.s32 $0x5000;
	s31 =	simm.s32 $0x1;
	[tilespmem:s5+$0x5000] =	vst v0  }
0x15e: {  	[hbm4b:s3+s29] =	stream.linear.scatter [tilespmem:s30], [sflag:$0x1], $0x5000, $0x38;
	[tilespmem:$0x16F80] =	vst v63  }
0x15f: {  	_ =	swait.ge [sflag:s31], $0x5000  }
0x160: {  	[sflag:s31] =	ssyncset.done $0x0  }
0x161: {  	[sflag:s31] =	ssyncadd.s32 $0xFFFFB000  }
.LBB2_40:
0x162: {  	_ =	sfence.sel $0x180000  }
0x163: {  	[bflag:$0x0] =	sbarrier.arrive $0xFFFF  }
0x164: {  	p0 =	sne.s32 s1, $0x0;
	_ =	strace $0x90000047  }
0x165: {  	s0 =	sadd.s32 @!p0 $0x100000, s0;
	[bflag:$0x2] =	sbarrier.arrive $0xFFFF  }
0x166: {  	[sflag:s0] =	ssyncadd.tile.s32 @!p0 $0x1;
	_ =	shalt  }
.Lfunc_end2:
_tile_overlayer_lowered:
.L_overlay_start_2:
0x167: {  	(tag) =	ssettag $0x2  }
0x168: {  	s0 =	rddreg [dreg:$0x0];
	s2 =	stileid.u32  }
0x169: {  	s1 =	rddreg [dreg:$0x1];
	p0 =	sne.s32 s2, $0x0  }
0x16a: {  	s3 =	rddreg [dreg:$0x2];
	[bflag:$0x3] =	sbarrier.arrive $0xFFFF;
	s2 =	simm.s32 @!p0 $0x1C01  }
0x16b: {  	[timem:s3], [sflag:s2] =	dma.local @!p0 [hbm:s0], s1  }
0x16c: {  	s0 =	simm.s32 @!p0 $0x1  }
0x16d: {  	_ =	swait.ge @!p0 [sflag:s0], s1  }
0x16e: {  	s1 =	ssub.s32 @!p0 $0x0, s1;
	[sflag:s0] =	ssyncset.done @!p0 $0x0  }
0x16f: {  	[sflag:s0] =	ssyncadd.s32 @!p0 s1  }
0x170: {  	[bflag:$0x3] =	sbarrier.arrive $0xFFFF  }
0x171: {  	_ =	shalt  }

</sc_bundles>
